<compile_context>
chip_gen: v7x
topology: tpu7x:2x2x1
jax: 0.10.2.dev20260603
libtpu: 0.0.44.dev20260713+nightly
codegen_flags: <defaults>
</compile_context>

<pallas_src>
import functools

import jax
import jax.numpy as jnp
from jax import lax
from jax.experimental import pallas as pl
from jax.experimental.pallas import tpu as pltpu
from jax.experimental.pallas import tpu_sc as plsc

N = 10000
E = 320000
D = 128

NC = 2
NS = 16
NW = NC * NS

N_PAD = 10240
ROWS_PER_SUB = N_PAD // NS

CM = 80
NBM = 3
KM = E // (NW * CM)
KGM = (KM - 2) // NBM
EPW = E // NW

_mesh = plsc.VectorSubcoreMesh(core_axis_name="c", subcore_axis_name="s")
_sc_params = pltpu.CompilerParams(needs_layout_passes=False)


NBD = 4
KD2 = E // (NW * CM)


@functools.partial(
    pl.kernel,
    out_type=jax.ShapeDtypeStruct((NC, N_PAD), jnp.float32),
    mesh=_mesh,
    scratch_types=[
        [pltpu.VMEM((CM,), jnp.int32) for _ in range(NBD)],
        [pltpu.VMEM((CM,), jnp.float32) for _ in range(NBD)],
        [pltpu.SemaphoreType.DMA for _ in range(NBD)],
        [pltpu.SemaphoreType.DMA for _ in range(NBD)],
        [pltpu.SemaphoreType.DMA for _ in range(NBD)],
        pltpu.VMEM((ROWS_PER_SUB,), jnp.float32),
        pltpu.VMEM_SHARED((N_PAD,), jnp.float32),
    ],
    compiler_params=_sc_params,
)
def _sc_deg(dst1, w1, deg_out, dstb, wb, dsem, wsem, ssem, zline_v, deg_sh):
    cid = lax.axis_index("c")
    sid = lax.axis_index("s")
    wid = sid * NC + cid
    zofs = sid * ROWS_PER_SUB
    base = wid * EPW

    def zrow(i, carry):
        zline_v[pl.ds(i * 16, 16)] = jnp.zeros((16,), jnp.float32)
        return carry
    lax.fori_loop(0, ROWS_PER_SUB // 16, zrow, 0)
    pltpu.sync_copy(zline_v, deg_sh.at[pl.ds(zofs, ROWS_PER_SUB)])
    for b in range(2):
        pltpu.sync_copy(dst1.at[pl.ds(base + b * CM, CM)], dstb[b])
        pltpu.sync_copy(w1.at[pl.ds(base + b * CM, CM)], wb[b])
    plsc.subcore_barrier()

    def group(g, carry):
        for b in range(NBD):
            j = g * NBD + b
            b3 = (b + 2) % NBD
            @pl.when(j >= 2)
            def _():
                pltpu.make_async_copy(
                    dst1.at[pl.ds(base, CM)], dstb[b], dsem[b]).wait()
                pltpu.make_async_copy(
                    w1.at[pl.ds(base, CM)], wb[b], wsem[b]).wait()
            pltpu.async_copy(wb[b], deg_sh.at[dstb[b]], ssem[b], add=True)

            @pl.when(j >= 2)
            def _():
                pltpu.make_async_copy(
                    wb[b3], deg_sh.at[dstb[b3]], ssem[b3]).wait()

            @pl.when(j + 2 < KD2)
            def _():
                pltpu.async_copy(
                    dst1.at[pl.ds(base + (j + 2) * CM, CM)], dstb[b3],
                    dsem[b3])
                pltpu.async_copy(
                    w1.at[pl.ds(base + (j + 2) * CM, CM)], wb[b3], wsem[b3])
        return carry

    lax.fori_loop(0, (KD2 - 1) // NBD, group, 0)
    pltpu.make_async_copy(dst1.at[pl.ds(base, CM)], dstb[0], dsem[0]).wait()
    pltpu.make_async_copy(w1.at[pl.ds(base, CM)], wb[0], wsem[0]).wait()
    pltpu.async_copy(wb[0], deg_sh.at[dstb[0]], ssem[0], add=True)
    for b in (2, 3, 0):
        pltpu.make_async_copy(wb[b], deg_sh.at[dstb[b]], ssem[b]).wait()
    plsc.subcore_barrier()
    pltpu.sync_copy(deg_sh.at[pl.ds(zofs, ROWS_PER_SUB)],
                    deg_out.at[cid, pl.ds(zofs, ROWS_PER_SUB)])


@functools.partial(
    pl.kernel,
    out_type=jax.ShapeDtypeStruct((NC, N_PAD, D), jnp.float32),
    mesh=_mesh,
    scratch_types=[
        [pltpu.VMEM((CM, D), jnp.float32) for _ in range(NBM)],
        [pltpu.VMEM((CM,), jnp.int32) for _ in range(NBM)],
        [pltpu.VMEM((CM,), jnp.int32) for _ in range(NBM)],
        [pltpu.VMEM((CM,), jnp.float32) for _ in range(NBM)],
        [pltpu.SemaphoreType.DMA for _ in range(NBM)],
        [pltpu.SemaphoreType.DMA for _ in range(NBM)],
        [pltpu.SemaphoreType.DMA for _ in range(NBM)],
        [pltpu.SemaphoreType.DMA for _ in range(NBM)],
        [pltpu.SemaphoreType.DMA for _ in range(NBM)],
        pltpu.VMEM((N_PAD,), jnp.float32),
        pltpu.VMEM_SHARED((N_PAD, D), jnp.float32),
    ],
    compiler_params=_sc_params,
)
def _sc_msg(g_hbm, src1, dst1, w1, dis1, acc_out,
            rows, srcb, dstb, wb, gsem, ssem, srcsem, dstsem, wsem,
            dis_v, acc_sh):
    cid = lax.axis_index("c")
    sid = lax.axis_index("s")
    zofs = sid * ROWS_PER_SUB
    wid = sid * NC + cid
    base = wid * EPW

    def zrow(i, carry):
        for j in range(D // 16):
            rows[0][i, pl.ds(j * 16, 16)] = jnp.zeros((16,), jnp.float32)
        return carry
    lax.fori_loop(0, CM, zrow, 0)
    for i in range(ROWS_PER_SUB // CM):
        pltpu.sync_copy(rows[0], acc_sh.at[pl.ds(zofs + i * CM, CM)])

    pltpu.sync_copy(dis1, dis_v)
    for b in range(NBM):
        pltpu.sync_copy(src1.at[pl.ds(base + b * CM, CM)], srcb[b])
        pltpu.sync_copy(w1.at[pl.ds(base + b * CM, CM)], wb[b])
    for b in range(NBM - 1):
        pltpu.sync_copy(dst1.at[pl.ds(base + b * CM, CM)], dstb[b])
    plsc.subcore_barrier()
    for b in range(NBM - 1):
        pltpu.async_copy(g_hbm.at[srcb[b]], rows[b], gsem[b])

    def mul_chunk(b, ww):
        for i in range(CM // 16):
            sl = pl.ds(i * 16, 16)
            d16 = plsc.load_gather(dis_v, [srcb[b][sl]])
            ww[sl] = ww[sl] * d16

        @plsc.parallel_loop(0, CM, 1, unroll=4)
        def _(e):
            splat = plsc.load_gather(
                ww, [jnp.full((16,), 0, jnp.int32) + e])
            for j in range(D // 16):
                sl = pl.ds(j * 16, 16)
                rows[b][e, sl] = rows[b][e, sl] * splat

    def group(g, carry):
        for b in range(NBM):
            k = g * NBM + b
            b2 = (b + 2) % NBM
            pltpu.make_async_copy(g_hbm.at[srcb[b]], rows[b], gsem[b]).wait()
            mul_chunk(b, wb[b])

            @pl.when(k >= 2)
            def _():
                pltpu.make_async_copy(
                    dst1.at[pl.ds(base, CM)], dstb[b], dstsem[b]).wait()
            pltpu.async_copy(rows[b], acc_sh.at[dstb[b]], ssem[b], add=True)

            @pl.when(k >= 1)
            def _():
                pltpu.make_async_copy(
                    rows[b2], acc_sh.at[dstb[b2]], ssem[b2]).wait()

            @pl.when(k + 2 < KM)
            def _():
                @pl.when(k >= 1)
                def _():
                    pltpu.make_async_copy(
                        src1.at[pl.ds(base, CM)], srcb[b2], srcsem[b2]).wait()
                    pltpu.make_async_copy(
                        w1.at[pl.ds(base, CM)], wb[b2], wsem[b2]).wait()
                pltpu.async_copy(g_hbm.at[srcb[b2]], rows[b2], gsem[b2])
                pltpu.async_copy(
                    dst1.at[pl.ds(base + (k + 2) * CM, CM)],
                    dstb[b2], dstsem[b2])

            @pl.when(k + 3 < KM)
            def _():
                pltpu.async_copy(
                    src1.at[pl.ds(base + (k + 3) * CM, CM)], srcb[b], srcsem[b])
                pltpu.async_copy(
                    w1.at[pl.ds(base + (k + 3) * CM, CM)], wb[b], wsem[b])
        return carry

    lax.fori_loop(0, KGM, group, 0)

    for b in (0, 1):
        pltpu.make_async_copy(g_hbm.at[srcb[b]], rows[b], gsem[b]).wait()
        mul_chunk(b, wb[b])
        pltpu.make_async_copy(
            dst1.at[pl.ds(base, CM)], dstb[b], dstsem[b]).wait()
        pltpu.async_copy(rows[b], acc_sh.at[dstb[b]], ssem[b], add=True)
        b2 = (b + 2) % NBM
        pltpu.make_async_copy(rows[b2], acc_sh.at[dstb[b2]], ssem[b2]).wait()
    pltpu.make_async_copy(rows[1], acc_sh.at[dstb[1]], ssem[1]).wait()
    plsc.subcore_barrier()
    pltpu.sync_copy(acc_sh.at[pl.ds(zofs, ROWS_PER_SUB)],
                    acc_out.at[cid, pl.ds(zofs, ROWS_PER_SUB)])


def _tc_dis_body(deg_ref, out_ref):
    out_ref[...] = lax.rsqrt(1.0 + deg_ref[0:1, :] + deg_ref[1:2, :])


def _tc_dis(deg2):
    return pl.pallas_call(
        _tc_dis_body,
        out_shape=jax.ShapeDtypeStruct((1, N_PAD), jnp.float32),
    )(deg2)


_MM_BLK = 400


def _tc_mm_body(x_ref, w_ref, h_ref):
    h_ref[...] = jnp.dot(
        x_ref[...], w_ref[...], preferred_element_type=jnp.float32)


def _tc_mm(x, W):
    grid = (N // _MM_BLK,)
    return pl.pallas_call(
        _tc_mm_body,
        grid=grid,
        in_specs=[
            pl.BlockSpec((_MM_BLK, D), lambda i: (i, 0)),
            pl.BlockSpec((D, D), lambda i: (0, 0)),
        ],
        out_specs=pl.BlockSpec((_MM_BLK, D), lambda i: (i, 0)),
        out_shape=jax.ShapeDtypeStruct((N, D), jnp.float32),
    )(x, W)


_FIN_BLK = 400


def _tc_fin_body(acc_ref, h_ref, dis_ref, b_ref, pa_ref, out_ref):
    dis = dis_ref[...]
    o = dis * (acc_ref[0] + acc_ref[1] + dis * h_ref[...]) + b_ref[...]
    out_ref[...] = jnp.where(o >= 0.0, o, pa_ref[...] * o)


def _tc_fin(acc2, g, dis_col, b2, pa2):
    grid = (N // _FIN_BLK,)
    return pl.pallas_call(
        _tc_fin_body,
        grid=grid,
        in_specs=[
            pl.BlockSpec((NC, _FIN_BLK, D), lambda i: (0, i, 0)),
            pl.BlockSpec((_FIN_BLK, D), lambda i: (i, 0)),
            pl.BlockSpec((_FIN_BLK, 1), lambda i: (i, 0)),
            pl.BlockSpec((1, D), lambda i: (0, 0)),
            pl.BlockSpec((1, D), lambda i: (0, 0)),
        ],
        out_specs=pl.BlockSpec((_FIN_BLK, D), lambda i: (i, 0)),
        out_shape=jax.ShapeDtypeStruct((N, D), jnp.float32),
    )(acc2, g, dis_col, b2, pa2)


@jax.jit
def kernel(x, edge_index, edge_weight, W, b, prelu_a):
    src1 = edge_index[0]
    dst1 = edge_index[1]
    h = _tc_mm(x, W)
    deg2 = _sc_deg(dst1, edge_weight)
    dis_row = _tc_dis(deg2)
    acc2 = _sc_msg(h, src1, dst1, edge_weight, dis_row.reshape(N_PAD))
    return _tc_fin(acc2, h, dis_row.reshape(N_PAD, 1)[:N],
                   b.reshape(1, D), prelu_a.reshape(1, D))

# --- scband reference (transcript-rebuilt; emitter-appended) ---
"""Pipeline reference for scband-poiencoder-79018808312041 (READ-ONLY COPY).

The authoritative reference and input builder live on the scoring server;
editing this copy changes nothing except your own understanding.
"""

import jax, jax.numpy as jnp
import numpy as np

N = 10000
E = 320000
D_IN = 128
D_H = 128


def setup_inputs(seed: int = 0) -> dict:
    key = jax.random.key(seed)
    k1, k2, k3, k4 = jax.random.split(key, 4)
    x = jax.random.normal(k1, (N, D_IN), dtype=jnp.float32)
    edge_index = jax.random.randint(k2, (2, E), 0, N, dtype=jnp.int32)
    edge_weight = jax.random.uniform(k3, (E,), dtype=jnp.float32)
    # GCNConv learned params (glorot weight, zero bias) and PReLU slope (init 0.25)
    W = jax.random.normal(k4, (D_IN, D_H), dtype=jnp.float32) * (1.0 / np.sqrt(D_IN))
    b = jnp.zeros((D_H,), dtype=jnp.float32)
    prelu_a = jnp.full((D_H,), 0.25, dtype=jnp.float32)
    return {"x": x, "edge_index": edge_index, "edge_weight": edge_weight,
            "W": W, "b": b, "prelu_a": prelu_a}


def reference(x, edge_index, edge_weight, W, b, prelu_a):
    n = x.shape[0]
    src = edge_index[0]
    dst = edge_index[1]
    # add self-loops with weight 1 (GCNConv default add_self_loops=True)
    loop = jnp.arange(n, dtype=src.dtype)
    src2 = jnp.concatenate([src, loop])
    dst2 = jnp.concatenate([dst, loop])
    w2 = jnp.concatenate([edge_weight, jnp.ones((n,), dtype=edge_weight.dtype)])
    # symmetric GCN normalization: deg computed by scatter-add of weights onto dst (col)
    deg = jnp.zeros((n,), dtype=x.dtype).at[dst2].add(w2)
    deg_inv_sqrt = jnp.where(deg > 0, jax.lax.rsqrt(deg), 0.0)
    norm = deg_inv_sqrt[src2] * w2 * deg_inv_sqrt[dst2]
    # linear transform then message passing (gather src -> scatter-add dst)
    h = x @ W
    msg = h[src2] * norm[:, None]
    out = jnp.zeros((n, h.shape[1]), dtype=h.dtype).at[dst2].add(msg)
    out = out + b
    # PReLU with per-channel slope
    out = jnp.where(out >= 0, out, prelu_a * out)
    return out

if __name__ == "__main__":
    import jax
    _d = setup_inputs()
    print(jax.jit(kernel)(*tuple(_d.values())))

</pallas_src>

<mosaic_0001>
#map = affine_map<(d0, d1) -> (0, 0)>
#map1 = affine_map<(d0, d1) -> (0)>
#map2 = affine_map<(d0, d1) -> (0, 0, 0)>
module attributes {stable_mosaic.version = 14 : i64} {
  func.func @_sc_msg(%arg0: i32, %arg1: i32, %arg2: memref<10000x128xf32, #tpu.memory_space<hbm>>, %arg3: memref<320000xi32, #tpu.memory_space<hbm>>, %arg4: memref<320000xi32, #tpu.memory_space<hbm>>, %arg5: memref<320000xf32, #tpu.memory_space<hbm>>, %arg6: memref<10240xf32, #tpu.memory_space<hbm>>, %arg7: memref<2x10240x128xf32, #tpu.memory_space<hbm>>, %arg8: memref<80x128xf32, #tpu.memory_space<vmem>>, %arg9: memref<80x128xf32, #tpu.memory_space<vmem>>, %arg10: memref<80x128xf32, #tpu.memory_space<vmem>>, %arg11: memref<80xi32, #tpu.memory_space<vmem>>, %arg12: memref<80xi32, #tpu.memory_space<vmem>>, %arg13: memref<80xi32, #tpu.memory_space<vmem>>, %arg14: memref<80xi32, #tpu.memory_space<vmem>>, %arg15: memref<80xi32, #tpu.memory_space<vmem>>, %arg16: memref<80xi32, #tpu.memory_space<vmem>>, %arg17: memref<80xf32, #tpu.memory_space<vmem>>, %arg18: memref<80xf32, #tpu.memory_space<vmem>>, %arg19: memref<80xf32, #tpu.memory_space<vmem>>, %arg20: memref<!tpu.dma_semaphore, #tpu.memory_space<semaphore_mem>>, %arg21: memref<!tpu.dma_semaphore, #tpu.memory_space<semaphore_mem>>, %arg22: memref<!tpu.dma_semaphore, #tpu.memory_space<semaphore_mem>>, %arg23: memref<!tpu.dma_semaphore, #tpu.memory_space<semaphore_mem>>, %arg24: memref<!tpu.dma_semaphore, #tpu.memory_space<semaphore_mem>>, %arg25: memref<!tpu.dma_semaphore, #tpu.memory_space<semaphore_mem>>, %arg26: memref<!tpu.dma_semaphore, #tpu.memory_space<semaphore_mem>>, %arg27: memref<!tpu.dma_semaphore, #tpu.memory_space<semaphore_mem>>, %arg28: memref<!tpu.dma_semaphore, #tpu.memory_space<semaphore_mem>>, %arg29: memref<!tpu.dma_semaphore, #tpu.memory_space<semaphore_mem>>, %arg30: memref<!tpu.dma_semaphore, #tpu.memory_space<semaphore_mem>>, %arg31: memref<!tpu.dma_semaphore, #tpu.memory_space<semaphore_mem>>, %arg32: memref<!tpu.dma_semaphore, #tpu.memory_space<semaphore_mem>>, %arg33: memref<!tpu.dma_semaphore, #tpu.memory_space<semaphore_mem>>, %arg34: memref<!tpu.dma_semaphore, #tpu.memory_space<semaphore_mem>>, %arg35: memref<10240xf32, #tpu.memory_space<vmem>>, %arg36: memref<10240x128xf32, #tpu.memory_space<vmem_shared>>) attributes {dimension_semantics = [#tpu.dimension_semantics<core_parallel>, #tpu.dimension_semantics<subcore_parallel>], iteration_bounds = array<i64: 2, 16>, scalar_prefetch = 0 : i64, scratch_operands = 29 : i64, tpu.core_type = #tpu.core_type<sc_vector_subcore>, window_params = [{transform_indices = #map}, {transform_indices = #map1}, {transform_indices = #map1}, {transform_indices = #map1}, {transform_indices = #map1}, {transform_indices = #map2}]} {
    %mul3A = arith.constant 640 : i32
    %mul3A_0 = arith.muli %arg1, %mul3A : i32
    %mul3A_1 = arith.constant 2 : i32
    %mul3A_2 = arith.muli %arg1, %mul3A_1 : i32
    %add3A = arith.addi %mul3A_2, %arg0 : i32
    %mul3A_3 = arith.constant 10000 : i32
    %mul3A_4 = arith.muli %add3A, %mul3A_3 : i32
    %scan3A = arith.constant 0 : i32
    %scan3A_5 = arith.constant 0 : i32
    %scan3A_6 = arith.constant 80 : i32
    %scan3A_7 = arith.addi %scan3A_5, %scan3A_6 : i32
    %scan3A_8 = arith.constant 1 : i32
    scf.for %scan3A_160 = %scan3A_5 to %scan3A_7 step %scan3A_8  : i32 {
      %broadcast_in_dim3A = arith.constant 0.000000e+00 : f32
      %broadcast_in_dim3A_161 = vector.broadcast %broadcast_in_dim3A : f32 to vector<16xf32>
      %swap3A_162 = arith.index_cast %scan3A_160 : i32 to index
      %swap3A_163 = arith.constant 0 : index
      %swap3A_164 = tpu.vector_load %arg8[%swap3A_162, %swap3A_163] {strides = array<i32>} : memref<80x128xf32, #tpu.memory_space<vmem>>, vector<16xf32>,
      tpu.vector_store %arg8[%swap3A_162, %swap3A_163], %broadcast_in_dim3A_161 {strides = array<i32>} : memref<80x128xf32, #tpu.memory_space<vmem>>, vector<16xf32>,
      %broadcast_in_dim3A_165 = arith.constant 0.000000e+00 : f32
      %broadcast_in_dim3A_166 = vector.broadcast %broadcast_in_dim3A_165 : f32 to vector<16xf32>
      %swap3A_167 = arith.index_cast %scan3A_160 : i32 to index
      %swap3A_168 = arith.constant 16 : index
      %swap3A_169 = tpu.vector_load %arg8[%swap3A_167, %swap3A_168] {strides = array<i32>} : memref<80x128xf32, #tpu.memory_space<vmem>>, vector<16xf32>,
      tpu.vector_store %arg8[%swap3A_167, %swap3A_168], %broadcast_in_dim3A_166 {strides = array<i32>} : memref<80x128xf32, #tpu.memory_space<vmem>>, vector<16xf32>,
      %broadcast_in_dim3A_170 = arith.constant 0.000000e+00 : f32
      %broadcast_in_dim3A_171 = vector.broadcast %broadcast_in_dim3A_170 : f32 to vector<16xf32>
      %swap3A_172 = arith.index_cast %scan3A_160 : i32 to index
      %swap3A_173 = arith.constant 32 : index
      %swap3A_174 = tpu.vector_load %arg8[%swap3A_172, %swap3A_173] {strides = array<i32>} : memref<80x128xf32, #tpu.memory_space<vmem>>, vector<16xf32>,
      tpu.vector_store %arg8[%swap3A_172, %swap3A_173], %broadcast_in_dim3A_171 {strides = array<i32>} : memref<80x128xf32, #tpu.memory_space<vmem>>, vector<16xf32>,
      %broadcast_in_dim3A_175 = arith.constant 0.000000e+00 : f32
      %broadcast_in_dim3A_176 = vector.broadcast %broadcast_in_dim3A_175 : f32 to vector<16xf32>
      %swap3A_177 = arith.index_cast %scan3A_160 : i32 to index
      %swap3A_178 = arith.constant 48 : index
      %swap3A_179 = tpu.vector_load %arg8[%swap3A_177, %swap3A_178] {strides = array<i32>} : memref<80x128xf32, #tpu.memory_space<vmem>>, vector<16xf32>,
      tpu.vector_store %arg8[%swap3A_177, %swap3A_178], %broadcast_in_dim3A_176 {strides = array<i32>} : memref<80x128xf32, #tpu.memory_space<vmem>>, vector<16xf32>,
      %broadcast_in_dim3A_180 = arith.constant 0.000000e+00 : f32
      %broadcast_in_dim3A_181 = vector.broadcast %broadcast_in_dim3A_180 : f32 to vector<16xf32>
      %swap3A_182 = arith.index_cast %scan3A_160 : i32 to index
      %swap3A_183 = arith.constant 64 : index
      %swap3A_184 = tpu.vector_load %arg8[%swap3A_182, %swap3A_183] {strides = array<i32>} : memref<80x128xf32, #tpu.memory_space<vmem>>, vector<16xf32>,
      tpu.vector_store %arg8[%swap3A_182, %swap3A_183], %broadcast_in_dim3A_181 {strides = array<i32>} : memref<80x128xf32, #tpu.memory_space<vmem>>, vector<16xf32>,
      %broadcast_in_dim3A_185 = arith.constant 0.000000e+00 : f32
      %broadcast_in_dim3A_186 = vector.broadcast %broadcast_in_dim3A_185 : f32 to vector<16xf32>
      %swap3A_187 = arith.index_cast %scan3A_160 : i32 to index
      %swap3A_188 = arith.constant 80 : index
      %swap3A_189 = tpu.vector_load %arg8[%swap3A_187, %swap3A_188] {strides = array<i32>} : memref<80x128xf32, #tpu.memory_space<vmem>>, vector<16xf32>,
      tpu.vector_store %arg8[%swap3A_187, %swap3A_188], %broadcast_in_dim3A_186 {strides = array<i32>} : memref<80x128xf32, #tpu.memory_space<vmem>>, vector<16xf32>,
      %broadcast_in_dim3A_190 = arith.constant 0.000000e+00 : f32
      %broadcast_in_dim3A_191 = vector.broadcast %broadcast_in_dim3A_190 : f32 to vector<16xf32>
      %swap3A_192 = arith.index_cast %scan3A_160 : i32 to index
      %swap3A_193 = arith.constant 96 : index
      %swap3A_194 = tpu.vector_load %arg8[%swap3A_192, %swap3A_193] {strides = array<i32>} : memref<80x128xf32, #tpu.memory_space<vmem>>, vector<16xf32>,
      tpu.vector_store %arg8[%swap3A_192, %swap3A_193], %broadcast_in_dim3A_191 {strides = array<i32>} : memref<80x128xf32, #tpu.memory_space<vmem>>, vector<16xf32>,
      %broadcast_in_dim3A_195 = arith.constant 0.000000e+00 : f32
      %broadcast_in_dim3A_196 = vector.broadcast %broadcast_in_dim3A_195 : f32 to vector<16xf32>
      %swap3A_197 = arith.index_cast %scan3A_160 : i32 to index
      %swap3A_198 = arith.constant 112 : index
      %swap3A_199 = tpu.vector_load %arg8[%swap3A_197, %swap3A_198] {strides = array<i32>} : memref<80x128xf32, #tpu.memory_space<vmem>>, vector<16xf32>,
      tpu.vector_store %arg8[%swap3A_197, %swap3A_198], %broadcast_in_dim3A_196 {strides = array<i32>} : memref<80x128xf32, #tpu.memory_space<vmem>>, vector<16xf32>,
    }
    %scan3A_9 = arith.constant 80 : i32
    %add3A_10 = arith.constant 0 : i32
    %add3A_11 = arith.addi %mul3A_0, %add3A_10 : i32
    "tpu.region"() ({
      %run_scoped3A = tpu.sem_alloc : memref<!tpu.dma_semaphore, #tpu.memory_space<semaphore_mem>>
      %dma_start3A_160 = arith.constant 0 : i32
      %dma_start3A_161 = tpu.memref_slice %arg36[%add3A_11, %dma_start3A_160] : memref<10240x128xf32, #tpu.memory_space<vmem_shared>> -> memref<80x128xf32, #tpu.memory_space<vmem_shared>>
      %dma_start3A_162 = arith.constant 0 : i32
      %dma_start3A_163 = tpu.memref_slice %arg36[%add3A_11, %dma_start3A_162] : memref<10240x128xf32, #tpu.memory_space<vmem_shared>> -> memref<80x128xf32, #tpu.memory_space<vmem_shared>>
      tpu.enqueue_dma source(%arg8 : memref<80x128xf32, #tpu.memory_space<vmem>>) target(%dma_start3A_163 : memref<80x128xf32, #tpu.memory_space<vmem_shared>>) target_semaphore(%run_scoped3A : memref<!tpu.dma_semaphore, #tpu.memory_space<semaphore_mem>>)
      %dma_wait3A_164 = arith.constant 0 : i32
      %dma_wait3A_165 = tpu.memref_slice %arg36[%add3A_11, %dma_wait3A_164] : memref<10240x128xf32, #tpu.memory_space<vmem_shared>> -> memref<80x128xf32, #tpu.memory_space<vmem_shared>>
      %dma_wait3A_166 = arith.constant 0 : i32
      %dma_wait3A_167 = tpu.memref_slice %arg36[%add3A_11, %dma_wait3A_166] : memref<10240x128xf32, #tpu.memory_space<vmem_shared>> -> memref<80x128xf32, #tpu.memory_space<vmem_shared>>
      tpu.wait_dma2 semaphore(%run_scoped3A : memref<!tpu.dma_semaphore, #tpu.memory_space<semaphore_mem>>) src(%arg8 : memref<80x128xf32, #tpu.memory_space<vmem>>) dst(%dma_wait3A_167 : memref<80x128xf32, #tpu.memory_space<vmem_shared>>)
      tpu.yield
    }) : () -> ()
    %add3A_12 = arith.constant 80 : i32
    %add3A_13 = arith.addi %mul3A_0, %add3A_12 : i32
    "tpu.region"() ({
      %run_scoped3A = tpu.sem_alloc : memref<!tpu.dma_semaphore, #tpu.memory_space<semaphore_mem>>
      %dma_start3A_160 = arith.constant 0 : i32
      %dma_start3A_161 = tpu.memref_slice %arg36[%add3A_13, %dma_start3A_160] : memref<10240x128xf32, #tpu.memory_space<vmem_shared>> -> memref<80x128xf32, #tpu.memory_space<vmem_shared>>
      %dma_start3A_162 = arith.constant 0 : i32
      %dma_start3A_163 = tpu.memref_slice %arg36[%add3A_13, %dma_start3A_162] : memref<10240x128xf32, #tpu.memory_space<vmem_shared>> -> memref<80x128xf32, #tpu.memory_space<vmem_shared>>
      tpu.enqueue_dma source(%arg8 : memref<80x128xf32, #tpu.memory_space<vmem>>) target(%dma_start3A_163 : memref<80x128xf32, #tpu.memory_space<vmem_shared>>) target_semaphore(%run_scoped3A : memref<!tpu.dma_semaphore, #tpu.memory_space<semaphore_mem>>)
      %dma_wait3A_164 = arith.constant 0 : i32
      %dma_wait3A_165 = tpu.memref_slice %arg36[%add3A_13, %dma_wait3A_164] : memref<10240x128xf32, #tpu.memory_space<vmem_shared>> -> memref<80x128xf32, #tpu.memory_space<vmem_shared>>
      %dma_wait3A_166 = arith.constant 0 : i32
      %dma_wait3A_167 = tpu.memref_slice %arg36[%add3A_13, %dma_wait3A_166] : memref<10240x128xf32, #tpu.memory_space<vmem_shared>> -> memref<80x128xf32, #tpu.memory_space<vmem_shared>>
      tpu.wait_dma2 semaphore(%run_scoped3A : memref<!tpu.dma_semaphore, #tpu.memory_space<semaphore_mem>>) src(%arg8 : memref<80x128xf32, #tpu.memory_space<vmem>>) dst(%dma_wait3A_167 : memref<80x128xf32, #tpu.memory_space<vmem_shared>>)
      tpu.yield
    }) : () -> ()
    %add3A_14 = arith.constant 160 : i32
    %add3A_15 = arith.addi %mul3A_0, %add3A_14 : i32
    "tpu.region"() ({
      %run_scoped3A = tpu.sem_alloc : memref<!tpu.dma_semaphore, #tpu.memory_space<semaphore_mem>>
      %dma_start3A_160 = arith.constant 0 : i32
      %dma_start3A_161 = tpu.memref_slice %arg36[%add3A_15, %dma_start3A_160] : memref<10240x128xf32, #tpu.memory_space<vmem_shared>> -> memref<80x128xf32, #tpu.memory_space<vmem_shared>>
      %dma_start3A_162 = arith.constant 0 : i32
      %dma_start3A_163 = tpu.memref_slice %arg36[%add3A_15, %dma_start3A_162] : memref<10240x128xf32, #tpu.memory_space<vmem_shared>> -> memref<80x128xf32, #tpu.memory_space<vmem_shared>>
      tpu.enqueue_dma source(%arg8 : memref<80x128xf32, #tpu.memory_space<vmem>>) target(%dma_start3A_163 : memref<80x128xf32, #tpu.memory_space<vmem_shared>>) target_semaphore(%run_scoped3A : memref<!tpu.dma_semaphore, #tpu.memory_space<semaphore_mem>>)
      %dma_wait3A_164 = arith.constant 0 : i32
      %dma_wait3A_165 = tpu.memref_slice %arg36[%add3A_15, %dma_wait3A_164] : memref<10240x128xf32, #tpu.memory_space<vmem_shared>> -> memref<80x128xf32, #tpu.memory_space<vmem_shared>>
      %dma_wait3A_166 = arith.constant 0 : i32
      %dma_wait3A_167 = tpu.memref_slice %arg36[%add3A_15, %dma_wait3A_166] : memref<10240x128xf32, #tpu.memory_space<vmem_shared>> -> memref<80x128xf32, #tpu.memory_space<vmem_shared>>
      tpu.wait_dma2 semaphore(%run_scoped3A : memref<!tpu.dma_semaphore, #tpu.memory_space<semaphore_mem>>) src(%arg8 : memref<80x128xf32, #tpu.memory_space<vmem>>) dst(%dma_wait3A_167 : memref<80x128xf32, #tpu.memory_space<vmem_shared>>)
      tpu.yield
    }) : () -> ()
    %add3A_16 = arith.constant 240 : i32
    %add3A_17 = arith.addi %mul3A_0, %add3A_16 : i32
    "tpu.region"() ({
      %run_scoped3A = tpu.sem_alloc : memref<!tpu.dma_semaphore, #tpu.memory_space<semaphore_mem>>
      %dma_start3A_160 = arith.constant 0 : i32
      %dma_start3A_161 = tpu.memref_slice %arg36[%add3A_17, %dma_start3A_160] : memref<10240x128xf32, #tpu.memory_space<vmem_shared>> -> memref<80x128xf32, #tpu.memory_space<vmem_shared>>
      %dma_start3A_162 = arith.constant 0 : i32
      %dma_start3A_163 = tpu.memref_slice %arg36[%add3A_17, %dma_start3A_162] : memref<10240x128xf32, #tpu.memory_space<vmem_shared>> -> memref<80x128xf32, #tpu.memory_space<vmem_shared>>
      tpu.enqueue_dma source(%arg8 : memref<80x128xf32, #tpu.memory_space<vmem>>) target(%dma_start3A_163 : memref<80x128xf32, #tpu.memory_space<vmem_shared>>) target_semaphore(%run_scoped3A : memref<!tpu.dma_semaphore, #tpu.memory_space<semaphore_mem>>)
      %dma_wait3A_164 = arith.constant 0 : i32
      %dma_wait3A_165 = tpu.memref_slice %arg36[%add3A_17, %dma_wait3A_164] : memref<10240x128xf32, #tpu.memory_space<vmem_shared>> -> memref<80x128xf32, #tpu.memory_space<vmem_shared>>
      %dma_wait3A_166 = arith.constant 0 : i32
      %dma_wait3A_167 = tpu.memref_slice %arg36[%add3A_17, %dma_wait3A_166] : memref<10240x128xf32, #tpu.memory_space<vmem_shared>> -> memref<80x128xf32, #tpu.memory_space<vmem_shared>>
      tpu.wait_dma2 semaphore(%run_scoped3A : memref<!tpu.dma_semaphore, #tpu.memory_space<semaphore_mem>>) src(%arg8 : memref<80x128xf32, #tpu.memory_space<vmem>>) dst(%dma_wait3A_167 : memref<80x128xf32, #tpu.memory_space<vmem_shared>>)
      tpu.yield
    }) : () -> ()
    %add3A_18 = arith.constant 320 : i32
    %add3A_19 = arith.addi %mul3A_0, %add3A_18 : i32
    "tpu.region"() ({
      %run_scoped3A = tpu.sem_alloc : memref<!tpu.dma_semaphore, #tpu.memory_space<semaphore_mem>>
      %dma_start3A_160 = arith.constant 0 : i32
      %dma_start3A_161 = tpu.memref_slice %arg36[%add3A_19, %dma_start3A_160] : memref<10240x128xf32, #tpu.memory_space<vmem_shared>> -> memref<80x128xf32, #tpu.memory_space<vmem_shared>>
      %dma_start3A_162 = arith.constant 0 : i32
      %dma_start3A_163 = tpu.memref_slice %arg36[%add3A_19, %dma_start3A_162] : memref<10240x128xf32, #tpu.memory_space<vmem_shared>> -> memref<80x128xf32, #tpu.memory_space<vmem_shared>>
      tpu.enqueue_dma source(%arg8 : memref<80x128xf32, #tpu.memory_space<vmem>>) target(%dma_start3A_163 : memref<80x128xf32, #tpu.memory_space<vmem_shared>>) target_semaphore(%run_scoped3A : memref<!tpu.dma_semaphore, #tpu.memory_space<semaphore_mem>>)
      %dma_wait3A_164 = arith.constant 0 : i32
      %dma_wait3A_165 = tpu.memref_slice %arg36[%add3A_19, %dma_wait3A_164] : memref<10240x128xf32, #tpu.memory_space<vmem_shared>> -> memref<80x128xf32, #tpu.memory_space<vmem_shared>>
      %dma_wait3A_166 = arith.constant 0 : i32
      %dma_wait3A_167 = tpu.memref_slice %arg36[%add3A_19, %dma_wait3A_166] : memref<10240x128xf32, #tpu.memory_space<vmem_shared>> -> memref<80x128xf32, #tpu.memory_space<vmem_shared>>
      tpu.wait_dma2 semaphore(%run_scoped3A : memref<!tpu.dma_semaphore, #tpu.memory_space<semaphore_mem>>) src(%arg8 : memref<80x128xf32, #tpu.memory_space<vmem>>) dst(%dma_wait3A_167 : memref<80x128xf32, #tpu.memory_space<vmem_shared>>)
      tpu.yield
    }) : () -> ()
    %add3A_20 = arith.constant 400 : i32
    %add3A_21 = arith.addi %mul3A_0, %add3A_20 : i32
    "tpu.region"() ({
      %run_scoped3A = tpu.sem_alloc : memref<!tpu.dma_semaphore, #tpu.memory_space<semaphore_mem>>
      %dma_start3A_160 = arith.constant 0 : i32
      %dma_start3A_161 = tpu.memref_slice %arg36[%add3A_21, %dma_start3A_160] : memref<10240x128xf32, #tpu.memory_space<vmem_shared>> -> memref<80x128xf32, #tpu.memory_space<vmem_shared>>
      %dma_start3A_162 = arith.constant 0 : i32
      %dma_start3A_163 = tpu.memref_slice %arg36[%add3A_21, %dma_start3A_162] : memref<10240x128xf32, #tpu.memory_space<vmem_shared>> -> memref<80x128xf32, #tpu.memory_space<vmem_shared>>
      tpu.enqueue_dma source(%arg8 : memref<80x128xf32, #tpu.memory_space<vmem>>) target(%dma_start3A_163 : memref<80x128xf32, #tpu.memory_space<vmem_shared>>) target_semaphore(%run_scoped3A : memref<!tpu.dma_semaphore, #tpu.memory_space<semaphore_mem>>)
      %dma_wait3A_164 = arith.constant 0 : i32
      %dma_wait3A_165 = tpu.memref_slice %arg36[%add3A_21, %dma_wait3A_164] : memref<10240x128xf32, #tpu.memory_space<vmem_shared>> -> memref<80x128xf32, #tpu.memory_space<vmem_shared>>
      %dma_wait3A_166 = arith.constant 0 : i32
      %dma_wait3A_167 = tpu.memref_slice %arg36[%add3A_21, %dma_wait3A_166] : memref<10240x128xf32, #tpu.memory_space<vmem_shared>> -> memref<80x128xf32, #tpu.memory_space<vmem_shared>>
      tpu.wait_dma2 semaphore(%run_scoped3A : memref<!tpu.dma_semaphore, #tpu.memory_space<semaphore_mem>>) src(%arg8 : memref<80x128xf32, #tpu.memory_space<vmem>>) dst(%dma_wait3A_167 : memref<80x128xf32, #tpu.memory_space<vmem_shared>>)
      tpu.yield
    }) : () -> ()
    %add3A_22 = arith.constant 480 : i32
    %add3A_23 = arith.addi %mul3A_0, %add3A_22 : i32
    "tpu.region"() ({
      %run_scoped3A = tpu.sem_alloc : memref<!tpu.dma_semaphore, #tpu.memory_space<semaphore_mem>>
      %dma_start3A_160 = arith.constant 0 : i32
      %dma_start3A_161 = tpu.memref_slice %arg36[%add3A_23, %dma_start3A_160] : memref<10240x128xf32, #tpu.memory_space<vmem_shared>> -> memref<80x128xf32, #tpu.memory_space<vmem_shared>>
      %dma_start3A_162 = arith.constant 0 : i32
      %dma_start3A_163 = tpu.memref_slice %arg36[%add3A_23, %dma_start3A_162] : memref<10240x128xf32, #tpu.memory_space<vmem_shared>> -> memref<80x128xf32, #tpu.memory_space<vmem_shared>>
      tpu.enqueue_dma source(%arg8 : memref<80x128xf32, #tpu.memory_space<vmem>>) target(%dma_start3A_163 : memref<80x128xf32, #tpu.memory_space<vmem_shared>>) target_semaphore(%run_scoped3A : memref<!tpu.dma_semaphore, #tpu.memory_space<semaphore_mem>>)
      %dma_wait3A_164 = arith.constant 0 : i32
      %dma_wait3A_165 = tpu.memref_slice %arg36[%add3A_23, %dma_wait3A_164] : memref<10240x128xf32, #tpu.memory_space<vmem_shared>> -> memref<80x128xf32, #tpu.memory_space<vmem_shared>>
      %dma_wait3A_166 = arith.constant 0 : i32
      %dma_wait3A_167 = tpu.memref_slice %arg36[%add3A_23, %dma_wait3A_166] : memref<10240x128xf32, #tpu.memory_space<vmem_shared>> -> memref<80x128xf32, #tpu.memory_space<vmem_shared>>
      tpu.wait_dma2 semaphore(%run_scoped3A : memref<!tpu.dma_semaphore, #tpu.memory_space<semaphore_mem>>) src(%arg8 : memref<80x128xf32, #tpu.memory_space<vmem>>) dst(%dma_wait3A_167 : memref<80x128xf32, #tpu.memory_space<vmem_shared>>)
      tpu.yield
    }) : () -> ()
    %add3A_24 = arith.constant 560 : i32
    %add3A_25 = arith.addi %mul3A_0, %add3A_24 : i32
    "tpu.region"() ({
      %run_scoped3A = tpu.sem_alloc : memref<!tpu.dma_semaphore, #tpu.memory_space<semaphore_mem>>
      %dma_start3A_160 = arith.constant 0 : i32
      %dma_start3A_161 = tpu.memref_slice %arg36[%add3A_25, %dma_start3A_160] : memref<10240x128xf32, #tpu.memory_space<vmem_shared>> -> memref<80x128xf32, #tpu.memory_space<vmem_shared>>
      %dma_start3A_162 = arith.constant 0 : i32
      %dma_start3A_163 = tpu.memref_slice %arg36[%add3A_25, %dma_start3A_162] : memref<10240x128xf32, #tpu.memory_space<vmem_shared>> -> memref<80x128xf32, #tpu.memory_space<vmem_shared>>
      tpu.enqueue_dma source(%arg8 : memref<80x128xf32, #tpu.memory_space<vmem>>) target(%dma_start3A_163 : memref<80x128xf32, #tpu.memory_space<vmem_shared>>) target_semaphore(%run_scoped3A : memref<!tpu.dma_semaphore, #tpu.memory_space<semaphore_mem>>)
      %dma_wait3A_164 = arith.constant 0 : i32
      %dma_wait3A_165 = tpu.memref_slice %arg36[%add3A_25, %dma_wait3A_164] : memref<10240x128xf32, #tpu.memory_space<vmem_shared>> -> memref<80x128xf32, #tpu.memory_space<vmem_shared>>
      %dma_wait3A_166 = arith.constant 0 : i32
      %dma_wait3A_167 = tpu.memref_slice %arg36[%add3A_25, %dma_wait3A_166] : memref<10240x128xf32, #tpu.memory_space<vmem_shared>> -> memref<80x128xf32, #tpu.memory_space<vmem_shared>>
      tpu.wait_dma2 semaphore(%run_scoped3A : memref<!tpu.dma_semaphore, #tpu.memory_space<semaphore_mem>>) src(%arg8 : memref<80x128xf32, #tpu.memory_space<vmem>>) dst(%dma_wait3A_167 : memref<80x128xf32, #tpu.memory_space<vmem_shared>>)
      tpu.yield
    }) : () -> ()
    "tpu.region"() ({
      %run_scoped3A = tpu.sem_alloc : memref<!tpu.dma_semaphore, #tpu.memory_space<semaphore_mem>>
      tpu.enqueue_dma source(%arg6 : memref<10240xf32, #tpu.memory_space<hbm>>) target(%arg35 : memref<10240xf32, #tpu.memory_space<vmem>>) target_semaphore(%run_scoped3A : memref<!tpu.dma_semaphore, #tpu.memory_space<semaphore_mem>>)
      tpu.wait_dma2 semaphore(%run_scoped3A : memref<!tpu.dma_semaphore, #tpu.memory_space<semaphore_mem>>) src(%arg6 : memref<10240xf32, #tpu.memory_space<hbm>>) dst(%arg35 : memref<10240xf32, #tpu.memory_space<vmem>>)
      tpu.yield
    }) : () -> ()
    %add3A_26 = arith.constant 0 : i32
    %add3A_27 = arith.addi %mul3A_4, %add3A_26 : i32
    "tpu.region"() ({
      %run_scoped3A = tpu.sem_alloc : memref<!tpu.dma_semaphore, #tpu.memory_space<semaphore_mem>>
      %dma_start3A_160 = tpu.memref_slice %arg3[%add3A_27] : memref<320000xi32, #tpu.memory_space<hbm>> -> memref<80xi32, #tpu.memory_space<hbm>>
      %dma_start3A_161 = tpu.memref_slice %arg3[%add3A_27] : memref<320000xi32, #tpu.memory_space<hbm>> -> memref<80xi32, #tpu.memory_space<hbm>>
      tpu.enqueue_dma source(%dma_start3A_161 : memref<80xi32, #tpu.memory_space<hbm>>) target(%arg11 : memref<80xi32, #tpu.memory_space<vmem>>) target_semaphore(%run_scoped3A : memref<!tpu.dma_semaphore, #tpu.memory_space<semaphore_mem>>)
      %dma_wait3A_162 = tpu.memref_slice %arg3[%add3A_27] : memref<320000xi32, #tpu.memory_space<hbm>> -> memref<80xi32, #tpu.memory_space<hbm>>
      %dma_wait3A_163 = tpu.memref_slice %arg3[%add3A_27] : memref<320000xi32, #tpu.memory_space<hbm>> -> memref<80xi32, #tpu.memory_space<hbm>>
      tpu.wait_dma2 semaphore(%run_scoped3A : memref<!tpu.dma_semaphore, #tpu.memory_space<semaphore_mem>>) src(%dma_wait3A_163 : memref<80xi32, #tpu.memory_space<hbm>>) dst(%arg11 : memref<80xi32, #tpu.memory_space<vmem>>)
      tpu.yield
    }) : () -> ()
    %add3A_28 = arith.constant 0 : i32
    %add3A_29 = arith.addi %mul3A_4, %add3A_28 : i32
    "tpu.region"() ({
      %run_scoped3A = tpu.sem_alloc : memref<!tpu.dma_semaphore, #tpu.memory_space<semaphore_mem>>
      %dma_start3A_160 = tpu.memref_slice %arg5[%add3A_29] : memref<320000xf32, #tpu.memory_space<hbm>> -> memref<80xf32, #tpu.memory_space<hbm>>
      %dma_start3A_161 = tpu.memref_slice %arg5[%add3A_29] : memref<320000xf32, #tpu.memory_space<hbm>> -> memref<80xf32, #tpu.memory_space<hbm>>
      tpu.enqueue_dma source(%dma_start3A_161 : memref<80xf32, #tpu.memory_space<hbm>>) target(%arg17 : memref<80xf32, #tpu.memory_space<vmem>>) target_semaphore(%run_scoped3A : memref<!tpu.dma_semaphore, #tpu.memory_space<semaphore_mem>>)
      %dma_wait3A_162 = tpu.memref_slice %arg5[%add3A_29] : memref<320000xf32, #tpu.memory_space<hbm>> -> memref<80xf32, #tpu.memory_space<hbm>>
      %dma_wait3A_163 = tpu.memref_slice %arg5[%add3A_29] : memref<320000xf32, #tpu.memory_space<hbm>> -> memref<80xf32, #tpu.memory_space<hbm>>
      tpu.wait_dma2 semaphore(%run_scoped3A : memref<!tpu.dma_semaphore, #tpu.memory_space<semaphore_mem>>) src(%dma_wait3A_163 : memref<80xf32, #tpu.memory_space<hbm>>) dst(%arg17 : memref<80xf32, #tpu.memory_space<vmem>>)
      tpu.yield
    }) : () -> ()
    %add3A_30 = arith.constant 80 : i32
    %add3A_31 = arith.addi %mul3A_4, %add3A_30 : i32
    "tpu.region"() ({
      %run_scoped3A = tpu.sem_alloc : memref<!tpu.dma_semaphore, #tpu.memory_space<semaphore_mem>>
      %dma_start3A_160 = tpu.memref_slice %arg3[%add3A_31] : memref<320000xi32, #tpu.memory_space<hbm>> -> memref<80xi32, #tpu.memory_space<hbm>>
      %dma_start3A_161 = tpu.memref_slice %arg3[%add3A_31] : memref<320000xi32, #tpu.memory_space<hbm>> -> memref<80xi32, #tpu.memory_space<hbm>>
      tpu.enqueue_dma source(%dma_start3A_161 : memref<80xi32, #tpu.memory_space<hbm>>) target(%arg12 : memref<80xi32, #tpu.memory_space<vmem>>) target_semaphore(%run_scoped3A : memref<!tpu.dma_semaphore, #tpu.memory_space<semaphore_mem>>)
      %dma_wait3A_162 = tpu.memref_slice %arg3[%add3A_31] : memref<320000xi32, #tpu.memory_space<hbm>> -> memref<80xi32, #tpu.memory_space<hbm>>
      %dma_wait3A_163 = tpu.memref_slice %arg3[%add3A_31] : memref<320000xi32, #tpu.memory_space<hbm>> -> memref<80xi32, #tpu.memory_space<hbm>>
      tpu.wait_dma2 semaphore(%run_scoped3A : memref<!tpu.dma_semaphore, #tpu.memory_space<semaphore_mem>>) src(%dma_wait3A_163 : memref<80xi32, #tpu.memory_space<hbm>>) dst(%arg12 : memref<80xi32, #tpu.memory_space<vmem>>)
      tpu.yield
    }) : () -> ()
    %add3A_32 = arith.constant 80 : i32
    %add3A_33 = arith.addi %mul3A_4, %add3A_32 : i32
    "tpu.region"() ({
      %run_scoped3A = tpu.sem_alloc : memref<!tpu.dma_semaphore, #tpu.memory_space<semaphore_mem>>
      %dma_start3A_160 = tpu.memref_slice %arg5[%add3A_33] : memref<320000xf32, #tpu.memory_space<hbm>> -> memref<80xf32, #tpu.memory_space<hbm>>
      %dma_start3A_161 = tpu.memref_slice %arg5[%add3A_33] : memref<320000xf32, #tpu.memory_space<hbm>> -> memref<80xf32, #tpu.memory_space<hbm>>
      tpu.enqueue_dma source(%dma_start3A_161 : memref<80xf32, #tpu.memory_space<hbm>>) target(%arg18 : memref<80xf32, #tpu.memory_space<vmem>>) target_semaphore(%run_scoped3A : memref<!tpu.dma_semaphore, #tpu.memory_space<semaphore_mem>>)
      %dma_wait3A_162 = tpu.memref_slice %arg5[%add3A_33] : memref<320000xf32, #tpu.memory_space<hbm>> -> memref<80xf32, #tpu.memory_space<hbm>>
      %dma_wait3A_163 = tpu.memref_slice %arg5[%add3A_33] : memref<320000xf32, #tpu.memory_space<hbm>> -> memref<80xf32, #tpu.memory_space<hbm>>
      tpu.wait_dma2 semaphore(%run_scoped3A : memref<!tpu.dma_semaphore, #tpu.memory_space<semaphore_mem>>) src(%dma_wait3A_163 : memref<80xf32, #tpu.memory_space<hbm>>) dst(%arg18 : memref<80xf32, #tpu.memory_space<vmem>>)
      tpu.yield
    }) : () -> ()
    %add3A_34 = arith.constant 160 : i32
    %add3A_35 = arith.addi %mul3A_4, %add3A_34 : i32
    "tpu.region"() ({
      %run_scoped3A = tpu.sem_alloc : memref<!tpu.dma_semaphore, #tpu.memory_space<semaphore_mem>>
      %dma_start3A_160 = tpu.memref_slice %arg3[%add3A_35] : memref<320000xi32, #tpu.memory_space<hbm>> -> memref<80xi32, #tpu.memory_space<hbm>>
      %dma_start3A_161 = tpu.memref_slice %arg3[%add3A_35] : memref<320000xi32, #tpu.memory_space<hbm>> -> memref<80xi32, #tpu.memory_space<hbm>>
      tpu.enqueue_dma source(%dma_start3A_161 : memref<80xi32, #tpu.memory_space<hbm>>) target(%arg13 : memref<80xi32, #tpu.memory_space<vmem>>) target_semaphore(%run_scoped3A : memref<!tpu.dma_semaphore, #tpu.memory_space<semaphore_mem>>)
      %dma_wait3A_162 = tpu.memref_slice %arg3[%add3A_35] : memref<320000xi32, #tpu.memory_space<hbm>> -> memref<80xi32, #tpu.memory_space<hbm>>
      %dma_wait3A_163 = tpu.memref_slice %arg3[%add3A_35] : memref<320000xi32, #tpu.memory_space<hbm>> -> memref<80xi32, #tpu.memory_space<hbm>>
      tpu.wait_dma2 semaphore(%run_scoped3A : memref<!tpu.dma_semaphore, #tpu.memory_space<semaphore_mem>>) src(%dma_wait3A_163 : memref<80xi32, #tpu.memory_space<hbm>>) dst(%arg13 : memref<80xi32, #tpu.memory_space<vmem>>)
      tpu.yield
    }) : () -> ()
    %add3A_36 = arith.constant 160 : i32
    %add3A_37 = arith.addi %mul3A_4, %add3A_36 : i32
    "tpu.region"() ({
      %run_scoped3A = tpu.sem_alloc : memref<!tpu.dma_semaphore, #tpu.memory_space<semaphore_mem>>
      %dma_start3A_160 = tpu.memref_slice %arg5[%add3A_37] : memref<320000xf32, #tpu.memory_space<hbm>> -> memref<80xf32, #tpu.memory_space<hbm>>
      %dma_start3A_161 = tpu.memref_slice %arg5[%add3A_37] : memref<320000xf32, #tpu.memory_space<hbm>> -> memref<80xf32, #tpu.memory_space<hbm>>
      tpu.enqueue_dma source(%dma_start3A_161 : memref<80xf32, #tpu.memory_space<hbm>>) target(%arg19 : memref<80xf32, #tpu.memory_space<vmem>>) target_semaphore(%run_scoped3A : memref<!tpu.dma_semaphore, #tpu.memory_space<semaphore_mem>>)
      %dma_wait3A_162 = tpu.memref_slice %arg5[%add3A_37] : memref<320000xf32, #tpu.memory_space<hbm>> -> memref<80xf32, #tpu.memory_space<hbm>>
      %dma_wait3A_163 = tpu.memref_slice %arg5[%add3A_37] : memref<320000xf32, #tpu.memory_space<hbm>> -> memref<80xf32, #tpu.memory_space<hbm>>
      tpu.wait_dma2 semaphore(%run_scoped3A : memref<!tpu.dma_semaphore, #tpu.memory_space<semaphore_mem>>) src(%dma_wait3A_163 : memref<80xf32, #tpu.memory_space<hbm>>) dst(%arg19 : memref<80xf32, #tpu.memory_space<vmem>>)
      tpu.yield
    }) : () -> ()
    %add3A_38 = arith.constant 0 : i32
    %add3A_39 = arith.addi %mul3A_4, %add3A_38 : i32
    "tpu.region"() ({
      %run_scoped3A = tpu.sem_alloc : memref<!tpu.dma_semaphore, #tpu.memory_space<semaphore_mem>>
      %dma_start3A_160 = tpu.memref_slice %arg4[%add3A_39] : memref<320000xi32, #tpu.memory_space<hbm>> -> memref<80xi32, #tpu.memory_space<hbm>>
      %dma_start3A_161 = tpu.memref_slice %arg4[%add3A_39] : memref<320000xi32, #tpu.memory_space<hbm>> -> memref<80xi32, #tpu.memory_space<hbm>>
      tpu.enqueue_dma source(%dma_start3A_161 : memref<80xi32, #tpu.memory_space<hbm>>) target(%arg14 : memref<80xi32, #tpu.memory_space<vmem>>) target_semaphore(%run_scoped3A : memref<!tpu.dma_semaphore, #tpu.memory_space<semaphore_mem>>)
      %dma_wait3A_162 = tpu.memref_slice %arg4[%add3A_39] : memref<320000xi32, #tpu.memory_space<hbm>> -> memref<80xi32, #tpu.memory_space<hbm>>
      %dma_wait3A_163 = tpu.memref_slice %arg4[%add3A_39] : memref<320000xi32, #tpu.memory_space<hbm>> -> memref<80xi32, #tpu.memory_space<hbm>>
      tpu.wait_dma2 semaphore(%run_scoped3A : memref<!tpu.dma_semaphore, #tpu.memory_space<semaphore_mem>>) src(%dma_wait3A_163 : memref<80xi32, #tpu.memory_space<hbm>>) dst(%arg14 : memref<80xi32, #tpu.memory_space<vmem>>)
      tpu.yield
    }) : () -> ()
    %add3A_40 = arith.constant 80 : i32
    %add3A_41 = arith.addi %mul3A_4, %add3A_40 : i32
    "tpu.region"() ({
      %run_scoped3A = tpu.sem_alloc : memref<!tpu.dma_semaphore, #tpu.memory_space<semaphore_mem>>
      %dma_start3A_160 = tpu.memref_slice %arg4[%add3A_41] : memref<320000xi32, #tpu.memory_space<hbm>> -> memref<80xi32, #tpu.memory_space<hbm>>
      %dma_start3A_161 = tpu.memref_slice %arg4[%add3A_41] : memref<320000xi32, #tpu.memory_space<hbm>> -> memref<80xi32, #tpu.memory_space<hbm>>
      tpu.enqueue_dma source(%dma_start3A_161 : memref<80xi32, #tpu.memory_space<hbm>>) target(%arg15 : memref<80xi32, #tpu.memory_space<vmem>>) target_semaphore(%run_scoped3A : memref<!tpu.dma_semaphore, #tpu.memory_space<semaphore_mem>>)
      %dma_wait3A_162 = tpu.memref_slice %arg4[%add3A_41] : memref<320000xi32, #tpu.memory_space<hbm>> -> memref<80xi32, #tpu.memory_space<hbm>>
      %dma_wait3A_163 = tpu.memref_slice %arg4[%add3A_41] : memref<320000xi32, #tpu.memory_space<hbm>> -> memref<80xi32, #tpu.memory_space<hbm>>
      tpu.wait_dma2 semaphore(%run_scoped3A : memref<!tpu.dma_semaphore, #tpu.memory_space<semaphore_mem>>) src(%dma_wait3A_163 : memref<80xi32, #tpu.memory_space<hbm>>) dst(%arg15 : memref<80xi32, #tpu.memory_space<vmem>>)
      tpu.yield
    }) : () -> ()
    %barrier3A = arith.constant 0 : index
    tpu.barrier barrier_id(%barrier3A)
    %dma_start3A = arith.constant 0 : i32
    %dma_start3A_42 = arith.constant 0 : i32
    %dma_start3A_43 = tpu.memref_slice %arg2[%dma_start3A, %dma_start3A_42] : memref<10000x128xf32, #tpu.memory_space<hbm>> -> memref<10000x128xf32, #tpu.memory_space<hbm>>
    tpu.enqueue_indirect_dma source(%dma_start3A_43 : memref<10000x128xf32, #tpu.memory_space<hbm>>) target(%arg8 : memref<80x128xf32, #tpu.memory_space<vmem>>) offsets(%arg11 : memref<80xi32, #tpu.memory_space<vmem>>) semaphore(%arg20 : memref<!tpu.dma_semaphore, #tpu.memory_space<semaphore_mem>>)
    %dma_start3A_44 = arith.constant 0 : i32
    %dma_start3A_45 = arith.constant 0 : i32
    %dma_start3A_46 = tpu.memref_slice %arg2[%dma_start3A_44, %dma_start3A_45] : memref<10000x128xf32, #tpu.memory_space<hbm>> -> memref<10000x128xf32, #tpu.memory_space<hbm>>
    tpu.enqueue_indirect_dma source(%dma_start3A_46 : memref<10000x128xf32, #tpu.memory_space<hbm>>) target(%arg9 : memref<80x128xf32, #tpu.memory_space<vmem>>) offsets(%arg12 : memref<80xi32, #tpu.memory_space<vmem>>) semaphore(%arg21 : memref<!tpu.dma_semaphore, #tpu.memory_space<semaphore_mem>>)
    %scan3A_47 = arith.constant 0 : i32
    %scan3A_48 = arith.constant 0 : i32
    %scan3A_49 = arith.constant 41 : i32
    %scan3A_50 = arith.addi %scan3A_48, %scan3A_49 : i32
    %scan3A_51 = arith.constant 1 : i32
    scf.for %scan3A_160 = %scan3A_48 to %scan3A_50 step %scan3A_51  : i32 {
      %mul3A_161 = arith.constant 3 : i32
      %mul3A_162 = arith.muli %scan3A_160, %mul3A_161 : i32
      %add3A_163 = arith.constant 0 : i32
      %add3A_164 = arith.addi %mul3A_162, %add3A_163 : i32
      %dma_wait3A_165 = arith.constant 0 : i32
      %dma_wait3A_166 = arith.constant 0 : i32
      %dma_wait3A_167 = tpu.memref_slice %arg2[%dma_wait3A_165, %dma_wait3A_166] : memref<10000x128xf32, #tpu.memory_space<hbm>> -> memref<10000x128xf32, #tpu.memory_space<hbm>>
      tpu.wait_indirect_dma semaphore(%arg20 : memref<!tpu.dma_semaphore, #tpu.memory_space<semaphore_mem>>) src(%dma_wait3A_167 : memref<10000x128xf32, #tpu.memory_space<hbm>>) dst(%arg8 : memref<80x128xf32, #tpu.memory_space<vmem>>)
      %get3A_168 = arith.constant 0 : index
      %get3A_169 = tpu.vector_load %arg11[%get3A_168] {strides = array<i32>} : memref<80xi32, #tpu.memory_space<vmem>>, vector<16xi32>,
      %gather3A_170 = tpu.vector_load_idx %arg35[%get3A_169] : memref<10240xf32, #tpu.memory_space<vmem>>[vector<16xi32>], vector<16xf32>,
      %get3A_171 = arith.constant 0 : index
      %get3A_172 = tpu.vector_load %arg17[%get3A_171] {strides = array<i32>} : memref<80xf32, #tpu.memory_space<vmem>>, vector<16xf32>,
      %mul3A_173 = arith.mulf %get3A_172, %gather3A_170 : vector<16xf32>
      %swap3A_174 = arith.constant 0 : index
      %swap3A_175 = tpu.vector_load %arg17[%swap3A_174] {strides = array<i32>} : memref<80xf32, #tpu.memory_space<vmem>>, vector<16xf32>,
      tpu.vector_store %arg17[%swap3A_174], %mul3A_173 {strides = array<i32>} : memref<80xf32, #tpu.memory_space<vmem>>, vector<16xf32>,
      %get3A_176 = arith.constant 16 : index
      %get3A_177 = tpu.vector_load %arg11[%get3A_176] {strides = array<i32>} : memref<80xi32, #tpu.memory_space<vmem>>, vector<16xi32>,
      %gather3A_178 = tpu.vector_load_idx %arg35[%get3A_177] : memref<10240xf32, #tpu.memory_space<vmem>>[vector<16xi32>], vector<16xf32>,
      %get3A_179 = arith.constant 16 : index
      %get3A_180 = tpu.vector_load %arg17[%get3A_179] {strides = array<i32>} : memref<80xf32, #tpu.memory_space<vmem>>, vector<16xf32>,
      %mul3A_181 = arith.mulf %get3A_180, %gather3A_178 : vector<16xf32>
      %swap3A_182 = arith.constant 16 : index
      %swap3A_183 = tpu.vector_load %arg17[%swap3A_182] {strides = array<i32>} : memref<80xf32, #tpu.memory_space<vmem>>, vector<16xf32>,
      tpu.vector_store %arg17[%swap3A_182], %mul3A_181 {strides = array<i32>} : memref<80xf32, #tpu.memory_space<vmem>>, vector<16xf32>,
      %get3A_184 = arith.constant 32 : index
      %get3A_185 = tpu.vector_load %arg11[%get3A_184] {strides = array<i32>} : memref<80xi32, #tpu.memory_space<vmem>>, vector<16xi32>,
      %gather3A_186 = tpu.vector_load_idx %arg35[%get3A_185] : memref<10240xf32, #tpu.memory_space<vmem>>[vector<16xi32>], vector<16xf32>,
      %get3A_187 = arith.constant 32 : index
      %get3A_188 = tpu.vector_load %arg17[%get3A_187] {strides = array<i32>} : memref<80xf32, #tpu.memory_space<vmem>>, vector<16xf32>,
      %mul3A_189 = arith.mulf %get3A_188, %gather3A_186 : vector<16xf32>
      %swap3A_190 = arith.constant 32 : index
      %swap3A_191 = tpu.vector_load %arg17[%swap3A_190] {strides = array<i32>} : memref<80xf32, #tpu.memory_space<vmem>>, vector<16xf32>,
      tpu.vector_store %arg17[%swap3A_190], %mul3A_189 {strides = array<i32>} : memref<80xf32, #tpu.memory_space<vmem>>, vector<16xf32>,
      %get3A_192 = arith.constant 48 : index
      %get3A_193 = tpu.vector_load %arg11[%get3A_192] {strides = array<i32>} : memref<80xi32, #tpu.memory_space<vmem>>, vector<16xi32>,
      %gather3A_194 = tpu.vector_load_idx %arg35[%get3A_193] : memref<10240xf32, #tpu.memory_space<vmem>>[vector<16xi32>], vector<16xf32>,
      %get3A_195 = arith.constant 48 : index
      %get3A_196 = tpu.vector_load %arg17[%get3A_195] {strides = array<i32>} : memref<80xf32, #tpu.memory_space<vmem>>, vector<16xf32>,
      %mul3A_197 = arith.mulf %get3A_196, %gather3A_194 : vector<16xf32>
      %swap3A_198 = arith.constant 48 : index
      %swap3A_199 = tpu.vector_load %arg17[%swap3A_198] {strides = array<i32>} : memref<80xf32, #tpu.memory_space<vmem>>, vector<16xf32>,
      tpu.vector_store %arg17[%swap3A_198], %mul3A_197 {strides = array<i32>} : memref<80xf32, #tpu.memory_space<vmem>>, vector<16xf32>,
      %get3A_200 = arith.constant 64 : index
      %get3A_201 = tpu.vector_load %arg11[%get3A_200] {strides = array<i32>} : memref<80xi32, #tpu.memory_space<vmem>>, vector<16xi32>,
      %gather3A_202 = tpu.vector_load_idx %arg35[%get3A_201] : memref<10240xf32, #tpu.memory_space<vmem>>[vector<16xi32>], vector<16xf32>,
      %get3A_203 = arith.constant 64 : index
      %get3A_204 = tpu.vector_load %arg17[%get3A_203] {strides = array<i32>} : memref<80xf32, #tpu.memory_space<vmem>>, vector<16xf32>,
      %mul3A_205 = arith.mulf %get3A_204, %gather3A_202 : vector<16xf32>
      %swap3A_206 = arith.constant 64 : index
      %swap3A_207 = tpu.vector_load %arg17[%swap3A_206] {strides = array<i32>} : memref<80xf32, #tpu.memory_space<vmem>>, vector<16xf32>,
      tpu.vector_store %arg17[%swap3A_206], %mul3A_205 {strides = array<i32>} : memref<80xf32, #tpu.memory_space<vmem>>, vector<16xf32>,
      %parallel_loop3A_208 = arith.constant 0 : i32
      %parallel_loop3A_209 = arith.constant 80 : i32
      %parallel_loop3A_210 = arith.constant 1 : i32
      scf.for %parallel_loop3A_388 = %parallel_loop3A_208 to %parallel_loop3A_209 step %parallel_loop3A_210  : i32 {
        %parallel_loop3A_389 = arith.constant 0 : i32
        %parallel_loop3A_390 = vector.broadcast %parallel_loop3A_389 : i32 to vector<16xi32>
        %parallel_loop3A_391 = vector.broadcast %parallel_loop3A_388 : i32 to vector<16xi32>
        %parallel_loop3A_392 = arith.addi %parallel_loop3A_390, %parallel_loop3A_391 : vector<16xi32>
        %parallel_loop3A_393 = tpu.vector_load_idx %arg17[%parallel_loop3A_392] : memref<80xf32, #tpu.memory_space<vmem>>[vector<16xi32>], vector<16xf32>,
        %parallel_loop3A_394 = arith.index_cast %parallel_loop3A_388 : i32 to index
        %parallel_loop3A_395 = arith.constant 0 : index
        %parallel_loop3A_396 = tpu.vector_load %arg8[%parallel_loop3A_394, %parallel_loop3A_395] {strides = array<i32>} : memref<80x128xf32, #tpu.memory_space<vmem>>, vector<16xf32>,
        %parallel_loop3A_397 = arith.mulf %parallel_loop3A_396, %parallel_loop3A_393 : vector<16xf32>
        %parallel_loop3A_398 = arith.index_cast %parallel_loop3A_388 : i32 to index
        %parallel_loop3A_399 = arith.constant 0 : index
        %parallel_loop3A_400 = tpu.vector_load %arg8[%parallel_loop3A_398, %parallel_loop3A_399] {strides = array<i32>} : memref<80x128xf32, #tpu.memory_space<vmem>>, vector<16xf32>,
        tpu.vector_store %arg8[%parallel_loop3A_398, %parallel_loop3A_399], %parallel_loop3A_397 {strides = array<i32>} : memref<80x128xf32, #tpu.memory_space<vmem>>, vector<16xf32>,
        %parallel_loop3A_401 = arith.index_cast %parallel_loop3A_388 : i32 to index
        %parallel_loop3A_402 = arith.constant 16 : index
        %parallel_loop3A_403 = tpu.vector_load %arg8[%parallel_loop3A_401, %parallel_loop3A_402] {strides = array<i32>} : memref<80x128xf32, #tpu.memory_space<vmem>>, vector<16xf32>,
        %parallel_loop3A_404 = arith.mulf %parallel_loop3A_403, %parallel_loop3A_393 : vector<16xf32>
        %parallel_loop3A_405 = arith.index_cast %parallel_loop3A_388 : i32 to index
        %parallel_loop3A_406 = arith.constant 16 : index
        %parallel_loop3A_407 = tpu.vector_load %arg8[%parallel_loop3A_405, %parallel_loop3A_406] {strides = array<i32>} : memref<80x128xf32, #tpu.memory_space<vmem>>, vector<16xf32>,
        tpu.vector_store %arg8[%parallel_loop3A_405, %parallel_loop3A_406], %parallel_loop3A_404 {strides = array<i32>} : memref<80x128xf32, #tpu.memory_space<vmem>>, vector<16xf32>,
        %parallel_loop3A_408 = arith.index_cast %parallel_loop3A_388 : i32 to index
        %parallel_loop3A_409 = arith.constant 32 : index
        %parallel_loop3A_410 = tpu.vector_load %arg8[%parallel_loop3A_408, %parallel_loop3A_409] {strides = array<i32>} : memref<80x128xf32, #tpu.memory_space<vmem>>, vector<16xf32>,
        %parallel_loop3A_411 = arith.mulf %parallel_loop3A_410, %parallel_loop3A_393 : vector<16xf32>
        %parallel_loop3A_412 = arith.index_cast %parallel_loop3A_388 : i32 to index
        %parallel_loop3A_413 = arith.constant 32 : index
        %parallel_loop3A_414 = tpu.vector_load %arg8[%parallel_loop3A_412, %parallel_loop3A_413] {strides = array<i32>} : memref<80x128xf32, #tpu.memory_space<vmem>>, vector<16xf32>,
        tpu.vector_store %arg8[%parallel_loop3A_412, %parallel_loop3A_413], %parallel_loop3A_411 {strides = array<i32>} : memref<80x128xf32, #tpu.memory_space<vmem>>, vector<16xf32>,
        %parallel_loop3A_415 = arith.index_cast %parallel_loop3A_388 : i32 to index
        %parallel_loop3A_416 = arith.constant 48 : index
        %parallel_loop3A_417 = tpu.vector_load %arg8[%parallel_loop3A_415, %parallel_loop3A_416] {strides = array<i32>} : memref<80x128xf32, #tpu.memory_space<vmem>>, vector<16xf32>,
        %parallel_loop3A_418 = arith.mulf %parallel_loop3A_417, %parallel_loop3A_393 : vector<16xf32>
        %parallel_loop3A_419 = arith.index_cast %parallel_loop3A_388 : i32 to index
        %parallel_loop3A_420 = arith.constant 48 : index
        %parallel_loop3A_421 = tpu.vector_load %arg8[%parallel_loop3A_419, %parallel_loop3A_420] {strides = array<i32>} : memref<80x128xf32, #tpu.memory_space<vmem>>, vector<16xf32>,
        tpu.vector_store %arg8[%parallel_loop3A_419, %parallel_loop3A_420], %parallel_loop3A_418 {strides = array<i32>} : memref<80x128xf32, #tpu.memory_space<vmem>>, vector<16xf32>,
        %parallel_loop3A_422 = arith.index_cast %parallel_loop3A_388 : i32 to index
        %parallel_loop3A_423 = arith.constant 64 : index
        %parallel_loop3A_424 = tpu.vector_load %arg8[%parallel_loop3A_422, %parallel_loop3A_423] {strides = array<i32>} : memref<80x128xf32, #tpu.memory_space<vmem>>, vector<16xf32>,
        %parallel_loop3A_425 = arith.mulf %parallel_loop3A_424, %parallel_loop3A_393 : vector<16xf32>
        %parallel_loop3A_426 = arith.index_cast %parallel_loop3A_388 : i32 to index
        %parallel_loop3A_427 = arith.constant 64 : index
        %parallel_loop3A_428 = tpu.vector_load %arg8[%parallel_loop3A_426, %parallel_loop3A_427] {strides = array<i32>} : memref<80x128xf32, #tpu.memory_space<vmem>>, vector<16xf32>,
        tpu.vector_store %arg8[%parallel_loop3A_426, %parallel_loop3A_427], %parallel_loop3A_425 {strides = array<i32>} : memref<80x128xf32, #tpu.memory_space<vmem>>, vector<16xf32>,
        %parallel_loop3A_429 = arith.index_cast %parallel_loop3A_388 : i32 to index
        %parallel_loop3A_430 = arith.constant 80 : index
        %parallel_loop3A_431 = tpu.vector_load %arg8[%parallel_loop3A_429, %parallel_loop3A_430] {strides = array<i32>} : memref<80x128xf32, #tpu.memory_space<vmem>>, vector<16xf32>,
        %parallel_loop3A_432 = arith.mulf %parallel_loop3A_431, %parallel_loop3A_393 : vector<16xf32>
        %parallel_loop3A_433 = arith.index_cast %parallel_loop3A_388 : i32 to index
        %parallel_loop3A_434 = arith.constant 80 : index
        %parallel_loop3A_435 = tpu.vector_load %arg8[%parallel_loop3A_433, %parallel_loop3A_434] {strides = array<i32>} : memref<80x128xf32, #tpu.memory_space<vmem>>, vector<16xf32>,
        tpu.vector_store %arg8[%parallel_loop3A_433, %parallel_loop3A_434], %parallel_loop3A_432 {strides = array<i32>} : memref<80x128xf32, #tpu.memory_space<vmem>>, vector<16xf32>,
        %parallel_loop3A_436 = arith.index_cast %parallel_loop3A_388 : i32 to index
        %parallel_loop3A_437 = arith.constant 96 : index
        %parallel_loop3A_438 = tpu.vector_load %arg8[%parallel_loop3A_436, %parallel_loop3A_437] {strides = array<i32>} : memref<80x128xf32, #tpu.memory_space<vmem>>, vector<16xf32>,
        %parallel_loop3A_439 = arith.mulf %parallel_loop3A_438, %parallel_loop3A_393 : vector<16xf32>
        %parallel_loop3A_440 = arith.index_cast %parallel_loop3A_388 : i32 to index
        %parallel_loop3A_441 = arith.constant 96 : index
        %parallel_loop3A_442 = tpu.vector_load %arg8[%parallel_loop3A_440, %parallel_loop3A_441] {strides = array<i32>} : memref<80x128xf32, #tpu.memory_space<vmem>>, vector<16xf32>,
        tpu.vector_store %arg8[%parallel_loop3A_440, %parallel_loop3A_441], %parallel_loop3A_439 {strides = array<i32>} : memref<80x128xf32, #tpu.memory_space<vmem>>, vector<16xf32>,
        %parallel_loop3A_443 = arith.index_cast %parallel_loop3A_388 : i32 to index
        %parallel_loop3A_444 = arith.constant 112 : index
        %parallel_loop3A_445 = tpu.vector_load %arg8[%parallel_loop3A_443, %parallel_loop3A_444] {strides = array<i32>} : memref<80x128xf32, #tpu.memory_space<vmem>>, vector<16xf32>,
        %parallel_loop3A_446 = arith.mulf %parallel_loop3A_445, %parallel_loop3A_393 : vector<16xf32>
        %parallel_loop3A_447 = arith.index_cast %parallel_loop3A_388 : i32 to index
        %parallel_loop3A_448 = arith.constant 112 : index
        %parallel_loop3A_449 = tpu.vector_load %arg8[%parallel_loop3A_447, %parallel_loop3A_448] {strides = array<i32>} : memref<80x128xf32, #tpu.memory_space<vmem>>, vector<16xf32>,
        tpu.vector_store %arg8[%parallel_loop3A_447, %parallel_loop3A_448], %parallel_loop3A_446 {strides = array<i32>} : memref<80x128xf32, #tpu.memory_space<vmem>>, vector<16xf32>,
      } {sc.loop_unroll_factor = 4 : i64, sc.parallel_access}
      %ge3A = arith.constant 2 : i32
      %ge3A_211 = arith.cmpi sge, %add3A_164, %ge3A : i32
      %convert_element_type3A = arith.extui %ge3A_211 : i1 to i32
      %cond3A = arith.constant 0 : i32
      %cond3A_212 = arith.cmpi ne, %convert_element_type3A, %cond3A : i32
      scf.if %cond3A_212 {
        %dma_wait3A_388 = tpu.memref_slice %arg4[%mul3A_4] : memref<320000xi32, #tpu.memory_space<hbm>> -> memref<80xi32, #tpu.memory_space<hbm>>
        %dma_wait3A_389 = tpu.memref_slice %arg4[%mul3A_4] : memref<320000xi32, #tpu.memory_space<hbm>> -> memref<80xi32, #tpu.memory_space<hbm>>
        tpu.wait_dma2 semaphore(%arg29 : memref<!tpu.dma_semaphore, #tpu.memory_space<semaphore_mem>>) src(%dma_wait3A_389 : memref<80xi32, #tpu.memory_space<hbm>>) dst(%arg14 : memref<80xi32, #tpu.memory_space<vmem>>)
      } else {
      }
      %dma_start3A_213 = arith.constant 0 : i32
      %dma_start3A_214 = arith.constant 0 : i32
      %dma_start3A_215 = tpu.memref_slice %arg36[%dma_start3A_213, %dma_start3A_214] : memref<10240x128xf32, #tpu.memory_space<vmem_shared>> -> memref<10240x128xf32, #tpu.memory_space<vmem_shared>>
      tpu.enqueue_indirect_dma source(%arg8 : memref<80x128xf32, #tpu.memory_space<vmem>>) target(%dma_start3A_215 : memref<10240x128xf32, #tpu.memory_space<vmem_shared>>) offsets(%arg14 : memref<80xi32, #tpu.memory_space<vmem>>) semaphore(%arg23 : memref<!tpu.dma_semaphore, #tpu.memory_space<semaphore_mem>>) {add = true}
      %ge3A_216 = arith.constant 1 : i32
      %ge3A_217 = arith.cmpi sge, %add3A_164, %ge3A_216 : i32
      %convert_element_type3A_218 = arith.extui %ge3A_217 : i1 to i32
      %cond3A_219 = arith.constant 0 : i32
      %cond3A_220 = arith.cmpi ne, %convert_element_type3A_218, %cond3A_219 : i32
      scf.if %cond3A_220 {
        %dma_wait3A_388 = arith.constant 0 : i32
        %dma_wait3A_389 = arith.constant 0 : i32
        %dma_wait3A_390 = tpu.memref_slice %arg36[%dma_wait3A_388, %dma_wait3A_389] : memref<10240x128xf32, #tpu.memory_space<vmem_shared>> -> memref<10240x128xf32, #tpu.memory_space<vmem_shared>>
        tpu.wait_indirect_dma semaphore(%arg25 : memref<!tpu.dma_semaphore, #tpu.memory_space<semaphore_mem>>) src(%arg10 : memref<80x128xf32, #tpu.memory_space<vmem>>) dst(%dma_wait3A_390 : memref<10240x128xf32, #tpu.memory_space<vmem_shared>>)
      } else {
      }
      %add3A_221 = arith.constant 2 : i32
      %add3A_222 = arith.addi %add3A_164, %add3A_221 : i32
      %lt3A = arith.constant 125 : i32
      %lt3A_223 = arith.cmpi slt, %add3A_222, %lt3A : i32
      %convert_element_type3A_224 = arith.extui %lt3A_223 : i1 to i32
      %cond3A_225 = arith.constant 0 : i32
      %cond3A_226 = arith.cmpi ne, %convert_element_type3A_224, %cond3A_225 : i32
      scf.if %cond3A_226 {
        %ge3A_388 = arith.constant 1 : i32
        %ge3A_389 = arith.cmpi sge, %add3A_164, %ge3A_388 : i32
        %convert_element_type3A_390 = arith.extui %ge3A_389 : i1 to i32
        %cond3A_391 = arith.constant 0 : i32
        %cond3A_392 = arith.cmpi ne, %convert_element_type3A_390, %cond3A_391 : i32
        scf.if %cond3A_392 {
          %dma_wait3A_403 = tpu.memref_slice %arg3[%mul3A_4] : memref<320000xi32, #tpu.memory_space<hbm>> -> memref<80xi32, #tpu.memory_space<hbm>>
          %dma_wait3A_404 = tpu.memref_slice %arg3[%mul3A_4] : memref<320000xi32, #tpu.memory_space<hbm>> -> memref<80xi32, #tpu.memory_space<hbm>>
          tpu.wait_dma2 semaphore(%arg28 : memref<!tpu.dma_semaphore, #tpu.memory_space<semaphore_mem>>) src(%dma_wait3A_404 : memref<80xi32, #tpu.memory_space<hbm>>) dst(%arg13 : memref<80xi32, #tpu.memory_space<vmem>>)
          %dma_wait3A_405 = tpu.memref_slice %arg5[%mul3A_4] : memref<320000xf32, #tpu.memory_space<hbm>> -> memref<80xf32, #tpu.memory_space<hbm>>
          %dma_wait3A_406 = tpu.memref_slice %arg5[%mul3A_4] : memref<320000xf32, #tpu.memory_space<hbm>> -> memref<80xf32, #tpu.memory_space<hbm>>
          tpu.wait_dma2 semaphore(%arg34 : memref<!tpu.dma_semaphore, #tpu.memory_space<semaphore_mem>>) src(%dma_wait3A_406 : memref<80xf32, #tpu.memory_space<hbm>>) dst(%arg19 : memref<80xf32, #tpu.memory_space<vmem>>)
        } else {
        }
        %dma_start3A_393 = arith.constant 0 : i32
        %dma_start3A_394 = arith.constant 0 : i32
        %dma_start3A_395 = tpu.memref_slice %arg2[%dma_start3A_393, %dma_start3A_394] : memref<10000x128xf32, #tpu.memory_space<hbm>> -> memref<10000x128xf32, #tpu.memory_space<hbm>>
        tpu.enqueue_indirect_dma source(%dma_start3A_395 : memref<10000x128xf32, #tpu.memory_space<hbm>>) target(%arg10 : memref<80x128xf32, #tpu.memory_space<vmem>>) offsets(%arg13 : memref<80xi32, #tpu.memory_space<vmem>>) semaphore(%arg22 : memref<!tpu.dma_semaphore, #tpu.memory_space<semaphore_mem>>)
        %add3A_396 = arith.constant 2 : i32
        %add3A_397 = arith.addi %add3A_164, %add3A_396 : i32
        %mul3A_398 = arith.constant 80 : i32
        %mul3A_399 = arith.muli %add3A_397, %mul3A_398 : i32
        %add3A_400 = arith.addi %mul3A_4, %mul3A_399 : i32
        %dma_start3A_401 = tpu.memref_slice %arg4[%add3A_400] : memref<320000xi32, #tpu.memory_space<hbm>> -> memref<80xi32, #tpu.memory_space<hbm>>
        %dma_start3A_402 = tpu.memref_slice %arg4[%add3A_400] : memref<320000xi32, #tpu.memory_space<hbm>> -> memref<80xi32, #tpu.memory_space<hbm>>
        tpu.enqueue_dma source(%dma_start3A_402 : memref<80xi32, #tpu.memory_space<hbm>>) target(%arg16 : memref<80xi32, #tpu.memory_space<vmem>>) target_semaphore(%arg31 : memref<!tpu.dma_semaphore, #tpu.memory_space<semaphore_mem>>)
      } else {
      }
      %add3A_227 = arith.constant 3 : i32
      %add3A_228 = arith.addi %add3A_164, %add3A_227 : i32
      %lt3A_229 = arith.constant 125 : i32
      %lt3A_230 = arith.cmpi slt, %add3A_228, %lt3A_229 : i32
      %convert_element_type3A_231 = arith.extui %lt3A_230 : i1 to i32
      %cond3A_232 = arith.constant 0 : i32
      %cond3A_233 = arith.cmpi ne, %convert_element_type3A_231, %cond3A_232 : i32
      scf.if %cond3A_233 {
        %add3A_388 = arith.constant 3 : i32
        %add3A_389 = arith.addi %add3A_164, %add3A_388 : i32
        %mul3A_390 = arith.constant 80 : i32
        %mul3A_391 = arith.muli %add3A_389, %mul3A_390 : i32
        %add3A_392 = arith.addi %mul3A_4, %mul3A_391 : i32
        %dma_start3A_393 = tpu.memref_slice %arg3[%add3A_392] : memref<320000xi32, #tpu.memory_space<hbm>> -> memref<80xi32, #tpu.memory_space<hbm>>
        %dma_start3A_394 = tpu.memref_slice %arg3[%add3A_392] : memref<320000xi32, #tpu.memory_space<hbm>> -> memref<80xi32, #tpu.memory_space<hbm>>
        tpu.enqueue_dma source(%dma_start3A_394 : memref<80xi32, #tpu.memory_space<hbm>>) target(%arg11 : memref<80xi32, #tpu.memory_space<vmem>>) target_semaphore(%arg26 : memref<!tpu.dma_semaphore, #tpu.memory_space<semaphore_mem>>)
        %add3A_395 = arith.constant 3 : i32
        %add3A_396 = arith.addi %add3A_164, %add3A_395 : i32
        %mul3A_397 = arith.constant 80 : i32
        %mul3A_398 = arith.muli %add3A_396, %mul3A_397 : i32
        %add3A_399 = arith.addi %mul3A_4, %mul3A_398 : i32
        %dma_start3A_400 = tpu.memref_slice %arg5[%add3A_399] : memref<320000xf32, #tpu.memory_space<hbm>> -> memref<80xf32, #tpu.memory_space<hbm>>
        %dma_start3A_401 = tpu.memref_slice %arg5[%add3A_399] : memref<320000xf32, #tpu.memory_space<hbm>> -> memref<80xf32, #tpu.memory_space<hbm>>
        tpu.enqueue_dma source(%dma_start3A_401 : memref<80xf32, #tpu.memory_space<hbm>>) target(%arg17 : memref<80xf32, #tpu.memory_space<vmem>>) target_semaphore(%arg32 : memref<!tpu.dma_semaphore, #tpu.memory_space<semaphore_mem>>)
      } else {
      }
      %mul3A_234 = arith.constant 3 : i32
      %mul3A_235 = arith.muli %scan3A_160, %mul3A_234 : i32
      %add3A_236 = arith.constant 1 : i32
      %add3A_237 = arith.addi %mul3A_235, %add3A_236 : i32
      %dma_wait3A_238 = arith.constant 0 : i32
      %dma_wait3A_239 = arith.constant 0 : i32
      %dma_wait3A_240 = tpu.memref_slice %arg2[%dma_wait3A_238, %dma_wait3A_239] : memref<10000x128xf32, #tpu.memory_space<hbm>> -> memref<10000x128xf32, #tpu.memory_space<hbm>>
      tpu.wait_indirect_dma semaphore(%arg21 : memref<!tpu.dma_semaphore, #tpu.memory_space<semaphore_mem>>) src(%dma_wait3A_240 : memref<10000x128xf32, #tpu.memory_space<hbm>>) dst(%arg9 : memref<80x128xf32, #tpu.memory_space<vmem>>)
      %get3A_241 = arith.constant 0 : index
      %get3A_242 = tpu.vector_load %arg12[%get3A_241] {strides = array<i32>} : memref<80xi32, #tpu.memory_space<vmem>>, vector<16xi32>,
      %gather3A_243 = tpu.vector_load_idx %arg35[%get3A_242] : memref<10240xf32, #tpu.memory_space<vmem>>[vector<16xi32>], vector<16xf32>,
      %get3A_244 = arith.constant 0 : index
      %get3A_245 = tpu.vector_load %arg18[%get3A_244] {strides = array<i32>} : memref<80xf32, #tpu.memory_space<vmem>>, vector<16xf32>,
      %mul3A_246 = arith.mulf %get3A_245, %gather3A_243 : vector<16xf32>
      %swap3A_247 = arith.constant 0 : index
      %swap3A_248 = tpu.vector_load %arg18[%swap3A_247] {strides = array<i32>} : memref<80xf32, #tpu.memory_space<vmem>>, vector<16xf32>,
      tpu.vector_store %arg18[%swap3A_247], %mul3A_246 {strides = array<i32>} : memref<80xf32, #tpu.memory_space<vmem>>, vector<16xf32>,
      %get3A_249 = arith.constant 16 : index
      %get3A_250 = tpu.vector_load %arg12[%get3A_249] {strides = array<i32>} : memref<80xi32, #tpu.memory_space<vmem>>, vector<16xi32>,
      %gather3A_251 = tpu.vector_load_idx %arg35[%get3A_250] : memref<10240xf32, #tpu.memory_space<vmem>>[vector<16xi32>], vector<16xf32>,
      %get3A_252 = arith.constant 16 : index
      %get3A_253 = tpu.vector_load %arg18[%get3A_252] {strides = array<i32>} : memref<80xf32, #tpu.memory_space<vmem>>, vector<16xf32>,
      %mul3A_254 = arith.mulf %get3A_253, %gather3A_251 : vector<16xf32>
      %swap3A_255 = arith.constant 16 : index
      %swap3A_256 = tpu.vector_load %arg18[%swap3A_255] {strides = array<i32>} : memref<80xf32, #tpu.memory_space<vmem>>, vector<16xf32>,
      tpu.vector_store %arg18[%swap3A_255], %mul3A_254 {strides = array<i32>} : memref<80xf32, #tpu.memory_space<vmem>>, vector<16xf32>,
      %get3A_257 = arith.constant 32 : index
      %get3A_258 = tpu.vector_load %arg12[%get3A_257] {strides = array<i32>} : memref<80xi32, #tpu.memory_space<vmem>>, vector<16xi32>,
      %gather3A_259 = tpu.vector_load_idx %arg35[%get3A_258] : memref<10240xf32, #tpu.memory_space<vmem>>[vector<16xi32>], vector<16xf32>,
      %get3A_260 = arith.constant 32 : index
      %get3A_261 = tpu.vector_load %arg18[%get3A_260] {strides = array<i32>} : memref<80xf32, #tpu.memory_space<vmem>>, vector<16xf32>,
      %mul3A_262 = arith.mulf %get3A_261, %gather3A_259 : vector<16xf32>
      %swap3A_263 = arith.constant 32 : index
      %swap3A_264 = tpu.vector_load %arg18[%swap3A_263] {strides = array<i32>} : memref<80xf32, #tpu.memory_space<vmem>>, vector<16xf32>,
      tpu.vector_store %arg18[%swap3A_263], %mul3A_262 {strides = array<i32>} : memref<80xf32, #tpu.memory_space<vmem>>, vector<16xf32>,
      %get3A_265 = arith.constant 48 : index
      %get3A_266 = tpu.vector_load %arg12[%get3A_265] {strides = array<i32>} : memref<80xi32, #tpu.memory_space<vmem>>, vector<16xi32>,
      %gather3A_267 = tpu.vector_load_idx %arg35[%get3A_266] : memref<10240xf32, #tpu.memory_space<vmem>>[vector<16xi32>], vector<16xf32>,
      %get3A_268 = arith.constant 48 : index
      %get3A_269 = tpu.vector_load %arg18[%get3A_268] {strides = array<i32>} : memref<80xf32, #tpu.memory_space<vmem>>, vector<16xf32>,
      %mul3A_270 = arith.mulf %get3A_269, %gather3A_267 : vector<16xf32>
      %swap3A_271 = arith.constant 48 : index
      %swap3A_272 = tpu.vector_load %arg18[%swap3A_271] {strides = array<i32>} : memref<80xf32, #tpu.memory_space<vmem>>, vector<16xf32>,
      tpu.vector_store %arg18[%swap3A_271], %mul3A_270 {strides = array<i32>} : memref<80xf32, #tpu.memory_space<vmem>>, vector<16xf32>,
      %get3A_273 = arith.constant 64 : index
      %get3A_274 = tpu.vector_load %arg12[%get3A_273] {strides = array<i32>} : memref<80xi32, #tpu.memory_space<vmem>>, vector<16xi32>,
      %gather3A_275 = tpu.vector_load_idx %arg35[%get3A_274] : memref<10240xf32, #tpu.memory_space<vmem>>[vector<16xi32>], vector<16xf32>,
      %get3A_276 = arith.constant 64 : index
      %get3A_277 = tpu.vector_load %arg18[%get3A_276] {strides = array<i32>} : memref<80xf32, #tpu.memory_space<vmem>>, vector<16xf32>,
      %mul3A_278 = arith.mulf %get3A_277, %gather3A_275 : vector<16xf32>
      %swap3A_279 = arith.constant 64 : index
      %swap3A_280 = tpu.vector_load %arg18[%swap3A_279] {strides = array<i32>} : memref<80xf32, #tpu.memory_space<vmem>>, vector<16xf32>,
      tpu.vector_store %arg18[%swap3A_279], %mul3A_278 {strides = array<i32>} : memref<80xf32, #tpu.memory_space<vmem>>, vector<16xf32>,
      %parallel_loop3A_281 = arith.constant 0 : i32
      %parallel_loop3A_282 = arith.constant 80 : i32
      %parallel_loop3A_283 = arith.constant 1 : i32
      scf.for %parallel_loop3A_388 = %parallel_loop3A_281 to %parallel_loop3A_282 step %parallel_loop3A_283  : i32 {
        %parallel_loop3A_389 = arith.constant 0 : i32
        %parallel_loop3A_390 = vector.broadcast %parallel_loop3A_389 : i32 to vector<16xi32>
        %parallel_loop3A_391 = vector.broadcast %parallel_loop3A_388 : i32 to vector<16xi32>
        %parallel_loop3A_392 = arith.addi %parallel_loop3A_390, %parallel_loop3A_391 : vector<16xi32>
        %parallel_loop3A_393 = tpu.vector_load_idx %arg18[%parallel_loop3A_392] : memref<80xf32, #tpu.memory_space<vmem>>[vector<16xi32>], vector<16xf32>,
        %parallel_loop3A_394 = arith.index_cast %parallel_loop3A_388 : i32 to index
        %parallel_loop3A_395 = arith.constant 0 : index
        %parallel_loop3A_396 = tpu.vector_load %arg9[%parallel_loop3A_394, %parallel_loop3A_395] {strides = array<i32>} : memref<80x128xf32, #tpu.memory_space<vmem>>, vector<16xf32>,
        %parallel_loop3A_397 = arith.mulf %parallel_loop3A_396, %parallel_loop3A_393 : vector<16xf32>
        %parallel_loop3A_398 = arith.index_cast %parallel_loop3A_388 : i32 to index
        %parallel_loop3A_399 = arith.constant 0 : index
        %parallel_loop3A_400 = tpu.vector_load %arg9[%parallel_loop3A_398, %parallel_loop3A_399] {strides = array<i32>} : memref<80x128xf32, #tpu.memory_space<vmem>>, vector<16xf32>,
        tpu.vector_store %arg9[%parallel_loop3A_398, %parallel_loop3A_399], %parallel_loop3A_397 {strides = array<i32>} : memref<80x128xf32, #tpu.memory_space<vmem>>, vector<16xf32>,
        %parallel_loop3A_401 = arith.index_cast %parallel_loop3A_388 : i32 to index
        %parallel_loop3A_402 = arith.constant 16 : index
        %parallel_loop3A_403 = tpu.vector_load %arg9[%parallel_loop3A_401, %parallel_loop3A_402] {strides = array<i32>} : memref<80x128xf32, #tpu.memory_space<vmem>>, vector<16xf32>,
        %parallel_loop3A_404 = arith.mulf %parallel_loop3A_403, %parallel_loop3A_393 : vector<16xf32>
        %parallel_loop3A_405 = arith.index_cast %parallel_loop3A_388 : i32 to index
        %parallel_loop3A_406 = arith.constant 16 : index
        %parallel_loop3A_407 = tpu.vector_load %arg9[%parallel_loop3A_405, %parallel_loop3A_406] {strides = array<i32>} : memref<80x128xf32, #tpu.memory_space<vmem>>, vector<16xf32>,
        tpu.vector_store %arg9[%parallel_loop3A_405, %parallel_loop3A_406], %parallel_loop3A_404 {strides = array<i32>} : memref<80x128xf32, #tpu.memory_space<vmem>>, vector<16xf32>,
        %parallel_loop3A_408 = arith.index_cast %parallel_loop3A_388 : i32 to index
        %parallel_loop3A_409 = arith.constant 32 : index
        %parallel_loop3A_410 = tpu.vector_load %arg9[%parallel_loop3A_408, %parallel_loop3A_409] {strides = array<i32>} : memref<80x128xf32, #tpu.memory_space<vmem>>, vector<16xf32>,
        %parallel_loop3A_411 = arith.mulf %parallel_loop3A_410, %parallel_loop3A_393 : vector<16xf32>
        %parallel_loop3A_412 = arith.index_cast %parallel_loop3A_388 : i32 to index
        %parallel_loop3A_413 = arith.constant 32 : index
        %parallel_loop3A_414 = tpu.vector_load %arg9[%parallel_loop3A_412, %parallel_loop3A_413] {strides = array<i32>} : memref<80x128xf32, #tpu.memory_space<vmem>>, vector<16xf32>,
        tpu.vector_store %arg9[%parallel_loop3A_412, %parallel_loop3A_413], %parallel_loop3A_411 {strides = array<i32>} : memref<80x128xf32, #tpu.memory_space<vmem>>, vector<16xf32>,
        %parallel_loop3A_415 = arith.index_cast %parallel_loop3A_388 : i32 to index
        %parallel_loop3A_416 = arith.constant 48 : index
        %parallel_loop3A_417 = tpu.vector_load %arg9[%parallel_loop3A_415, %parallel_loop3A_416] {strides = array<i32>} : memref<80x128xf32, #tpu.memory_space<vmem>>, vector<16xf32>,
        %parallel_loop3A_418 = arith.mulf %parallel_loop3A_417, %parallel_loop3A_393 : vector<16xf32>
        %parallel_loop3A_419 = arith.index_cast %parallel_loop3A_388 : i32 to index
        %parallel_loop3A_420 = arith.constant 48 : index
        %parallel_loop3A_421 = tpu.vector_load %arg9[%parallel_loop3A_419, %parallel_loop3A_420] {strides = array<i32>} : memref<80x128xf32, #tpu.memory_space<vmem>>, vector<16xf32>,
        tpu.vector_store %arg9[%parallel_loop3A_419, %parallel_loop3A_420], %parallel_loop3A_418 {strides = array<i32>} : memref<80x128xf32, #tpu.memory_space<vmem>>, vector<16xf32>,
        %parallel_loop3A_422 = arith.index_cast %parallel_loop3A_388 : i32 to index
        %parallel_loop3A_423 = arith.constant 64 : index
        %parallel_loop3A_424 = tpu.vector_load %arg9[%parallel_loop3A_422, %parallel_loop3A_423] {strides = array<i32>} : memref<80x128xf32, #tpu.memory_space<vmem>>, vector<16xf32>,
        %parallel_loop3A_425 = arith.mulf %parallel_loop3A_424, %parallel_loop3A_393 : vector<16xf32>
        %parallel_loop3A_426 = arith.index_cast %parallel_loop3A_388 : i32 to index
        %parallel_loop3A_427 = arith.constant 64 : index
        %parallel_loop3A_428 = tpu.vector_load %arg9[%parallel_loop3A_426, %parallel_loop3A_427] {strides = array<i32>} : memref<80x128xf32, #tpu.memory_space<vmem>>, vector<16xf32>,
        tpu.vector_store %arg9[%parallel_loop3A_426, %parallel_loop3A_427], %parallel_loop3A_425 {strides = array<i32>} : memref<80x128xf32, #tpu.memory_space<vmem>>, vector<16xf32>,
        %parallel_loop3A_429 = arith.index_cast %parallel_loop3A_388 : i32 to index
        %parallel_loop3A_430 = arith.constant 80 : index
        %parallel_loop3A_431 = tpu.vector_load %arg9[%parallel_loop3A_429, %parallel_loop3A_430] {strides = array<i32>} : memref<80x128xf32, #tpu.memory_space<vmem>>, vector<16xf32>,
        %parallel_loop3A_432 = arith.mulf %parallel_loop3A_431, %parallel_loop3A_393 : vector<16xf32>
        %parallel_loop3A_433 = arith.index_cast %parallel_loop3A_388 : i32 to index
        %parallel_loop3A_434 = arith.constant 80 : index
        %parallel_loop3A_435 = tpu.vector_load %arg9[%parallel_loop3A_433, %parallel_loop3A_434] {strides = array<i32>} : memref<80x128xf32, #tpu.memory_space<vmem>>, vector<16xf32>,
        tpu.vector_store %arg9[%parallel_loop3A_433, %parallel_loop3A_434], %parallel_loop3A_432 {strides = array<i32>} : memref<80x128xf32, #tpu.memory_space<vmem>>, vector<16xf32>,
        %parallel_loop3A_436 = arith.index_cast %parallel_loop3A_388 : i32 to index
        %parallel_loop3A_437 = arith.constant 96 : index
        %parallel_loop3A_438 = tpu.vector_load %arg9[%parallel_loop3A_436, %parallel_loop3A_437] {strides = array<i32>} : memref<80x128xf32, #tpu.memory_space<vmem>>, vector<16xf32>,
        %parallel_loop3A_439 = arith.mulf %parallel_loop3A_438, %parallel_loop3A_393 : vector<16xf32>
        %parallel_loop3A_440 = arith.index_cast %parallel_loop3A_388 : i32 to index
        %parallel_loop3A_441 = arith.constant 96 : index
        %parallel_loop3A_442 = tpu.vector_load %arg9[%parallel_loop3A_440, %parallel_loop3A_441] {strides = array<i32>} : memref<80x128xf32, #tpu.memory_space<vmem>>, vector<16xf32>,
        tpu.vector_store %arg9[%parallel_loop3A_440, %parallel_loop3A_441], %parallel_loop3A_439 {strides = array<i32>} : memref<80x128xf32, #tpu.memory_space<vmem>>, vector<16xf32>,
        %parallel_loop3A_443 = arith.index_cast %parallel_loop3A_388 : i32 to index
        %parallel_loop3A_444 = arith.constant 112 : index
        %parallel_loop3A_445 = tpu.vector_load %arg9[%parallel_loop3A_443, %parallel_loop3A_444] {strides = array<i32>} : memref<80x128xf32, #tpu.memory_space<vmem>>, vector<16xf32>,
        %parallel_loop3A_446 = arith.mulf %parallel_loop3A_445, %parallel_loop3A_393 : vector<16xf32>
        %parallel_loop3A_447 = arith.index_cast %parallel_loop3A_388 : i32 to index
        %parallel_loop3A_448 = arith.constant 112 : index
        %parallel_loop3A_449 = tpu.vector_load %arg9[%parallel_loop3A_447, %parallel_loop3A_448] {strides = array<i32>} : memref<80x128xf32, #tpu.memory_space<vmem>>, vector<16xf32>,
        tpu.vector_store %arg9[%parallel_loop3A_447, %parallel_loop3A_448], %parallel_loop3A_446 {strides = array<i32>} : memref<80x128xf32, #tpu.memory_space<vmem>>, vector<16xf32>,
      } {sc.loop_unroll_factor = 4 : i64, sc.parallel_access}
      %ge3A_284 = arith.constant 2 : i32
      %ge3A_285 = arith.cmpi sge, %add3A_237, %ge3A_284 : i32
      %convert_element_type3A_286 = arith.extui %ge3A_285 : i1 to i32
      %cond3A_287 = arith.constant 0 : i32
      %cond3A_288 = arith.cmpi ne, %convert_element_type3A_286, %cond3A_287 : i32
      scf.if %cond3A_288 {
        %dma_wait3A_388 = tpu.memref_slice %arg4[%mul3A_4] : memref<320000xi32, #tpu.memory_space<hbm>> -> memref<80xi32, #tpu.memory_space<hbm>>
        %dma_wait3A_389 = tpu.memref_slice %arg4[%mul3A_4] : memref<320000xi32, #tpu.memory_space<hbm>> -> memref<80xi32, #tpu.memory_space<hbm>>
        tpu.wait_dma2 semaphore(%arg30 : memref<!tpu.dma_semaphore, #tpu.memory_space<semaphore_mem>>) src(%dma_wait3A_389 : memref<80xi32, #tpu.memory_space<hbm>>) dst(%arg15 : memref<80xi32, #tpu.memory_space<vmem>>)
      } else {
      }
      %dma_start3A_289 = arith.constant 0 : i32
      %dma_start3A_290 = arith.constant 0 : i32
      %dma_start3A_291 = tpu.memref_slice %arg36[%dma_start3A_289, %dma_start3A_290] : memref<10240x128xf32, #tpu.memory_space<vmem_shared>> -> memref<10240x128xf32, #tpu.memory_space<vmem_shared>>
      tpu.enqueue_indirect_dma source(%arg9 : memref<80x128xf32, #tpu.memory_space<vmem>>) target(%dma_start3A_291 : memref<10240x128xf32, #tpu.memory_space<vmem_shared>>) offsets(%arg15 : memref<80xi32, #tpu.memory_space<vmem>>) semaphore(%arg24 : memref<!tpu.dma_semaphore, #tpu.memory_space<semaphore_mem>>) {add = true}
      %ge3A_292 = arith.constant 1 : i32
      %ge3A_293 = arith.cmpi sge, %add3A_237, %ge3A_292 : i32
      %convert_element_type3A_294 = arith.extui %ge3A_293 : i1 to i32
      %cond3A_295 = arith.constant 0 : i32
      %cond3A_296 = arith.cmpi ne, %convert_element_type3A_294, %cond3A_295 : i32
      scf.if %cond3A_296 {
        %dma_wait3A_388 = arith.constant 0 : i32
        %dma_wait3A_389 = arith.constant 0 : i32
        %dma_wait3A_390 = tpu.memref_slice %arg36[%dma_wait3A_388, %dma_wait3A_389] : memref<10240x128xf32, #tpu.memory_space<vmem_shared>> -> memref<10240x128xf32, #tpu.memory_space<vmem_shared>>
        tpu.wait_indirect_dma semaphore(%arg23 : memref<!tpu.dma_semaphore, #tpu.memory_space<semaphore_mem>>) src(%arg8 : memref<80x128xf32, #tpu.memory_space<vmem>>) dst(%dma_wait3A_390 : memref<10240x128xf32, #tpu.memory_space<vmem_shared>>)
      } else {
      }
      %add3A_297 = arith.constant 2 : i32
      %add3A_298 = arith.addi %add3A_237, %add3A_297 : i32
      %lt3A_299 = arith.constant 125 : i32
      %lt3A_300 = arith.cmpi slt, %add3A_298, %lt3A_299 : i32
      %convert_element_type3A_301 = arith.extui %lt3A_300 : i1 to i32
      %cond3A_302 = arith.constant 0 : i32
      %cond3A_303 = arith.cmpi ne, %convert_element_type3A_301, %cond3A_302 : i32
      scf.if %cond3A_303 {
        %ge3A_388 = arith.constant 1 : i32
        %ge3A_389 = arith.cmpi sge, %add3A_237, %ge3A_388 : i32
        %convert_element_type3A_390 = arith.extui %ge3A_389 : i1 to i32
        %cond3A_391 = arith.constant 0 : i32
        %cond3A_392 = arith.cmpi ne, %convert_element_type3A_390, %cond3A_391 : i32
        scf.if %cond3A_392 {
          %dma_wait3A_403 = tpu.memref_slice %arg3[%mul3A_4] : memref<320000xi32, #tpu.memory_space<hbm>> -> memref<80xi32, #tpu.memory_space<hbm>>
          %dma_wait3A_404 = tpu.memref_slice %arg3[%mul3A_4] : memref<320000xi32, #tpu.memory_space<hbm>> -> memref<80xi32, #tpu.memory_space<hbm>>
          tpu.wait_dma2 semaphore(%arg26 : memref<!tpu.dma_semaphore, #tpu.memory_space<semaphore_mem>>) src(%dma_wait3A_404 : memref<80xi32, #tpu.memory_space<hbm>>) dst(%arg11 : memref<80xi32, #tpu.memory_space<vmem>>)
          %dma_wait3A_405 = tpu.memref_slice %arg5[%mul3A_4] : memref<320000xf32, #tpu.memory_space<hbm>> -> memref<80xf32, #tpu.memory_space<hbm>>
          %dma_wait3A_406 = tpu.memref_slice %arg5[%mul3A_4] : memref<320000xf32, #tpu.memory_space<hbm>> -> memref<80xf32, #tpu.memory_space<hbm>>
          tpu.wait_dma2 semaphore(%arg32 : memref<!tpu.dma_semaphore, #tpu.memory_space<semaphore_mem>>) src(%dma_wait3A_406 : memref<80xf32, #tpu.memory_space<hbm>>) dst(%arg17 : memref<80xf32, #tpu.memory_space<vmem>>)
        } else {
        }
        %dma_start3A_393 = arith.constant 0 : i32
        %dma_start3A_394 = arith.constant 0 : i32
        %dma_start3A_395 = tpu.memref_slice %arg2[%dma_start3A_393, %dma_start3A_394] : memref<10000x128xf32, #tpu.memory_space<hbm>> -> memref<10000x128xf32, #tpu.memory_space<hbm>>
        tpu.enqueue_indirect_dma source(%dma_start3A_395 : memref<10000x128xf32, #tpu.memory_space<hbm>>) target(%arg8 : memref<80x128xf32, #tpu.memory_space<vmem>>) offsets(%arg11 : memref<80xi32, #tpu.memory_space<vmem>>) semaphore(%arg20 : memref<!tpu.dma_semaphore, #tpu.memory_space<semaphore_mem>>)
        %add3A_396 = arith.constant 2 : i32
        %add3A_397 = arith.addi %add3A_237, %add3A_396 : i32
        %mul3A_398 = arith.constant 80 : i32
        %mul3A_399 = arith.muli %add3A_397, %mul3A_398 : i32
        %add3A_400 = arith.addi %mul3A_4, %mul3A_399 : i32
        %dma_start3A_401 = tpu.memref_slice %arg4[%add3A_400] : memref<320000xi32, #tpu.memory_space<hbm>> -> memref<80xi32, #tpu.memory_space<hbm>>
        %dma_start3A_402 = tpu.memref_slice %arg4[%add3A_400] : memref<320000xi32, #tpu.memory_space<hbm>> -> memref<80xi32, #tpu.memory_space<hbm>>
        tpu.enqueue_dma source(%dma_start3A_402 : memref<80xi32, #tpu.memory_space<hbm>>) target(%arg14 : memref<80xi32, #tpu.memory_space<vmem>>) target_semaphore(%arg29 : memref<!tpu.dma_semaphore, #tpu.memory_space<semaphore_mem>>)
      } else {
      }
      %add3A_304 = arith.constant 3 : i32
      %add3A_305 = arith.addi %add3A_237, %add3A_304 : i32
      %lt3A_306 = arith.constant 125 : i32
      %lt3A_307 = arith.cmpi slt, %add3A_305, %lt3A_306 : i32
      %convert_element_type3A_308 = arith.extui %lt3A_307 : i1 to i32
      %cond3A_309 = arith.constant 0 : i32
      %cond3A_310 = arith.cmpi ne, %convert_element_type3A_308, %cond3A_309 : i32
      scf.if %cond3A_310 {
        %add3A_388 = arith.constant 3 : i32
        %add3A_389 = arith.addi %add3A_237, %add3A_388 : i32
        %mul3A_390 = arith.constant 80 : i32
        %mul3A_391 = arith.muli %add3A_389, %mul3A_390 : i32
        %add3A_392 = arith.addi %mul3A_4, %mul3A_391 : i32
        %dma_start3A_393 = tpu.memref_slice %arg3[%add3A_392] : memref<320000xi32, #tpu.memory_space<hbm>> -> memref<80xi32, #tpu.memory_space<hbm>>
        %dma_start3A_394 = tpu.memref_slice %arg3[%add3A_392] : memref<320000xi32, #tpu.memory_space<hbm>> -> memref<80xi32, #tpu.memory_space<hbm>>
        tpu.enqueue_dma source(%dma_start3A_394 : memref<80xi32, #tpu.memory_space<hbm>>) target(%arg12 : memref<80xi32, #tpu.memory_space<vmem>>) target_semaphore(%arg27 : memref<!tpu.dma_semaphore, #tpu.memory_space<semaphore_mem>>)
        %add3A_395 = arith.constant 3 : i32
        %add3A_396 = arith.addi %add3A_237, %add3A_395 : i32
        %mul3A_397 = arith.constant 80 : i32
        %mul3A_398 = arith.muli %add3A_396, %mul3A_397 : i32
        %add3A_399 = arith.addi %mul3A_4, %mul3A_398 : i32
        %dma_start3A_400 = tpu.memref_slice %arg5[%add3A_399] : memref<320000xf32, #tpu.memory_space<hbm>> -> memref<80xf32, #tpu.memory_space<hbm>>
        %dma_start3A_401 = tpu.memref_slice %arg5[%add3A_399] : memref<320000xf32, #tpu.memory_space<hbm>> -> memref<80xf32, #tpu.memory_space<hbm>>
        tpu.enqueue_dma source(%dma_start3A_401 : memref<80xf32, #tpu.memory_space<hbm>>) target(%arg18 : memref<80xf32, #tpu.memory_space<vmem>>) target_semaphore(%arg33 : memref<!tpu.dma_semaphore, #tpu.memory_space<semaphore_mem>>)
      } else {
      }
      %mul3A_311 = arith.constant 3 : i32
      %mul3A_312 = arith.muli %scan3A_160, %mul3A_311 : i32
      %add3A_313 = arith.constant 2 : i32
      %add3A_314 = arith.addi %mul3A_312, %add3A_313 : i32
      %dma_wait3A_315 = arith.constant 0 : i32
      %dma_wait3A_316 = arith.constant 0 : i32
      %dma_wait3A_317 = tpu.memref_slice %arg2[%dma_wait3A_315, %dma_wait3A_316] : memref<10000x128xf32, #tpu.memory_space<hbm>> -> memref<10000x128xf32, #tpu.memory_space<hbm>>
      tpu.wait_indirect_dma semaphore(%arg22 : memref<!tpu.dma_semaphore, #tpu.memory_space<semaphore_mem>>) src(%dma_wait3A_317 : memref<10000x128xf32, #tpu.memory_space<hbm>>) dst(%arg10 : memref<80x128xf32, #tpu.memory_space<vmem>>)
      %get3A_318 = arith.constant 0 : index
      %get3A_319 = tpu.vector_load %arg13[%get3A_318] {strides = array<i32>} : memref<80xi32, #tpu.memory_space<vmem>>, vector<16xi32>,
      %gather3A_320 = tpu.vector_load_idx %arg35[%get3A_319] : memref<10240xf32, #tpu.memory_space<vmem>>[vector<16xi32>], vector<16xf32>,
      %get3A_321 = arith.constant 0 : index
      %get3A_322 = tpu.vector_load %arg19[%get3A_321] {strides = array<i32>} : memref<80xf32, #tpu.memory_space<vmem>>, vector<16xf32>,
      %mul3A_323 = arith.mulf %get3A_322, %gather3A_320 : vector<16xf32>
      %swap3A_324 = arith.constant 0 : index
      %swap3A_325 = tpu.vector_load %arg19[%swap3A_324] {strides = array<i32>} : memref<80xf32, #tpu.memory_space<vmem>>, vector<16xf32>,
      tpu.vector_store %arg19[%swap3A_324], %mul3A_323 {strides = array<i32>} : memref<80xf32, #tpu.memory_space<vmem>>, vector<16xf32>,
      %get3A_326 = arith.constant 16 : index
      %get3A_327 = tpu.vector_load %arg13[%get3A_326] {strides = array<i32>} : memref<80xi32, #tpu.memory_space<vmem>>, vector<16xi32>,
      %gather3A_328 = tpu.vector_load_idx %arg35[%get3A_327] : memref<10240xf32, #tpu.memory_space<vmem>>[vector<16xi32>], vector<16xf32>,
      %get3A_329 = arith.constant 16 : index
      %get3A_330 = tpu.vector_load %arg19[%get3A_329] {strides = array<i32>} : memref<80xf32, #tpu.memory_space<vmem>>, vector<16xf32>,
      %mul3A_331 = arith.mulf %get3A_330, %gather3A_328 : vector<16xf32>
      %swap3A_332 = arith.constant 16 : index
      %swap3A_333 = tpu.vector_load %arg19[%swap3A_332] {strides = array<i32>} : memref<80xf32, #tpu.memory_space<vmem>>, vector<16xf32>,
      tpu.vector_store %arg19[%swap3A_332], %mul3A_331 {strides = array<i32>} : memref<80xf32, #tpu.memory_space<vmem>>, vector<16xf32>,
      %get3A_334 = arith.constant 32 : index
      %get3A_335 = tpu.vector_load %arg13[%get3A_334] {strides = array<i32>} : memref<80xi32, #tpu.memory_space<vmem>>, vector<16xi32>,
      %gather3A_336 = tpu.vector_load_idx %arg35[%get3A_335] : memref<10240xf32, #tpu.memory_space<vmem>>[vector<16xi32>], vector<16xf32>,
      %get3A_337 = arith.constant 32 : index
      %get3A_338 = tpu.vector_load %arg19[%get3A_337] {strides = array<i32>} : memref<80xf32, #tpu.memory_space<vmem>>, vector<16xf32>,
      %mul3A_339 = arith.mulf %get3A_338, %gather3A_336 : vector<16xf32>
      %swap3A_340 = arith.constant 32 : index
      %swap3A_341 = tpu.vector_load %arg19[%swap3A_340] {strides = array<i32>} : memref<80xf32, #tpu.memory_space<vmem>>, vector<16xf32>,
      tpu.vector_store %arg19[%swap3A_340], %mul3A_339 {strides = array<i32>} : memref<80xf32, #tpu.memory_space<vmem>>, vector<16xf32>,
      %get3A_342 = arith.constant 48 : index
      %get3A_343 = tpu.vector_load %arg13[%get3A_342] {strides = array<i32>} : memref<80xi32, #tpu.memory_space<vmem>>, vector<16xi32>,
      %gather3A_344 = tpu.vector_load_idx %arg35[%get3A_343] : memref<10240xf32, #tpu.memory_space<vmem>>[vector<16xi32>], vector<16xf32>,
      %get3A_345 = arith.constant 48 : index
      %get3A_346 = tpu.vector_load %arg19[%get3A_345] {strides = array<i32>} : memref<80xf32, #tpu.memory_space<vmem>>, vector<16xf32>,
      %mul3A_347 = arith.mulf %get3A_346, %gather3A_344 : vector<16xf32>
      %swap3A_348 = arith.constant 48 : index
      %swap3A_349 = tpu.vector_load %arg19[%swap3A_348] {strides = array<i32>} : memref<80xf32, #tpu.memory_space<vmem>>, vector<16xf32>,
      tpu.vector_store %arg19[%swap3A_348], %mul3A_347 {strides = array<i32>} : memref<80xf32, #tpu.memory_space<vmem>>, vector<16xf32>,
      %get3A_350 = arith.constant 64 : index
      %get3A_351 = tpu.vector_load %arg13[%get3A_350] {strides = array<i32>} : memref<80xi32, #tpu.memory_space<vmem>>, vector<16xi32>,
      %gather3A_352 = tpu.vector_load_idx %arg35[%get3A_351] : memref<10240xf32, #tpu.memory_space<vmem>>[vector<16xi32>], vector<16xf32>,
      %get3A_353 = arith.constant 64 : index
      %get3A_354 = tpu.vector_load %arg19[%get3A_353] {strides = array<i32>} : memref<80xf32, #tpu.memory_space<vmem>>, vector<16xf32>,
      %mul3A_355 = arith.mulf %get3A_354, %gather3A_352 : vector<16xf32>
      %swap3A_356 = arith.constant 64 : index
      %swap3A_357 = tpu.vector_load %arg19[%swap3A_356] {strides = array<i32>} : memref<80xf32, #tpu.memory_space<vmem>>, vector<16xf32>,
      tpu.vector_store %arg19[%swap3A_356], %mul3A_355 {strides = array<i32>} : memref<80xf32, #tpu.memory_space<vmem>>, vector<16xf32>,
      %parallel_loop3A_358 = arith.constant 0 : i32
      %parallel_loop3A_359 = arith.constant 80 : i32
      %parallel_loop3A_360 = arith.constant 1 : i32
      scf.for %parallel_loop3A_388 = %parallel_loop3A_358 to %parallel_loop3A_359 step %parallel_loop3A_360  : i32 {
        %parallel_loop3A_389 = arith.constant 0 : i32
        %parallel_loop3A_390 = vector.broadcast %parallel_loop3A_389 : i32 to vector<16xi32>
        %parallel_loop3A_391 = vector.broadcast %parallel_loop3A_388 : i32 to vector<16xi32>
        %parallel_loop3A_392 = arith.addi %parallel_loop3A_390, %parallel_loop3A_391 : vector<16xi32>
        %parallel_loop3A_393 = tpu.vector_load_idx %arg19[%parallel_loop3A_392] : memref<80xf32, #tpu.memory_space<vmem>>[vector<16xi32>], vector<16xf32>,
        %parallel_loop3A_394 = arith.index_cast %parallel_loop3A_388 : i32 to index
        %parallel_loop3A_395 = arith.constant 0 : index
        %parallel_loop3A_396 = tpu.vector_load %arg10[%parallel_loop3A_394, %parallel_loop3A_395] {strides = array<i32>} : memref<80x128xf32, #tpu.memory_space<vmem>>, vector<16xf32>,
        %parallel_loop3A_397 = arith.mulf %parallel_loop3A_396, %parallel_loop3A_393 : vector<16xf32>
        %parallel_loop3A_398 = arith.index_cast %parallel_loop3A_388 : i32 to index
        %parallel_loop3A_399 = arith.constant 0 : index
        %parallel_loop3A_400 = tpu.vector_load %arg10[%parallel_loop3A_398, %parallel_loop3A_399] {strides = array<i32>} : memref<80x128xf32, #tpu.memory_space<vmem>>, vector<16xf32>,
        tpu.vector_store %arg10[%parallel_loop3A_398, %parallel_loop3A_399], %parallel_loop3A_397 {strides = array<i32>} : memref<80x128xf32, #tpu.memory_space<vmem>>, vector<16xf32>,
        %parallel_loop3A_401 = arith.index_cast %parallel_loop3A_388 : i32 to index
        %parallel_loop3A_402 = arith.constant 16 : index
        %parallel_loop3A_403 = tpu.vector_load %arg10[%parallel_loop3A_401, %parallel_loop3A_402] {strides = array<i32>} : memref<80x128xf32, #tpu.memory_space<vmem>>, vector<16xf32>,
        %parallel_loop3A_404 = arith.mulf %parallel_loop3A_403, %parallel_loop3A_393 : vector<16xf32>
        %parallel_loop3A_405 = arith.index_cast %parallel_loop3A_388 : i32 to index
        %parallel_loop3A_406 = arith.constant 16 : index
        %parallel_loop3A_407 = tpu.vector_load %arg10[%parallel_loop3A_405, %parallel_loop3A_406] {strides = array<i32>} : memref<80x128xf32, #tpu.memory_space<vmem>>, vector<16xf32>,
        tpu.vector_store %arg10[%parallel_loop3A_405, %parallel_loop3A_406], %parallel_loop3A_404 {strides = array<i32>} : memref<80x128xf32, #tpu.memory_space<vmem>>, vector<16xf32>,
        %parallel_loop3A_408 = arith.index_cast %parallel_loop3A_388 : i32 to index
        %parallel_loop3A_409 = arith.constant 32 : index
        %parallel_loop3A_410 = tpu.vector_load %arg10[%parallel_loop3A_408, %parallel_loop3A_409] {strides = array<i32>} : memref<80x128xf32, #tpu.memory_space<vmem>>, vector<16xf32>,
        %parallel_loop3A_411 = arith.mulf %parallel_loop3A_410, %parallel_loop3A_393 : vector<16xf32>
        %parallel_loop3A_412 = arith.index_cast %parallel_loop3A_388 : i32 to index
        %parallel_loop3A_413 = arith.constant 32 : index
        %parallel_loop3A_414 = tpu.vector_load %arg10[%parallel_loop3A_412, %parallel_loop3A_413] {strides = array<i32>} : memref<80x128xf32, #tpu.memory_space<vmem>>, vector<16xf32>,
        tpu.vector_store %arg10[%parallel_loop3A_412, %parallel_loop3A_413], %parallel_loop3A_411 {strides = array<i32>} : memref<80x128xf32, #tpu.memory_space<vmem>>, vector<16xf32>,
        %parallel_loop3A_415 = arith.index_cast %parallel_loop3A_388 : i32 to index
        %parallel_loop3A_416 = arith.constant 48 : index
        %parallel_loop3A_417 = tpu.vector_load %arg10[%parallel_loop3A_415, %parallel_loop3A_416] {strides = array<i32>} : memref<80x128xf32, #tpu.memory_space<vmem>>, vector<16xf32>,
        %parallel_loop3A_418 = arith.mulf %parallel_loop3A_417, %parallel_loop3A_393 : vector<16xf32>
        %parallel_loop3A_419 = arith.index_cast %parallel_loop3A_388 : i32 to index
        %parallel_loop3A_420 = arith.constant 48 : index
        %parallel_loop3A_421 = tpu.vector_load %arg10[%parallel_loop3A_419, %parallel_loop3A_420] {strides = array<i32>} : memref<80x128xf32, #tpu.memory_space<vmem>>, vector<16xf32>,
        tpu.vector_store %arg10[%parallel_loop3A_419, %parallel_loop3A_420], %parallel_loop3A_418 {strides = array<i32>} : memref<80x128xf32, #tpu.memory_space<vmem>>, vector<16xf32>,
        %parallel_loop3A_422 = arith.index_cast %parallel_loop3A_388 : i32 to index
        %parallel_loop3A_423 = arith.constant 64 : index
        %parallel_loop3A_424 = tpu.vector_load %arg10[%parallel_loop3A_422, %parallel_loop3A_423] {strides = array<i32>} : memref<80x128xf32, #tpu.memory_space<vmem>>, vector<16xf32>,
        %parallel_loop3A_425 = arith.mulf %parallel_loop3A_424, %parallel_loop3A_393 : vector<16xf32>
        %parallel_loop3A_426 = arith.index_cast %parallel_loop3A_388 : i32 to index
        %parallel_loop3A_427 = arith.constant 64 : index
        %parallel_loop3A_428 = tpu.vector_load %arg10[%parallel_loop3A_426, %parallel_loop3A_427] {strides = array<i32>} : memref<80x128xf32, #tpu.memory_space<vmem>>, vector<16xf32>,
        tpu.vector_store %arg10[%parallel_loop3A_426, %parallel_loop3A_427], %parallel_loop3A_425 {strides = array<i32>} : memref<80x128xf32, #tpu.memory_space<vmem>>, vector<16xf32>,
        %parallel_loop3A_429 = arith.index_cast %parallel_loop3A_388 : i32 to index
        %parallel_loop3A_430 = arith.constant 80 : index
        %parallel_loop3A_431 = tpu.vector_load %arg10[%parallel_loop3A_429, %parallel_loop3A_430] {strides = array<i32>} : memref<80x128xf32, #tpu.memory_space<vmem>>, vector<16xf32>,
        %parallel_loop3A_432 = arith.mulf %parallel_loop3A_431, %parallel_loop3A_393 : vector<16xf32>
        %parallel_loop3A_433 = arith.index_cast %parallel_loop3A_388 : i32 to index
        %parallel_loop3A_434 = arith.constant 80 : index
        %parallel_loop3A_435 = tpu.vector_load %arg10[%parallel_loop3A_433, %parallel_loop3A_434] {strides = array<i32>} : memref<80x128xf32, #tpu.memory_space<vmem>>, vector<16xf32>,
        tpu.vector_store %arg10[%parallel_loop3A_433, %parallel_loop3A_434], %parallel_loop3A_432 {strides = array<i32>} : memref<80x128xf32, #tpu.memory_space<vmem>>, vector<16xf32>,
        %parallel_loop3A_436 = arith.index_cast %parallel_loop3A_388 : i32 to index
        %parallel_loop3A_437 = arith.constant 96 : index
        %parallel_loop3A_438 = tpu.vector_load %arg10[%parallel_loop3A_436, %parallel_loop3A_437] {strides = array<i32>} : memref<80x128xf32, #tpu.memory_space<vmem>>, vector<16xf32>,
        %parallel_loop3A_439 = arith.mulf %parallel_loop3A_438, %parallel_loop3A_393 : vector<16xf32>
        %parallel_loop3A_440 = arith.index_cast %parallel_loop3A_388 : i32 to index
        %parallel_loop3A_441 = arith.constant 96 : index
        %parallel_loop3A_442 = tpu.vector_load %arg10[%parallel_loop3A_440, %parallel_loop3A_441] {strides = array<i32>} : memref<80x128xf32, #tpu.memory_space<vmem>>, vector<16xf32>,
        tpu.vector_store %arg10[%parallel_loop3A_440, %parallel_loop3A_441], %parallel_loop3A_439 {strides = array<i32>} : memref<80x128xf32, #tpu.memory_space<vmem>>, vector<16xf32>,
        %parallel_loop3A_443 = arith.index_cast %parallel_loop3A_388 : i32 to index
        %parallel_loop3A_444 = arith.constant 112 : index
        %parallel_loop3A_445 = tpu.vector_load %arg10[%parallel_loop3A_443, %parallel_loop3A_444] {strides = array<i32>} : memref<80x128xf32, #tpu.memory_space<vmem>>, vector<16xf32>,
        %parallel_loop3A_446 = arith.mulf %parallel_loop3A_445, %parallel_loop3A_393 : vector<16xf32>
        %parallel_loop3A_447 = arith.index_cast %parallel_loop3A_388 : i32 to index
        %parallel_loop3A_448 = arith.constant 112 : index
        %parallel_loop3A_449 = tpu.vector_load %arg10[%parallel_loop3A_447, %parallel_loop3A_448] {strides = array<i32>} : memref<80x128xf32, #tpu.memory_space<vmem>>, vector<16xf32>,
        tpu.vector_store %arg10[%parallel_loop3A_447, %parallel_loop3A_448], %parallel_loop3A_446 {strides = array<i32>} : memref<80x128xf32, #tpu.memory_space<vmem>>, vector<16xf32>,
      } {sc.loop_unroll_factor = 4 : i64, sc.parallel_access}
      %ge3A_361 = arith.constant 2 : i32
      %ge3A_362 = arith.cmpi sge, %add3A_314, %ge3A_361 : i32
      %convert_element_type3A_363 = arith.extui %ge3A_362 : i1 to i32
      %cond3A_364 = arith.constant 0 : i32
      %cond3A_365 = arith.cmpi ne, %convert_element_type3A_363, %cond3A_364 : i32
      scf.if %cond3A_365 {
        %dma_wait3A_388 = tpu.memref_slice %arg4[%mul3A_4] : memref<320000xi32, #tpu.memory_space<hbm>> -> memref<80xi32, #tpu.memory_space<hbm>>
        %dma_wait3A_389 = tpu.memref_slice %arg4[%mul3A_4] : memref<320000xi32, #tpu.memory_space<hbm>> -> memref<80xi32, #tpu.memory_space<hbm>>
        tpu.wait_dma2 semaphore(%arg31 : memref<!tpu.dma_semaphore, #tpu.memory_space<semaphore_mem>>) src(%dma_wait3A_389 : memref<80xi32, #tpu.memory_space<hbm>>) dst(%arg16 : memref<80xi32, #tpu.memory_space<vmem>>)
      } else {
      }
      %dma_start3A_366 = arith.constant 0 : i32
      %dma_start3A_367 = arith.constant 0 : i32
      %dma_start3A_368 = tpu.memref_slice %arg36[%dma_start3A_366, %dma_start3A_367] : memref<10240x128xf32, #tpu.memory_space<vmem_shared>> -> memref<10240x128xf32, #tpu.memory_space<vmem_shared>>
      tpu.enqueue_indirect_dma source(%arg10 : memref<80x128xf32, #tpu.memory_space<vmem>>) target(%dma_start3A_368 : memref<10240x128xf32, #tpu.memory_space<vmem_shared>>) offsets(%arg16 : memref<80xi32, #tpu.memory_space<vmem>>) semaphore(%arg25 : memref<!tpu.dma_semaphore, #tpu.memory_space<semaphore_mem>>) {add = true}
      %ge3A_369 = arith.constant 1 : i32
      %ge3A_370 = arith.cmpi sge, %add3A_314, %ge3A_369 : i32
      %convert_element_type3A_371 = arith.extui %ge3A_370 : i1 to i32
      %cond3A_372 = arith.constant 0 : i32
      %cond3A_373 = arith.cmpi ne, %convert_element_type3A_371, %cond3A_372 : i32
      scf.if %cond3A_373 {
        %dma_wait3A_388 = arith.constant 0 : i32
        %dma_wait3A_389 = arith.constant 0 : i32
        %dma_wait3A_390 = tpu.memref_slice %arg36[%dma_wait3A_388, %dma_wait3A_389] : memref<10240x128xf32, #tpu.memory_space<vmem_shared>> -> memref<10240x128xf32, #tpu.memory_space<vmem_shared>>
        tpu.wait_indirect_dma semaphore(%arg24 : memref<!tpu.dma_semaphore, #tpu.memory_space<semaphore_mem>>) src(%arg9 : memref<80x128xf32, #tpu.memory_space<vmem>>) dst(%dma_wait3A_390 : memref<10240x128xf32, #tpu.memory_space<vmem_shared>>)
      } else {
      }
      %add3A_374 = arith.constant 2 : i32
      %add3A_375 = arith.addi %add3A_314, %add3A_374 : i32
      %lt3A_376 = arith.constant 125 : i32
      %lt3A_377 = arith.cmpi slt, %add3A_375, %lt3A_376 : i32
      %convert_element_type3A_378 = arith.extui %lt3A_377 : i1 to i32
      %cond3A_379 = arith.constant 0 : i32
      %cond3A_380 = arith.cmpi ne, %convert_element_type3A_378, %cond3A_379 : i32
      scf.if %cond3A_380 {
        %ge3A_388 = arith.constant 1 : i32
        %ge3A_389 = arith.cmpi sge, %add3A_314, %ge3A_388 : i32
        %convert_element_type3A_390 = arith.extui %ge3A_389 : i1 to i32
        %cond3A_391 = arith.constant 0 : i32
        %cond3A_392 = arith.cmpi ne, %convert_element_type3A_390, %cond3A_391 : i32
        scf.if %cond3A_392 {
          %dma_wait3A_403 = tpu.memref_slice %arg3[%mul3A_4] : memref<320000xi32, #tpu.memory_space<hbm>> -> memref<80xi32, #tpu.memory_space<hbm>>
          %dma_wait3A_404 = tpu.memref_slice %arg3[%mul3A_4] : memref<320000xi32, #tpu.memory_space<hbm>> -> memref<80xi32, #tpu.memory_space<hbm>>
          tpu.wait_dma2 semaphore(%arg27 : memref<!tpu.dma_semaphore, #tpu.memory_space<semaphore_mem>>) src(%dma_wait3A_404 : memref<80xi32, #tpu.memory_space<hbm>>) dst(%arg12 : memref<80xi32, #tpu.memory_space<vmem>>)
          %dma_wait3A_405 = tpu.memref_slice %arg5[%mul3A_4] : memref<320000xf32, #tpu.memory_space<hbm>> -> memref<80xf32, #tpu.memory_space<hbm>>
          %dma_wait3A_406 = tpu.memref_slice %arg5[%mul3A_4] : memref<320000xf32, #tpu.memory_space<hbm>> -> memref<80xf32, #tpu.memory_space<hbm>>
          tpu.wait_dma2 semaphore(%arg33 : memref<!tpu.dma_semaphore, #tpu.memory_space<semaphore_mem>>) src(%dma_wait3A_406 : memref<80xf32, #tpu.memory_space<hbm>>) dst(%arg18 : memref<80xf32, #tpu.memory_space<vmem>>)
        } else {
        }
        %dma_start3A_393 = arith.constant 0 : i32
        %dma_start3A_394 = arith.constant 0 : i32
        %dma_start3A_395 = tpu.memref_slice %arg2[%dma_start3A_393, %dma_start3A_394] : memref<10000x128xf32, #tpu.memory_space<hbm>> -> memref<10000x128xf32, #tpu.memory_space<hbm>>
        tpu.enqueue_indirect_dma source(%dma_start3A_395 : memref<10000x128xf32, #tpu.memory_space<hbm>>) target(%arg9 : memref<80x128xf32, #tpu.memory_space<vmem>>) offsets(%arg12 : memref<80xi32, #tpu.memory_space<vmem>>) semaphore(%arg21 : memref<!tpu.dma_semaphore, #tpu.memory_space<semaphore_mem>>)
        %add3A_396 = arith.constant 2 : i32
        %add3A_397 = arith.addi %add3A_314, %add3A_396 : i32
        %mul3A_398 = arith.constant 80 : i32
        %mul3A_399 = arith.muli %add3A_397, %mul3A_398 : i32
        %add3A_400 = arith.addi %mul3A_4, %mul3A_399 : i32
        %dma_start3A_401 = tpu.memref_slice %arg4[%add3A_400] : memref<320000xi32, #tpu.memory_space<hbm>> -> memref<80xi32, #tpu.memory_space<hbm>>
        %dma_start3A_402 = tpu.memref_slice %arg4[%add3A_400] : memref<320000xi32, #tpu.memory_space<hbm>> -> memref<80xi32, #tpu.memory_space<hbm>>
        tpu.enqueue_dma source(%dma_start3A_402 : memref<80xi32, #tpu.memory_space<hbm>>) target(%arg15 : memref<80xi32, #tpu.memory_space<vmem>>) target_semaphore(%arg30 : memref<!tpu.dma_semaphore, #tpu.memory_space<semaphore_mem>>)
      } else {
      }
      %add3A_381 = arith.constant 3 : i32
      %add3A_382 = arith.addi %add3A_314, %add3A_381 : i32
      %lt3A_383 = arith.constant 125 : i32
      %lt3A_384 = arith.cmpi slt, %add3A_382, %lt3A_383 : i32
      %convert_element_type3A_385 = arith.extui %lt3A_384 : i1 to i32
      %cond3A_386 = arith.constant 0 : i32
      %cond3A_387 = arith.cmpi ne, %convert_element_type3A_385, %cond3A_386 : i32
      scf.if %cond3A_387 {
        %add3A_388 = arith.constant 3 : i32
        %add3A_389 = arith.addi %add3A_314, %add3A_388 : i32
        %mul3A_390 = arith.constant 80 : i32
        %mul3A_391 = arith.muli %add3A_389, %mul3A_390 : i32
        %add3A_392 = arith.addi %mul3A_4, %mul3A_391 : i32
        %dma_start3A_393 = tpu.memref_slice %arg3[%add3A_392] : memref<320000xi32, #tpu.memory_space<hbm>> -> memref<80xi32, #tpu.memory_space<hbm>>
        %dma_start3A_394 = tpu.memref_slice %arg3[%add3A_392] : memref<320000xi32, #tpu.memory_space<hbm>> -> memref<80xi32, #tpu.memory_space<hbm>>
        tpu.enqueue_dma source(%dma_start3A_394 : memref<80xi32, #tpu.memory_space<hbm>>) target(%arg13 : memref<80xi32, #tpu.memory_space<vmem>>) target_semaphore(%arg28 : memref<!tpu.dma_semaphore, #tpu.memory_space<semaphore_mem>>)
        %add3A_395 = arith.constant 3 : i32
        %add3A_396 = arith.addi %add3A_314, %add3A_395 : i32
        %mul3A_397 = arith.constant 80 : i32
        %mul3A_398 = arith.muli %add3A_396, %mul3A_397 : i32
        %add3A_399 = arith.addi %mul3A_4, %mul3A_398 : i32
        %dma_start3A_400 = tpu.memref_slice %arg5[%add3A_399] : memref<320000xf32, #tpu.memory_space<hbm>> -> memref<80xf32, #tpu.memory_space<hbm>>
        %dma_start3A_401 = tpu.memref_slice %arg5[%add3A_399] : memref<320000xf32, #tpu.memory_space<hbm>> -> memref<80xf32, #tpu.memory_space<hbm>>
        tpu.enqueue_dma source(%dma_start3A_401 : memref<80xf32, #tpu.memory_space<hbm>>) target(%arg19 : memref<80xf32, #tpu.memory_space<vmem>>) target_semaphore(%arg34 : memref<!tpu.dma_semaphore, #tpu.memory_space<semaphore_mem>>)
      } else {
      }
    }
    %scan3A_52 = arith.constant 41 : i32
    %dma_wait3A = arith.constant 0 : i32
    %dma_wait3A_53 = arith.constant 0 : i32
    %dma_wait3A_54 = tpu.memref_slice %arg2[%dma_wait3A, %dma_wait3A_53] : memref<10000x128xf32, #tpu.memory_space<hbm>> -> memref<10000x128xf32, #tpu.memory_space<hbm>>
    tpu.wait_indirect_dma semaphore(%arg20 : memref<!tpu.dma_semaphore, #tpu.memory_space<semaphore_mem>>) src(%dma_wait3A_54 : memref<10000x128xf32, #tpu.memory_space<hbm>>) dst(%arg8 : memref<80x128xf32, #tpu.memory_space<vmem>>)
    %get3A = arith.constant 0 : index
    %get3A_55 = tpu.vector_load %arg11[%get3A] {strides = array<i32>} : memref<80xi32, #tpu.memory_space<vmem>>, vector<16xi32>,
    %gather3A = tpu.vector_load_idx %arg35[%get3A_55] : memref<10240xf32, #tpu.memory_space<vmem>>[vector<16xi32>], vector<16xf32>,
    %get3A_56 = arith.constant 0 : index
    %get3A_57 = tpu.vector_load %arg17[%get3A_56] {strides = array<i32>} : memref<80xf32, #tpu.memory_space<vmem>>, vector<16xf32>,
    %mul3A_58 = arith.mulf %get3A_57, %gather3A : vector<16xf32>
    %swap3A = arith.constant 0 : index
    %swap3A_59 = tpu.vector_load %arg17[%swap3A] {strides = array<i32>} : memref<80xf32, #tpu.memory_space<vmem>>, vector<16xf32>,
    tpu.vector_store %arg17[%swap3A], %mul3A_58 {strides = array<i32>} : memref<80xf32, #tpu.memory_space<vmem>>, vector<16xf32>,
    %get3A_60 = arith.constant 16 : index
    %get3A_61 = tpu.vector_load %arg11[%get3A_60] {strides = array<i32>} : memref<80xi32, #tpu.memory_space<vmem>>, vector<16xi32>,
    %gather3A_62 = tpu.vector_load_idx %arg35[%get3A_61] : memref<10240xf32, #tpu.memory_space<vmem>>[vector<16xi32>], vector<16xf32>,
    %get3A_63 = arith.constant 16 : index
    %get3A_64 = tpu.vector_load %arg17[%get3A_63] {strides = array<i32>} : memref<80xf32, #tpu.memory_space<vmem>>, vector<16xf32>,
    %mul3A_65 = arith.mulf %get3A_64, %gather3A_62 : vector<16xf32>
    %swap3A_66 = arith.constant 16 : index
    %swap3A_67 = tpu.vector_load %arg17[%swap3A_66] {strides = array<i32>} : memref<80xf32, #tpu.memory_space<vmem>>, vector<16xf32>,
    tpu.vector_store %arg17[%swap3A_66], %mul3A_65 {strides = array<i32>} : memref<80xf32, #tpu.memory_space<vmem>>, vector<16xf32>,
    %get3A_68 = arith.constant 32 : index
    %get3A_69 = tpu.vector_load %arg11[%get3A_68] {strides = array<i32>} : memref<80xi32, #tpu.memory_space<vmem>>, vector<16xi32>,
    %gather3A_70 = tpu.vector_load_idx %arg35[%get3A_69] : memref<10240xf32, #tpu.memory_space<vmem>>[vector<16xi32>], vector<16xf32>,
    %get3A_71 = arith.constant 32 : index
    %get3A_72 = tpu.vector_load %arg17[%get3A_71] {strides = array<i32>} : memref<80xf32, #tpu.memory_space<vmem>>, vector<16xf32>,
    %mul3A_73 = arith.mulf %get3A_72, %gather3A_70 : vector<16xf32>
    %swap3A_74 = arith.constant 32 : index
    %swap3A_75 = tpu.vector_load %arg17[%swap3A_74] {strides = array<i32>} : memref<80xf32, #tpu.memory_space<vmem>>, vector<16xf32>,
    tpu.vector_store %arg17[%swap3A_74], %mul3A_73 {strides = array<i32>} : memref<80xf32, #tpu.memory_space<vmem>>, vector<16xf32>,
    %get3A_76 = arith.constant 48 : index
    %get3A_77 = tpu.vector_load %arg11[%get3A_76] {strides = array<i32>} : memref<80xi32, #tpu.memory_space<vmem>>, vector<16xi32>,
    %gather3A_78 = tpu.vector_load_idx %arg35[%get3A_77] : memref<10240xf32, #tpu.memory_space<vmem>>[vector<16xi32>], vector<16xf32>,
    %get3A_79 = arith.constant 48 : index
    %get3A_80 = tpu.vector_load %arg17[%get3A_79] {strides = array<i32>} : memref<80xf32, #tpu.memory_space<vmem>>, vector<16xf32>,
    %mul3A_81 = arith.mulf %get3A_80, %gather3A_78 : vector<16xf32>
    %swap3A_82 = arith.constant 48 : index
    %swap3A_83 = tpu.vector_load %arg17[%swap3A_82] {strides = array<i32>} : memref<80xf32, #tpu.memory_space<vmem>>, vector<16xf32>,
    tpu.vector_store %arg17[%swap3A_82], %mul3A_81 {strides = array<i32>} : memref<80xf32, #tpu.memory_space<vmem>>, vector<16xf32>,
    %get3A_84 = arith.constant 64 : index
    %get3A_85 = tpu.vector_load %arg11[%get3A_84] {strides = array<i32>} : memref<80xi32, #tpu.memory_space<vmem>>, vector<16xi32>,
    %gather3A_86 = tpu.vector_load_idx %arg35[%get3A_85] : memref<10240xf32, #tpu.memory_space<vmem>>[vector<16xi32>], vector<16xf32>,
    %get3A_87 = arith.constant 64 : index
    %get3A_88 = tpu.vector_load %arg17[%get3A_87] {strides = array<i32>} : memref<80xf32, #tpu.memory_space<vmem>>, vector<16xf32>,
    %mul3A_89 = arith.mulf %get3A_88, %gather3A_86 : vector<16xf32>
    %swap3A_90 = arith.constant 64 : index
    %swap3A_91 = tpu.vector_load %arg17[%swap3A_90] {strides = array<i32>} : memref<80xf32, #tpu.memory_space<vmem>>, vector<16xf32>,
    tpu.vector_store %arg17[%swap3A_90], %mul3A_89 {strides = array<i32>} : memref<80xf32, #tpu.memory_space<vmem>>, vector<16xf32>,
    %parallel_loop3A = arith.constant 0 : i32
    %parallel_loop3A_92 = arith.constant 80 : i32
    %parallel_loop3A_93 = arith.constant 1 : i32
    scf.for %parallel_loop3A_160 = %parallel_loop3A to %parallel_loop3A_92 step %parallel_loop3A_93  : i32 {
      %parallel_loop3A_161 = arith.constant 0 : i32
      %parallel_loop3A_162 = vector.broadcast %parallel_loop3A_161 : i32 to vector<16xi32>
      %parallel_loop3A_163 = vector.broadcast %parallel_loop3A_160 : i32 to vector<16xi32>
      %parallel_loop3A_164 = arith.addi %parallel_loop3A_162, %parallel_loop3A_163 : vector<16xi32>
      %parallel_loop3A_165 = tpu.vector_load_idx %arg17[%parallel_loop3A_164] : memref<80xf32, #tpu.memory_space<vmem>>[vector<16xi32>], vector<16xf32>,
      %parallel_loop3A_166 = arith.index_cast %parallel_loop3A_160 : i32 to index
      %parallel_loop3A_167 = arith.constant 0 : index
      %parallel_loop3A_168 = tpu.vector_load %arg8[%parallel_loop3A_166, %parallel_loop3A_167] {strides = array<i32>} : memref<80x128xf32, #tpu.memory_space<vmem>>, vector<16xf32>,
      %parallel_loop3A_169 = arith.mulf %parallel_loop3A_168, %parallel_loop3A_165 : vector<16xf32>
      %parallel_loop3A_170 = arith.index_cast %parallel_loop3A_160 : i32 to index
      %parallel_loop3A_171 = arith.constant 0 : index
      %parallel_loop3A_172 = tpu.vector_load %arg8[%parallel_loop3A_170, %parallel_loop3A_171] {strides = array<i32>} : memref<80x128xf32, #tpu.memory_space<vmem>>, vector<16xf32>,
      tpu.vector_store %arg8[%parallel_loop3A_170, %parallel_loop3A_171], %parallel_loop3A_169 {strides = array<i32>} : memref<80x128xf32, #tpu.memory_space<vmem>>, vector<16xf32>,
      %parallel_loop3A_173 = arith.index_cast %parallel_loop3A_160 : i32 to index
      %parallel_loop3A_174 = arith.constant 16 : index
      %parallel_loop3A_175 = tpu.vector_load %arg8[%parallel_loop3A_173, %parallel_loop3A_174] {strides = array<i32>} : memref<80x128xf32, #tpu.memory_space<vmem>>, vector<16xf32>,
      %parallel_loop3A_176 = arith.mulf %parallel_loop3A_175, %parallel_loop3A_165 : vector<16xf32>
      %parallel_loop3A_177 = arith.index_cast %parallel_loop3A_160 : i32 to index
      %parallel_loop3A_178 = arith.constant 16 : index
      %parallel_loop3A_179 = tpu.vector_load %arg8[%parallel_loop3A_177, %parallel_loop3A_178] {strides = array<i32>} : memref<80x128xf32, #tpu.memory_space<vmem>>, vector<16xf32>,
      tpu.vector_store %arg8[%parallel_loop3A_177, %parallel_loop3A_178], %parallel_loop3A_176 {strides = array<i32>} : memref<80x128xf32, #tpu.memory_space<vmem>>, vector<16xf32>,
      %parallel_loop3A_180 = arith.index_cast %parallel_loop3A_160 : i32 to index
      %parallel_loop3A_181 = arith.constant 32 : index
      %parallel_loop3A_182 = tpu.vector_load %arg8[%parallel_loop3A_180, %parallel_loop3A_181] {strides = array<i32>} : memref<80x128xf32, #tpu.memory_space<vmem>>, vector<16xf32>,
      %parallel_loop3A_183 = arith.mulf %parallel_loop3A_182, %parallel_loop3A_165 : vector<16xf32>
      %parallel_loop3A_184 = arith.index_cast %parallel_loop3A_160 : i32 to index
      %parallel_loop3A_185 = arith.constant 32 : index
      %parallel_loop3A_186 = tpu.vector_load %arg8[%parallel_loop3A_184, %parallel_loop3A_185] {strides = array<i32>} : memref<80x128xf32, #tpu.memory_space<vmem>>, vector<16xf32>,
      tpu.vector_store %arg8[%parallel_loop3A_184, %parallel_loop3A_185], %parallel_loop3A_183 {strides = array<i32>} : memref<80x128xf32, #tpu.memory_space<vmem>>, vector<16xf32>,
      %parallel_loop3A_187 = arith.index_cast %parallel_loop3A_160 : i32 to index
      %parallel_loop3A_188 = arith.constant 48 : index
      %parallel_loop3A_189 = tpu.vector_load %arg8[%parallel_loop3A_187, %parallel_loop3A_188] {strides = array<i32>} : memref<80x128xf32, #tpu.memory_space<vmem>>, vector<16xf32>,
      %parallel_loop3A_190 = arith.mulf %parallel_loop3A_189, %parallel_loop3A_165 : vector<16xf32>
      %parallel_loop3A_191 = arith.index_cast %parallel_loop3A_160 : i32 to index
      %parallel_loop3A_192 = arith.constant 48 : index
      %parallel_loop3A_193 = tpu.vector_load %arg8[%parallel_loop3A_191, %parallel_loop3A_192] {strides = array<i32>} : memref<80x128xf32, #tpu.memory_space<vmem>>, vector<16xf32>,
      tpu.vector_store %arg8[%parallel_loop3A_191, %parallel_loop3A_192], %parallel_loop3A_190 {strides = array<i32>} : memref<80x128xf32, #tpu.memory_space<vmem>>, vector<16xf32>,
      %parallel_loop3A_194 = arith.index_cast %parallel_loop3A_160 : i32 to index
      %parallel_loop3A_195 = arith.constant 64 : index
      %parallel_loop3A_196 = tpu.vector_load %arg8[%parallel_loop3A_194, %parallel_loop3A_195] {strides = array<i32>} : memref<80x128xf32, #tpu.memory_space<vmem>>, vector<16xf32>,
      %parallel_loop3A_197 = arith.mulf %parallel_loop3A_196, %parallel_loop3A_165 : vector<16xf32>
      %parallel_loop3A_198 = arith.index_cast %parallel_loop3A_160 : i32 to index
      %parallel_loop3A_199 = arith.constant 64 : index
      %parallel_loop3A_200 = tpu.vector_load %arg8[%parallel_loop3A_198, %parallel_loop3A_199] {strides = array<i32>} : memref<80x128xf32, #tpu.memory_space<vmem>>, vector<16xf32>,
      tpu.vector_store %arg8[%parallel_loop3A_198, %parallel_loop3A_199], %parallel_loop3A_197 {strides = array<i32>} : memref<80x128xf32, #tpu.memory_space<vmem>>, vector<16xf32>,
      %parallel_loop3A_201 = arith.index_cast %parallel_loop3A_160 : i32 to index
      %parallel_loop3A_202 = arith.constant 80 : index
      %parallel_loop3A_203 = tpu.vector_load %arg8[%parallel_loop3A_201, %parallel_loop3A_202] {strides = array<i32>} : memref<80x128xf32, #tpu.memory_space<vmem>>, vector<16xf32>,
      %parallel_loop3A_204 = arith.mulf %parallel_loop3A_203, %parallel_loop3A_165 : vector<16xf32>
      %parallel_loop3A_205 = arith.index_cast %parallel_loop3A_160 : i32 to index
      %parallel_loop3A_206 = arith.constant 80 : index
      %parallel_loop3A_207 = tpu.vector_load %arg8[%parallel_loop3A_205, %parallel_loop3A_206] {strides = array<i32>} : memref<80x128xf32, #tpu.memory_space<vmem>>, vector<16xf32>,
      tpu.vector_store %arg8[%parallel_loop3A_205, %parallel_loop3A_206], %parallel_loop3A_204 {strides = array<i32>} : memref<80x128xf32, #tpu.memory_space<vmem>>, vector<16xf32>,
      %parallel_loop3A_208 = arith.index_cast %parallel_loop3A_160 : i32 to index
      %parallel_loop3A_209 = arith.constant 96 : index
      %parallel_loop3A_210 = tpu.vector_load %arg8[%parallel_loop3A_208, %parallel_loop3A_209] {strides = array<i32>} : memref<80x128xf32, #tpu.memory_space<vmem>>, vector<16xf32>,
      %parallel_loop3A_211 = arith.mulf %parallel_loop3A_210, %parallel_loop3A_165 : vector<16xf32>
      %parallel_loop3A_212 = arith.index_cast %parallel_loop3A_160 : i32 to index
      %parallel_loop3A_213 = arith.constant 96 : index
      %parallel_loop3A_214 = tpu.vector_load %arg8[%parallel_loop3A_212, %parallel_loop3A_213] {strides = array<i32>} : memref<80x128xf32, #tpu.memory_space<vmem>>, vector<16xf32>,
      tpu.vector_store %arg8[%parallel_loop3A_212, %parallel_loop3A_213], %parallel_loop3A_211 {strides = array<i32>} : memref<80x128xf32, #tpu.memory_space<vmem>>, vector<16xf32>,
      %parallel_loop3A_215 = arith.index_cast %parallel_loop3A_160 : i32 to index
      %parallel_loop3A_216 = arith.constant 112 : index
      %parallel_loop3A_217 = tpu.vector_load %arg8[%parallel_loop3A_215, %parallel_loop3A_216] {strides = array<i32>} : memref<80x128xf32, #tpu.memory_space<vmem>>, vector<16xf32>,
      %parallel_loop3A_218 = arith.mulf %parallel_loop3A_217, %parallel_loop3A_165 : vector<16xf32>
      %parallel_loop3A_219 = arith.index_cast %parallel_loop3A_160 : i32 to index
      %parallel_loop3A_220 = arith.constant 112 : index
      %parallel_loop3A_221 = tpu.vector_load %arg8[%parallel_loop3A_219, %parallel_loop3A_220] {strides = array<i32>} : memref<80x128xf32, #tpu.memory_space<vmem>>, vector<16xf32>,
      tpu.vector_store %arg8[%parallel_loop3A_219, %parallel_loop3A_220], %parallel_loop3A_218 {strides = array<i32>} : memref<80x128xf32, #tpu.memory_space<vmem>>, vector<16xf32>,
    } {sc.loop_unroll_factor = 4 : i64, sc.parallel_access}
    %dma_wait3A_94 = tpu.memref_slice %arg4[%mul3A_4] : memref<320000xi32, #tpu.memory_space<hbm>> -> memref<80xi32, #tpu.memory_space<hbm>>
    %dma_wait3A_95 = tpu.memref_slice %arg4[%mul3A_4] : memref<320000xi32, #tpu.memory_space<hbm>> -> memref<80xi32, #tpu.memory_space<hbm>>
    tpu.wait_dma2 semaphore(%arg29 : memref<!tpu.dma_semaphore, #tpu.memory_space<semaphore_mem>>) src(%dma_wait3A_95 : memref<80xi32, #tpu.memory_space<hbm>>) dst(%arg14 : memref<80xi32, #tpu.memory_space<vmem>>)
    %dma_start3A_96 = arith.constant 0 : i32
    %dma_start3A_97 = arith.constant 0 : i32
    %dma_start3A_98 = tpu.memref_slice %arg36[%dma_start3A_96, %dma_start3A_97] : memref<10240x128xf32, #tpu.memory_space<vmem_shared>> -> memref<10240x128xf32, #tpu.memory_space<vmem_shared>>
    tpu.enqueue_indirect_dma source(%arg8 : memref<80x128xf32, #tpu.memory_space<vmem>>) target(%dma_start3A_98 : memref<10240x128xf32, #tpu.memory_space<vmem_shared>>) offsets(%arg14 : memref<80xi32, #tpu.memory_space<vmem>>) semaphore(%arg23 : memref<!tpu.dma_semaphore, #tpu.memory_space<semaphore_mem>>) {add = true}
    %dma_wait3A_99 = arith.constant 0 : i32
    %dma_wait3A_100 = arith.constant 0 : i32
    %dma_wait3A_101 = tpu.memref_slice %arg36[%dma_wait3A_99, %dma_wait3A_100] : memref<10240x128xf32, #tpu.memory_space<vmem_shared>> -> memref<10240x128xf32, #tpu.memory_space<vmem_shared>>
    tpu.wait_indirect_dma semaphore(%arg25 : memref<!tpu.dma_semaphore, #tpu.memory_space<semaphore_mem>>) src(%arg10 : memref<80x128xf32, #tpu.memory_space<vmem>>) dst(%dma_wait3A_101 : memref<10240x128xf32, #tpu.memory_space<vmem_shared>>)
    %dma_wait3A_102 = arith.constant 0 : i32
    %dma_wait3A_103 = arith.constant 0 : i32
    %dma_wait3A_104 = tpu.memref_slice %arg2[%dma_wait3A_102, %dma_wait3A_103] : memref<10000x128xf32, #tpu.memory_space<hbm>> -> memref<10000x128xf32, #tpu.memory_space<hbm>>
    tpu.wait_indirect_dma semaphore(%arg21 : memref<!tpu.dma_semaphore, #tpu.memory_space<semaphore_mem>>) src(%dma_wait3A_104 : memref<10000x128xf32, #tpu.memory_space<hbm>>) dst(%arg9 : memref<80x128xf32, #tpu.memory_space<vmem>>)
    %get3A_105 = arith.constant 0 : index
    %get3A_106 = tpu.vector_load %arg12[%get3A_105] {strides = array<i32>} : memref<80xi32, #tpu.memory_space<vmem>>, vector<16xi32>,
    %gather3A_107 = tpu.vector_load_idx %arg35[%get3A_106] : memref<10240xf32, #tpu.memory_space<vmem>>[vector<16xi32>], vector<16xf32>,
    %get3A_108 = arith.constant 0 : index
    %get3A_109 = tpu.vector_load %arg18[%get3A_108] {strides = array<i32>} : memref<80xf32, #tpu.memory_space<vmem>>, vector<16xf32>,
    %mul3A_110 = arith.mulf %get3A_109, %gather3A_107 : vector<16xf32>
    %swap3A_111 = arith.constant 0 : index
    %swap3A_112 = tpu.vector_load %arg18[%swap3A_111] {strides = array<i32>} : memref<80xf32, #tpu.memory_space<vmem>>, vector<16xf32>,
    tpu.vector_store %arg18[%swap3A_111], %mul3A_110 {strides = array<i32>} : memref<80xf32, #tpu.memory_space<vmem>>, vector<16xf32>,
    %get3A_113 = arith.constant 16 : index
    %get3A_114 = tpu.vector_load %arg12[%get3A_113] {strides = array<i32>} : memref<80xi32, #tpu.memory_space<vmem>>, vector<16xi32>,
    %gather3A_115 = tpu.vector_load_idx %arg35[%get3A_114] : memref<10240xf32, #tpu.memory_space<vmem>>[vector<16xi32>], vector<16xf32>,
    %get3A_116 = arith.constant 16 : index
    %get3A_117 = tpu.vector_load %arg18[%get3A_116] {strides = array<i32>} : memref<80xf32, #tpu.memory_space<vmem>>, vector<16xf32>,
    %mul3A_118 = arith.mulf %get3A_117, %gather3A_115 : vector<16xf32>
    %swap3A_119 = arith.constant 16 : index
    %swap3A_120 = tpu.vector_load %arg18[%swap3A_119] {strides = array<i32>} : memref<80xf32, #tpu.memory_space<vmem>>, vector<16xf32>,
    tpu.vector_store %arg18[%swap3A_119], %mul3A_118 {strides = array<i32>} : memref<80xf32, #tpu.memory_space<vmem>>, vector<16xf32>,
    %get3A_121 = arith.constant 32 : index
    %get3A_122 = tpu.vector_load %arg12[%get3A_121] {strides = array<i32>} : memref<80xi32, #tpu.memory_space<vmem>>, vector<16xi32>,
    %gather3A_123 = tpu.vector_load_idx %arg35[%get3A_122] : memref<10240xf32, #tpu.memory_space<vmem>>[vector<16xi32>], vector<16xf32>,
    %get3A_124 = arith.constant 32 : index
    %get3A_125 = tpu.vector_load %arg18[%get3A_124] {strides = array<i32>} : memref<80xf32, #tpu.memory_space<vmem>>, vector<16xf32>,
    %mul3A_126 = arith.mulf %get3A_125, %gather3A_123 : vector<16xf32>
    %swap3A_127 = arith.constant 32 : index
    %swap3A_128 = tpu.vector_load %arg18[%swap3A_127] {strides = array<i32>} : memref<80xf32, #tpu.memory_space<vmem>>, vector<16xf32>,
    tpu.vector_store %arg18[%swap3A_127], %mul3A_126 {strides = array<i32>} : memref<80xf32, #tpu.memory_space<vmem>>, vector<16xf32>,
    %get3A_129 = arith.constant 48 : index
    %get3A_130 = tpu.vector_load %arg12[%get3A_129] {strides = array<i32>} : memref<80xi32, #tpu.memory_space<vmem>>, vector<16xi32>,
    %gather3A_131 = tpu.vector_load_idx %arg35[%get3A_130] : memref<10240xf32, #tpu.memory_space<vmem>>[vector<16xi32>], vector<16xf32>,
    %get3A_132 = arith.constant 48 : index
    %get3A_133 = tpu.vector_load %arg18[%get3A_132] {strides = array<i32>} : memref<80xf32, #tpu.memory_space<vmem>>, vector<16xf32>,
    %mul3A_134 = arith.mulf %get3A_133, %gather3A_131 : vector<16xf32>
    %swap3A_135 = arith.constant 48 : index
    %swap3A_136 = tpu.vector_load %arg18[%swap3A_135] {strides = array<i32>} : memref<80xf32, #tpu.memory_space<vmem>>, vector<16xf32>,
    tpu.vector_store %arg18[%swap3A_135], %mul3A_134 {strides = array<i32>} : memref<80xf32, #tpu.memory_space<vmem>>, vector<16xf32>,
    %get3A_137 = arith.constant 64 : index
    %get3A_138 = tpu.vector_load %arg12[%get3A_137] {strides = array<i32>} : memref<80xi32, #tpu.memory_space<vmem>>, vector<16xi32>,
    %gather3A_139 = tpu.vector_load_idx %arg35[%get3A_138] : memref<10240xf32, #tpu.memory_space<vmem>>[vector<16xi32>], vector<16xf32>,
    %get3A_140 = arith.constant 64 : index
    %get3A_141 = tpu.vector_load %arg18[%get3A_140] {strides = array<i32>} : memref<80xf32, #tpu.memory_space<vmem>>, vector<16xf32>,
    %mul3A_142 = arith.mulf %get3A_141, %gather3A_139 : vector<16xf32>
    %swap3A_143 = arith.constant 64 : index
    %swap3A_144 = tpu.vector_load %arg18[%swap3A_143] {strides = array<i32>} : memref<80xf32, #tpu.memory_space<vmem>>, vector<16xf32>,
    tpu.vector_store %arg18[%swap3A_143], %mul3A_142 {strides = array<i32>} : memref<80xf32, #tpu.memory_space<vmem>>, vector<16xf32>,
    %parallel_loop3A_145 = arith.constant 0 : i32
    %parallel_loop3A_146 = arith.constant 80 : i32
    %parallel_loop3A_147 = arith.constant 1 : i32
    scf.for %parallel_loop3A_160 = %parallel_loop3A_145 to %parallel_loop3A_146 step %parallel_loop3A_147  : i32 {
      %parallel_loop3A_161 = arith.constant 0 : i32
      %parallel_loop3A_162 = vector.broadcast %parallel_loop3A_161 : i32 to vector<16xi32>
      %parallel_loop3A_163 = vector.broadcast %parallel_loop3A_160 : i32 to vector<16xi32>
      %parallel_loop3A_164 = arith.addi %parallel_loop3A_162, %parallel_loop3A_163 : vector<16xi32>
      %parallel_loop3A_165 = tpu.vector_load_idx %arg18[%parallel_loop3A_164] : memref<80xf32, #tpu.memory_space<vmem>>[vector<16xi32>], vector<16xf32>,
      %parallel_loop3A_166 = arith.index_cast %parallel_loop3A_160 : i32 to index
      %parallel_loop3A_167 = arith.constant 0 : index
      %parallel_loop3A_168 = tpu.vector_load %arg9[%parallel_loop3A_166, %parallel_loop3A_167] {strides = array<i32>} : memref<80x128xf32, #tpu.memory_space<vmem>>, vector<16xf32>,
      %parallel_loop3A_169 = arith.mulf %parallel_loop3A_168, %parallel_loop3A_165 : vector<16xf32>
      %parallel_loop3A_170 = arith.index_cast %parallel_loop3A_160 : i32 to index
      %parallel_loop3A_171 = arith.constant 0 : index
      %parallel_loop3A_172 = tpu.vector_load %arg9[%parallel_loop3A_170, %parallel_loop3A_171] {strides = array<i32>} : memref<80x128xf32, #tpu.memory_space<vmem>>, vector<16xf32>,
      tpu.vector_store %arg9[%parallel_loop3A_170, %parallel_loop3A_171], %parallel_loop3A_169 {strides = array<i32>} : memref<80x128xf32, #tpu.memory_space<vmem>>, vector<16xf32>,
      %parallel_loop3A_173 = arith.index_cast %parallel_loop3A_160 : i32 to index
      %parallel_loop3A_174 = arith.constant 16 : index
      %parallel_loop3A_175 = tpu.vector_load %arg9[%parallel_loop3A_173, %parallel_loop3A_174] {strides = array<i32>} : memref<80x128xf32, #tpu.memory_space<vmem>>, vector<16xf32>,
      %parallel_loop3A_176 = arith.mulf %parallel_loop3A_175, %parallel_loop3A_165 : vector<16xf32>
      %parallel_loop3A_177 = arith.index_cast %parallel_loop3A_160 : i32 to index
      %parallel_loop3A_178 = arith.constant 16 : index
      %parallel_loop3A_179 = tpu.vector_load %arg9[%parallel_loop3A_177, %parallel_loop3A_178] {strides = array<i32>} : memref<80x128xf32, #tpu.memory_space<vmem>>, vector<16xf32>,
      tpu.vector_store %arg9[%parallel_loop3A_177, %parallel_loop3A_178], %parallel_loop3A_176 {strides = array<i32>} : memref<80x128xf32, #tpu.memory_space<vmem>>, vector<16xf32>,
      %parallel_loop3A_180 = arith.index_cast %parallel_loop3A_160 : i32 to index
      %parallel_loop3A_181 = arith.constant 32 : index
      %parallel_loop3A_182 = tpu.vector_load %arg9[%parallel_loop3A_180, %parallel_loop3A_181] {strides = array<i32>} : memref<80x128xf32, #tpu.memory_space<vmem>>, vector<16xf32>,
      %parallel_loop3A_183 = arith.mulf %parallel_loop3A_182, %parallel_loop3A_165 : vector<16xf32>
      %parallel_loop3A_184 = arith.index_cast %parallel_loop3A_160 : i32 to index
      %parallel_loop3A_185 = arith.constant 32 : index
      %parallel_loop3A_186 = tpu.vector_load %arg9[%parallel_loop3A_184, %parallel_loop3A_185] {strides = array<i32>} : memref<80x128xf32, #tpu.memory_space<vmem>>, vector<16xf32>,
      tpu.vector_store %arg9[%parallel_loop3A_184, %parallel_loop3A_185], %parallel_loop3A_183 {strides = array<i32>} : memref<80x128xf32, #tpu.memory_space<vmem>>, vector<16xf32>,
      %parallel_loop3A_187 = arith.index_cast %parallel_loop3A_160 : i32 to index
      %parallel_loop3A_188 = arith.constant 48 : index
      %parallel_loop3A_189 = tpu.vector_load %arg9[%parallel_loop3A_187, %parallel_loop3A_188] {strides = array<i32>} : memref<80x128xf32, #tpu.memory_space<vmem>>, vector<16xf32>,
      %parallel_loop3A_190 = arith.mulf %parallel_loop3A_189, %parallel_loop3A_165 : vector<16xf32>
      %parallel_loop3A_191 = arith.index_cast %parallel_loop3A_160 : i32 to index
      %parallel_loop3A_192 = arith.constant 48 : index
      %parallel_loop3A_193 = tpu.vector_load %arg9[%parallel_loop3A_191, %parallel_loop3A_192] {strides = array<i32>} : memref<80x128xf32, #tpu.memory_space<vmem>>, vector<16xf32>,
      tpu.vector_store %arg9[%parallel_loop3A_191, %parallel_loop3A_192], %parallel_loop3A_190 {strides = array<i32>} : memref<80x128xf32, #tpu.memory_space<vmem>>, vector<16xf32>,
      %parallel_loop3A_194 = arith.index_cast %parallel_loop3A_160 : i32 to index
      %parallel_loop3A_195 = arith.constant 64 : index
      %parallel_loop3A_196 = tpu.vector_load %arg9[%parallel_loop3A_194, %parallel_loop3A_195] {strides = array<i32>} : memref<80x128xf32, #tpu.memory_space<vmem>>, vector<16xf32>,
      %parallel_loop3A_197 = arith.mulf %parallel_loop3A_196, %parallel_loop3A_165 : vector<16xf32>
      %parallel_loop3A_198 = arith.index_cast %parallel_loop3A_160 : i32 to index
      %parallel_loop3A_199 = arith.constant 64 : index
      %parallel_loop3A_200 = tpu.vector_load %arg9[%parallel_loop3A_198, %parallel_loop3A_199] {strides = array<i32>} : memref<80x128xf32, #tpu.memory_space<vmem>>, vector<16xf32>,
      tpu.vector_store %arg9[%parallel_loop3A_198, %parallel_loop3A_199], %parallel_loop3A_197 {strides = array<i32>} : memref<80x128xf32, #tpu.memory_space<vmem>>, vector<16xf32>,
      %parallel_loop3A_201 = arith.index_cast %parallel_loop3A_160 : i32 to index
      %parallel_loop3A_202 = arith.constant 80 : index
      %parallel_loop3A_203 = tpu.vector_load %arg9[%parallel_loop3A_201, %parallel_loop3A_202] {strides = array<i32>} : memref<80x128xf32, #tpu.memory_space<vmem>>, vector<16xf32>,
      %parallel_loop3A_204 = arith.mulf %parallel_loop3A_203, %parallel_loop3A_165 : vector<16xf32>
      %parallel_loop3A_205 = arith.index_cast %parallel_loop3A_160 : i32 to index
      %parallel_loop3A_206 = arith.constant 80 : index
      %parallel_loop3A_207 = tpu.vector_load %arg9[%parallel_loop3A_205, %parallel_loop3A_206] {strides = array<i32>} : memref<80x128xf32, #tpu.memory_space<vmem>>, vector<16xf32>,
      tpu.vector_store %arg9[%parallel_loop3A_205, %parallel_loop3A_206], %parallel_loop3A_204 {strides = array<i32>} : memref<80x128xf32, #tpu.memory_space<vmem>>, vector<16xf32>,
      %parallel_loop3A_208 = arith.index_cast %parallel_loop3A_160 : i32 to index
      %parallel_loop3A_209 = arith.constant 96 : index
      %parallel_loop3A_210 = tpu.vector_load %arg9[%parallel_loop3A_208, %parallel_loop3A_209] {strides = array<i32>} : memref<80x128xf32, #tpu.memory_space<vmem>>, vector<16xf32>,
      %parallel_loop3A_211 = arith.mulf %parallel_loop3A_210, %parallel_loop3A_165 : vector<16xf32>
      %parallel_loop3A_212 = arith.index_cast %parallel_loop3A_160 : i32 to index
      %parallel_loop3A_213 = arith.constant 96 : index
      %parallel_loop3A_214 = tpu.vector_load %arg9[%parallel_loop3A_212, %parallel_loop3A_213] {strides = array<i32>} : memref<80x128xf32, #tpu.memory_space<vmem>>, vector<16xf32>,
      tpu.vector_store %arg9[%parallel_loop3A_212, %parallel_loop3A_213], %parallel_loop3A_211 {strides = array<i32>} : memref<80x128xf32, #tpu.memory_space<vmem>>, vector<16xf32>,
      %parallel_loop3A_215 = arith.index_cast %parallel_loop3A_160 : i32 to index
      %parallel_loop3A_216 = arith.constant 112 : index
      %parallel_loop3A_217 = tpu.vector_load %arg9[%parallel_loop3A_215, %parallel_loop3A_216] {strides = array<i32>} : memref<80x128xf32, #tpu.memory_space<vmem>>, vector<16xf32>,
      %parallel_loop3A_218 = arith.mulf %parallel_loop3A_217, %parallel_loop3A_165 : vector<16xf32>
      %parallel_loop3A_219 = arith.index_cast %parallel_loop3A_160 : i32 to index
      %parallel_loop3A_220 = arith.constant 112 : index
      %parallel_loop3A_221 = tpu.vector_load %arg9[%parallel_loop3A_219, %parallel_loop3A_220] {strides = array<i32>} : memref<80x128xf32, #tpu.memory_space<vmem>>, vector<16xf32>,
      tpu.vector_store %arg9[%parallel_loop3A_219, %parallel_loop3A_220], %parallel_loop3A_218 {strides = array<i32>} : memref<80x128xf32, #tpu.memory_space<vmem>>, vector<16xf32>,
    } {sc.loop_unroll_factor = 4 : i64, sc.parallel_access}
    %dma_wait3A_148 = tpu.memref_slice %arg4[%mul3A_4] : memref<320000xi32, #tpu.memory_space<hbm>> -> memref<80xi32, #tpu.memory_space<hbm>>
    %dma_wait3A_149 = tpu.memref_slice %arg4[%mul3A_4] : memref<320000xi32, #tpu.memory_space<hbm>> -> memref<80xi32, #tpu.memory_space<hbm>>
    tpu.wait_dma2 semaphore(%arg30 : memref<!tpu.dma_semaphore, #tpu.memory_space<semaphore_mem>>) src(%dma_wait3A_149 : memref<80xi32, #tpu.memory_space<hbm>>) dst(%arg15 : memref<80xi32, #tpu.memory_space<vmem>>)
    %dma_start3A_150 = arith.constant 0 : i32
    %dma_start3A_151 = arith.constant 0 : i32
    %dma_start3A_152 = tpu.memref_slice %arg36[%dma_start3A_150, %dma_start3A_151] : memref<10240x128xf32, #tpu.memory_space<vmem_shared>> -> memref<10240x128xf32, #tpu.memory_space<vmem_shared>>
    tpu.enqueue_indirect_dma source(%arg9 : memref<80x128xf32, #tpu.memory_space<vmem>>) target(%dma_start3A_152 : memref<10240x128xf32, #tpu.memory_space<vmem_shared>>) offsets(%arg15 : memref<80xi32, #tpu.memory_space<vmem>>) semaphore(%arg24 : memref<!tpu.dma_semaphore, #tpu.memory_space<semaphore_mem>>) {add = true}
    %dma_wait3A_153 = arith.constant 0 : i32
    %dma_wait3A_154 = arith.constant 0 : i32
    %dma_wait3A_155 = tpu.memref_slice %arg36[%dma_wait3A_153, %dma_wait3A_154] : memref<10240x128xf32, #tpu.memory_space<vmem_shared>> -> memref<10240x128xf32, #tpu.memory_space<vmem_shared>>
    tpu.wait_indirect_dma semaphore(%arg23 : memref<!tpu.dma_semaphore, #tpu.memory_space<semaphore_mem>>) src(%arg8 : memref<80x128xf32, #tpu.memory_space<vmem>>) dst(%dma_wait3A_155 : memref<10240x128xf32, #tpu.memory_space<vmem_shared>>)
    %dma_wait3A_156 = arith.constant 0 : i32
    %dma_wait3A_157 = arith.constant 0 : i32
    %dma_wait3A_158 = tpu.memref_slice %arg36[%dma_wait3A_156, %dma_wait3A_157] : memref<10240x128xf32, #tpu.memory_space<vmem_shared>> -> memref<10240x128xf32, #tpu.memory_space<vmem_shared>>
    tpu.wait_indirect_dma semaphore(%arg24 : memref<!tpu.dma_semaphore, #tpu.memory_space<semaphore_mem>>) src(%arg9 : memref<80x128xf32, #tpu.memory_space<vmem>>) dst(%dma_wait3A_158 : memref<10240x128xf32, #tpu.memory_space<vmem_shared>>)
    %barrier3A_159 = arith.constant 0 : index
    tpu.barrier barrier_id(%barrier3A_159)
    "tpu.region"() ({
      %run_scoped3A = tpu.sem_alloc : memref<!tpu.dma_semaphore, #tpu.memory_space<semaphore_mem>>
      %dma_start3A_160 = arith.constant 0 : i32
      %dma_start3A_161 = tpu.memref_slice %arg7[%arg0, %mul3A_0, %dma_start3A_160] : memref<2x10240x128xf32, #tpu.memory_space<hbm>> -> memref<1x640x128xf32, #tpu.memory_space<hbm>>
      %dma_start3A_162 = tpu.memref_squeeze %dma_start3A_161 : memref<1x640x128xf32, #tpu.memory_space<hbm>> -> memref<640x128xf32, #tpu.memory_space<hbm>>
      %dma_start3A_163 = arith.constant 0 : i32
      %dma_start3A_164 = tpu.memref_slice %arg36[%mul3A_0, %dma_start3A_163] : memref<10240x128xf32, #tpu.memory_space<vmem_shared>> -> memref<640x128xf32, #tpu.memory_space<vmem_shared>>
      tpu.enqueue_dma source(%dma_start3A_164 : memref<640x128xf32, #tpu.memory_space<vmem_shared>>) target(%dma_start3A_162 : memref<640x128xf32, #tpu.memory_space<hbm>>) target_semaphore(%run_scoped3A : memref<!tpu.dma_semaphore, #tpu.memory_space<semaphore_mem>>)
      %dma_wait3A_165 = arith.constant 0 : i32
      %dma_wait3A_166 = tpu.memref_slice %arg7[%arg0, %mul3A_0, %dma_wait3A_165] : memref<2x10240x128xf32, #tpu.memory_space<hbm>> -> memref<1x640x128xf32, #tpu.memory_space<hbm>>
      %dma_wait3A_167 = tpu.memref_squeeze %dma_wait3A_166 : memref<1x640x128xf32, #tpu.memory_space<hbm>> -> memref<640x128xf32, #tpu.memory_space<hbm>>
      %dma_wait3A_168 = arith.constant 0 : i32
      %dma_wait3A_169 = tpu.memref_slice %arg36[%mul3A_0, %dma_wait3A_168] : memref<10240x128xf32, #tpu.memory_space<vmem_shared>> -> memref<640x128xf32, #tpu.memory_space<vmem_shared>>
      tpu.wait_dma2 semaphore(%run_scoped3A : memref<!tpu.dma_semaphore, #tpu.memory_space<semaphore_mem>>) src(%dma_wait3A_169 : memref<640x128xf32, #tpu.memory_space<vmem_shared>>) dst(%dma_wait3A_167 : memref<640x128xf32, #tpu.memory_space<hbm>>)
      tpu.yield
    }) : () -> ()
    return
  }
}

#map = affine_map<(d0, d1) -> (0)>
#map1 = affine_map<(d0, d1) -> (0, 0)>
module attributes {stable_mosaic.version = 14 : i64} {
  func.func @_sc_deg(%arg0: i32, %arg1: i32, %arg2: memref<320000xi32, #tpu.memory_space<hbm>>, %arg3: memref<320000xf32, #tpu.memory_space<hbm>>, %arg4: memref<2x10240xf32, #tpu.memory_space<hbm>>, %arg5: memref<80xi32, #tpu.memory_space<vmem>>, %arg6: memref<80xi32, #tpu.memory_space<vmem>>, %arg7: memref<80xi32, #tpu.memory_space<vmem>>, %arg8: memref<80xi32, #tpu.memory_space<vmem>>, %arg9: memref<80xf32, #tpu.memory_space<vmem>>, %arg10: memref<80xf32, #tpu.memory_space<vmem>>, %arg11: memref<80xf32, #tpu.memory_space<vmem>>, %arg12: memref<80xf32, #tpu.memory_space<vmem>>, %arg13: memref<!tpu.dma_semaphore, #tpu.memory_space<semaphore_mem>>, %arg14: memref<!tpu.dma_semaphore, #tpu.memory_space<semaphore_mem>>, %arg15: memref<!tpu.dma_semaphore, #tpu.memory_space<semaphore_mem>>, %arg16: memref<!tpu.dma_semaphore, #tpu.memory_space<semaphore_mem>>, %arg17: memref<!tpu.dma_semaphore, #tpu.memory_space<semaphore_mem>>, %arg18: memref<!tpu.dma_semaphore, #tpu.memory_space<semaphore_mem>>, %arg19: memref<!tpu.dma_semaphore, #tpu.memory_space<semaphore_mem>>, %arg20: memref<!tpu.dma_semaphore, #tpu.memory_space<semaphore_mem>>, %arg21: memref<!tpu.dma_semaphore, #tpu.memory_space<semaphore_mem>>, %arg22: memref<!tpu.dma_semaphore, #tpu.memory_space<semaphore_mem>>, %arg23: memref<!tpu.dma_semaphore, #tpu.memory_space<semaphore_mem>>, %arg24: memref<!tpu.dma_semaphore, #tpu.memory_space<semaphore_mem>>, %arg25: memref<640xf32, #tpu.memory_space<vmem>>, %arg26: memref<10240xf32, #tpu.memory_space<vmem_shared>>) attributes {dimension_semantics = [#tpu.dimension_semantics<core_parallel>, #tpu.dimension_semantics<subcore_parallel>], iteration_bounds = array<i64: 2, 16>, scalar_prefetch = 0 : i64, scratch_operands = 22 : i64, tpu.core_type = #tpu.core_type<sc_vector_subcore>, window_params = [{transform_indices = #map}, {transform_indices = #map}, {transform_indices = #map1}]} {
    %mul3A = arith.constant 2 : i32
    %mul3A_0 = arith.muli %arg1, %mul3A : i32
    %add3A = arith.addi %mul3A_0, %arg0 : i32
    %mul3A_1 = arith.constant 640 : i32
    %mul3A_2 = arith.muli %arg1, %mul3A_1 : i32
    %mul3A_3 = arith.constant 10000 : i32
    %mul3A_4 = arith.muli %add3A, %mul3A_3 : i32
    %scan3A = arith.constant 0 : i32
    %scan3A_5 = arith.constant 0 : i32
    %scan3A_6 = arith.constant 40 : i32
    %scan3A_7 = arith.addi %scan3A_5, %scan3A_6 : i32
    %scan3A_8 = arith.constant 1 : i32
    scf.for %scan3A_35 = %scan3A_5 to %scan3A_7 step %scan3A_8  : i32 {
      %broadcast_in_dim3A = arith.constant 0.000000e+00 : f32
      %broadcast_in_dim3A_36 = vector.broadcast %broadcast_in_dim3A : f32 to vector<16xf32>
      %mul3A_37 = arith.constant 16 : i32
      %mul3A_38 = arith.muli %scan3A_35, %mul3A_37 : i32
      %swap3A = arith.index_cast %mul3A_38 : i32 to index
      %swap3A_39 = tpu.vector_load %arg25[%swap3A] {strides = array<i32>} : memref<640xf32, #tpu.memory_space<vmem>>, vector<16xf32>,
      tpu.vector_store %arg25[%swap3A], %broadcast_in_dim3A_36 {strides = array<i32>} : memref<640xf32, #tpu.memory_space<vmem>>, vector<16xf32>,
    }
    %scan3A_9 = arith.constant 40 : i32
    "tpu.region"() ({
      %run_scoped3A = tpu.sem_alloc : memref<!tpu.dma_semaphore, #tpu.memory_space<semaphore_mem>>
      %dma_start3A_35 = tpu.memref_slice %arg26[%mul3A_2] : memref<10240xf32, #tpu.memory_space<vmem_shared>> -> memref<640xf32, #tpu.memory_space<vmem_shared>>
      %dma_start3A_36 = tpu.memref_slice %arg26[%mul3A_2] : memref<10240xf32, #tpu.memory_space<vmem_shared>> -> memref<640xf32, #tpu.memory_space<vmem_shared>>
      tpu.enqueue_dma source(%arg25 : memref<640xf32, #tpu.memory_space<vmem>>) target(%dma_start3A_36 : memref<640xf32, #tpu.memory_space<vmem_shared>>) target_semaphore(%run_scoped3A : memref<!tpu.dma_semaphore, #tpu.memory_space<semaphore_mem>>)
      %dma_wait3A_37 = tpu.memref_slice %arg26[%mul3A_2] : memref<10240xf32, #tpu.memory_space<vmem_shared>> -> memref<640xf32, #tpu.memory_space<vmem_shared>>
      %dma_wait3A_38 = tpu.memref_slice %arg26[%mul3A_2] : memref<10240xf32, #tpu.memory_space<vmem_shared>> -> memref<640xf32, #tpu.memory_space<vmem_shared>>
      tpu.wait_dma2 semaphore(%run_scoped3A : memref<!tpu.dma_semaphore, #tpu.memory_space<semaphore_mem>>) src(%arg25 : memref<640xf32, #tpu.memory_space<vmem>>) dst(%dma_wait3A_38 : memref<640xf32, #tpu.memory_space<vmem_shared>>)
      tpu.yield
    }) : () -> ()
    %add3A_10 = arith.constant 0 : i32
    %add3A_11 = arith.addi %mul3A_4, %add3A_10 : i32
    "tpu.region"() ({
      %run_scoped3A = tpu.sem_alloc : memref<!tpu.dma_semaphore, #tpu.memory_space<semaphore_mem>>
      %dma_start3A_35 = tpu.memref_slice %arg2[%add3A_11] : memref<320000xi32, #tpu.memory_space<hbm>> -> memref<80xi32, #tpu.memory_space<hbm>>
      %dma_start3A_36 = tpu.memref_slice %arg2[%add3A_11] : memref<320000xi32, #tpu.memory_space<hbm>> -> memref<80xi32, #tpu.memory_space<hbm>>
      tpu.enqueue_dma source(%dma_start3A_36 : memref<80xi32, #tpu.memory_space<hbm>>) target(%arg5 : memref<80xi32, #tpu.memory_space<vmem>>) target_semaphore(%run_scoped3A : memref<!tpu.dma_semaphore, #tpu.memory_space<semaphore_mem>>)
      %dma_wait3A_37 = tpu.memref_slice %arg2[%add3A_11] : memref<320000xi32, #tpu.memory_space<hbm>> -> memref<80xi32, #tpu.memory_space<hbm>>
      %dma_wait3A_38 = tpu.memref_slice %arg2[%add3A_11] : memref<320000xi32, #tpu.memory_space<hbm>> -> memref<80xi32, #tpu.memory_space<hbm>>
      tpu.wait_dma2 semaphore(%run_scoped3A : memref<!tpu.dma_semaphore, #tpu.memory_space<semaphore_mem>>) src(%dma_wait3A_38 : memref<80xi32, #tpu.memory_space<hbm>>) dst(%arg5 : memref<80xi32, #tpu.memory_space<vmem>>)
      tpu.yield
    }) : () -> ()
    %add3A_12 = arith.constant 0 : i32
    %add3A_13 = arith.addi %mul3A_4, %add3A_12 : i32
    "tpu.region"() ({
      %run_scoped3A = tpu.sem_alloc : memref<!tpu.dma_semaphore, #tpu.memory_space<semaphore_mem>>
      %dma_start3A_35 = tpu.memref_slice %arg3[%add3A_13] : memref<320000xf32, #tpu.memory_space<hbm>> -> memref<80xf32, #tpu.memory_space<hbm>>
      %dma_start3A_36 = tpu.memref_slice %arg3[%add3A_13] : memref<320000xf32, #tpu.memory_space<hbm>> -> memref<80xf32, #tpu.memory_space<hbm>>
      tpu.enqueue_dma source(%dma_start3A_36 : memref<80xf32, #tpu.memory_space<hbm>>) target(%arg9 : memref<80xf32, #tpu.memory_space<vmem>>) target_semaphore(%run_scoped3A : memref<!tpu.dma_semaphore, #tpu.memory_space<semaphore_mem>>)
      %dma_wait3A_37 = tpu.memref_slice %arg3[%add3A_13] : memref<320000xf32, #tpu.memory_space<hbm>> -> memref<80xf32, #tpu.memory_space<hbm>>
      %dma_wait3A_38 = tpu.memref_slice %arg3[%add3A_13] : memref<320000xf32, #tpu.memory_space<hbm>> -> memref<80xf32, #tpu.memory_space<hbm>>
      tpu.wait_dma2 semaphore(%run_scoped3A : memref<!tpu.dma_semaphore, #tpu.memory_space<semaphore_mem>>) src(%dma_wait3A_38 : memref<80xf32, #tpu.memory_space<hbm>>) dst(%arg9 : memref<80xf32, #tpu.memory_space<vmem>>)
      tpu.yield
    }) : () -> ()
    %add3A_14 = arith.constant 80 : i32
    %add3A_15 = arith.addi %mul3A_4, %add3A_14 : i32
    "tpu.region"() ({
      %run_scoped3A = tpu.sem_alloc : memref<!tpu.dma_semaphore, #tpu.memory_space<semaphore_mem>>
      %dma_start3A_35 = tpu.memref_slice %arg2[%add3A_15] : memref<320000xi32, #tpu.memory_space<hbm>> -> memref<80xi32, #tpu.memory_space<hbm>>
      %dma_start3A_36 = tpu.memref_slice %arg2[%add3A_15] : memref<320000xi32, #tpu.memory_space<hbm>> -> memref<80xi32, #tpu.memory_space<hbm>>
      tpu.enqueue_dma source(%dma_start3A_36 : memref<80xi32, #tpu.memory_space<hbm>>) target(%arg6 : memref<80xi32, #tpu.memory_space<vmem>>) target_semaphore(%run_scoped3A : memref<!tpu.dma_semaphore, #tpu.memory_space<semaphore_mem>>)
      %dma_wait3A_37 = tpu.memref_slice %arg2[%add3A_15] : memref<320000xi32, #tpu.memory_space<hbm>> -> memref<80xi32, #tpu.memory_space<hbm>>
      %dma_wait3A_38 = tpu.memref_slice %arg2[%add3A_15] : memref<320000xi32, #tpu.memory_space<hbm>> -> memref<80xi32, #tpu.memory_space<hbm>>
      tpu.wait_dma2 semaphore(%run_scoped3A : memref<!tpu.dma_semaphore, #tpu.memory_space<semaphore_mem>>) src(%dma_wait3A_38 : memref<80xi32, #tpu.memory_space<hbm>>) dst(%arg6 : memref<80xi32, #tpu.memory_space<vmem>>)
      tpu.yield
    }) : () -> ()
    %add3A_16 = arith.constant 80 : i32
    %add3A_17 = arith.addi %mul3A_4, %add3A_16 : i32
    "tpu.region"() ({
      %run_scoped3A = tpu.sem_alloc : memref<!tpu.dma_semaphore, #tpu.memory_space<semaphore_mem>>
      %dma_start3A_35 = tpu.memref_slice %arg3[%add3A_17] : memref<320000xf32, #tpu.memory_space<hbm>> -> memref<80xf32, #tpu.memory_space<hbm>>
      %dma_start3A_36 = tpu.memref_slice %arg3[%add3A_17] : memref<320000xf32, #tpu.memory_space<hbm>> -> memref<80xf32, #tpu.memory_space<hbm>>
      tpu.enqueue_dma source(%dma_start3A_36 : memref<80xf32, #tpu.memory_space<hbm>>) target(%arg10 : memref<80xf32, #tpu.memory_space<vmem>>) target_semaphore(%run_scoped3A : memref<!tpu.dma_semaphore, #tpu.memory_space<semaphore_mem>>)
      %dma_wait3A_37 = tpu.memref_slice %arg3[%add3A_17] : memref<320000xf32, #tpu.memory_space<hbm>> -> memref<80xf32, #tpu.memory_space<hbm>>
      %dma_wait3A_38 = tpu.memref_slice %arg3[%add3A_17] : memref<320000xf32, #tpu.memory_space<hbm>> -> memref<80xf32, #tpu.memory_space<hbm>>
      tpu.wait_dma2 semaphore(%run_scoped3A : memref<!tpu.dma_semaphore, #tpu.memory_space<semaphore_mem>>) src(%dma_wait3A_38 : memref<80xf32, #tpu.memory_space<hbm>>) dst(%arg10 : memref<80xf32, #tpu.memory_space<vmem>>)
      tpu.yield
    }) : () -> ()
    %barrier3A = arith.constant 0 : index
    tpu.barrier barrier_id(%barrier3A)
    %scan3A_18 = arith.constant 0 : i32
    %scan3A_19 = arith.constant 0 : i32
    %scan3A_20 = arith.constant 31 : i32
    %scan3A_21 = arith.addi %scan3A_19, %scan3A_20 : i32
    %scan3A_22 = arith.constant 1 : i32
    scf.for %scan3A_35 = %scan3A_19 to %scan3A_21 step %scan3A_22  : i32 {
      %mul3A_36 = arith.constant 4 : i32
      %mul3A_37 = arith.muli %scan3A_35, %mul3A_36 : i32
      %add3A_38 = arith.constant 0 : i32
      %add3A_39 = arith.addi %mul3A_37, %add3A_38 : i32
      %ge3A = arith.constant 2 : i32
      %ge3A_40 = arith.cmpi sge, %add3A_39, %ge3A : i32
      %convert_element_type3A = arith.extui %ge3A_40 : i1 to i32
      %cond3A = arith.constant 0 : i32
      %cond3A_41 = arith.cmpi ne, %convert_element_type3A, %cond3A : i32
      scf.if %cond3A_41 {
        %dma_wait3A_124 = tpu.memref_slice %arg2[%mul3A_4] : memref<320000xi32, #tpu.memory_space<hbm>> -> memref<80xi32, #tpu.memory_space<hbm>>
        %dma_wait3A_125 = tpu.memref_slice %arg2[%mul3A_4] : memref<320000xi32, #tpu.memory_space<hbm>> -> memref<80xi32, #tpu.memory_space<hbm>>
        tpu.wait_dma2 semaphore(%arg13 : memref<!tpu.dma_semaphore, #tpu.memory_space<semaphore_mem>>) src(%dma_wait3A_125 : memref<80xi32, #tpu.memory_space<hbm>>) dst(%arg5 : memref<80xi32, #tpu.memory_space<vmem>>)
        %dma_wait3A_126 = tpu.memref_slice %arg3[%mul3A_4] : memref<320000xf32, #tpu.memory_space<hbm>> -> memref<80xf32, #tpu.memory_space<hbm>>
        %dma_wait3A_127 = tpu.memref_slice %arg3[%mul3A_4] : memref<320000xf32, #tpu.memory_space<hbm>> -> memref<80xf32, #tpu.memory_space<hbm>>
        tpu.wait_dma2 semaphore(%arg17 : memref<!tpu.dma_semaphore, #tpu.memory_space<semaphore_mem>>) src(%dma_wait3A_127 : memref<80xf32, #tpu.memory_space<hbm>>) dst(%arg9 : memref<80xf32, #tpu.memory_space<vmem>>)
      } else {
      }
      %dma_start3A_42 = arith.constant 0 : i32
      %dma_start3A_43 = tpu.memref_slice %arg26[%dma_start3A_42] : memref<10240xf32, #tpu.memory_space<vmem_shared>> -> memref<10240xf32, #tpu.memory_space<vmem_shared>>
      tpu.enqueue_indirect_dma source(%arg9 : memref<80xf32, #tpu.memory_space<vmem>>) target(%dma_start3A_43 : memref<10240xf32, #tpu.memory_space<vmem_shared>>) offsets(%arg5 : memref<80xi32, #tpu.memory_space<vmem>>) semaphore(%arg21 : memref<!tpu.dma_semaphore, #tpu.memory_space<semaphore_mem>>) {add = true}
      %ge3A_44 = arith.constant 2 : i32
      %ge3A_45 = arith.cmpi sge, %add3A_39, %ge3A_44 : i32
      %convert_element_type3A_46 = arith.extui %ge3A_45 : i1 to i32
      %cond3A_47 = arith.constant 0 : i32
      %cond3A_48 = arith.cmpi ne, %convert_element_type3A_46, %cond3A_47 : i32
      scf.if %cond3A_48 {
        %dma_wait3A_124 = arith.constant 0 : i32
        %dma_wait3A_125 = tpu.memref_slice %arg26[%dma_wait3A_124] : memref<10240xf32, #tpu.memory_space<vmem_shared>> -> memref<10240xf32, #tpu.memory_space<vmem_shared>>
        tpu.wait_indirect_dma semaphore(%arg23 : memref<!tpu.dma_semaphore, #tpu.memory_space<semaphore_mem>>) src(%arg11 : memref<80xf32, #tpu.memory_space<vmem>>) dst(%dma_wait3A_125 : memref<10240xf32, #tpu.memory_space<vmem_shared>>)
      } else {
      }
      %add3A_49 = arith.constant 2 : i32
      %add3A_50 = arith.addi %add3A_39, %add3A_49 : i32
      %lt3A = arith.constant 125 : i32
      %lt3A_51 = arith.cmpi slt, %add3A_50, %lt3A : i32
      %convert_element_type3A_52 = arith.extui %lt3A_51 : i1 to i32
      %cond3A_53 = arith.constant 0 : i32
      %cond3A_54 = arith.cmpi ne, %convert_element_type3A_52, %cond3A_53 : i32
      scf.if %cond3A_54 {
        %add3A_124 = arith.constant 2 : i32
        %add3A_125 = arith.addi %add3A_39, %add3A_124 : i32
        %mul3A_126 = arith.constant 80 : i32
        %mul3A_127 = arith.muli %add3A_125, %mul3A_126 : i32
        %add3A_128 = arith.addi %mul3A_4, %mul3A_127 : i32
        %dma_start3A_129 = tpu.memref_slice %arg2[%add3A_128] : memref<320000xi32, #tpu.memory_space<hbm>> -> memref<80xi32, #tpu.memory_space<hbm>>
        %dma_start3A_130 = tpu.memref_slice %arg2[%add3A_128] : memref<320000xi32, #tpu.memory_space<hbm>> -> memref<80xi32, #tpu.memory_space<hbm>>
        tpu.enqueue_dma source(%dma_start3A_130 : memref<80xi32, #tpu.memory_space<hbm>>) target(%arg7 : memref<80xi32, #tpu.memory_space<vmem>>) target_semaphore(%arg15 : memref<!tpu.dma_semaphore, #tpu.memory_space<semaphore_mem>>)
        %add3A_131 = arith.constant 2 : i32
        %add3A_132 = arith.addi %add3A_39, %add3A_131 : i32
        %mul3A_133 = arith.constant 80 : i32
        %mul3A_134 = arith.muli %add3A_132, %mul3A_133 : i32
        %add3A_135 = arith.addi %mul3A_4, %mul3A_134 : i32
        %dma_start3A_136 = tpu.memref_slice %arg3[%add3A_135] : memref<320000xf32, #tpu.memory_space<hbm>> -> memref<80xf32, #tpu.memory_space<hbm>>
        %dma_start3A_137 = tpu.memref_slice %arg3[%add3A_135] : memref<320000xf32, #tpu.memory_space<hbm>> -> memref<80xf32, #tpu.memory_space<hbm>>
        tpu.enqueue_dma source(%dma_start3A_137 : memref<80xf32, #tpu.memory_space<hbm>>) target(%arg11 : memref<80xf32, #tpu.memory_space<vmem>>) target_semaphore(%arg19 : memref<!tpu.dma_semaphore, #tpu.memory_space<semaphore_mem>>)
      } else {
      }
      %mul3A_55 = arith.constant 4 : i32
      %mul3A_56 = arith.muli %scan3A_35, %mul3A_55 : i32
      %add3A_57 = arith.constant 1 : i32
      %add3A_58 = arith.addi %mul3A_56, %add3A_57 : i32
      %ge3A_59 = arith.constant 2 : i32
      %ge3A_60 = arith.cmpi sge, %add3A_58, %ge3A_59 : i32
      %convert_element_type3A_61 = arith.extui %ge3A_60 : i1 to i32
      %cond3A_62 = arith.constant 0 : i32
      %cond3A_63 = arith.cmpi ne, %convert_element_type3A_61, %cond3A_62 : i32
      scf.if %cond3A_63 {
        %dma_wait3A_124 = tpu.memref_slice %arg2[%mul3A_4] : memref<320000xi32, #tpu.memory_space<hbm>> -> memref<80xi32, #tpu.memory_space<hbm>>
        %dma_wait3A_125 = tpu.memref_slice %arg2[%mul3A_4] : memref<320000xi32, #tpu.memory_space<hbm>> -> memref<80xi32, #tpu.memory_space<hbm>>
        tpu.wait_dma2 semaphore(%arg14 : memref<!tpu.dma_semaphore, #tpu.memory_space<semaphore_mem>>) src(%dma_wait3A_125 : memref<80xi32, #tpu.memory_space<hbm>>) dst(%arg6 : memref<80xi32, #tpu.memory_space<vmem>>)
        %dma_wait3A_126 = tpu.memref_slice %arg3[%mul3A_4] : memref<320000xf32, #tpu.memory_space<hbm>> -> memref<80xf32, #tpu.memory_space<hbm>>
        %dma_wait3A_127 = tpu.memref_slice %arg3[%mul3A_4] : memref<320000xf32, #tpu.memory_space<hbm>> -> memref<80xf32, #tpu.memory_space<hbm>>
        tpu.wait_dma2 semaphore(%arg18 : memref<!tpu.dma_semaphore, #tpu.memory_space<semaphore_mem>>) src(%dma_wait3A_127 : memref<80xf32, #tpu.memory_space<hbm>>) dst(%arg10 : memref<80xf32, #tpu.memory_space<vmem>>)
      } else {
      }
      %dma_start3A_64 = arith.constant 0 : i32
      %dma_start3A_65 = tpu.memref_slice %arg26[%dma_start3A_64] : memref<10240xf32, #tpu.memory_space<vmem_shared>> -> memref<10240xf32, #tpu.memory_space<vmem_shared>>
      tpu.enqueue_indirect_dma source(%arg10 : memref<80xf32, #tpu.memory_space<vmem>>) target(%dma_start3A_65 : memref<10240xf32, #tpu.memory_space<vmem_shared>>) offsets(%arg6 : memref<80xi32, #tpu.memory_space<vmem>>) semaphore(%arg22 : memref<!tpu.dma_semaphore, #tpu.memory_space<semaphore_mem>>) {add = true}
      %ge3A_66 = arith.constant 2 : i32
      %ge3A_67 = arith.cmpi sge, %add3A_58, %ge3A_66 : i32
      %convert_element_type3A_68 = arith.extui %ge3A_67 : i1 to i32
      %cond3A_69 = arith.constant 0 : i32
      %cond3A_70 = arith.cmpi ne, %convert_element_type3A_68, %cond3A_69 : i32
      scf.if %cond3A_70 {
        %dma_wait3A_124 = arith.constant 0 : i32
        %dma_wait3A_125 = tpu.memref_slice %arg26[%dma_wait3A_124] : memref<10240xf32, #tpu.memory_space<vmem_shared>> -> memref<10240xf32, #tpu.memory_space<vmem_shared>>
        tpu.wait_indirect_dma semaphore(%arg24 : memref<!tpu.dma_semaphore, #tpu.memory_space<semaphore_mem>>) src(%arg12 : memref<80xf32, #tpu.memory_space<vmem>>) dst(%dma_wait3A_125 : memref<10240xf32, #tpu.memory_space<vmem_shared>>)
      } else {
      }
      %add3A_71 = arith.constant 2 : i32
      %add3A_72 = arith.addi %add3A_58, %add3A_71 : i32
      %lt3A_73 = arith.constant 125 : i32
      %lt3A_74 = arith.cmpi slt, %add3A_72, %lt3A_73 : i32
      %convert_element_type3A_75 = arith.extui %lt3A_74 : i1 to i32
      %cond3A_76 = arith.constant 0 : i32
      %cond3A_77 = arith.cmpi ne, %convert_element_type3A_75, %cond3A_76 : i32
      scf.if %cond3A_77 {
        %add3A_124 = arith.constant 2 : i32
        %add3A_125 = arith.addi %add3A_58, %add3A_124 : i32
        %mul3A_126 = arith.constant 80 : i32
        %mul3A_127 = arith.muli %add3A_125, %mul3A_126 : i32
        %add3A_128 = arith.addi %mul3A_4, %mul3A_127 : i32
        %dma_start3A_129 = tpu.memref_slice %arg2[%add3A_128] : memref<320000xi32, #tpu.memory_space<hbm>> -> memref<80xi32, #tpu.memory_space<hbm>>
        %dma_start3A_130 = tpu.memref_slice %arg2[%add3A_128] : memref<320000xi32, #tpu.memory_space<hbm>> -> memref<80xi32, #tpu.memory_space<hbm>>
        tpu.enqueue_dma source(%dma_start3A_130 : memref<80xi32, #tpu.memory_space<hbm>>) target(%arg8 : memref<80xi32, #tpu.memory_space<vmem>>) target_semaphore(%arg16 : memref<!tpu.dma_semaphore, #tpu.memory_space<semaphore_mem>>)
        %add3A_131 = arith.constant 2 : i32
        %add3A_132 = arith.addi %add3A_58, %add3A_131 : i32
        %mul3A_133 = arith.constant 80 : i32
        %mul3A_134 = arith.muli %add3A_132, %mul3A_133 : i32
        %add3A_135 = arith.addi %mul3A_4, %mul3A_134 : i32
        %dma_start3A_136 = tpu.memref_slice %arg3[%add3A_135] : memref<320000xf32, #tpu.memory_space<hbm>> -> memref<80xf32, #tpu.memory_space<hbm>>
        %dma_start3A_137 = tpu.memref_slice %arg3[%add3A_135] : memref<320000xf32, #tpu.memory_space<hbm>> -> memref<80xf32, #tpu.memory_space<hbm>>
        tpu.enqueue_dma source(%dma_start3A_137 : memref<80xf32, #tpu.memory_space<hbm>>) target(%arg12 : memref<80xf32, #tpu.memory_space<vmem>>) target_semaphore(%arg20 : memref<!tpu.dma_semaphore, #tpu.memory_space<semaphore_mem>>)
      } else {
      }
      %mul3A_78 = arith.constant 4 : i32
      %mul3A_79 = arith.muli %scan3A_35, %mul3A_78 : i32
      %add3A_80 = arith.constant 2 : i32
      %add3A_81 = arith.addi %mul3A_79, %add3A_80 : i32
      %ge3A_82 = arith.constant 2 : i32
      %ge3A_83 = arith.cmpi sge, %add3A_81, %ge3A_82 : i32
      %convert_element_type3A_84 = arith.extui %ge3A_83 : i1 to i32
      %cond3A_85 = arith.constant 0 : i32
      %cond3A_86 = arith.cmpi ne, %convert_element_type3A_84, %cond3A_85 : i32
      scf.if %cond3A_86 {
        %dma_wait3A_124 = tpu.memref_slice %arg2[%mul3A_4] : memref<320000xi32, #tpu.memory_space<hbm>> -> memref<80xi32, #tpu.memory_space<hbm>>
        %dma_wait3A_125 = tpu.memref_slice %arg2[%mul3A_4] : memref<320000xi32, #tpu.memory_space<hbm>> -> memref<80xi32, #tpu.memory_space<hbm>>
        tpu.wait_dma2 semaphore(%arg15 : memref<!tpu.dma_semaphore, #tpu.memory_space<semaphore_mem>>) src(%dma_wait3A_125 : memref<80xi32, #tpu.memory_space<hbm>>) dst(%arg7 : memref<80xi32, #tpu.memory_space<vmem>>)
        %dma_wait3A_126 = tpu.memref_slice %arg3[%mul3A_4] : memref<320000xf32, #tpu.memory_space<hbm>> -> memref<80xf32, #tpu.memory_space<hbm>>
        %dma_wait3A_127 = tpu.memref_slice %arg3[%mul3A_4] : memref<320000xf32, #tpu.memory_space<hbm>> -> memref<80xf32, #tpu.memory_space<hbm>>
        tpu.wait_dma2 semaphore(%arg19 : memref<!tpu.dma_semaphore, #tpu.memory_space<semaphore_mem>>) src(%dma_wait3A_127 : memref<80xf32, #tpu.memory_space<hbm>>) dst(%arg11 : memref<80xf32, #tpu.memory_space<vmem>>)
      } else {
      }
      %dma_start3A_87 = arith.constant 0 : i32
      %dma_start3A_88 = tpu.memref_slice %arg26[%dma_start3A_87] : memref<10240xf32, #tpu.memory_space<vmem_shared>> -> memref<10240xf32, #tpu.memory_space<vmem_shared>>
      tpu.enqueue_indirect_dma source(%arg11 : memref<80xf32, #tpu.memory_space<vmem>>) target(%dma_start3A_88 : memref<10240xf32, #tpu.memory_space<vmem_shared>>) offsets(%arg7 : memref<80xi32, #tpu.memory_space<vmem>>) semaphore(%arg23 : memref<!tpu.dma_semaphore, #tpu.memory_space<semaphore_mem>>) {add = true}
      %ge3A_89 = arith.constant 2 : i32
      %ge3A_90 = arith.cmpi sge, %add3A_81, %ge3A_89 : i32
      %convert_element_type3A_91 = arith.extui %ge3A_90 : i1 to i32
      %cond3A_92 = arith.constant 0 : i32
      %cond3A_93 = arith.cmpi ne, %convert_element_type3A_91, %cond3A_92 : i32
      scf.if %cond3A_93 {
        %dma_wait3A_124 = arith.constant 0 : i32
        %dma_wait3A_125 = tpu.memref_slice %arg26[%dma_wait3A_124] : memref<10240xf32, #tpu.memory_space<vmem_shared>> -> memref<10240xf32, #tpu.memory_space<vmem_shared>>
        tpu.wait_indirect_dma semaphore(%arg21 : memref<!tpu.dma_semaphore, #tpu.memory_space<semaphore_mem>>) src(%arg9 : memref<80xf32, #tpu.memory_space<vmem>>) dst(%dma_wait3A_125 : memref<10240xf32, #tpu.memory_space<vmem_shared>>)
      } else {
      }
      %add3A_94 = arith.constant 2 : i32
      %add3A_95 = arith.addi %add3A_81, %add3A_94 : i32
      %lt3A_96 = arith.constant 125 : i32
      %lt3A_97 = arith.cmpi slt, %add3A_95, %lt3A_96 : i32
      %convert_element_type3A_98 = arith.extui %lt3A_97 : i1 to i32
      %cond3A_99 = arith.constant 0 : i32
      %cond3A_100 = arith.cmpi ne, %convert_element_type3A_98, %cond3A_99 : i32
      scf.if %cond3A_100 {
        %add3A_124 = arith.constant 2 : i32
        %add3A_125 = arith.addi %add3A_81, %add3A_124 : i32
        %mul3A_126 = arith.constant 80 : i32
        %mul3A_127 = arith.muli %add3A_125, %mul3A_126 : i32
        %add3A_128 = arith.addi %mul3A_4, %mul3A_127 : i32
        %dma_start3A_129 = tpu.memref_slice %arg2[%add3A_128] : memref<320000xi32, #tpu.memory_space<hbm>> -> memref<80xi32, #tpu.memory_space<hbm>>
        %dma_start3A_130 = tpu.memref_slice %arg2[%add3A_128] : memref<320000xi32, #tpu.memory_space<hbm>> -> memref<80xi32, #tpu.memory_space<hbm>>
        tpu.enqueue_dma source(%dma_start3A_130 : memref<80xi32, #tpu.memory_space<hbm>>) target(%arg5 : memref<80xi32, #tpu.memory_space<vmem>>) target_semaphore(%arg13 : memref<!tpu.dma_semaphore, #tpu.memory_space<semaphore_mem>>)
        %add3A_131 = arith.constant 2 : i32
        %add3A_132 = arith.addi %add3A_81, %add3A_131 : i32
        %mul3A_133 = arith.constant 80 : i32
        %mul3A_134 = arith.muli %add3A_132, %mul3A_133 : i32
        %add3A_135 = arith.addi %mul3A_4, %mul3A_134 : i32
        %dma_start3A_136 = tpu.memref_slice %arg3[%add3A_135] : memref<320000xf32, #tpu.memory_space<hbm>> -> memref<80xf32, #tpu.memory_space<hbm>>
        %dma_start3A_137 = tpu.memref_slice %arg3[%add3A_135] : memref<320000xf32, #tpu.memory_space<hbm>> -> memref<80xf32, #tpu.memory_space<hbm>>
        tpu.enqueue_dma source(%dma_start3A_137 : memref<80xf32, #tpu.memory_space<hbm>>) target(%arg9 : memref<80xf32, #tpu.memory_space<vmem>>) target_semaphore(%arg17 : memref<!tpu.dma_semaphore, #tpu.memory_space<semaphore_mem>>)
      } else {
      }
      %mul3A_101 = arith.constant 4 : i32
      %mul3A_102 = arith.muli %scan3A_35, %mul3A_101 : i32
      %add3A_103 = arith.constant 3 : i32
      %add3A_104 = arith.addi %mul3A_102, %add3A_103 : i32
      %ge3A_105 = arith.constant 2 : i32
      %ge3A_106 = arith.cmpi sge, %add3A_104, %ge3A_105 : i32
      %convert_element_type3A_107 = arith.extui %ge3A_106 : i1 to i32
      %cond3A_108 = arith.constant 0 : i32
      %cond3A_109 = arith.cmpi ne, %convert_element_type3A_107, %cond3A_108 : i32
      scf.if %cond3A_109 {
        %dma_wait3A_124 = tpu.memref_slice %arg2[%mul3A_4] : memref<320000xi32, #tpu.memory_space<hbm>> -> memref<80xi32, #tpu.memory_space<hbm>>
        %dma_wait3A_125 = tpu.memref_slice %arg2[%mul3A_4] : memref<320000xi32, #tpu.memory_space<hbm>> -> memref<80xi32, #tpu.memory_space<hbm>>
        tpu.wait_dma2 semaphore(%arg16 : memref<!tpu.dma_semaphore, #tpu.memory_space<semaphore_mem>>) src(%dma_wait3A_125 : memref<80xi32, #tpu.memory_space<hbm>>) dst(%arg8 : memref<80xi32, #tpu.memory_space<vmem>>)
        %dma_wait3A_126 = tpu.memref_slice %arg3[%mul3A_4] : memref<320000xf32, #tpu.memory_space<hbm>> -> memref<80xf32, #tpu.memory_space<hbm>>
        %dma_wait3A_127 = tpu.memref_slice %arg3[%mul3A_4] : memref<320000xf32, #tpu.memory_space<hbm>> -> memref<80xf32, #tpu.memory_space<hbm>>
        tpu.wait_dma2 semaphore(%arg20 : memref<!tpu.dma_semaphore, #tpu.memory_space<semaphore_mem>>) src(%dma_wait3A_127 : memref<80xf32, #tpu.memory_space<hbm>>) dst(%arg12 : memref<80xf32, #tpu.memory_space<vmem>>)
      } else {
      }
      %dma_start3A_110 = arith.constant 0 : i32
      %dma_start3A_111 = tpu.memref_slice %arg26[%dma_start3A_110] : memref<10240xf32, #tpu.memory_space<vmem_shared>> -> memref<10240xf32, #tpu.memory_space<vmem_shared>>
      tpu.enqueue_indirect_dma source(%arg12 : memref<80xf32, #tpu.memory_space<vmem>>) target(%dma_start3A_111 : memref<10240xf32, #tpu.memory_space<vmem_shared>>) offsets(%arg8 : memref<80xi32, #tpu.memory_space<vmem>>) semaphore(%arg24 : memref<!tpu.dma_semaphore, #tpu.memory_space<semaphore_mem>>) {add = true}
      %ge3A_112 = arith.constant 2 : i32
      %ge3A_113 = arith.cmpi sge, %add3A_104, %ge3A_112 : i32
      %convert_element_type3A_114 = arith.extui %ge3A_113 : i1 to i32
      %cond3A_115 = arith.constant 0 : i32
      %cond3A_116 = arith.cmpi ne, %convert_element_type3A_114, %cond3A_115 : i32
      scf.if %cond3A_116 {
        %dma_wait3A_124 = arith.constant 0 : i32
        %dma_wait3A_125 = tpu.memref_slice %arg26[%dma_wait3A_124] : memref<10240xf32, #tpu.memory_space<vmem_shared>> -> memref<10240xf32, #tpu.memory_space<vmem_shared>>
        tpu.wait_indirect_dma semaphore(%arg22 : memref<!tpu.dma_semaphore, #tpu.memory_space<semaphore_mem>>) src(%arg10 : memref<80xf32, #tpu.memory_space<vmem>>) dst(%dma_wait3A_125 : memref<10240xf32, #tpu.memory_space<vmem_shared>>)
      } else {
      }
      %add3A_117 = arith.constant 2 : i32
      %add3A_118 = arith.addi %add3A_104, %add3A_117 : i32
      %lt3A_119 = arith.constant 125 : i32
      %lt3A_120 = arith.cmpi slt, %add3A_118, %lt3A_119 : i32
      %convert_element_type3A_121 = arith.extui %lt3A_120 : i1 to i32
      %cond3A_122 = arith.constant 0 : i32
      %cond3A_123 = arith.cmpi ne, %convert_element_type3A_121, %cond3A_122 : i32
      scf.if %cond3A_123 {
        %add3A_124 = arith.constant 2 : i32
        %add3A_125 = arith.addi %add3A_104, %add3A_124 : i32
        %mul3A_126 = arith.constant 80 : i32
        %mul3A_127 = arith.muli %add3A_125, %mul3A_126 : i32
        %add3A_128 = arith.addi %mul3A_4, %mul3A_127 : i32
        %dma_start3A_129 = tpu.memref_slice %arg2[%add3A_128] : memref<320000xi32, #tpu.memory_space<hbm>> -> memref<80xi32, #tpu.memory_space<hbm>>
        %dma_start3A_130 = tpu.memref_slice %arg2[%add3A_128] : memref<320000xi32, #tpu.memory_space<hbm>> -> memref<80xi32, #tpu.memory_space<hbm>>
        tpu.enqueue_dma source(%dma_start3A_130 : memref<80xi32, #tpu.memory_space<hbm>>) target(%arg6 : memref<80xi32, #tpu.memory_space<vmem>>) target_semaphore(%arg14 : memref<!tpu.dma_semaphore, #tpu.memory_space<semaphore_mem>>)
        %add3A_131 = arith.constant 2 : i32
        %add3A_132 = arith.addi %add3A_104, %add3A_131 : i32
        %mul3A_133 = arith.constant 80 : i32
        %mul3A_134 = arith.muli %add3A_132, %mul3A_133 : i32
        %add3A_135 = arith.addi %mul3A_4, %mul3A_134 : i32
        %dma_start3A_136 = tpu.memref_slice %arg3[%add3A_135] : memref<320000xf32, #tpu.memory_space<hbm>> -> memref<80xf32, #tpu.memory_space<hbm>>
        %dma_start3A_137 = tpu.memref_slice %arg3[%add3A_135] : memref<320000xf32, #tpu.memory_space<hbm>> -> memref<80xf32, #tpu.memory_space<hbm>>
        tpu.enqueue_dma source(%dma_start3A_137 : memref<80xf32, #tpu.memory_space<hbm>>) target(%arg10 : memref<80xf32, #tpu.memory_space<vmem>>) target_semaphore(%arg18 : memref<!tpu.dma_semaphore, #tpu.memory_space<semaphore_mem>>)
      } else {
      }
    }
    %scan3A_23 = arith.constant 31 : i32
    %dma_wait3A = tpu.memref_slice %arg2[%mul3A_4] : memref<320000xi32, #tpu.memory_space<hbm>> -> memref<80xi32, #tpu.memory_space<hbm>>
    %dma_wait3A_24 = tpu.memref_slice %arg2[%mul3A_4] : memref<320000xi32, #tpu.memory_space<hbm>> -> memref<80xi32, #tpu.memory_space<hbm>>
    tpu.wait_dma2 semaphore(%arg13 : memref<!tpu.dma_semaphore, #tpu.memory_space<semaphore_mem>>) src(%dma_wait3A_24 : memref<80xi32, #tpu.memory_space<hbm>>) dst(%arg5 : memref<80xi32, #tpu.memory_space<vmem>>)
    %dma_wait3A_25 = tpu.memref_slice %arg3[%mul3A_4] : memref<320000xf32, #tpu.memory_space<hbm>> -> memref<80xf32, #tpu.memory_space<hbm>>
    %dma_wait3A_26 = tpu.memref_slice %arg3[%mul3A_4] : memref<320000xf32, #tpu.memory_space<hbm>> -> memref<80xf32, #tpu.memory_space<hbm>>
    tpu.wait_dma2 semaphore(%arg17 : memref<!tpu.dma_semaphore, #tpu.memory_space<semaphore_mem>>) src(%dma_wait3A_26 : memref<80xf32, #tpu.memory_space<hbm>>) dst(%arg9 : memref<80xf32, #tpu.memory_space<vmem>>)
    %dma_start3A = arith.constant 0 : i32
    %dma_start3A_27 = tpu.memref_slice %arg26[%dma_start3A] : memref<10240xf32, #tpu.memory_space<vmem_shared>> -> memref<10240xf32, #tpu.memory_space<vmem_shared>>
    tpu.enqueue_indirect_dma source(%arg9 : memref<80xf32, #tpu.memory_space<vmem>>) target(%dma_start3A_27 : memref<10240xf32, #tpu.memory_space<vmem_shared>>) offsets(%arg5 : memref<80xi32, #tpu.memory_space<vmem>>) semaphore(%arg21 : memref<!tpu.dma_semaphore, #tpu.memory_space<semaphore_mem>>) {add = true}
    %dma_wait3A_28 = arith.constant 0 : i32
    %dma_wait3A_29 = tpu.memref_slice %arg26[%dma_wait3A_28] : memref<10240xf32, #tpu.memory_space<vmem_shared>> -> memref<10240xf32, #tpu.memory_space<vmem_shared>>
    tpu.wait_indirect_dma semaphore(%arg23 : memref<!tpu.dma_semaphore, #tpu.memory_space<semaphore_mem>>) src(%arg11 : memref<80xf32, #tpu.memory_space<vmem>>) dst(%dma_wait3A_29 : memref<10240xf32, #tpu.memory_space<vmem_shared>>)
    %dma_wait3A_30 = arith.constant 0 : i32
    %dma_wait3A_31 = tpu.memref_slice %arg26[%dma_wait3A_30] : memref<10240xf32, #tpu.memory_space<vmem_shared>> -> memref<10240xf32, #tpu.memory_space<vmem_shared>>
    tpu.wait_indirect_dma semaphore(%arg24 : memref<!tpu.dma_semaphore, #tpu.memory_space<semaphore_mem>>) src(%arg12 : memref<80xf32, #tpu.memory_space<vmem>>) dst(%dma_wait3A_31 : memref<10240xf32, #tpu.memory_space<vmem_shared>>)
    %dma_wait3A_32 = arith.constant 0 : i32
    %dma_wait3A_33 = tpu.memref_slice %arg26[%dma_wait3A_32] : memref<10240xf32, #tpu.memory_space<vmem_shared>> -> memref<10240xf32, #tpu.memory_space<vmem_shared>>
    tpu.wait_indirect_dma semaphore(%arg21 : memref<!tpu.dma_semaphore, #tpu.memory_space<semaphore_mem>>) src(%arg9 : memref<80xf32, #tpu.memory_space<vmem>>) dst(%dma_wait3A_33 : memref<10240xf32, #tpu.memory_space<vmem_shared>>)
    %barrier3A_34 = arith.constant 0 : index
    tpu.barrier barrier_id(%barrier3A_34)
    "tpu.region"() ({
      %run_scoped3A = tpu.sem_alloc : memref<!tpu.dma_semaphore, #tpu.memory_space<semaphore_mem>>
      %dma_start3A_35 = tpu.memref_slice %arg4[%arg0, %mul3A_2] : memref<2x10240xf32, #tpu.memory_space<hbm>> -> memref<1x640xf32, #tpu.memory_space<hbm>>
      %dma_start3A_36 = tpu.memref_squeeze %dma_start3A_35 : memref<1x640xf32, #tpu.memory_space<hbm>> -> memref<640xf32, #tpu.memory_space<hbm>>
      %dma_start3A_37 = tpu.memref_slice %arg26[%mul3A_2] : memref<10240xf32, #tpu.memory_space<vmem_shared>> -> memref<640xf32, #tpu.memory_space<vmem_shared>>
      tpu.enqueue_dma source(%dma_start3A_37 : memref<640xf32, #tpu.memory_space<vmem_shared>>) target(%dma_start3A_36 : memref<640xf32, #tpu.memory_space<hbm>>) target_semaphore(%run_scoped3A : memref<!tpu.dma_semaphore, #tpu.memory_space<semaphore_mem>>)
      %dma_wait3A_38 = tpu.memref_slice %arg4[%arg0, %mul3A_2] : memref<2x10240xf32, #tpu.memory_space<hbm>> -> memref<1x640xf32, #tpu.memory_space<hbm>>
      %dma_wait3A_39 = tpu.memref_squeeze %dma_wait3A_38 : memref<1x640xf32, #tpu.memory_space<hbm>> -> memref<640xf32, #tpu.memory_space<hbm>>
      %dma_wait3A_40 = tpu.memref_slice %arg26[%mul3A_2] : memref<10240xf32, #tpu.memory_space<vmem_shared>> -> memref<640xf32, #tpu.memory_space<vmem_shared>>
      tpu.wait_dma2 semaphore(%run_scoped3A : memref<!tpu.dma_semaphore, #tpu.memory_space<semaphore_mem>>) src(%dma_wait3A_40 : memref<640xf32, #tpu.memory_space<vmem_shared>>) dst(%dma_wait3A_39 : memref<640xf32, #tpu.memory_space<hbm>>)
      tpu.yield
    }) : () -> ()
    return
  }
}

module attributes {stable_mosaic.version = 14 : i64} {
  func.func @_tc_mm_body(%arg0: i32, %arg1: memref<400x128xf32, #tpu.memory_space<vmem>>, %arg2: memref<128x128xf32, #tpu.memory_space<vmem>>, %arg3: memref<400x128xf32, #tpu.memory_space<vmem>>) attributes {dimension_semantics = [#tpu.dimension_semantics<arbitrary>], iteration_bounds = array<i64: 25>, scalar_prefetch = 0 : i64, scratch_operands = 0 : i64, tpu.core_type = #tpu.core_type<tc>, window_params = [{transform_indices = @transform_0, window_bounds = array<i64: 400, 128>}, {pipeline_mode = #tpu.pipeline_mode<synchronous>, transform_indices = @transform_1, window_bounds = array<i64: 128, 128>}, {transform_indices = @transform_2, window_bounds = array<i64: 400, 128>}]} {
    %get3A = arith.constant 0 : index
    %get3A_0 = arith.constant 0 : index
    %get3A_1 = vector.load %arg1[%get3A, %get3A_0] : memref<400x128xf32, #tpu.memory_space<vmem>>, vector<400x128xf32>
    %get3A_2 = arith.constant 0 : index
    %get3A_3 = arith.constant 0 : index
    %get3A_4 = vector.load %arg2[%get3A_2, %get3A_3] : memref<128x128xf32, #tpu.memory_space<vmem>>, vector<128x128xf32>
    %dot_general3A = arith.constant dense<0.000000e+00> : vector<400x128xf32>
    %dot_general3A_5 = tpu.matmul %get3A_1, %get3A_4, %dot_general3A {dimension_numbers = #tpu.dot_dimension_numbers<[1], [0], [0], [1], [0, 0, 1, 1], [], []>, transpose_lhs_hint = false} : vector<400x128xf32>, vector<128x128xf32>, vector<400x128xf32> -> vector<400x128xf32>
    %swap3A = arith.constant 0 : index
    %swap3A_6 = arith.constant 0 : index
    %swap3A_7 = vector.load %arg3[%swap3A, %swap3A_6] : memref<400x128xf32, #tpu.memory_space<vmem>>, vector<400x128xf32>
    tpu.vector_store %arg3[%swap3A, %swap3A_6], %dot_general3A_5 {strides = array<i32>} : memref<400x128xf32, #tpu.memory_space<vmem>>, vector<400x128xf32>,
    return
  }
  func.func @transform_0(%arg0: i32) -> (i32, i32) {
    %c0_i32 = arith.constant 0 : i32
    %c0_i32_0 = arith.constant 0 : i32
    return %arg0, %c0_i32 : i32, i32
  }
  func.func @transform_1(%arg0: i32) -> (i32, i32) {
    %c0_i32 = arith.constant 0 : i32
    %c0_i32_0 = arith.constant 0 : i32
    %c0_i32_1 = arith.constant 0 : i32
    return %c0_i32, %c0_i32_0 : i32, i32
  }
  func.func @transform_2(%arg0: i32) -> (i32, i32) {
    %c0_i32 = arith.constant 0 : i32
    %c0_i32_0 = arith.constant 0 : i32
    return %arg0, %c0_i32 : i32, i32
  }
}

module attributes {stable_mosaic.version = 14 : i64} {
  func.func @_tc_dis_body(%arg0: memref<2x10240xf32, #tpu.memory_space<vmem>>, %arg1: memref<1x10240xf32, #tpu.memory_space<vmem>>) attributes {dimension_semantics = [], scalar_prefetch = 0 : i64, scratch_operands = 0 : i64, tpu.core_type = #tpu.core_type<tc>} {
    %get3A = arith.constant 0 : index
    %get3A_0 = arith.constant 0 : index
    %get3A_1 = vector.load %arg0[%get3A, %get3A_0] : memref<2x10240xf32, #tpu.memory_space<vmem>>, vector<1x10240xf32>
    %add3A = arith.constant 1.000000e+00 : f32
    %add3A_2 = vector.broadcast %add3A : f32 to vector<1x10240xf32>
    %add3A_3 = arith.addf %add3A_2, %get3A_1 : vector<1x10240xf32>
    %get3A_4 = arith.constant 1 : index
    %get3A_5 = arith.constant 0 : index
    %get3A_6 = vector.load %arg0[%get3A_4, %get3A_5] : memref<2x10240xf32, #tpu.memory_space<vmem>>, vector<1x10240xf32>
    %add3A_7 = arith.addf %add3A_3, %get3A_6 : vector<1x10240xf32>
    %rsqrt3A = math.rsqrt %add3A_7 : vector<1x10240xf32>
    %swap3A = arith.constant 0 : index
    %swap3A_8 = arith.constant 0 : index
    %swap3A_9 = vector.load %arg1[%swap3A, %swap3A_8] : memref<1x10240xf32, #tpu.memory_space<vmem>>, vector<1x10240xf32>
    tpu.vector_store %arg1[%swap3A, %swap3A_8], %rsqrt3A {strides = array<i32>} : memref<1x10240xf32, #tpu.memory_space<vmem>>, vector<1x10240xf32>,
    return
  }
}

module attributes {stable_mosaic.version = 14 : i64} {
  func.func @_tc_fin_body(%arg0: i32, %arg1: memref<2x400x128xf32, #tpu.memory_space<vmem>>, %arg2: memref<400x128xf32, #tpu.memory_space<vmem>>, %arg3: memref<400x1xf32, #tpu.memory_space<vmem>>, %arg4: memref<1x128xf32, #tpu.memory_space<vmem>>, %arg5: memref<1x128xf32, #tpu.memory_space<vmem>>, %arg6: memref<400x128xf32, #tpu.memory_space<vmem>>) attributes {dimension_semantics = [#tpu.dimension_semantics<arbitrary>], iteration_bounds = array<i64: 25>, scalar_prefetch = 0 : i64, scratch_operands = 0 : i64, tpu.core_type = #tpu.core_type<tc>, window_params = [{transform_indices = @transform_0, window_bounds = array<i64: 2, 400, 128>}, {transform_indices = @transform_1, window_bounds = array<i64: 400, 128>}, {transform_indices = @transform_2, window_bounds = array<i64: 400, 1>}, {pipeline_mode = #tpu.pipeline_mode<synchronous>, transform_indices = @transform_3, window_bounds = array<i64: 1, 128>}, {pipeline_mode = #tpu.pipeline_mode<synchronous>, transform_indices = @transform_4, window_bounds = array<i64: 1, 128>}, {transform_indices = @transform_5, window_bounds = array<i64: 400, 128>}]} {
    %get3A = arith.constant 0 : index
    %get3A_0 = arith.constant 0 : index
    %get3A_1 = vector.load %arg3[%get3A, %get3A_0] : memref<400x1xf32, #tpu.memory_space<vmem>>, vector<400x1xf32>
    %get3A_2 = arith.constant 0 : index
    %get3A_3 = arith.constant 0 : index
    %get3A_4 = arith.constant 0 : index
    %get3A_5 = vector.load %arg1[%get3A_2, %get3A_3, %get3A_4] : memref<2x400x128xf32, #tpu.memory_space<vmem>>, vector<1x400x128xf32>
    %get3A_6 = vector.shape_cast %get3A_5 : vector<1x400x128xf32> to vector<400x128xf32>
    %get3A_7 = arith.constant 1 : index
    %get3A_8 = arith.constant 0 : index
    %get3A_9 = arith.constant 0 : index
    %get3A_10 = vector.load %arg1[%get3A_7, %get3A_8, %get3A_9] : memref<2x400x128xf32, #tpu.memory_space<vmem>>, vector<1x400x128xf32>
    %get3A_11 = vector.shape_cast %get3A_10 : vector<1x400x128xf32> to vector<400x128xf32>
    %add3A = arith.addf %get3A_6, %get3A_11 : vector<400x128xf32>
    %get3A_12 = arith.constant 0 : index
    %get3A_13 = arith.constant 0 : index
    %get3A_14 = vector.load %arg2[%get3A_12, %get3A_13] : memref<400x128xf32, #tpu.memory_space<vmem>>, vector<400x128xf32>
    %mul3A = vector.broadcast %get3A_1 : vector<400x1xf32> to vector<400x128xf32>
    %mul3A_15 = arith.mulf %mul3A, %get3A_14 : vector<400x128xf32>
    %add3A_16 = arith.addf %add3A, %mul3A_15 : vector<400x128xf32>
    %mul3A_17 = vector.broadcast %get3A_1 : vector<400x1xf32> to vector<400x128xf32>
    %mul3A_18 = arith.mulf %mul3A_17, %add3A_16 : vector<400x128xf32>
    %get3A_19 = arith.constant 0 : index
    %get3A_20 = arith.constant 0 : index
    %get3A_21 = vector.load %arg4[%get3A_19, %get3A_20] : memref<1x128xf32, #tpu.memory_space<vmem>>, vector<1x128xf32>
    %add3A_22 = vector.broadcast %get3A_21 : vector<1x128xf32> to vector<400x128xf32>
    %add3A_23 = arith.addf %mul3A_18, %add3A_22 : vector<400x128xf32>
    %ge3A = arith.constant 0.000000e+00 : f32
    %ge3A_24 = vector.broadcast %ge3A : f32 to vector<400x128xf32>
    %ge3A_25 = arith.cmpf oge, %add3A_23, %ge3A_24 : vector<400x128xf32>
    %get3A_26 = arith.constant 0 : index
    %get3A_27 = arith.constant 0 : index
    %get3A_28 = vector.load %arg5[%get3A_26, %get3A_27] : memref<1x128xf32, #tpu.memory_space<vmem>>, vector<1x128xf32>
    %mul3A_29 = vector.broadcast %get3A_28 : vector<1x128xf32> to vector<400x128xf32>
    %mul3A_30 = arith.mulf %mul3A_29, %add3A_23 : vector<400x128xf32>
    %select_n3A = arith.select %ge3A_25, %add3A_23, %mul3A_30 : vector<400x128xi1>, vector<400x128xf32>
    %swap3A = arith.constant 0 : index
    %swap3A_31 = arith.constant 0 : index
    %swap3A_32 = vector.load %arg6[%swap3A, %swap3A_31] : memref<400x128xf32, #tpu.memory_space<vmem>>, vector<400x128xf32>
    tpu.vector_store %arg6[%swap3A, %swap3A_31], %select_n3A {strides = array<i32>} : memref<400x128xf32, #tpu.memory_space<vmem>>, vector<400x128xf32>,
    return
  }
  func.func @transform_0(%arg0: i32) -> (i32, i32, i32) {
    %c0_i32 = arith.constant 0 : i32
    %c0_i32_0 = arith.constant 0 : i32
    %c0_i32_1 = arith.constant 0 : i32
    return %c0_i32, %arg0, %c0_i32_0 : i32, i32, i32
  }
  func.func @transform_1(%arg0: i32) -> (i32, i32) {
    %c0_i32 = arith.constant 0 : i32
    %c0_i32_0 = arith.constant 0 : i32
    return %arg0, %c0_i32 : i32, i32
  }
  func.func @transform_2(%arg0: i32) -> (i32, i32) {
    %c0_i32 = arith.constant 0 : i32
    %c0_i32_0 = arith.constant 0 : i32
    return %arg0, %c0_i32 : i32, i32
  }
  func.func @transform_3(%arg0: i32) -> (i32, i32) {
    %c0_i32 = arith.constant 0 : i32
    %c0_i32_0 = arith.constant 0 : i32
    %c0_i32_1 = arith.constant 0 : i32
    return %c0_i32, %c0_i32_0 : i32, i32
  }
  func.func @transform_4(%arg0: i32) -> (i32, i32) {
    %c0_i32 = arith.constant 0 : i32
    %c0_i32_0 = arith.constant 0 : i32
    %c0_i32_1 = arith.constant 0 : i32
    return %c0_i32, %c0_i32_0 : i32, i32
  }
  func.func @transform_5(%arg0: i32) -> (i32, i32) {
    %c0_i32 = arith.constant 0 : i32
    %c0_i32_0 = arith.constant 0 : i32
    return %arg0, %c0_i32 : i32, i32
  }
}

</mosaic_0001>

<sc_bundles>
// kernel: kernel.10.cloned.1.call-start
scs
__scs_entry_jumppad:
0x0: {  	(pc) =	sbr.rel $0x88, $3  }
0x1: {  	(tag) =	ssettag $0x0;
	lr =	simm.s32 $0x1  }
0x2: {  	[smem:$0x3F9B] =	sst lr;
	_ =	strace $0xD0000000  }
0x3: {  	_ = 	snop  }
0x4: {  	_ = 	snop  }
0x5: {  	_ = 	snop  }
0x6: {  	_ = 	snop  }
0x7: {  	_ = 	snop  }
__scs_overlays_trampoline_lowered:
0x8: {  	[smem:$0x3FAA] =	sst s0  }
0x9: {  	[smem:$0x3FAB] =	sst s1  }
0xa: {  	[smem:$0x3FAC] =	sst s2  }
0xb: {  	[smem:$0x3FAD] =	sst s3  }
0xc: {  	[smem:$0x3FAE] =	sst s4  }
0xd: {  	[smem:$0x3FAF] =	sst s5  }
0xe: {  	[smem:$0x3FB0] =	sst s6  }
0xf: {  	[smem:$0x3FB1] =	sst s7  }
0x10: {  	[smem:$0x3FB2] =	sst s8  }
0x11: {  	[smem:$0x3FB3] =	sst s9;
	s0 =	simm.s32 @!p0 $0x0  }
0x12: {  	s1 =	sld [smem:$0x3F99];
	s0 =	simm.s32 @p0 $0x1  }
0x13: {  	[smem:$0x3FB4] =	sst s0;
	s0 =	simm.s32 @!p1 $0x0  }
0x14: {  	s2 =	sld [smem:$0x3F98];
	s0 =	simm.s32 @p1 $0x1  }
0x15: {  	[smem:$0x3FB5] =	sst s0;
	s0 =	simm.s32 @!p2 $0x0  }
0x16: {  	s3 =	sld [smem:$0x3FDB];
	s0 =	simm.s32 @p2 $0x1  }
0x17: {  	s4 =	simm.s32 $0x1BF5;
	[smem:$0x3FB7] =	sst s0  }
0x18: {  	s0 =	sld [smem:$0x3F9A];
	_ =	swait.ge [sflag:s4], $0x0  }
0x19: {  	s7 =	sld [smem:$0x3F9B]  }
0x1a: {  	s8 =	sadd.s32 $0xFFFFE003, lr  }
0x1b: {  	s9 =	sadd.s32 $0xFFFFFEF7, lr;
	s5 =	simm.s32 $0xFFFFFFFF;
	p2 =	slt.u32 s8, $0xFFFFF086  }
0x1c: {  	p1 =	slt.u32 s9, $0xF7A;
	s5 =	simm.s32 @!p2 $0x0  }
0x1d: {  	s5 =	simm.s32 @p1 $0x1;
	p0 =	seq.s32 s7, s2  }
0x1e: {  	s7 =	smul.u32 @!p0 $0xF7A, s2;
	p2 =	seq.s32 @!p0 s5, $0x0  }
0x1f: {  	s9 =	smul.u32 $0xF7A, s1;
	s8 =	simm.s32 @!p0 $0x1BF5;
	p2 =	por !p2, p0  }
0x20: {  	[sflag:s8] =	ssyncset.s32 @!p0 $0xFFFFF086;
	s6 =	sadd.s32 @!p0 s3, s7;
	s7 =	simm.s32 @!p0 $0x108  }
0x21: {  	s3 =	sadd.s32 s3, s9;
	s6 =	sadd.s32 @!p0 $0x88, s6;
	s7 =	simm.s32 @p2 $0x1082  }
0x22: {  	[simem:s7], [sflag:s8] =	dma.local @!p0 [hbm:s6], $0xF7A  }
0x23: {  	s9 =	sor.u32 $0xD0000000, s2;
	s6 =	simm.s32 $0x108;
	_ =	swait.ge @!p0 [sflag:s8], $0x0  }
0x24: {  	s3 =	sadd.s32 $0x88, s3;
	s6 =	simm.s32 @!p1 $0x1082;
	[sflag:s4] =	ssyncset.s32 $0xFFFFF086  }
0x25: {  	[simem:s6], [sflag:s4] =	dma.local [hbm:s3], $0xF7A  }
0x26: {  	[smem:$0x3F9B] =	sst s1;
	(tag) =	ssettag s2;
	_ =	strace s9  }
0x27: {  	s1 =	sld [smem:$0x3FAB]  }
0x28: {  	s2 =	sld [smem:$0x3FAC]  }
0x29: {  	s4 =	sld [smem:$0x3FAE]  }
0x2a: {  	p0 =	seq.s32 s5, $0x0;
	s5 =	sld [smem:$0x3FAF]  }
0x2b: {  	s6 =	sld [smem:$0x3FB0]  }
0x2c: {  	s7 =	sld [smem:$0x3FB1]  }
0x2d: {  	s3 =	simm.s32 $0x108;
	s8 =	sld [smem:$0x3FB2]  }
0x2e: {  	s3 =	simm.s32 @!p0 $0x1082;
	s9 =	sld [smem:$0x3FB3]  }
0x2f: {  	lr =	sadd.s32 s0, s3;
	s0 =	sld [smem:$0x3FAA]  }
0x30: {  	s3 =	sld [smem:$0x3FAD]  }
0x31: {  	[smem:$0x3FB6] =	sst s10  }
0x32: {  	s10 =	sld [smem:$0x3FB4];
	_ =	sdelay $0x3  }
0x33: {  	p0 =	seq.s32 s10, $0x1;
	s10 =	sld [smem:$0x3FB6];
	_ =	sdelay $0x3  }
0x34: {  	[smem:$0x3FB6] =	sst s10  }
0x35: {  	s10 =	sld [smem:$0x3FB5];
	_ =	sdelay $0x3  }
0x36: {  	p1 =	seq.s32 s10, $0x1;
	s10 =	sld [smem:$0x3FB6];
	_ =	sdelay $0x3  }
0x37: {  	[smem:$0x3FB6] =	sst s10  }
0x38: {  	s10 =	sld [smem:$0x3FB7]  }
0x39: {  	_ = 	snop;
	(pc) =	sbr.ind lr, $3  }
0x3a: {  	_ = 	snop  }
0x3b: {  	_ = 	snop  }
0x3c: {  	p2 =	seq.s32 s10, $0x1;
	s10 =	sld [smem:$0x3FB6]  }
0x3d: {  	_ =	shalt  }
0x3e: {  	_ =	shalt  }
0x3f: {  	_ =	shalt  }
0x40: {  	_ =	shalt  }
0x41: {  	_ =	shalt  }
0x42: {  	_ =	shalt  }
0x43: {  	_ =	shalt  }
0x44: {  	_ =	shalt  }
0x45: {  	_ =	shalt  }
0x46: {  	_ =	shalt  }
0x47: {  	_ =	shalt  }
0x48: {  	_ =	shalt  }
0x49: {  	_ =	shalt  }
0x4a: {  	_ =	shalt  }
0x4b: {  	_ =	shalt  }
0x4c: {  	_ =	shalt  }
0x4d: {  	_ =	shalt  }
0x4e: {  	_ =	shalt  }
0x4f: {  	_ =	shalt  }
0x50: {  	_ =	shalt  }
0x51: {  	_ =	shalt  }
0x52: {  	_ =	shalt  }
0x53: {  	_ =	shalt  }
0x54: {  	_ =	shalt  }
0x55: {  	_ =	shalt  }
0x56: {  	_ =	shalt  }
0x57: {  	_ =	shalt  }
0x58: {  	_ =	shalt  }
0x59: {  	_ =	shalt  }
0x5a: {  	_ =	shalt  }
0x5b: {  	_ =	shalt  }
0x5c: {  	_ =	shalt  }
0x5d: {  	_ =	shalt  }
0x5e: {  	_ =	shalt  }
0x5f: {  	_ =	shalt  }
0x60: {  	_ =	shalt  }
0x61: {  	_ =	shalt  }
0x62: {  	_ =	shalt  }
0x63: {  	_ =	shalt  }
0x64: {  	_ =	shalt  }
0x65: {  	_ =	shalt  }
0x66: {  	_ =	shalt  }
0x67: {  	_ =	shalt  }
0x68: {  	_ =	shalt  }
0x69: {  	_ =	shalt  }
0x6a: {  	_ =	shalt  }
0x6b: {  	_ =	shalt  }
0x6c: {  	_ =	shalt  }
0x6d: {  	_ =	shalt  }
0x6e: {  	_ =	shalt  }
0x6f: {  	_ =	shalt  }
0x70: {  	_ =	shalt  }
0x71: {  	_ =	shalt  }
0x72: {  	_ =	shalt  }
0x73: {  	_ =	shalt  }
0x74: {  	_ =	shalt  }
0x75: {  	_ =	shalt  }
0x76: {  	_ =	shalt  }
0x77: {  	_ =	shalt  }
0x78: {  	_ =	shalt  }
0x79: {  	_ =	shalt  }
0x7a: {  	_ =	shalt  }
0x7b: {  	_ =	shalt  }
0x7c: {  	_ =	shalt  }
0x7d: {  	_ =	shalt  }
0x7e: {  	_ =	shalt  }
0x7f: {  	_ =	shalt  }
0x80: {  	_ =	shalt  }
0x81: {  	_ =	shalt  }
0x82: {  	_ =	shalt  }
0x83: {  	_ =	shalt  }
0x84: {  	_ =	shalt  }
0x85: {  	_ =	shalt  }
0x86: {  	_ =	shalt  }
0x87: {  	_ =	shalt  }
.Lfunc_end0:
.L_simem_size_0:
called_computation.1_lowered:
.L_overlay_start_0:
0x88: {  	s2 =	sld [smem:$0x3FD9]  }
0x89: {  	s3 =	sld [smem:$0x3FFE];
	_ =	sdelay $0x1  }
0x8a: {  	s1 =	srdreg.scid  }
0x8b: {  	s0 =	sand.u32 $0x1, s1  }
0x8c: {  	s17 =	sshll.u32 s0, $0xA;
	s2 =	sadd.s32 s3, s2  }
0x8d: {  	s2 =	sadd.s32 s2, s17  }
0x8e: {  	[smem:$0x3FC2] =	sst s2  }
0x8f: {  	_ = 	snop  }
0x90: {  	s2 =	sld [smem:$0x3FC7]  }
0x91: {  	s18 =	sld [smem:$0x3FD0];
	(tm) =	ssettm $0x1  }
0x92: {  	s4 =	sld [smem:$0x3FFB];
	_ =	sdelay $0x3  }
0x93: {  	_ =	strace s4  }
0x94: {  	s4 =	sld [smem:$0x3FFC];
	_ =	sdelay $0x3  }
0x95: {  	_ =	strace s4  }
0x96: {  	s4 =	sld [smem:$0x3FFD];
	_ =	sdelay $0x3  }
0x97: {  	_ =	strace s4  }
0x98: {  	_ =	strace $0x8FFFFFFF  }
0x99: {  	s19 =	sld [smem:$0x3FDB];
	_ =	sdelay $0x1  }
0x9a: {  	s5 =	simm.s32 $_scs_section_size  }
0x9b: {  	s6 =	simm.s32 $_size__tile_overlayer_lowered;
	s7 =	simm.s32 $_tile_overlayer_lowered  }
0x9c: {  	s22 =	simm.s32 $0x1BFF;
	s21 =	sshll.u32 s7, $0x1;
	s4 =	sadd.s32 s5, s19  }
0x9d: {  	s8 =	simm.s32 $0x0;
	s20 =	sshll.u32 s6, $0x1;
	s6 =	sadd.s32 s21, s4  }
0x9e: {  	[timem:s8], [sflag:s22] =	dma.local [hbm:s6], s20  }
0x9f: {  	_ =	swait.ge [sflag:s22], s20  }
0xa0: {  	s5 =	ssub.s32 $0x0, s20;
	[sflag:s22] =	ssyncset.done $0x0  }
0xa1: {  	[sflag:s22] =	ssyncadd.s32 s5;
	_ =	sdelay $0x1  }
0xa2: {  	s23 =	simm.s32 $0x1B8B  }
0xa3: {  	_ =	swait.ge [sflag:s23], $0x1  }
0xa4: {  	[sflag:s23] =	ssyncset.done $0x0  }
0xa5: {  	s25 =	simm.s32 $0x1B8E;
	s24 =	sld [smem:$0x3FFE];
	[sflag:s23] =	ssyncadd.s32 $0xFFFFFFFF  }
0xa6: {  	s26 =	simm.s32 $execute0_lowered;
	[smem:$0x3FD2] =	sst s25  }
0xa7: {  	s6 =	sshll.u32 s26, $0x1;
	_ =	strace $0x80000049;
	[dreg:$0x1] =	wrdreg $0xFFFFFFFF  }
0xa8: {  	s28 =	simm.s32 $_size_execute0_lowered;
	s4 =	sadd.s32 s4, s6;
	[dreg:$0x0] =	wrdreg $0x0  }
0xa9: {  	s6 =	sshll.u32 s28, $0x1;
	[dreg:$0x2] =	wrdreg s4  }
0xaa: {  	[dreg:$0x3] =	wrdreg s6  }
0xab: {  	[dreg:$0x4] =	wrdreg $0xC0  }
0xac: {  	_ =	task [dreg:s8], $0x5FFFF  }
0xad: {  	[dreg:$0x1] =	wrdreg $0xFFFFFFFF  }
0xae: {  	[dreg:$0x0] =	wrdreg $0x60  }
0xaf: {  	[dreg:$0x2] =	wrdreg s18  }
0xb0: {  	[dreg:$0x3] =	wrdreg s24  }
0xb1: {  	[dreg:$0x4] =	wrdreg s2  }
0xb2: {  	[dreg:$0x5] =	wrdreg $0xA4800  }
0xb3: {  	[dreg:$0x6] =	wrdreg $0x9  }
0xb4: {  	_ =	task.clear_ibuf [dreg:s8], $0x7FFFF;
	_ =	strace $0x90000049  }
0xb5: {  	s29 =	simm.s32 $0x9;
	_ =	strace $0x8000004B  }
0xb6: {  	_ =	swait.ge [sflag:s29], $0x1  }
0xb7: {  	[sflag:s29] =	ssyncadd.s32 $0xFFFFFFFF  }
0xb8: {  	_ =	strace $0x9000004B  }
0xb9: {  	_ =	sfence  }
0xba: {  	s30 =	sld [smem:$0x0];
	_ =	sdelay $0x2  }
0xbb: {  	s31 =	sshll.u32 s1, $0xD;
	s1 =	sshrl.u32 s1, $0x2  }
0xbc: {  	s3 =	sand.u32 $0x4000, s31;
	s1 =	sadd.s32 s1, s30  }
0xbd: {  	s0 =	sor.u32 s3, s0;
	s1 =	sshll.u32 s1, $0x11  }
0xbe: {  	s0 =	sor.u32 s1, s0  }
0xbf: {  	s0 =	sadd.s32 $0x8F2B, s0  }
0xc0: {  	[sflag:s0] =	ssyncadd.remote.s32 $0x1  }
0xc1: {  	_ =	sfence.sel $0xFFFF  }
0xc2: {  	[dreg:$0x0] =	wrdreg $0xFFFFFFFF;
	(pc) =	sbr.abs _section_cstart, $3  }
0xc3: {  	[dreg:$0x1] =	wrdreg $0xFFFFFFFF  }
0xc4: {  	_ =	task.clear_ibuf [dreg:s8], $0x2FFFF;
	_ =	strace $0x9FFFFFFF  }
0xc5: {  	(tm) =	ssettm $0x7FFFFFFF  }
tec
execute0_lowered:
.L_overlay_start_1:
0x0: {  	(tag) =	ssettag $0x1  }
0x1: {  	s1 =	rddreg [dreg:$0x0]  }
0x2: {  	s0 =	rddreg [dreg:$0x1]  }
0x3: {  	s2 =	rddreg [dreg:$0x2]  }
0x4: {  	s3 =	rddreg [dreg:$0x3]  }
0x5: {  	s5 =	simm.s32 $0x0;
	s4 =	srdreg.scid;
	s11 =	stileid.u32  }
0x6: {  	[smem:$0x7FF] =	sst s5;
	s4 =	sand.u32 $0x1, s4;
	s9 =	smul.u32 $0x14000, s11  }
0x7: {  	s10 =	sadd.s32 $0x15C00, s0;
	s18 =	sshll.u32 s11, $0x1;
	s20 =	smul.u32 $0x50000, s11  }
0x8: {  	s8 =	smul.u32 $0x140000, s4;
	_ =	strace $0x8000004A;
	[dreg:$0x5] =	wrdreg s10  }
0x9: {  	s19 =	sor.u32 s4, s18;
	s4 =	ssub.s32 $0x2, s4;
	s10 =	sshrl.u32 s20, $0x2  }
0xa: {  	s21 =	sshrl.u32 s4, $0x1;
	s8 =	sadd.s32 s9, s8;
	s17 =	sadd.s32 s10, s3  }
0xb: {  	s9 =	smul.u32 $0x2710, s19;
	s10 =	sadd.s32 $0x2800, s17;
	[dreg:$0x6] =	wrdreg s17  }
0xc: {  	s4 =	ssub.s32 s4, s21;
	s23 =	sadd.s32 $0x5000, s17;
	[dreg:$0x7] =	wrdreg s10  }
0xd: {  	s21 =	smax.u32 s4, $0x1;
	[dreg:$0x8] =	wrdreg s23  }
0xe: {  	s28 =	simm.s32 $0x4;
	s13 =	sadd.s32 $0xA0, s9;
	[dreg:$0x16] =	wrdreg s21  }
0xf: {  	s29 =	simm.s32 $0x7;
	s18 =	sadd.s32 $0xF0, s9;
	[dreg:$0xb] =	wrdreg s13  }
0x10: {  	s30 =	simm.s32 $0xD;
	s19 =	sadd.s32 $0x140, s9;
	[dreg:$0x12] =	wrdreg s18  }
0x11: {  	s6 =	sadd.s32 $0xBE00, s0;
	s20 =	sadd.s32 $0x190, s9;
	[dreg:$0x13] =	wrdreg s19  }
0x12: {  	s22 =	sshrl.u32 s9, $0x3;
	s23 =	sadd.s32 $0xA000, s17;
	[dreg:$0x14] =	wrdreg s20  }
0x13: {  	s7 =	sadd.s32 $0x2000, s0;
	s24 =	sadd.s32 s6, s22;
	[dreg:$0x18] =	wrdreg s23  }
0x14: {  	s8 =	sshrl.u32 s8, $0x3;
	s25 =	sadd.s32 s2, s22;
	[dreg:$0x9] =	wrdreg s24  }
0x15: {  	s0 =	sadd.s32 s8, s0;
	s8 =	sadd.s32 s7, s22;
	[dreg:$0xa] =	wrdreg s25  }
0x16: {  	s31 =	simm.s32 $0x3;
	s0 =	sadd.s32 $0x16200, s0;
	[dreg:$0x10] =	wrdreg s8  }
0x17: {  	s26 =	sadd.s32 $0xA, s22;
	s22 =	sadd.s32 $0x7800, s17;
	[dreg:$0x15] =	wrdreg s0  }
0x18: {  	s4 =	simm.s32 $0x7C80;
	s12 =	sadd.s32 s6, s26;
	[dreg:$0x17] =	wrdreg s22  }
0x19: {  	s11 =	sshrl.u32 s13, $0x3;
	s14 =	sadd.s32 s2, s26;
	[dreg:$0xc] =	wrdreg s12  }
0x1a: {  	s10 =	simm.s32 $0x7B00;
	s15 =	sadd.s32 s6, s11;
	[dreg:$0xd] =	wrdreg s14  }
0x1b: {  	s9 =	simm.s32 $0xC;
	s11 =	sadd.s32 s2, s11;
	[dreg:$0xe] =	wrdreg s15  }
0x1c: {  	s18 =	simm.s32 $0x50;
	s16 =	sadd.s32 s7, s26;
	[dreg:$0xf] =	wrdreg s11  }
0x1d: {  	s20 =	simm.s32 $0x1;
	s24 =	sadd.s32 $0xC800, s17;
	[dreg:$0x11] =	wrdreg s16  }
0x1e: {  	s23 =	simm.s32 $0xE;
	s25 =	sadd.s32 $0xF000, s17;
	[dreg:$0x19] =	wrdreg s24  }
0x1f: {  	s13 =	simm.s32 $0x0;
	s26 =	sadd.s32 $0x11800, s17;
	[dreg:$0x1a] =	wrdreg s25  }
0x20: {  	s19 =	simm.s32 $0x7800;
	s0 =	simm.s32 $0x8;
	[dreg:$0x1b] =	wrdreg s26  }
0x21: {  	s11 =	simm.s32 $0x10;
	s12 =	simm.s32 $0x7B80;
	s25 =	simm.s32 $0x7900  }
0x22: {  	v0 =	vimm.f32 $0.0e+00;
	s15 =	simm.s32 $0x7C00;
	s26 =	simm.s32 $0x2;
	s16 =	simm.s32 $0x5  }
.LBB2_1:
0x23: {  	[dreg:$0x1c] =	wrdreg s13;
	s8 =	simm.s32 $0x0;
	s13 =	simm.s32 $0x200  }
.LBB2_2:
0x24: {  	p0 =	sne.s32 s13, $0x9E00;
	[tilespmem:s8+$0x70] =	vst v0  }
0x25: {  	[tilespmem:s8+$0x0] =	vst v0  }
0x26: {  	[tilespmem:s8+$0x10] =	vst v0  }
.Ltmp0:
0x27: {  	[tilespmem:s8+$0x20] =	vst v0;
	(pc) =	sbr.rel @p0 .LBB2_2-.Ltmp0, $4  }
0x28: {  	[tilespmem:s8+$0x30] =	vst v0  }
0x29: {  	[tilespmem:s8+$0x40] =	vst v0  }
0x2a: {  	[tilespmem:s8+$0x50] =	vst v0  }
0x2b: {  	[tilespmem:s8+$0x60] =	vst v0;
	s8 =	sshra.s32 s13, $0x2;
	s13 =	sadd.s32 $0x200, s13  }
0x2c: {  	[tilespmem:s8+$0x70] =	vst v0  }
0x2d: {  	[tilespmem:s8+$0x0] =	vst v0  }
0x2e: {  	[tilespmem:s8+$0x10] =	vst v0  }
0x2f: {  	[tilespmem:s8+$0x20] =	vst v0  }
0x30: {  	[tilespmem:s8+$0x30] =	vst v0  }
0x31: {  	[tilespmem:s8+$0x40] =	vst v0  }
0x32: {  	[tilespmem:s8+$0x50] =	vst v0  }
0x33: {  	[tilespmem:s8+$0x60] =	vst v0;
	s21 =	simm.s32 $0x0  }
0x34: {  	[spmem:s17] =	stream.linear.scatter [tilespmem:s21], [sflag:$0x10], $0x2800, $0x38;
	[tilespmem:$0x1E480] =	vst v63  }
0x35: {  	_ =	swait.ge [sflag:s11], $0x2800  }
0x36: {  	[sflag:s11] =	ssyncset.done $0x0  }
0x37: {  	s22 =	rddreg [dreg:$0x7];
	[sflag:s11] =	ssyncadd.s32 $0xFFFFD800  }
0x38: {  	[spmem:s22] =	stream.linear.scatter [tilespmem:s21], [sflag:$0x10], $0x2800, $0x38;
	[tilespmem:$0x1E480] =	vst v63  }
0x39: {  	_ =	swait.ge [sflag:s11], $0x2800  }
0x3a: {  	[sflag:s11] =	ssyncset.done $0x0  }
0x3b: {  	s24 =	rddreg [dreg:$0x8];
	[sflag:s11] =	ssyncadd.s32 $0xFFFFD800  }
0x3c: {  	[spmem:s24] =	stream.linear.scatter [tilespmem:s21], [sflag:$0x10], $0x2800, $0x38;
	[tilespmem:$0x1E480] =	vst v63  }
0x3d: {  	_ =	swait.ge [sflag:s11], $0x2800  }
0x3e: {  	[sflag:s11] =	ssyncset.done $0x0  }
0x3f: {  	s13 =	rddreg [dreg:$0x17];
	[sflag:s11] =	ssyncadd.s32 $0xFFFFD800  }
0x40: {  	[spmem:s13] =	stream.linear.scatter [tilespmem:s21], [sflag:$0x10], $0x2800, $0x38;
	[tilespmem:$0x1E480] =	vst v63  }
0x41: {  	_ =	swait.ge [sflag:s11], $0x2800  }
0x42: {  	[sflag:s11] =	ssyncset.done $0x0  }
0x43: {  	s14 =	rddreg [dreg:$0x18];
	[sflag:s11] =	ssyncadd.s32 $0xFFFFD800  }
0x44: {  	[spmem:s14] =	stream.linear.scatter [tilespmem:s21], [sflag:$0x10], $0x2800, $0x38;
	[tilespmem:$0x1E480] =	vst v63  }
0x45: {  	_ =	swait.ge [sflag:s11], $0x2800  }
0x46: {  	[sflag:s11] =	ssyncset.done $0x0  }
0x47: {  	s17 =	rddreg [dreg:$0x19];
	[sflag:s11] =	ssyncadd.s32 $0xFFFFD800  }
0x48: {  	[spmem:s17] =	stream.linear.scatter [tilespmem:s21], [sflag:$0x10], $0x2800, $0x38;
	[tilespmem:$0x1E480] =	vst v63  }
0x49: {  	_ =	swait.ge [sflag:s11], $0x2800  }
0x4a: {  	[sflag:s11] =	ssyncset.done $0x0  }
0x4b: {  	s22 =	rddreg [dreg:$0x1a];
	[sflag:s11] =	ssyncadd.s32 $0xFFFFD800  }
0x4c: {  	[spmem:s22] =	stream.linear.scatter [tilespmem:s21], [sflag:$0x10], $0x2800, $0x38;
	[tilespmem:$0x1E480] =	vst v63  }
0x4d: {  	_ =	swait.ge [sflag:s11], $0x2800  }
0x4e: {  	[sflag:s11] =	ssyncset.done $0x0  }
0x4f: {  	s24 =	rddreg [dreg:$0x1b];
	[sflag:s11] =	ssyncadd.s32 $0xFFFFD800  }
0x50: {  	[spmem:s24] =	stream.linear.scatter [tilespmem:s21], [sflag:$0x10], $0x2800, $0x38;
	[tilespmem:$0x1E480] =	vst v63  }
0x51: {  	_ =	swait.ge [sflag:s11], $0x2800  }
0x52: {  	[sflag:s11] =	ssyncset.done $0x0  }
0x53: {  	s13 =	rddreg [dreg:$0x5];
	[sflag:s11] =	ssyncadd.s32 $0xFFFFD800  }
0x54: {  	[tilespmem:s4], [sflag:$0x10] =	stream.linear.gather [hbm4b:s13+s21], $0x2800, $0x38;
	[tilespmem:$0x1E480] =	vst v63  }
0x55: {  	_ =	swait.ge [sflag:s11], $0x2800  }
0x56: {  	[sflag:s11] =	ssyncset.done $0x0  }
0x57: {  	s13 =	simm.s32 $0x7800;
	s14 =	rddreg [dreg:$0x9];
	[sflag:s11] =	ssyncadd.s32 $0xFFFFD800  }
0x58: {  	[tilespmem:s13], [sflag:$0x10] =	stream.linear.gather [hbm4b:s14+s21], $0x50, $0x38;
	[tilespmem:$0x1E480] =	vst v63  }
0x59: {  	_ =	swait.ge [sflag:s11], $0x50  }
0x5a: {  	[sflag:s11] =	ssyncset.done $0x0  }
0x5b: {  	s17 =	rddreg [dreg:$0xa];
	[sflag:s11] =	ssyncadd.s32 $0xFFFFFFB0  }
0x5c: {  	[tilespmem:s10], [sflag:$0x10] =	stream.linear.gather [hbm4b:s17+s21], $0x50, $0x38;
	[tilespmem:$0x1E480] =	vst v63  }
0x5d: {  	_ =	swait.ge [sflag:s11], $0x50  }
0x5e: {  	[sflag:s11] =	ssyncset.done $0x0  }
0x5f: {  	s17 =	simm.s32 $0x7880;
	s22 =	rddreg [dreg:$0xc];
	[sflag:s11] =	ssyncadd.s32 $0xFFFFFFB0  }
0x60: {  	[tilespmem:s17], [sflag:$0x10] =	stream.linear.gather [hbm4b:s22+s21], $0x50, $0x38;
	[tilespmem:$0x1E480] =	vst v63  }
0x61: {  	_ =	swait.ge [sflag:s11], $0x50  }
0x62: {  	[sflag:s11] =	ssyncset.done $0x0  }
0x63: {  	s24 =	rddreg [dreg:$0xd];
	[sflag:s11] =	ssyncadd.s32 $0xFFFFFFB0  }
0x64: {  	[tilespmem:s12], [sflag:$0x10] =	stream.linear.gather [hbm4b:s24+s21], $0x50, $0x38;
	[tilespmem:$0x1E480] =	vst v63  }
0x65: {  	_ =	swait.ge [sflag:s11], $0x50  }
0x66: {  	[sflag:s11] =	ssyncset.done $0x0  }
0x67: {  	s14 =	rddreg [dreg:$0xe];
	[sflag:s11] =	ssyncadd.s32 $0xFFFFFFB0  }
0x68: {  	[tilespmem:s25], [sflag:$0x10] =	stream.linear.gather [hbm4b:s14+s21], $0x50, $0x38;
	[tilespmem:$0x1E480] =	vst v63  }
0x69: {  	_ =	swait.ge [sflag:s11], $0x50  }
0x6a: {  	[sflag:s11] =	ssyncset.done $0x0  }
0x6b: {  	s22 =	rddreg [dreg:$0xf];
	[sflag:s11] =	ssyncadd.s32 $0xFFFFFFB0  }
0x6c: {  	[tilespmem:s15], [sflag:$0x10] =	stream.linear.gather [hbm4b:s22+s21], $0x50, $0x38;
	[tilespmem:$0x1E480] =	vst v63  }
0x6d: {  	_ =	swait.ge [sflag:s11], $0x50  }
0x6e: {  	[sflag:s11] =	ssyncset.done $0x0  }
0x6f: {  	s14 =	simm.s32 $0x7980;
	s24 =	rddreg [dreg:$0x10];
	[sflag:s11] =	ssyncadd.s32 $0xFFFFFFB0  }
0x70: {  	[tilespmem:s14], [sflag:$0x10] =	stream.linear.gather [hbm4b:s24+s21], $0x50, $0x38;
	[tilespmem:$0x1E480] =	vst v63  }
0x71: {  	_ =	swait.ge [sflag:s11], $0x50  }
0x72: {  	[sflag:s11] =	ssyncset.done $0x0  }
0x73: {  	s22 =	simm.s32 $0x7A00;
	s14 =	rddreg [dreg:$0x11];
	[sflag:s11] =	ssyncadd.s32 $0xFFFFFFB0  }
0x74: {  	[tilespmem:s22], [sflag:$0x10] =	stream.linear.gather [hbm4b:s14+s21], $0x50, $0x38;
	[tilespmem:$0x1E480] =	vst v63  }
0x75: {  	_ =	swait.ge [sflag:s11], $0x50  }
0x76: {  	[sflag:s11] =	ssyncset.done $0x0  }
0x77: {  	[sflag:s11] =	ssyncadd.s32 $0xFFFFFFB0  }
0x78: {  	[bflag:$0x0] =	sbarrier.arrive $0xFFFF  }
0x79: {  	[tilespmem:s21], [sflag:$0x1] =	stream.indirect.gather [hbm4b:s1+s18], $0x80, s13, s18, $0xb8;
	[tilespmem:$0x1E480] =	vst v63  }
0x7a: {  	s24 =	simm.s32 $0x2800;
	s14 =	simm.s32 $0x7880;
	s21 =	simm.s32 $0x0  }
0x7b: {  	[tilespmem:s24], [sflag:$0x2] =	stream.indirect.gather [hbm4b:s1+s18], $0x80, s17, s18, $0xb8;
	[tilespmem:$0x1E480] =	vst v63  }
.LBB2_4:
0x7c: {  	_ =	swait.ge [sflag:s20], $0x2800  }
0x7d: {  	[sflag:s20] =	ssyncset.done $0x0  }
0x7e: {  	[sflag:s20] =	ssyncadd.s32 $0xFFFFD800  }
0x7f: {  	v1 =	vld [tilespmem:$0x7800];
	_ =	sdelay $0x5  }
0x80: {  	v2 =	vld [tilespmem:$0x7B00]  }
0x81: {  	v3 =	vld [tilespmem:$0x7810]  }
0x82: {  	v1 =	vld.idx.msk [tilespmem:v1+s4+$0x0], $0xffff;
	_ =	sdelay $0x4  }
0x83: {  	v1 =	vmul.f32 v2, v1;
	_ =	sdelay $0x1  }
0x84: {  	v2 =	vld [tilespmem:$0x7B10];
	[tilespmem:$0x7B00] =	vst v1  }
0x85: {  	v1 =	vld.idx.msk [tilespmem:v3+s4+$0x0], $0xffff  }
0x86: {  	v3 =	vld [tilespmem:$0x7820];
	_ =	sdelay $0x4  }
0x87: {  	v1 =	vmul.f32 v2, v1;
	_ =	sdelay $0x1  }
0x88: {  	v2 =	vld [tilespmem:$0x7B20];
	[tilespmem:$0x7B10] =	vst v1  }
0x89: {  	v1 =	vld.idx.msk [tilespmem:v3+s4+$0x0], $0xffff  }
0x8a: {  	v3 =	vld [tilespmem:$0x7830];
	_ =	sdelay $0x4  }
0x8b: {  	v1 =	vmul.f32 v2, v1;
	_ =	sdelay $0x1  }
0x8c: {  	v2 =	vld [tilespmem:$0x7B30];
	[tilespmem:$0x7B20] =	vst v1  }
0x8d: {  	v1 =	vld.idx.msk [tilespmem:v3+s4+$0x0], $0xffff  }
0x8e: {  	v3 =	vld [tilespmem:$0x7840];
	_ =	sdelay $0x4  }
0x8f: {  	v1 =	vmul.f32 v2, v1;
	_ =	sdelay $0x1  }
0x90: {  	s8 =	simm.s32 $0x0;
	v2 =	vld [tilespmem:$0x7B40];
	[tilespmem:$0x7B30] =	vst v1  }
0x91: {  	s24 =	simm.s32 $0x2;
	v1 =	vld.idx.msk [tilespmem:v3+s4+$0x0], $0xffff;
	v3 =	vmov s8  }
0x92: {  	v4 =	vmov s24;
	v3 =	vand.u32 $0xFFFFFFFC, v3  }
0x93: {  	v4 =	vand.u32 $0xFFFFFFFE, v4;
	v3 =	vbroadcast v3, $0x0  }
0x94: {  	v4 =	vbroadcast v4, $0x0;
	_ =	sdelay $0x1  }
0x95: {  	v1 =	vmul.f32 v2, v1;
	_ =	sdelay $0x1  }
0x96: {  	[tilespmem:$0x7B40] =	vst v1  }
0x97: {  	v1 =	vld.idx.msk [tilespmem:v3+s10+$0x0], $0xffff  }
0x98: {  	s13 =	simm.s32 $0x100;
	v2 =	vld.idx.msk [tilespmem:v4+s10+$0x0], $0xffff  }
0x99: {  	v4 =	vld [tilespmem:s13+$0x70]  }
0x9a: {  	v5 =	vld [tilespmem:s13+$0xFFFFFF00]  }
0x9b: {  	s11 =	simm.s32 $0x1;
	v6 =	vld [tilespmem:s13+$0xFFFFFF10]  }
0x9c: {  	v3 =	vmov s11;
	v7 =	vld [tilespmem:s13+$0xFFFFFF20]  }
0x9d: {  	v8 =	vld [tilespmem:s13+$0xFFFFFF30];
	v3 =	vand.u32 $0xFFFFFFFD, v3  }
0x9e: {  	v9 =	vld [tilespmem:s13+$0xFFFFFF40];
	v3 =	vbroadcast v3, $0x0  }
0x9f: {  	v10 =	vld [tilespmem:s13+$0xFFFFFF50]  }
0xa0: {  	v11 =	vld [tilespmem:s13+$0xFFFFFF60];
	v5 =	vmul.f32 v5, v1  }
0xa1: {  	v13 =	vld [tilespmem:s13+$0x40];
	v4 =	vmul.f32 v4, v2  }
0xa2: {  	[tilespmem:s13+$0xFFFFFF00] =	vst v5;
	v5 =	vmul.f32 v6, v1;
	v6 =	vld [tilespmem:s13+$0xFFFFFF70]  }
0xa3: {  	[tilespmem:s13+$0x70] =	vst v4;
	v4 =	vmul.f32 v7, v1;
	v7 =	vld [tilespmem:s13+$0xFFFFFF80]  }
0xa4: {  	v3 =	vld.idx.msk [tilespmem:v3+s10+$0x0], $0xffff;
	[tilespmem:s13+$0xFFFFFF10] =	vst v5;
	v5 =	vmul.f32 v8, v1  }
0xa5: {  	v8 =	vld [tilespmem:s13+$0xFFFFFF90];
	[tilespmem:s13+$0xFFFFFF20] =	vst v4;
	v4 =	vmul.f32 v9, v1  }
0xa6: {  	v9 =	vld [tilespmem:s13+$0xFFFFFFA0];
	[tilespmem:s13+$0xFFFFFF30] =	vst v5;
	v5 =	vmul.f32 v10, v1  }
0xa7: {  	v10 =	vld [tilespmem:s13+$0xFFFFFFB0];
	[tilespmem:s13+$0xFFFFFF40] =	vst v4;
	v4 =	vmul.f32 v11, v1  }
0xa8: {  	v11 =	vld [tilespmem:s13+$0xFFFFFFC0];
	v6 =	vmul.f32 v6, v1;
	[tilespmem:s13+$0xFFFFFF50] =	vst v5  }
0xa9: {  	v5 =	vmul.f32 v7, v3;
	v7 =	vld [tilespmem:s13+$0xFFFFFFD0];
	[tilespmem:s13+$0xFFFFFF60] =	vst v4  }
0xaa: {  	s17 =	simm.s32 $0x3;
	v4 =	vld [tilespmem:s13+$0xFFFFFFE0];
	v8 =	vmul.f32 v8, v3;
	[tilespmem:s13+$0xFFFFFF70] =	vst v6  }
0xab: {  	v12 =	vmov s17;
	v6 =	vld [tilespmem:s13+$0xFFFFFFF0];
	[tilespmem:s13+$0xFFFFFF80] =	vst v5;
	v5 =	vmul.f32 v9, v3  }
0xac: {  	v9 =	vld [tilespmem:s13+$0x0];
	[tilespmem:s13+$0xFFFFFF90] =	vst v8;
	v8 =	vmul.f32 v10, v3  }
0xad: {  	v10 =	vld [tilespmem:s13+$0x10];
	[tilespmem:s13+$0xFFFFFFA0] =	vst v5;
	v5 =	vmul.f32 v11, v3  }
0xae: {  	[tilespmem:s13+$0xFFFFFFB0] =	vst v8;
	v7 =	vmul.f32 v7, v3;
	v8 =	vld [tilespmem:s13+$0x20]  }
0xaf: {  	v11 =	vld [tilespmem:s13+$0x30];
	v4 =	vmul.f32 v4, v3;
	[tilespmem:s13+$0xFFFFFFC0] =	vst v5  }
0xb0: {  	v1 =	vld.idx.msk [tilespmem:v12+s10+$0x0], $0xffff;
	v3 =	vmul.f32 v6, v3;
	[tilespmem:s13+$0xFFFFFFD0] =	vst v7  }
0xb1: {  	[tilespmem:s13+$0xFFFFFFE0] =	vst v4;
	v5 =	vmul.f32 v9, v2;
	v4 =	vld [tilespmem:s13+$0x50]  }
0xb2: {  	s22 =	simm.s32 $0x4;
	[tilespmem:s13+$0xFFFFFFF0] =	vst v3;
	v6 =	vmul.f32 v10, v2;
	v3 =	vld [tilespmem:s13+$0x60]  }
0xb3: {  	s24 =	simm.s32 $0x7;
	v7 =	vmov s22;
	[tilespmem:s13+$0x0] =	vst v5;
	v9 =	vmul.f32 v8, v2;
	v8 =	vld [tilespmem:s13+$0x80]  }
0xb4: {  	s11 =	simm.s32 $0x5;
	v12 =	vand.u32 $0xFFFFFFFC, v7;
	v7 =	vld [tilespmem:s13+$0x90];
	v5 =	vmov s24;
	v10 =	vmul.f32 v11, v2;
	[tilespmem:s13+$0x10] =	vst v6  }
0xb5: {  	s8 =	simm.s32 $0x6;
	s22 =	simm.s32 $0x100;
	s24 =	simm.s32 $0x8;
	v11 =	vmul.f32 v13, v2;
	v6 =	vbroadcast v12, $0x0;
	v12 =	vmov s11;
	[tilespmem:s13+$0x20] =	vst v9;
	v9 =	vld [tilespmem:s13+$0xA0]  }
.LBB2_5:
0xb6: {  	p0 =	slt.u32 s24, $0x4C;
	v12 =	vand.u32 $0xFFFFFFFD, v12;
	v13 =	vmov s8;
	[tilespmem:s13+$0x30] =	vst v10;
	v4 =	vmul.f32 v4, v2;
	v10 =	vld [tilespmem:s13+$0xB0]  }
0xb7: {  	v12 =	vbroadcast v12, $0x0;
	v13 =	vand.u32 $0xFFFFFFFE, v13;
	[tilespmem:s13+$0x40] =	vst v11;
	v2 =	vmul.f32 v3, v2;
	v3 =	vld [tilespmem:s13+$0xC0]  }
0xb8: {  	v11 =	vbroadcast v13, $0x0;
	[tilespmem:s13+$0x50] =	vst v4;
	v4 =	vmul.f32 v8, v1;
	v8 =	vld [tilespmem:s13+$0xD0]  }
0xb9: {  	[tilespmem:s13+$0x60] =	vst v2;
	v2 =	vmul.f32 v7, v1;
	v7 =	vld [tilespmem:s13+$0xE0]  }
0xba: {  	[tilespmem:s13+$0x80] =	vst v4;
	v4 =	vmul.f32 v9, v1;
	v9 =	vld [tilespmem:s13+$0xF0]  }
0xbb: {  	v5 =	vld.idx.msk [tilespmem:v5+s10+$0x0], $0xffff;
	[tilespmem:s13+$0x90] =	vst v2;
	v2 =	vmul.f32 v10, v1  }
0xbc: {  	v6 =	vld.idx.msk [tilespmem:v6+s10+$0x0], $0xffff;
	[tilespmem:s13+$0xA0] =	vst v4;
	v3 =	vmul.f32 v3, v1  }
0xbd: {  	v4 =	vld.idx.msk [tilespmem:v12+s10+$0x0], $0xffff;
	[tilespmem:s13+$0xB0] =	vst v2;
	v8 =	vmul.f32 v8, v1  }
0xbe: {  	s13 =	sadd.s32 $0x200, s13;
	v2 =	vld.idx.msk [tilespmem:v11+s10+$0x0], $0xffff;
	[tilespmem:s22+$0xC0] =	vst v3;
	v3 =	vmul.f32 v7, v1  }
0xbf: {  	v7 =	vld [tilespmem:s13+$0x70];
	[tilespmem:s22+$0xD0] =	vst v8;
	v9 =	vmul.f32 v9, v1  }
0xc0: {  	v8 =	vld [tilespmem:s13+$0xFFFFFF00];
	[tilespmem:s22+$0xE0] =	vst v3  }
0xc1: {  	v1 =	vmov v5;
	v3 =	vld [tilespmem:s13+$0xFFFFFF10];
	[tilespmem:s22+$0xF0] =	vst v9;
	s22 =	smov.u32 s13  }
0xc2: {  	v5 =	vld [tilespmem:s13+$0xFFFFFF20]  }
0xc3: {  	v9 =	vld [tilespmem:s13+$0xFFFFFF30]  }
0xc4: {  	v10 =	vld [tilespmem:s13+$0xFFFFFF40];
	v7 =	vmul.f32 v7, v2  }
0xc5: {  	v8 =	vmul.f32 v8, v6;
	v11 =	vld [tilespmem:s13+$0xFFFFFF50]  }
0xc6: {  	v3 =	vmul.f32 v3, v6;
	v12 =	vld [tilespmem:s13+$0xFFFFFF60];
	[tilespmem:s13+$0x70] =	vst v7  }
0xc7: {  	[tilespmem:s13+$0xFFFFFF00] =	vst v8;
	v5 =	vmul.f32 v5, v6;
	v7 =	vld [tilespmem:s13+$0xFFFFFF70]  }
0xc8: {  	[tilespmem:s13+$0xFFFFFF10] =	vst v3;
	v3 =	vmul.f32 v9, v6;
	v8 =	vld [tilespmem:s13+$0xFFFFFF80]  }
0xc9: {  	[tilespmem:s13+$0xFFFFFF20] =	vst v5;
	v5 =	vmul.f32 v10, v6;
	v9 =	vld [tilespmem:s13+$0xFFFFFF90]  }
0xca: {  	[tilespmem:s13+$0xFFFFFF30] =	vst v3;
	v3 =	vmul.f32 v11, v6;
	v10 =	vld [tilespmem:s13+$0xFFFFFFA0]  }
0xcb: {  	[tilespmem:s13+$0xFFFFFF40] =	vst v5;
	v5 =	vmul.f32 v12, v6;
	v11 =	vld [tilespmem:s13+$0xFFFFFFB0]  }
0xcc: {  	[tilespmem:s13+$0xFFFFFF50] =	vst v3;
	v3 =	vmul.f32 v7, v6;
	v6 =	vld [tilespmem:s13+$0xFFFFFFC0]  }
0xcd: {  	[tilespmem:s13+$0xFFFFFF60] =	vst v5;
	v5 =	vmul.f32 v8, v4;
	v7 =	vld [tilespmem:s13+$0xFFFFFFD0]  }
0xce: {  	[tilespmem:s13+$0xFFFFFF70] =	vst v3;
	v3 =	vmul.f32 v9, v4;
	v8 =	vld [tilespmem:s13+$0xFFFFFFE0]  }
0xcf: {  	[tilespmem:s13+$0xFFFFFF80] =	vst v5;
	v5 =	vmul.f32 v10, v4;
	v9 =	vld [tilespmem:s13+$0xFFFFFFF0]  }
0xd0: {  	[tilespmem:s13+$0xFFFFFF90] =	vst v3;
	v3 =	vmul.f32 v11, v4;
	v10 =	vld [tilespmem:s13+$0x0]  }
0xd1: {  	[tilespmem:s13+$0xFFFFFFA0] =	vst v5;
	v5 =	vmul.f32 v6, v4;
	v6 =	vld [tilespmem:s13+$0x10]  }
0xd2: {  	[tilespmem:s13+$0xFFFFFFB0] =	vst v3;
	v3 =	vmul.f32 v7, v4;
	v7 =	vld [tilespmem:s13+$0x20]  }
0xd3: {  	[tilespmem:s13+$0xFFFFFFC0] =	vst v5;
	v5 =	vmul.f32 v8, v4;
	v11 =	vld [tilespmem:s13+$0x30]  }
0xd4: {  	[tilespmem:s13+$0xFFFFFFD0] =	vst v3;
	v3 =	vmul.f32 v9, v4;
	v9 =	vld [tilespmem:s13+$0x40]  }
.Ltmp1:
0xd5: {  	[tilespmem:s13+$0xFFFFFFE0] =	vst v5;
	v5 =	vmul.f32 v10, v2;
	v4 =	vld [tilespmem:s13+$0x50];
	(pc) =	sbr.rel @p0 .LBB2_5-.Ltmp1, $4  }
0xd6: {  	[tilespmem:s13+$0xFFFFFFF0] =	vst v3;
	v6 =	vmul.f32 v6, v2;
	v3 =	vld [tilespmem:s13+$0x60]  }
0xd7: {  	s8 =	sadd.s32 $0x3, s24;
	v10 =	vmov s24;
	[tilespmem:s13+$0x0] =	vst v5;
	v13 =	vmul.f32 v7, v2;
	v8 =	vld [tilespmem:s13+$0x80]  }
0xd8: {  	s11 =	sadd.s32 $0x1, s24;
	v12 =	vand.u32 $0xFFFFFFFC, v10;
	v5 =	vmov s8;
	[tilespmem:s13+$0x10] =	vst v6;
	v10 =	vmul.f32 v11, v2;
	v7 =	vld [tilespmem:s13+$0x90]  }
0xd9: {  	s8 =	sadd.s32 $0x2, s24;
	s24 =	sadd.s32 $0x4, s24;
	v6 =	vbroadcast v12, $0x0;
	v12 =	vmov s11;
	[tilespmem:s13+$0x20] =	vst v13;
	v11 =	vmul.f32 v9, v2;
	v9 =	vld [tilespmem:s13+$0xA0]  }
0xda: {  	v13 =	vld [tilespmem:s13+$0xB0]  }
0xdb: {  	v15 =	vld [tilespmem:s13+$0xC0]  }
0xdc: {  	v14 =	vmov s8;
	v16 =	vld [tilespmem:s13+$0xD0]  }
0xdd: {  	v17 =	vld [tilespmem:s13+$0xE0];
	[tilespmem:s13+$0x30] =	vst v10;
	v4 =	vmul.f32 v4, v2;
	v14 =	vand.u32 $0xFFFFFFFE, v14  }
0xde: {  	v12 =	vand.u32 $0xFFFFFFFD, v12;
	v5 =	vld.idx.msk [tilespmem:v5+s10+$0x0], $0xffff;
	[tilespmem:s13+$0x40] =	vst v11;
	v2 =	vmul.f32 v3, v2;
	v14 =	vbroadcast v14, $0x0  }
0xdf: {  	s24 =	sadd.s32 $0x200, s13;
	v12 =	vbroadcast v12, $0x0;
	v3 =	vld.idx.msk [tilespmem:v6+s10+$0x0], $0xffff;
	v8 =	vmul.f32 v8, v1;
	[tilespmem:s13+$0x50] =	vst v4  }
0xe0: {  	v10 =	vld [tilespmem:s24+$0xFFFFFF00];
	v4 =	vmul.f32 v7, v1;
	[tilespmem:s13+$0x60] =	vst v2  }
0xe1: {  	[tilespmem:s13+$0x80] =	vst v8;
	v8 =	vld [tilespmem:s13+$0xF0];
	v2 =	vmul.f32 v9, v1  }
0xe2: {  	v11 =	vld [tilespmem:s24+$0xFFFFFF10];
	[tilespmem:s13+$0x90] =	vst v4;
	v4 =	vmul.f32 v13, v1  }
0xe3: {  	v9 =	vld [tilespmem:s24+$0x70];
	[tilespmem:s13+$0xA0] =	vst v2;
	v2 =	vmul.f32 v15, v1  }
0xe4: {  	[tilespmem:s13+$0xB0] =	vst v4;
	v4 =	vmul.f32 v16, v1;
	v7 =	vld.idx.msk [tilespmem:v14+s10+$0x0], $0xffff  }
0xe5: {  	v6 =	vld.idx.msk [tilespmem:v12+s10+$0x0], $0xffff;
	[tilespmem:s22+$0xC0] =	vst v2;
	v2 =	vmul.f32 v17, v1  }
0xe6: {  	v12 =	vld [tilespmem:s24+$0xFFFFFF20];
	[tilespmem:s22+$0xD0] =	vst v4;
	v1 =	vmul.f32 v8, v1  }
0xe7: {  	v4 =	vld [tilespmem:s24+$0xFFFFFF30];
	[tilespmem:s22+$0xE0] =	vst v2  }
0xe8: {  	v2 =	vld [tilespmem:s24+$0xFFFFFF40];
	[tilespmem:s22+$0xF0] =	vst v1;
	v1 =	vmul.f32 v10, v3  }
0xe9: {  	v8 =	vmul.f32 v9, v7;
	v9 =	vld [tilespmem:s24+$0xFFFFFF50]  }
0xea: {  	v10 =	vmul.f32 v11, v3;
	v11 =	vld [tilespmem:s24+$0xFFFFFF60];
	[tilespmem:s24+$0xFFFFFF00] =	vst v1  }
0xeb: {  	v1 =	vmul.f32 v12, v3;
	[tilespmem:s24+$0x70] =	vst v8;
	v8 =	vld [tilespmem:s24+$0xFFFFFF70]  }
0xec: {  	[tilespmem:s24+$0xFFFFFF10] =	vst v10;
	v10 =	vld [tilespmem:s24+$0xFFFFFF80];
	v4 =	vmul.f32 v4, v3  }
0xed: {  	[tilespmem:s24+$0xFFFFFF20] =	vst v1;
	v1 =	vmul.f32 v2, v3;
	v2 =	vld [tilespmem:s24+$0xFFFFFF90]  }
0xee: {  	[tilespmem:s24+$0xFFFFFF30] =	vst v4;
	v4 =	vmul.f32 v9, v3;
	v9 =	vld [tilespmem:s24+$0xFFFFFFA0]  }
0xef: {  	[tilespmem:s24+$0xFFFFFF40] =	vst v1;
	v1 =	vmul.f32 v11, v3;
	v11 =	vld [tilespmem:s24+$0xFFFFFFB0]  }
0xf0: {  	[tilespmem:s24+$0xFFFFFF50] =	vst v4;
	v3 =	vmul.f32 v8, v3;
	v4 =	vld [tilespmem:s24+$0xFFFFFFC0]  }
0xf1: {  	[tilespmem:s24+$0xFFFFFF60] =	vst v1;
	v1 =	vmul.f32 v10, v6;
	v8 =	vld [tilespmem:s24+$0xFFFFFFD0]  }
0xf2: {  	v2 =	vmul.f32 v2, v6;
	[tilespmem:s24+$0xFFFFFF70] =	vst v3;
	v3 =	vld [tilespmem:s24+$0xFFFFFFE0]  }
0xf3: {  	[tilespmem:s24+$0xFFFFFF80] =	vst v1;
	v1 =	vmul.f32 v9, v6;
	v9 =	vld [tilespmem:s24+$0xFFFFFFF0]  }
0xf4: {  	v10 =	vld [tilespmem:s24+$0x0];
	[tilespmem:s24+$0xFFFFFF90] =	vst v2;
	v2 =	vmul.f32 v11, v6  }
0xf5: {  	[tilespmem:s24+$0xFFFFFFA0] =	vst v1;
	v1 =	vmul.f32 v4, v6;
	v4 =	vld [tilespmem:s24+$0x10]  }
0xf6: {  	[tilespmem:s24+$0xFFFFFFB0] =	vst v2;
	v2 =	vmul.f32 v8, v6;
	v8 =	vld [tilespmem:s24+$0x20]  }
0xf7: {  	[tilespmem:s24+$0xFFFFFFC0] =	vst v1;
	v1 =	vmul.f32 v3, v6;
	v3 =	vld [tilespmem:s24+$0x30]  }
0xf8: {  	[tilespmem:s24+$0xFFFFFFD0] =	vst v2;
	v2 =	vmul.f32 v9, v6;
	v6 =	vld [tilespmem:s24+$0x40]  }
0xf9: {  	v9 =	vld [tilespmem:s24+$0x50];
	[tilespmem:s24+$0xFFFFFFE0] =	vst v1;
	v1 =	vmul.f32 v10, v7  }
0xfa: {  	[tilespmem:s24+$0xFFFFFFF0] =	vst v2;
	v2 =	vmul.f32 v4, v7;
	v4 =	vld [tilespmem:s24+$0x60]  }
0xfb: {  	[tilespmem:s24+$0x0] =	vst v1;
	v1 =	vmul.f32 v8, v7;
	v8 =	vld [tilespmem:s24+$0x80]  }
0xfc: {  	[tilespmem:s24+$0x10] =	vst v2;
	v2 =	vmul.f32 v3, v7;
	v3 =	vld [tilespmem:s24+$0x90]  }
0xfd: {  	[tilespmem:s24+$0x20] =	vst v1;
	v1 =	vmul.f32 v6, v7;
	v6 =	vld [tilespmem:s24+$0xA0]  }
0xfe: {  	[tilespmem:s24+$0x30] =	vst v2;
	v2 =	vmul.f32 v9, v7;
	v9 =	vld [tilespmem:s24+$0xB0]  }
0xff: {  	[tilespmem:s24+$0x40] =	vst v1;
	v1 =	vmul.f32 v4, v7;
	v4 =	vld [tilespmem:s24+$0xC0]  }
0x100: {  	v7 =	vld [tilespmem:s24+$0xD0];
	[tilespmem:s24+$0x50] =	vst v2;
	v2 =	vmul.f32 v8, v5  }
0x101: {  	[tilespmem:s24+$0x60] =	vst v1;
	v1 =	vmul.f32 v3, v5;
	v3 =	vld [tilespmem:s24+$0xE0]  }
0x102: {  	[tilespmem:s24+$0x80] =	vst v2;
	v2 =	vmul.f32 v6, v5;
	v6 =	vld [tilespmem:s24+$0xF0]  }
0x103: {  	[tilespmem:s24+$0x90] =	vst v1;
	v1 =	vmul.f32 v9, v5  }
0x104: {  	[tilespmem:s24+$0xA0] =	vst v2;
	v2 =	vmul.f32 v4, v5  }
0x105: {  	[tilespmem:s24+$0xB0] =	vst v1;
	v1 =	vmul.f32 v7, v5  }
0x106: {  	[tilespmem:s24+$0xC0] =	vst v2;
	v2 =	vmul.f32 v3, v5  }
0x107: {  	[tilespmem:s24+$0xD0] =	vst v1;
	v1 =	vmul.f32 v6, v5  }
0x108: {  	p0 =	sne.s32 s21, $0x0;
	[tilespmem:s24+$0xE0] =	vst v2  }
0x109: {  	s8 =	simm.s32 @p0 $0xA;
	[tilespmem:s24+$0xF0] =	vst v1  }
0x10a: {  	_ =	swait.ge @p0 [sflag:s8], $0x50  }
0x10b: {  	s11 =	simm.s32 @p0 $0x7980;
	[sflag:s8] =	ssyncset.done @p0 $0x0  }
0x10c: {  	s13 =	simm.s32 @p0 $0x0;
	[sflag:s8] =	ssyncadd.s32 @p0 $0xFFFFFFB0;
	s8 =	simm.s32 @p0 $0x50  }
0x10d: {  	[spmem:s3] =	stream.indirect.scatter.add.f32 @p0 [tilespmem:s13], [sflag:$0x4], $0x80, s11, s8, $0xb8;
	[tilespmem:$0x1E480] =	vst v63  }
0x10e: {  	s8 =	simm.s32 @p0 $0x6  }
0x10f: {  	_ =	swait.ge @p0 [sflag:s8], $0x2800  }
0x110: {  	[sflag:s8] =	ssyncset.done @p0 $0x0  }
0x111: {  	[sflag:s8] =	ssyncadd.s32 @p0 $0xFFFFD800;
	s8 =	simm.s32 @p0 $0x9  }
0x112: {  	_ =	swait.ge @p0 [sflag:s8], $0x50  }
0x113: {  	[sflag:s8] =	ssyncset.done @p0 $0x0  }
0x114: {  	[sflag:s8] =	ssyncadd.s32 @p0 $0xFFFFFFB0;
	s8 =	simm.s32 @p0 $0xF  }
0x115: {  	_ =	swait.ge @p0 [sflag:s8], $0x50  }
0x116: {  	s22 =	smul.u32 $0xF0, s21;
	s11 =	simm.s32 @!p0 $0x7980;
	[sflag:s8] =	ssyncset.done @p0 $0x0  }
0x117: {  	s13 =	simm.s32 @!p0 $0x0;
	[sflag:s8] =	ssyncadd.s32 @p0 $0xFFFFFFB0;
	s8 =	simm.s32 @!p0 $0x50  }
0x118: {  	[spmem:s3] =	stream.indirect.scatter.add.f32 @!p0 [tilespmem:s13], [sflag:$0x4], $0x80, s11, s8, $0xb8;
	[tilespmem:$0x1E480] =	vst v63  }
0x119: {  	s13 =	rddreg [dreg:$0xb]  }
0x11a: {  	s11 =	simm.s32 $0x5000;
	s8 =	sadd.s32 s22, s13  }
0x11b: {  	[tilespmem:s11], [sflag:$0x3] =	stream.indirect.gather [hbm4b:s1+s18], $0x80, s25, s18, $0xb8;
	[tilespmem:$0x1E480] =	vst v63  }
0x11c: {  	s17 =	simm.s32 $0x7A80;
	s8 =	sshrl.u32 s8, $0x3  }
0x11d: {  	s24 =	rddreg [dreg:$0x12];
	s11 =	simm.s32 $0x0;
	s8 =	sadd.s32 s7, s8  }
0x11e: {  	[tilespmem:s17], [sflag:$0xC] =	stream.linear.gather [hbm4b:s8+s11], $0x50, $0x38;
	[tilespmem:$0x1E480] =	vst v63  }
0x11f: {  	s8 =	sadd.s32 s22, s24  }
0x120: {  	s13 =	sshrl.u32 s8, $0x3  }
0x121: {  	s8 =	sadd.s32 s6, s13  }
0x122: {  	[tilespmem:s19], [sflag:$0x7] =	stream.linear.gather [hbm4b:s8+s11], $0x50, $0x38;
	[tilespmem:$0x1E480] =	vst v63  }
0x123: {  	s25 =	sadd.s32 s2, s13  }
0x124: {  	[tilespmem:s10], [sflag:$0xD] =	stream.linear.gather [hbm4b:s25+s11], $0x50, $0x38;
	[tilespmem:$0x1E480] =	vst v63  }
0x125: {  	_ =	swait.ge [sflag:s26], $0x2800  }
0x126: {  	[sflag:s26] =	ssyncset.done $0x0  }
0x127: {  	[sflag:s26] =	ssyncadd.s32 $0xFFFFD800  }
0x128: {  	v1 =	vld [tilespmem:$0x7880];
	_ =	sdelay $0x5  }
0x129: {  	v2 =	vld [tilespmem:$0x7B80]  }
0x12a: {  	v3 =	vld [tilespmem:$0x7890]  }
0x12b: {  	v1 =	vld.idx.msk [tilespmem:v1+s4+$0x0], $0xffff;
	_ =	sdelay $0x4  }
0x12c: {  	v1 =	vmul.f32 v2, v1;
	_ =	sdelay $0x1  }
0x12d: {  	v2 =	vld [tilespmem:$0x7B90];
	[tilespmem:$0x7B80] =	vst v1  }
0x12e: {  	v1 =	vld.idx.msk [tilespmem:v3+s4+$0x0], $0xffff  }
0x12f: {  	v3 =	vld [tilespmem:$0x78A0];
	_ =	sdelay $0x4  }
0x130: {  	v1 =	vmul.f32 v2, v1;
	_ =	sdelay $0x1  }
0x131: {  	v2 =	vld [tilespmem:$0x7BA0];
	[tilespmem:$0x7B90] =	vst v1  }
0x132: {  	v1 =	vld.idx.msk [tilespmem:v3+s4+$0x0], $0xffff  }
0x133: {  	v3 =	vld [tilespmem:$0x78B0];
	_ =	sdelay $0x4  }
0x134: {  	v1 =	vmul.f32 v2, v1;
	_ =	sdelay $0x1  }
0x135: {  	v2 =	vld [tilespmem:$0x7BB0];
	[tilespmem:$0x7BA0] =	vst v1  }
0x136: {  	v1 =	vld.idx.msk [tilespmem:v3+s4+$0x0], $0xffff  }
0x137: {  	v3 =	vld [tilespmem:$0x78C0];
	_ =	sdelay $0x4  }
0x138: {  	v1 =	vmul.f32 v2, v1;
	_ =	sdelay $0x1  }
0x139: {  	v2 =	vld [tilespmem:$0x7BC0];
	[tilespmem:$0x7BB0] =	vst v1  }
0x13a: {  	v1 =	vld.idx.msk [tilespmem:v3+s4+$0x0], $0xffff;
	v3 =	vmov s11  }
0x13b: {  	v3 =	vand.u32 $0xFFFFFFFC, v3  }
0x13c: {  	v3 =	vbroadcast v3, $0x0  }
0x13d: {  	s11 =	simm.s32 $0x2  }
0x13e: {  	v4 =	vmov s11  }
0x13f: {  	v4 =	vand.u32 $0xFFFFFFFE, v4;
	v1 =	vmul.f32 v2, v1  }
0x140: {  	v4 =	vbroadcast v4, $0x0  }
0x141: {  	[tilespmem:$0x7BC0] =	vst v1  }
0x142: {  	s24 =	simm.s32 $0x2900;
	v1 =	vld.idx.msk [tilespmem:v3+s12+$0x0], $0xffff  }
0x143: {  	v5 =	vld [tilespmem:s24+$0xFFFFFF00]  }
0x144: {  	v6 =	vld [tilespmem:s24+$0xFFFFFF10]  }
0x145: {  	s17 =	simm.s32 $0x1;
	v7 =	vld [tilespmem:s24+$0xFFFFFF20]  }
0x146: {  	v3 =	vmov s17;
	v2 =	vld.idx.msk [tilespmem:v4+s12+$0x0], $0xffff  }
0x147: {  	v4 =	vld [tilespmem:s24+$0x70];
	v3 =	vand.u32 $0xFFFFFFFD, v3  }
0x148: {  	v8 =	vld [tilespmem:s24+$0xFFFFFF30];
	v3 =	vbroadcast v3, $0x0  }
0x149: {  	v9 =	vld [tilespmem:s24+$0xFFFFFF40]  }
0x14a: {  	v10 =	vld [tilespmem:s24+$0xFFFFFF50]  }
0x14b: {  	v11 =	vld [tilespmem:s24+$0xFFFFFF60];
	v5 =	vmul.f32 v5, v1  }
0x14c: {  	v13 =	vld [tilespmem:s24+$0x40];
	v4 =	vmul.f32 v4, v2  }
0x14d: {  	[tilespmem:s24+$0xFFFFFF00] =	vst v5;
	v5 =	vmul.f32 v6, v1;
	v6 =	vld [tilespmem:s24+$0xFFFFFF70]  }
0x14e: {  	v3 =	vld.idx.msk [tilespmem:v3+s12+$0x0], $0xffff;
	[tilespmem:s24+$0x70] =	vst v4;
	v4 =	vmul.f32 v7, v1  }
0x14f: {  	v7 =	vld [tilespmem:s24+$0xFFFFFF80];
	[tilespmem:s24+$0xFFFFFF10] =	vst v5;
	v5 =	vmul.f32 v8, v1  }
0x150: {  	v8 =	vld [tilespmem:s24+$0xFFFFFF90];
	[tilespmem:s24+$0xFFFFFF20] =	vst v4;
	v4 =	vmul.f32 v9, v1  }
0x151: {  	v9 =	vld [tilespmem:s24+$0xFFFFFFA0];
	[tilespmem:s24+$0xFFFFFF30] =	vst v5;
	v5 =	vmul.f32 v10, v1  }
0x152: {  	v10 =	vld [tilespmem:s24+$0xFFFFFFB0];
	[tilespmem:s24+$0xFFFFFF40] =	vst v4;
	v4 =	vmul.f32 v11, v1  }
0x153: {  	v11 =	vld [tilespmem:s24+$0xFFFFFFC0];
	v6 =	vmul.f32 v6, v1;
	[tilespmem:s24+$0xFFFFFF50] =	vst v5  }
0x154: {  	v5 =	vmul.f32 v7, v3;
	v7 =	vld [tilespmem:s24+$0xFFFFFFD0];
	[tilespmem:s24+$0xFFFFFF60] =	vst v4  }
0x155: {  	s25 =	simm.s32 $0x3;
	v4 =	vld [tilespmem:s24+$0xFFFFFFE0];
	v8 =	vmul.f32 v8, v3;
	[tilespmem:s24+$0xFFFFFF70] =	vst v6  }
0x156: {  	v12 =	vmov s25;
	v6 =	vld [tilespmem:s24+$0xFFFFFFF0];
	[tilespmem:s24+$0xFFFFFF80] =	vst v5;
	v5 =	vmul.f32 v9, v3  }
0x157: {  	v9 =	vld [tilespmem:s24+$0x0];
	[tilespmem:s24+$0xFFFFFF90] =	vst v8;
	v8 =	vmul.f32 v10, v3  }
0x158: {  	v10 =	vld [tilespmem:s24+$0x10];
	[tilespmem:s24+$0xFFFFFFA0] =	vst v5;
	v5 =	vmul.f32 v11, v3  }
0x159: {  	[tilespmem:s24+$0xFFFFFFB0] =	vst v8;
	v7 =	vmul.f32 v7, v3;
	v8 =	vld [tilespmem:s24+$0x20]  }
0x15a: {  	v11 =	vld [tilespmem:s24+$0x30];
	[tilespmem:s24+$0xFFFFFFC0] =	vst v5;
	v4 =	vmul.f32 v4, v3  }
0x15b: {  	v1 =	vld.idx.msk [tilespmem:v12+s12+$0x0], $0xffff;
	v3 =	vmul.f32 v6, v3;
	[tilespmem:s24+$0xFFFFFFD0] =	vst v7  }
0x15c: {  	v5 =	vmul.f32 v9, v2;
	[tilespmem:s24+$0xFFFFFFE0] =	vst v4;
	v4 =	vld [tilespmem:s24+$0x50]  }
0x15d: {  	s11 =	simm.s32 $0x4;
	[tilespmem:s24+$0xFFFFFFF0] =	vst v3;
	v6 =	vmul.f32 v10, v2;
	v3 =	vld [tilespmem:s24+$0x60]  }
0x15e: {  	s17 =	simm.s32 $0x7;
	v7 =	vmov s11;
	[tilespmem:s24+$0x0] =	vst v5;
	v9 =	vmul.f32 v8, v2;
	v8 =	vld [tilespmem:s24+$0x80]  }
0x15f: {  	s25 =	simm.s32 $0x5;
	v12 =	vand.u32 $0xFFFFFFFC, v7;
	v7 =	vld [tilespmem:s24+$0x90];
	v5 =	vmov s17;
	v10 =	vmul.f32 v11, v2;
	[tilespmem:s24+$0x10] =	vst v6  }
0x160: {  	s8 =	simm.s32 $0x8;
	s11 =	simm.s32 $0x6;
	v11 =	vmul.f32 v13, v2;
	v6 =	vbroadcast v12, $0x0;
	v12 =	vmov s25;
	s25 =	simm.s32 $0x2900;
	[tilespmem:s24+$0x20] =	vst v9;
	v9 =	vld [tilespmem:s24+$0xA0]  }
.LBB2_7:
0x161: {  	p0 =	slt.u32 s8, $0x4C;
	v12 =	vand.u32 $0xFFFFFFFD, v12;
	v13 =	vmov s11;
	[tilespmem:s24+$0x30] =	vst v10;
	v4 =	vmul.f32 v4, v2;
	v10 =	vld [tilespmem:s24+$0xB0]  }
0x162: {  	v12 =	vbroadcast v12, $0x0;
	v13 =	vand.u32 $0xFFFFFFFE, v13;
	[tilespmem:s24+$0x40] =	vst v11;
	v2 =	vmul.f32 v3, v2;
	v3 =	vld [tilespmem:s24+$0xC0]  }
0x163: {  	v11 =	vbroadcast v13, $0x0;
	[tilespmem:s24+$0x50] =	vst v4;
	v4 =	vmul.f32 v8, v1;
	v8 =	vld [tilespmem:s24+$0xD0]  }
0x164: {  	[tilespmem:s24+$0x60] =	vst v2;
	v2 =	vmul.f32 v7, v1;
	v7 =	vld [tilespmem:s24+$0xE0]  }
0x165: {  	[tilespmem:s24+$0x80] =	vst v4;
	v4 =	vmul.f32 v9, v1;
	v9 =	vld [tilespmem:s24+$0xF0]  }
0x166: {  	v5 =	vld.idx.msk [tilespmem:v5+s12+$0x0], $0xffff;
	[tilespmem:s24+$0x90] =	vst v2;
	v2 =	vmul.f32 v10, v1  }
0x167: {  	v6 =	vld.idx.msk [tilespmem:v6+s12+$0x0], $0xffff;
	[tilespmem:s24+$0xA0] =	vst v4;
	v3 =	vmul.f32 v3, v1  }
0x168: {  	v4 =	vld.idx.msk [tilespmem:v12+s12+$0x0], $0xffff;
	[tilespmem:s24+$0xB0] =	vst v2;
	v8 =	vmul.f32 v8, v1  }
0x169: {  	s24 =	sadd.s32 $0x200, s24;
	v2 =	vld.idx.msk [tilespmem:v11+s12+$0x0], $0xffff;
	[tilespmem:s25+$0xC0] =	vst v3;
	v3 =	vmul.f32 v7, v1  }
0x16a: {  	v7 =	vld [tilespmem:s24+$0x70];
	[tilespmem:s25+$0xD0] =	vst v8;
	v9 =	vmul.f32 v9, v1  }
0x16b: {  	v8 =	vld [tilespmem:s24+$0xFFFFFF00];
	[tilespmem:s25+$0xE0] =	vst v3  }
0x16c: {  	v1 =	vmov v5;
	v3 =	vld [tilespmem:s24+$0xFFFFFF10];
	[tilespmem:s25+$0xF0] =	vst v9;
	s25 =	smov.u32 s24  }
0x16d: {  	v5 =	vld [tilespmem:s24+$0xFFFFFF20]  }
0x16e: {  	v9 =	vld [tilespmem:s24+$0xFFFFFF30]  }
0x16f: {  	v10 =	vld [tilespmem:s24+$0xFFFFFF40];
	v7 =	vmul.f32 v7, v2  }
0x170: {  	v8 =	vmul.f32 v8, v6;
	v11 =	vld [tilespmem:s24+$0xFFFFFF50]  }
0x171: {  	v3 =	vmul.f32 v3, v6;
	v12 =	vld [tilespmem:s24+$0xFFFFFF60];
	[tilespmem:s24+$0x70] =	vst v7  }
0x172: {  	[tilespmem:s24+$0xFFFFFF00] =	vst v8;
	v5 =	vmul.f32 v5, v6;
	v7 =	vld [tilespmem:s24+$0xFFFFFF70]  }
0x173: {  	[tilespmem:s24+$0xFFFFFF10] =	vst v3;
	v3 =	vmul.f32 v9, v6;
	v8 =	vld [tilespmem:s24+$0xFFFFFF80]  }
0x174: {  	[tilespmem:s24+$0xFFFFFF20] =	vst v5;
	v5 =	vmul.f32 v10, v6;
	v9 =	vld [tilespmem:s24+$0xFFFFFF90]  }
0x175: {  	[tilespmem:s24+$0xFFFFFF30] =	vst v3;
	v3 =	vmul.f32 v11, v6;
	v10 =	vld [tilespmem:s24+$0xFFFFFFA0]  }
0x176: {  	[tilespmem:s24+$0xFFFFFF40] =	vst v5;
	v5 =	vmul.f32 v12, v6;
	v11 =	vld [tilespmem:s24+$0xFFFFFFB0]  }
0x177: {  	[tilespmem:s24+$0xFFFFFF50] =	vst v3;
	v3 =	vmul.f32 v7, v6;
	v6 =	vld [tilespmem:s24+$0xFFFFFFC0]  }
0x178: {  	[tilespmem:s24+$0xFFFFFF60] =	vst v5;
	v5 =	vmul.f32 v8, v4;
	v7 =	vld [tilespmem:s24+$0xFFFFFFD0]  }
0x179: {  	[tilespmem:s24+$0xFFFFFF70] =	vst v3;
	v3 =	vmul.f32 v9, v4;
	v8 =	vld [tilespmem:s24+$0xFFFFFFE0]  }
0x17a: {  	[tilespmem:s24+$0xFFFFFF80] =	vst v5;
	v5 =	vmul.f32 v10, v4;
	v9 =	vld [tilespmem:s24+$0xFFFFFFF0]  }
0x17b: {  	[tilespmem:s24+$0xFFFFFF90] =	vst v3;
	v3 =	vmul.f32 v11, v4;
	v10 =	vld [tilespmem:s24+$0x0]  }
0x17c: {  	[tilespmem:s24+$0xFFFFFFA0] =	vst v5;
	v5 =	vmul.f32 v6, v4;
	v6 =	vld [tilespmem:s24+$0x10]  }
0x17d: {  	[tilespmem:s24+$0xFFFFFFB0] =	vst v3;
	v3 =	vmul.f32 v7, v4;
	v7 =	vld [tilespmem:s24+$0x20]  }
0x17e: {  	[tilespmem:s24+$0xFFFFFFC0] =	vst v5;
	v5 =	vmul.f32 v8, v4;
	v11 =	vld [tilespmem:s24+$0x30]  }
0x17f: {  	[tilespmem:s24+$0xFFFFFFD0] =	vst v3;
	v3 =	vmul.f32 v9, v4;
	v9 =	vld [tilespmem:s24+$0x40]  }
.Ltmp2:
0x180: {  	[tilespmem:s24+$0xFFFFFFE0] =	vst v5;
	v5 =	vmul.f32 v10, v2;
	v4 =	vld [tilespmem:s24+$0x50];
	(pc) =	sbr.rel @p0 .LBB2_7-.Ltmp2, $4  }
0x181: {  	[tilespmem:s24+$0xFFFFFFF0] =	vst v3;
	v6 =	vmul.f32 v6, v2;
	v3 =	vld [tilespmem:s24+$0x60]  }
0x182: {  	s11 =	sadd.s32 $0x3, s8;
	v10 =	vmov s8;
	[tilespmem:s24+$0x0] =	vst v5;
	v13 =	vmul.f32 v7, v2;
	v8 =	vld [tilespmem:s24+$0x80]  }
0x183: {  	s17 =	sadd.s32 $0x1, s8;
	v12 =	vand.u32 $0xFFFFFFFC, v10;
	v5 =	vmov s11;
	[tilespmem:s24+$0x10] =	vst v6;
	v10 =	vmul.f32 v11, v2;
	v7 =	vld [tilespmem:s24+$0x90]  }
0x184: {  	s11 =	sadd.s32 $0x2, s8;
	s8 =	sadd.s32 $0x4, s8;
	v6 =	vbroadcast v12, $0x0;
	v12 =	vmov s17;
	[tilespmem:s24+$0x20] =	vst v13;
	v11 =	vmul.f32 v9, v2;
	v9 =	vld [tilespmem:s24+$0xA0]  }
0x185: {  	v13 =	vld [tilespmem:s24+$0xB0]  }
0x186: {  	v15 =	vld [tilespmem:s24+$0xC0]  }
0x187: {  	v14 =	vmov s11;
	v16 =	vld [tilespmem:s24+$0xD0]  }
0x188: {  	v17 =	vld [tilespmem:s24+$0xE0];
	[tilespmem:s24+$0x30] =	vst v10;
	v4 =	vmul.f32 v4, v2;
	v14 =	vand.u32 $0xFFFFFFFE, v14  }
0x189: {  	v12 =	vand.u32 $0xFFFFFFFD, v12;
	v5 =	vld.idx.msk [tilespmem:v5+s12+$0x0], $0xffff;
	[tilespmem:s24+$0x40] =	vst v11;
	v2 =	vmul.f32 v3, v2;
	v14 =	vbroadcast v14, $0x0  }
0x18a: {  	s8 =	sadd.s32 $0x200, s24;
	v12 =	vbroadcast v12, $0x0;
	v3 =	vld.idx.msk [tilespmem:v6+s12+$0x0], $0xffff;
	v8 =	vmul.f32 v8, v1;
	[tilespmem:s24+$0x50] =	vst v4  }
0x18b: {  	v10 =	vld [tilespmem:s8+$0xFFFFFF00];
	v4 =	vmul.f32 v7, v1;
	[tilespmem:s24+$0x60] =	vst v2  }
0x18c: {  	[tilespmem:s24+$0x80] =	vst v8;
	v8 =	vld [tilespmem:s24+$0xF0];
	v2 =	vmul.f32 v9, v1  }
0x18d: {  	v11 =	vld [tilespmem:s8+$0xFFFFFF10];
	[tilespmem:s24+$0x90] =	vst v4;
	v4 =	vmul.f32 v13, v1  }
0x18e: {  	v9 =	vld [tilespmem:s8+$0x70];
	[tilespmem:s24+$0xA0] =	vst v2;
	v2 =	vmul.f32 v15, v1  }
0x18f: {  	[tilespmem:s24+$0xB0] =	vst v4;
	v4 =	vmul.f32 v16, v1;
	v7 =	vld.idx.msk [tilespmem:v14+s12+$0x0], $0xffff  }
0x190: {  	v6 =	vld.idx.msk [tilespmem:v12+s12+$0x0], $0xffff;
	[tilespmem:s25+$0xC0] =	vst v2;
	v2 =	vmul.f32 v17, v1  }
0x191: {  	v12 =	vld [tilespmem:s8+$0xFFFFFF20];
	[tilespmem:s25+$0xD0] =	vst v4;
	v1 =	vmul.f32 v8, v1  }
0x192: {  	v4 =	vld [tilespmem:s8+$0xFFFFFF30];
	[tilespmem:s25+$0xE0] =	vst v2  }
0x193: {  	v2 =	vld [tilespmem:s8+$0xFFFFFF40];
	[tilespmem:s25+$0xF0] =	vst v1;
	v1 =	vmul.f32 v10, v3  }
0x194: {  	v8 =	vmul.f32 v9, v7;
	v9 =	vld [tilespmem:s8+$0xFFFFFF50]  }
0x195: {  	v10 =	vmul.f32 v11, v3;
	v11 =	vld [tilespmem:s8+$0xFFFFFF60];
	[tilespmem:s8+$0xFFFFFF00] =	vst v1  }
0x196: {  	v1 =	vmul.f32 v12, v3;
	[tilespmem:s8+$0x70] =	vst v8;
	v8 =	vld [tilespmem:s8+$0xFFFFFF70]  }
0x197: {  	[tilespmem:s8+$0xFFFFFF10] =	vst v10;
	v10 =	vld [tilespmem:s8+$0xFFFFFF80];
	v4 =	vmul.f32 v4, v3  }
0x198: {  	[tilespmem:s8+$0xFFFFFF20] =	vst v1;
	v1 =	vmul.f32 v2, v3;
	v2 =	vld [tilespmem:s8+$0xFFFFFF90]  }
0x199: {  	[tilespmem:s8+$0xFFFFFF30] =	vst v4;
	v4 =	vmul.f32 v9, v3;
	v9 =	vld [tilespmem:s8+$0xFFFFFFA0]  }
0x19a: {  	[tilespmem:s8+$0xFFFFFF40] =	vst v1;
	v1 =	vmul.f32 v11, v3;
	v11 =	vld [tilespmem:s8+$0xFFFFFFB0]  }
0x19b: {  	[tilespmem:s8+$0xFFFFFF50] =	vst v4;
	v3 =	vmul.f32 v8, v3;
	v4 =	vld [tilespmem:s8+$0xFFFFFFC0]  }
0x19c: {  	[tilespmem:s8+$0xFFFFFF60] =	vst v1;
	v1 =	vmul.f32 v10, v6;
	v8 =	vld [tilespmem:s8+$0xFFFFFFD0]  }
0x19d: {  	v2 =	vmul.f32 v2, v6;
	[tilespmem:s8+$0xFFFFFF70] =	vst v3;
	v3 =	vld [tilespmem:s8+$0xFFFFFFE0]  }
0x19e: {  	[tilespmem:s8+$0xFFFFFF80] =	vst v1;
	v1 =	vmul.f32 v9, v6;
	v9 =	vld [tilespmem:s8+$0xFFFFFFF0]  }
0x19f: {  	v10 =	vld [tilespmem:s8+$0x0];
	[tilespmem:s8+$0xFFFFFF90] =	vst v2;
	v2 =	vmul.f32 v11, v6  }
0x1a0: {  	[tilespmem:s8+$0xFFFFFFA0] =	vst v1;
	v1 =	vmul.f32 v4, v6;
	v4 =	vld [tilespmem:s8+$0x10]  }
0x1a1: {  	[tilespmem:s8+$0xFFFFFFB0] =	vst v2;
	v2 =	vmul.f32 v8, v6;
	v8 =	vld [tilespmem:s8+$0x20]  }
0x1a2: {  	[tilespmem:s8+$0xFFFFFFC0] =	vst v1;
	v1 =	vmul.f32 v3, v6;
	v3 =	vld [tilespmem:s8+$0x30]  }
0x1a3: {  	[tilespmem:s8+$0xFFFFFFD0] =	vst v2;
	v2 =	vmul.f32 v9, v6;
	v6 =	vld [tilespmem:s8+$0x40]  }
0x1a4: {  	v9 =	vld [tilespmem:s8+$0x50];
	[tilespmem:s8+$0xFFFFFFE0] =	vst v1;
	v1 =	vmul.f32 v10, v7  }
0x1a5: {  	[tilespmem:s8+$0xFFFFFFF0] =	vst v2;
	v2 =	vmul.f32 v4, v7;
	v4 =	vld [tilespmem:s8+$0x60]  }
0x1a6: {  	[tilespmem:s8+$0x0] =	vst v1;
	v1 =	vmul.f32 v8, v7;
	v8 =	vld [tilespmem:s8+$0x80]  }
0x1a7: {  	[tilespmem:s8+$0x10] =	vst v2;
	v2 =	vmul.f32 v3, v7;
	v3 =	vld [tilespmem:s8+$0x90]  }
0x1a8: {  	[tilespmem:s8+$0x20] =	vst v1;
	v1 =	vmul.f32 v6, v7;
	v6 =	vld [tilespmem:s8+$0xA0]  }
0x1a9: {  	[tilespmem:s8+$0x30] =	vst v2;
	v2 =	vmul.f32 v9, v7;
	v9 =	vld [tilespmem:s8+$0xB0]  }
0x1aa: {  	[tilespmem:s8+$0x40] =	vst v1;
	v1 =	vmul.f32 v4, v7;
	v4 =	vld [tilespmem:s8+$0xC0]  }
0x1ab: {  	v7 =	vld [tilespmem:s8+$0xD0];
	[tilespmem:s8+$0x50] =	vst v2;
	v2 =	vmul.f32 v8, v5  }
0x1ac: {  	[tilespmem:s8+$0x60] =	vst v1;
	v1 =	vmul.f32 v3, v5;
	v3 =	vld [tilespmem:s8+$0xE0]  }
0x1ad: {  	[tilespmem:s8+$0x80] =	vst v2;
	v2 =	vmul.f32 v6, v5;
	v6 =	vld [tilespmem:s8+$0xF0]  }
0x1ae: {  	[tilespmem:s8+$0x90] =	vst v1;
	v1 =	vmul.f32 v9, v5  }
0x1af: {  	[tilespmem:s8+$0xA0] =	vst v2;
	v2 =	vmul.f32 v4, v5  }
0x1b0: {  	[tilespmem:s8+$0xB0] =	vst v1;
	v1 =	vmul.f32 v7, v5  }
0x1b1: {  	[tilespmem:s8+$0xC0] =	vst v2;
	v2 =	vmul.f32 v3, v5  }
0x1b2: {  	[tilespmem:s8+$0xD0] =	vst v1;
	v1 =	vmul.f32 v6, v5  }
0x1b3: {  	p0 =	seq.s32 s21, $0x0;
	[tilespmem:s8+$0xE0] =	vst v2  }
0x1b4: {  	[tilespmem:s8+$0xF0] =	vst v1;
	s8 =	simm.s32 @!p0 $0xB  }
0x1b5: {  	_ =	swait.ge @!p0 [sflag:s8], $0x50  }
0x1b6: {  	[sflag:s8] =	ssyncset.done @!p0 $0x0  }
0x1b7: {  	s24 =	simm.s32 $0x7A00;
	s25 =	simm.s32 $0x2800;
	[sflag:s8] =	ssyncadd.s32 @!p0 $0xFFFFFFB0  }
0x1b8: {  	[spmem:s3] =	stream.indirect.scatter.add.f32 [tilespmem:s25], [sflag:$0x5], $0x80, s24, s18, $0xb8;
	[tilespmem:$0x1E480] =	vst v63  }
0x1b9: {  	_ =	swait.ge [sflag:s28], $0x2800  }
0x1ba: {  	[sflag:s28] =	ssyncset.done $0x0  }
0x1bb: {  	[sflag:s28] =	ssyncadd.s32 $0xFFFFD800  }
0x1bc: {  	_ =	swait.ge [sflag:s29], $0x50  }
0x1bd: {  	[sflag:s29] =	ssyncset.done $0x0  }
0x1be: {  	[sflag:s29] =	ssyncadd.s32 $0xFFFFFFB0  }
0x1bf: {  	_ =	swait.ge [sflag:s30], $0x50  }
0x1c0: {  	[sflag:s30] =	ssyncset.done $0x0  }
0x1c1: {  	s8 =	simm.s32 $0x0;
	s24 =	rddreg [dreg:$0x13];
	[sflag:s30] =	ssyncadd.s32 $0xFFFFFFB0  }
0x1c2: {  	[tilespmem:s8], [sflag:$0x1] =	stream.indirect.gather [hbm4b:s1+s18], $0x80, s19, s18, $0xb8;
	[tilespmem:$0x1E480] =	vst v63  }
0x1c3: {  	s13 =	sadd.s32 s7, s13;
	s17 =	simm.s32 $0x7980;
	s11 =	sadd.s32 s22, s24  }
0x1c4: {  	[tilespmem:s17], [sflag:$0xA] =	stream.linear.gather [hbm4b:s13+s8], $0x50, $0x38;
	[tilespmem:$0x1E480] =	vst v63  }
0x1c5: {  	s13 =	sshrl.u32 s11, $0x3  }
0x1c6: {  	s11 =	sadd.s32 s6, s13  }
0x1c7: {  	[tilespmem:s14], [sflag:$0x8] =	stream.linear.gather [hbm4b:s11+s8], $0x50, $0x38;
	[tilespmem:$0x1E480] =	vst v63  }
0x1c8: {  	s25 =	sadd.s32 s2, s13  }
0x1c9: {  	[tilespmem:s12], [sflag:$0xE] =	stream.linear.gather [hbm4b:s25+s8], $0x50, $0x38;
	[tilespmem:$0x1E480] =	vst v63  }
0x1ca: {  	_ =	swait.ge [sflag:s31], $0x2800  }
0x1cb: {  	[sflag:s31] =	ssyncset.done $0x0  }
0x1cc: {  	[sflag:s31] =	ssyncadd.s32 $0xFFFFD800  }
0x1cd: {  	v1 =	vld [tilespmem:$0x7900];
	_ =	sdelay $0x5  }
0x1ce: {  	v2 =	vld [tilespmem:$0x7C00]  }
0x1cf: {  	v3 =	vld [tilespmem:$0x7910]  }
0x1d0: {  	v1 =	vld.idx.msk [tilespmem:v1+s4+$0x0], $0xffff;
	_ =	sdelay $0x4  }
0x1d1: {  	v1 =	vmul.f32 v2, v1;
	_ =	sdelay $0x1  }
0x1d2: {  	v2 =	vld [tilespmem:$0x7C10];
	[tilespmem:$0x7C00] =	vst v1  }
0x1d3: {  	v1 =	vld.idx.msk [tilespmem:v3+s4+$0x0], $0xffff  }
0x1d4: {  	v3 =	vld [tilespmem:$0x7920];
	_ =	sdelay $0x4  }
0x1d5: {  	v1 =	vmul.f32 v2, v1;
	_ =	sdelay $0x1  }
0x1d6: {  	v2 =	vld [tilespmem:$0x7C20];
	[tilespmem:$0x7C10] =	vst v1  }
0x1d7: {  	v1 =	vld.idx.msk [tilespmem:v3+s4+$0x0], $0xffff  }
0x1d8: {  	v3 =	vld [tilespmem:$0x7930];
	_ =	sdelay $0x4  }
0x1d9: {  	v1 =	vmul.f32 v2, v1;
	_ =	sdelay $0x1  }
0x1da: {  	v2 =	vld [tilespmem:$0x7C30];
	[tilespmem:$0x7C20] =	vst v1  }
0x1db: {  	v1 =	vld.idx.msk [tilespmem:v3+s4+$0x0], $0xffff  }
0x1dc: {  	v3 =	vld [tilespmem:$0x7940];
	_ =	sdelay $0x4  }
0x1dd: {  	v1 =	vmul.f32 v2, v1;
	_ =	sdelay $0x1  }
0x1de: {  	v2 =	vld [tilespmem:$0x7C40];
	[tilespmem:$0x7C30] =	vst v1  }
0x1df: {  	s11 =	simm.s32 $0x2;
	v1 =	vld.idx.msk [tilespmem:v3+s4+$0x0], $0xffff;
	v3 =	vmov s8  }
0x1e0: {  	v4 =	vmov s11;
	v3 =	vand.u32 $0xFFFFFFFC, v3  }
0x1e1: {  	v4 =	vand.u32 $0xFFFFFFFE, v4;
	v3 =	vbroadcast v3, $0x0  }
0x1e2: {  	v4 =	vbroadcast v4, $0x0;
	_ =	sdelay $0x1  }
0x1e3: {  	v1 =	vmul.f32 v2, v1;
	_ =	sdelay $0x1  }
0x1e4: {  	[tilespmem:$0x7C40] =	vst v1  }
0x1e5: {  	v1 =	vld.idx.msk [tilespmem:v3+s15+$0x0], $0xffff  }
0x1e6: {  	s24 =	simm.s32 $0x5100;
	v2 =	vld.idx.msk [tilespmem:v4+s15+$0x0], $0xffff  }
0x1e7: {  	v4 =	vld [tilespmem:s24+$0x70]  }
0x1e8: {  	v5 =	vld [tilespmem:s24+$0xFFFFFF00]  }
0x1e9: {  	s17 =	simm.s32 $0x1;
	v6 =	vld [tilespmem:s24+$0xFFFFFF10]  }
0x1ea: {  	v3 =	vmov s17;
	v7 =	vld [tilespmem:s24+$0xFFFFFF20]  }
0x1eb: {  	v8 =	vld [tilespmem:s24+$0xFFFFFF30];
	v3 =	vand.u32 $0xFFFFFFFD, v3  }
0x1ec: {  	v9 =	vld [tilespmem:s24+$0xFFFFFF40];
	v3 =	vbroadcast v3, $0x0  }
0x1ed: {  	v10 =	vld [tilespmem:s24+$0xFFFFFF50]  }
0x1ee: {  	v11 =	vld [tilespmem:s24+$0xFFFFFF60];
	v5 =	vmul.f32 v5, v1  }
0x1ef: {  	v13 =	vld [tilespmem:s24+$0x40];
	v4 =	vmul.f32 v4, v2  }
0x1f0: {  	[tilespmem:s24+$0xFFFFFF00] =	vst v5;
	v5 =	vmul.f32 v6, v1;
	v6 =	vld [tilespmem:s24+$0xFFFFFF70]  }
0x1f1: {  	[tilespmem:s24+$0x70] =	vst v4;
	v4 =	vmul.f32 v7, v1;
	v7 =	vld [tilespmem:s24+$0xFFFFFF80]  }
0x1f2: {  	v3 =	vld.idx.msk [tilespmem:v3+s15+$0x0], $0xffff;
	[tilespmem:s24+$0xFFFFFF10] =	vst v5;
	v5 =	vmul.f32 v8, v1  }
0x1f3: {  	v8 =	vld [tilespmem:s24+$0xFFFFFF90];
	[tilespmem:s24+$0xFFFFFF20] =	vst v4;
	v4 =	vmul.f32 v9, v1  }
0x1f4: {  	v9 =	vld [tilespmem:s24+$0xFFFFFFA0];
	[tilespmem:s24+$0xFFFFFF30] =	vst v5;
	v5 =	vmul.f32 v10, v1  }
0x1f5: {  	v10 =	vld [tilespmem:s24+$0xFFFFFFB0];
	[tilespmem:s24+$0xFFFFFF40] =	vst v4;
	v4 =	vmul.f32 v11, v1  }
0x1f6: {  	v11 =	vld [tilespmem:s24+$0xFFFFFFC0];
	v6 =	vmul.f32 v6, v1;
	[tilespmem:s24+$0xFFFFFF50] =	vst v5  }
0x1f7: {  	v5 =	vmul.f32 v7, v3;
	v7 =	vld [tilespmem:s24+$0xFFFFFFD0];
	[tilespmem:s24+$0xFFFFFF60] =	vst v4  }
0x1f8: {  	s25 =	simm.s32 $0x3;
	v4 =	vld [tilespmem:s24+$0xFFFFFFE0];
	v8 =	vmul.f32 v8, v3;
	[tilespmem:s24+$0xFFFFFF70] =	vst v6  }
0x1f9: {  	v12 =	vmov s25;
	v6 =	vld [tilespmem:s24+$0xFFFFFFF0];
	[tilespmem:s24+$0xFFFFFF80] =	vst v5;
	v5 =	vmul.f32 v9, v3  }
0x1fa: {  	v9 =	vld [tilespmem:s24+$0x0];
	[tilespmem:s24+$0xFFFFFF90] =	vst v8;
	v8 =	vmul.f32 v10, v3  }
0x1fb: {  	v10 =	vld [tilespmem:s24+$0x10];
	[tilespmem:s24+$0xFFFFFFA0] =	vst v5;
	v5 =	vmul.f32 v11, v3  }
0x1fc: {  	[tilespmem:s24+$0xFFFFFFB0] =	vst v8;
	v7 =	vmul.f32 v7, v3;
	v8 =	vld [tilespmem:s24+$0x20]  }
0x1fd: {  	v11 =	vld [tilespmem:s24+$0x30];
	v4 =	vmul.f32 v4, v3;
	[tilespmem:s24+$0xFFFFFFC0] =	vst v5  }
0x1fe: {  	v1 =	vld.idx.msk [tilespmem:v12+s15+$0x0], $0xffff;
	v3 =	vmul.f32 v6, v3;
	[tilespmem:s24+$0xFFFFFFD0] =	vst v7  }
0x1ff: {  	[tilespmem:s24+$0xFFFFFFE0] =	vst v4;
	v5 =	vmul.f32 v9, v2;
	v4 =	vld [tilespmem:s24+$0x50]  }
0x200: {  	s11 =	simm.s32 $0x4;
	[tilespmem:s24+$0xFFFFFFF0] =	vst v3;
	v6 =	vmul.f32 v10, v2;
	v3 =	vld [tilespmem:s24+$0x60]  }
0x201: {  	s17 =	simm.s32 $0x7;
	v7 =	vmov s11;
	[tilespmem:s24+$0x0] =	vst v5;
	v9 =	vmul.f32 v8, v2;
	v8 =	vld [tilespmem:s24+$0x80]  }
0x202: {  	s25 =	simm.s32 $0x5;
	v12 =	vand.u32 $0xFFFFFFFC, v7;
	v7 =	vld [tilespmem:s24+$0x90];
	v5 =	vmov s17;
	v10 =	vmul.f32 v11, v2;
	[tilespmem:s24+$0x10] =	vst v6  }
0x203: {  	s8 =	simm.s32 $0x8;
	s11 =	simm.s32 $0x6;
	v11 =	vmul.f32 v13, v2;
	v6 =	vbroadcast v12, $0x0;
	v12 =	vmov s25;
	s25 =	simm.s32 $0x5100;
	[tilespmem:s24+$0x20] =	vst v9;
	v9 =	vld [tilespmem:s24+$0xA0]  }
.LBB2_9:
0x204: {  	p0 =	slt.u32 s8, $0x4C;
	v12 =	vand.u32 $0xFFFFFFFD, v12;
	v13 =	vmov s11;
	[tilespmem:s24+$0x30] =	vst v10;
	v4 =	vmul.f32 v4, v2;
	v10 =	vld [tilespmem:s24+$0xB0]  }
0x205: {  	v12 =	vbroadcast v12, $0x0;
	v13 =	vand.u32 $0xFFFFFFFE, v13;
	[tilespmem:s24+$0x40] =	vst v11;
	v2 =	vmul.f32 v3, v2;
	v3 =	vld [tilespmem:s24+$0xC0]  }
0x206: {  	v11 =	vbroadcast v13, $0x0;
	[tilespmem:s24+$0x50] =	vst v4;
	v4 =	vmul.f32 v8, v1;
	v8 =	vld [tilespmem:s24+$0xD0]  }
0x207: {  	[tilespmem:s24+$0x60] =	vst v2;
	v2 =	vmul.f32 v7, v1;
	v7 =	vld [tilespmem:s24+$0xE0]  }
0x208: {  	[tilespmem:s24+$0x80] =	vst v4;
	v4 =	vmul.f32 v9, v1;
	v9 =	vld [tilespmem:s24+$0xF0]  }
0x209: {  	v5 =	vld.idx.msk [tilespmem:v5+s15+$0x0], $0xffff;
	[tilespmem:s24+$0x90] =	vst v2;
	v2 =	vmul.f32 v10, v1  }
0x20a: {  	v6 =	vld.idx.msk [tilespmem:v6+s15+$0x0], $0xffff;
	[tilespmem:s24+$0xA0] =	vst v4;
	v3 =	vmul.f32 v3, v1  }
0x20b: {  	v4 =	vld.idx.msk [tilespmem:v12+s15+$0x0], $0xffff;
	[tilespmem:s24+$0xB0] =	vst v2;
	v8 =	vmul.f32 v8, v1  }
0x20c: {  	s24 =	sadd.s32 $0x200, s24;
	v2 =	vld.idx.msk [tilespmem:v11+s15+$0x0], $0xffff;
	[tilespmem:s25+$0xC0] =	vst v3;
	v3 =	vmul.f32 v7, v1  }
0x20d: {  	v7 =	vld [tilespmem:s24+$0x70];
	[tilespmem:s25+$0xD0] =	vst v8;
	v9 =	vmul.f32 v9, v1  }
0x20e: {  	v8 =	vld [tilespmem:s24+$0xFFFFFF00];
	[tilespmem:s25+$0xE0] =	vst v3  }
0x20f: {  	v1 =	vmov v5;
	v3 =	vld [tilespmem:s24+$0xFFFFFF10];
	[tilespmem:s25+$0xF0] =	vst v9;
	s25 =	smov.u32 s24  }
0x210: {  	v5 =	vld [tilespmem:s24+$0xFFFFFF20]  }
0x211: {  	v9 =	vld [tilespmem:s24+$0xFFFFFF30]  }
0x212: {  	v10 =	vld [tilespmem:s24+$0xFFFFFF40];
	v7 =	vmul.f32 v7, v2  }
0x213: {  	v8 =	vmul.f32 v8, v6;
	v11 =	vld [tilespmem:s24+$0xFFFFFF50]  }
0x214: {  	v3 =	vmul.f32 v3, v6;
	v12 =	vld [tilespmem:s24+$0xFFFFFF60];
	[tilespmem:s24+$0x70] =	vst v7  }
0x215: {  	[tilespmem:s24+$0xFFFFFF00] =	vst v8;
	v5 =	vmul.f32 v5, v6;
	v7 =	vld [tilespmem:s24+$0xFFFFFF70]  }
0x216: {  	[tilespmem:s24+$0xFFFFFF10] =	vst v3;
	v3 =	vmul.f32 v9, v6;
	v8 =	vld [tilespmem:s24+$0xFFFFFF80]  }
0x217: {  	[tilespmem:s24+$0xFFFFFF20] =	vst v5;
	v5 =	vmul.f32 v10, v6;
	v9 =	vld [tilespmem:s24+$0xFFFFFF90]  }
0x218: {  	[tilespmem:s24+$0xFFFFFF30] =	vst v3;
	v3 =	vmul.f32 v11, v6;
	v10 =	vld [tilespmem:s24+$0xFFFFFFA0]  }
0x219: {  	[tilespmem:s24+$0xFFFFFF40] =	vst v5;
	v5 =	vmul.f32 v12, v6;
	v11 =	vld [tilespmem:s24+$0xFFFFFFB0]  }
0x21a: {  	[tilespmem:s24+$0xFFFFFF50] =	vst v3;
	v3 =	vmul.f32 v7, v6;
	v6 =	vld [tilespmem:s24+$0xFFFFFFC0]  }
0x21b: {  	[tilespmem:s24+$0xFFFFFF60] =	vst v5;
	v5 =	vmul.f32 v8, v4;
	v7 =	vld [tilespmem:s24+$0xFFFFFFD0]  }
0x21c: {  	[tilespmem:s24+$0xFFFFFF70] =	vst v3;
	v3 =	vmul.f32 v9, v4;
	v8 =	vld [tilespmem:s24+$0xFFFFFFE0]  }
0x21d: {  	[tilespmem:s24+$0xFFFFFF80] =	vst v5;
	v5 =	vmul.f32 v10, v4;
	v9 =	vld [tilespmem:s24+$0xFFFFFFF0]  }
0x21e: {  	[tilespmem:s24+$0xFFFFFF90] =	vst v3;
	v3 =	vmul.f32 v11, v4;
	v10 =	vld [tilespmem:s24+$0x0]  }
0x21f: {  	[tilespmem:s24+$0xFFFFFFA0] =	vst v5;
	v5 =	vmul.f32 v6, v4;
	v6 =	vld [tilespmem:s24+$0x10]  }
0x220: {  	[tilespmem:s24+$0xFFFFFFB0] =	vst v3;
	v3 =	vmul.f32 v7, v4;
	v7 =	vld [tilespmem:s24+$0x20]  }
0x221: {  	[tilespmem:s24+$0xFFFFFFC0] =	vst v5;
	v5 =	vmul.f32 v8, v4;
	v11 =	vld [tilespmem:s24+$0x30]  }
0x222: {  	[tilespmem:s24+$0xFFFFFFD0] =	vst v3;
	v3 =	vmul.f32 v9, v4;
	v9 =	vld [tilespmem:s24+$0x40]  }
.Ltmp3:
0x223: {  	[tilespmem:s24+$0xFFFFFFE0] =	vst v5;
	v5 =	vmul.f32 v10, v2;
	v4 =	vld [tilespmem:s24+$0x50];
	(pc) =	sbr.rel @p0 .LBB2_9-.Ltmp3, $4  }
0x224: {  	[tilespmem:s24+$0xFFFFFFF0] =	vst v3;
	v6 =	vmul.f32 v6, v2;
	v3 =	vld [tilespmem:s24+$0x60]  }
0x225: {  	s11 =	sadd.s32 $0x3, s8;
	v10 =	vmov s8;
	[tilespmem:s24+$0x0] =	vst v5;
	v13 =	vmul.f32 v7, v2;
	v8 =	vld [tilespmem:s24+$0x80]  }
0x226: {  	s17 =	sadd.s32 $0x1, s8;
	v12 =	vand.u32 $0xFFFFFFFC, v10;
	v5 =	vmov s11;
	[tilespmem:s24+$0x10] =	vst v6;
	v10 =	vmul.f32 v11, v2;
	v7 =	vld [tilespmem:s24+$0x90]  }
0x227: {  	s11 =	sadd.s32 $0x2, s8;
	s8 =	sadd.s32 $0x4, s8;
	v6 =	vbroadcast v12, $0x0;
	v12 =	vmov s17;
	[tilespmem:s24+$0x20] =	vst v13;
	v11 =	vmul.f32 v9, v2;
	v9 =	vld [tilespmem:s24+$0xA0]  }
0x228: {  	v13 =	vld [tilespmem:s24+$0xB0]  }
0x229: {  	v15 =	vld [tilespmem:s24+$0xC0]  }
0x22a: {  	v16 =	vld [tilespmem:s24+$0xD0]  }
0x22b: {  	v17 =	vld [tilespmem:s24+$0xE0]  }
0x22c: {  	v29 =	vld [tilespmem:s24+$0xF0];
	[tilespmem:s24+$0x30] =	vst v10;
	v4 =	vmul.f32 v4, v2  }
0x22d: {  	v5 =	vld.idx.msk [tilespmem:v5+s15+$0x0], $0xffff;
	[tilespmem:s24+$0x40] =	vst v11;
	v2 =	vmul.f32 v3, v2  }
0x22e: {  	s8 =	sadd.s32 $0x200, s24;
	v3 =	vld.idx.msk [tilespmem:v6+s15+$0x0], $0xffff;
	v8 =	vmul.f32 v8, v1;
	[tilespmem:s24+$0x50] =	vst v4  }
0x22f: {  	v14 =	vmov s11;
	v34 =	vld [tilespmem:s8+$0x70];
	v30 =	vmul.f32 v7, v1;
	[tilespmem:s24+$0x60] =	vst v2  }
0x230: {  	v14 =	vand.u32 $0xFFFFFFFE, v14;
	v35 =	vld [tilespmem:s8+$0xFFFFFF00];
	[tilespmem:s24+$0x80] =	vst v8;
	v2 =	vmul.f32 v9, v1  }
0x231: {  	v37 =	vld [tilespmem:s8+$0xFFFFFF10];
	v14 =	vbroadcast v14, $0x0;
	[tilespmem:s24+$0x90] =	vst v30;
	v33 =	vmul.f32 v13, v1  }
0x232: {  	v38 =	vld [tilespmem:s8+$0xFFFFFF20];
	[tilespmem:s24+$0xA0] =	vst v2;
	v2 =	vmul.f32 v15, v1  }
0x233: {  	v12 =	vand.u32 $0xFFFFFFFD, v12;
	v39 =	vld [tilespmem:s8+$0xFFFFFF30];
	v36 =	vmul.f32 v16, v1;
	[tilespmem:s24+$0xB0] =	vst v33  }
0x234: {  	v12 =	vbroadcast v12, $0x0;
	v41 =	vld [tilespmem:s8+$0xFFFFFF50];
	[tilespmem:s25+$0xC0] =	vst v2;
	v2 =	vmul.f32 v17, v1  }
0x235: {  	v43 =	vld [tilespmem:s8+$0xFFFFFF60];
	[tilespmem:s25+$0xD0] =	vst v36;
	v1 =	vmul.f32 v29, v1  }
0x236: {  	v42 =	vmul.f32 v37, v3;
	[tilespmem:s25+$0xE0] =	vst v2;
	v2 =	vld [tilespmem:s8+$0xFFFFFF40]  }
0x237: {  	v32 =	vld.idx.msk [tilespmem:v14+s15+$0x0], $0xffff;
	[tilespmem:s25+$0xF0] =	vst v1;
	v1 =	vmul.f32 v35, v3  }
0x238: {  	v44 =	vld [tilespmem:s8+$0xFFFFFF70];
	v4 =	vmul.f32 v39, v3;
	[tilespmem:s8+$0xFFFFFF10] =	vst v42  }
0x239: {  	v45 =	vld [tilespmem:s8+$0xFFFFFF80];
	[tilespmem:s8+$0xFFFFFF00] =	vst v1;
	v1 =	vmul.f32 v38, v3  }
0x23a: {  	v46 =	vmul.f32 v41, v3;
	v31 =	vld.idx.msk [tilespmem:v12+s15+$0x0], $0xffff;
	[tilespmem:s8+$0xFFFFFF30] =	vst v4  }
0x23b: {  	[tilespmem:s8+$0xFFFFFF20] =	vst v1;
	v1 =	vmul.f32 v2, v3;
	v2 =	vld [tilespmem:s8+$0xFFFFFF90]  }
0x23c: {  	v47 =	vld [tilespmem:s8+$0xFFFFFFA0];
	[tilespmem:s8+$0xFFFFFF50] =	vst v46;
	v40 =	vmul.f32 v34, v32  }
0x23d: {  	v48 =	vld [tilespmem:s8+$0xFFFFFFB0];
	[tilespmem:s8+$0xFFFFFF40] =	vst v1;
	v1 =	vmul.f32 v43, v3  }
0x23e: {  	v49 =	vld [tilespmem:s8+$0xFFFFFFC0];
	[tilespmem:s8+$0x70] =	vst v40;
	v3 =	vmul.f32 v44, v3  }
0x23f: {  	v50 =	vld [tilespmem:s8+$0xFFFFFFD0];
	[tilespmem:s8+$0xFFFFFF60] =	vst v1;
	v1 =	vmul.f32 v45, v31  }
0x240: {  	[tilespmem:s8+$0xFFFFFF70] =	vst v3;
	v3 =	vld [tilespmem:s8+$0xFFFFFFE0];
	v2 =	vmul.f32 v2, v31  }
0x241: {  	v51 =	vld [tilespmem:s8+$0xFFFFFFF0];
	[tilespmem:s8+$0xFFFFFF80] =	vst v1;
	v1 =	vmul.f32 v47, v31  }
0x242: {  	v52 =	vld [tilespmem:s8+$0x0];
	[tilespmem:s8+$0xFFFFFF90] =	vst v2;
	v2 =	vmul.f32 v48, v31  }
0x243: {  	v53 =	vld [tilespmem:s8+$0x10];
	[tilespmem:s8+$0xFFFFFFA0] =	vst v1;
	v1 =	vmul.f32 v49, v31  }
0x244: {  	v54 =	vld [tilespmem:s8+$0x20];
	[tilespmem:s8+$0xFFFFFFB0] =	vst v2;
	v2 =	vmul.f32 v50, v31  }
0x245: {  	[tilespmem:s8+$0xFFFFFFC0] =	vst v1;
	v1 =	vmul.f32 v3, v31;
	v3 =	vld [tilespmem:s8+$0x30]  }
0x246: {  	v55 =	vld [tilespmem:s8+$0x40];
	[tilespmem:s8+$0xFFFFFFD0] =	vst v2;
	v2 =	vmul.f32 v51, v31  }
0x247: {  	v56 =	vld [tilespmem:s8+$0x50];
	[tilespmem:s8+$0xFFFFFFE0] =	vst v1;
	v1 =	vmul.f32 v52, v32  }
0x248: {  	v57 =	vld [tilespmem:s8+$0x60];
	[tilespmem:s8+$0xFFFFFFF0] =	vst v2;
	v2 =	vmul.f32 v53, v32  }
0x249: {  	v58 =	vld [tilespmem:s8+$0x80];
	[tilespmem:s8+$0x0] =	vst v1;
	v1 =	vmul.f32 v54, v32  }
0x24a: {  	[tilespmem:s8+$0x10] =	vst v2;
	v2 =	vmul.f32 v3, v32;
	v3 =	vld [tilespmem:s8+$0x90]  }
0x24b: {  	v59 =	vld [tilespmem:s8+$0xA0];
	[tilespmem:s8+$0x20] =	vst v1;
	v1 =	vmul.f32 v55, v32  }
0x24c: {  	v60 =	vld [tilespmem:s8+$0xB0];
	[tilespmem:s8+$0x30] =	vst v2;
	v2 =	vmul.f32 v56, v32  }
0x24d: {  	v61 =	vld [tilespmem:s8+$0xC0];
	[tilespmem:s8+$0x40] =	vst v1;
	v1 =	vmul.f32 v57, v32  }
0x24e: {  	v62 =	vld [tilespmem:s8+$0xD0];
	[tilespmem:s8+$0x50] =	vst v2;
	v2 =	vmul.f32 v58, v5  }
0x24f: {  	[tilespmem:s8+$0x60] =	vst v1;
	v1 =	vmul.f32 v3, v5;
	v3 =	vld [tilespmem:s8+$0xE0]  }
0x250: {  	v63 =	vld [tilespmem:s8+$0xF0];
	[tilespmem:s8+$0x80] =	vst v2;
	v2 =	vmul.f32 v59, v5  }
0x251: {  	[tilespmem:s8+$0x90] =	vst v1;
	v1 =	vmul.f32 v60, v5  }
0x252: {  	[tilespmem:s8+$0xA0] =	vst v2;
	v2 =	vmul.f32 v61, v5  }
0x253: {  	[tilespmem:s8+$0xB0] =	vst v1;
	v1 =	vmul.f32 v62, v5  }
0x254: {  	[tilespmem:s8+$0xC0] =	vst v2;
	v2 =	vmul.f32 v3, v5  }
0x255: {  	[tilespmem:s8+$0xD0] =	vst v1;
	v1 =	vmul.f32 v63, v5  }
0x256: {  	[tilespmem:s8+$0xE0] =	vst v2  }
0x257: {  	[tilespmem:s8+$0xF0] =	vst v1  }
0x258: {  	_ =	swait.ge [sflag:s9], $0x50  }
0x259: {  	[sflag:s9] =	ssyncset.done $0x0  }
0x25a: {  	s24 =	simm.s32 $0x5000;
	s25 =	simm.s32 $0x7A80;
	[sflag:s9] =	ssyncadd.s32 $0xFFFFFFB0  }
0x25b: {  	[spmem:s3] =	stream.indirect.scatter.add.f32 [tilespmem:s24], [sflag:$0x6], $0x80, s25, s18, $0xb8;
	[tilespmem:$0x1E480] =	vst v63  }
0x25c: {  	_ =	swait.ge [sflag:s16], $0x2800  }
0x25d: {  	[sflag:s16] =	ssyncset.done $0x0  }
0x25e: {  	[sflag:s16] =	ssyncadd.s32 $0xFFFFD800  }
0x25f: {  	_ =	swait.ge [sflag:s0], $0x50  }
0x260: {  	[sflag:s0] =	ssyncset.done $0x0  }
0x261: {  	[sflag:s0] =	ssyncadd.s32 $0xFFFFFFB0  }
0x262: {  	p0 =	seq.s32 s21, $0x28;
	_ =	swait.ge [sflag:s23], $0x50  }
.Ltmp4:
0x263: {  	[sflag:s23] =	ssyncset.done $0x0;
	(pc) =	sbr.rel @p0 .LBB2_12-.Ltmp4, $4  }
0x264: {  	s17 =	simm.s32 $0x2800;
	[sflag:s23] =	ssyncadd.s32 $0xFFFFFFB0  }
0x265: {  	[tilespmem:s17], [sflag:$0x2] =	stream.indirect.gather [hbm4b:s1+s18], $0x80, s14, s18, $0xb8;
	[tilespmem:$0x1E480] =	vst v63  }
0x266: {  	s24 =	sadd.s32 s7, s13;
	s25 =	simm.s32 $0x7A00  }
0x267: {  	[tilespmem:s25], [sflag:$0xB] =	stream.linear.gather [hbm4b:s24+s5], $0x50, $0x38;
	[tilespmem:$0x1E480] =	vst v63  }
0x268: {  	s8 =	rddreg [dreg:$0x14]  }
0x269: {  	s8 =	sadd.s32 s22, s8  }
.Ltmp5:
0x26a: {  	s8 =	sshrl.u32 s8, $0x3;
	(pc) =	sbr.rel .LBB2_4-.Ltmp5, $4  }
0x26b: {  	s25 =	simm.s32 $0x7900;
	s11 =	sadd.s32 s6, s8  }
0x26c: {  	[tilespmem:s25], [sflag:$0x9] =	stream.linear.gather [hbm4b:s11+s5], $0x50, $0x38;
	[tilespmem:$0x1E480] =	vst v63  }
0x26d: {  	s21 =	sadd.s32 $0x1, s21;
	s8 =	sadd.s32 s2, s8  }
0x26e: {  	[tilespmem:s15], [sflag:$0xF] =	stream.linear.gather [hbm4b:s8+s5], $0x50, $0x38;
	[tilespmem:$0x1E480] =	vst v63  }
.LBB2_12:
0x26f: {  	_ =	swait.ge [sflag:s20], $0x2800  }
0x270: {  	[sflag:s20] =	ssyncset.done $0x0  }
0x271: {  	[sflag:s20] =	ssyncadd.s32 $0xFFFFD800  }
0x272: {  	v1 =	vld [tilespmem:$0x7800];
	_ =	sdelay $0x5  }
0x273: {  	v2 =	vld [tilespmem:$0x7B00]  }
0x274: {  	v3 =	vld [tilespmem:$0x7810]  }
0x275: {  	v1 =	vld.idx.msk [tilespmem:v1+s4+$0x0], $0xffff;
	_ =	sdelay $0x4  }
0x276: {  	v1 =	vmul.f32 v2, v1;
	_ =	sdelay $0x1  }
0x277: {  	v2 =	vld [tilespmem:$0x7B10];
	[tilespmem:$0x7B00] =	vst v1  }
0x278: {  	v1 =	vld.idx.msk [tilespmem:v3+s4+$0x0], $0xffff  }
0x279: {  	v3 =	vld [tilespmem:$0x7820];
	_ =	sdelay $0x4  }
0x27a: {  	v1 =	vmul.f32 v2, v1;
	_ =	sdelay $0x1  }
0x27b: {  	v2 =	vld [tilespmem:$0x7B20];
	[tilespmem:$0x7B10] =	vst v1  }
0x27c: {  	v1 =	vld.idx.msk [tilespmem:v3+s4+$0x0], $0xffff  }
0x27d: {  	v3 =	vld [tilespmem:$0x7830];
	_ =	sdelay $0x4  }
0x27e: {  	v1 =	vmul.f32 v2, v1;
	_ =	sdelay $0x1  }
0x27f: {  	v2 =	vld [tilespmem:$0x7B30];
	[tilespmem:$0x7B20] =	vst v1  }
0x280: {  	v1 =	vld.idx.msk [tilespmem:v3+s4+$0x0], $0xffff  }
0x281: {  	v3 =	vld [tilespmem:$0x7840];
	_ =	sdelay $0x4  }
0x282: {  	v1 =	vmul.f32 v2, v1;
	_ =	sdelay $0x1  }
0x283: {  	s8 =	simm.s32 $0x0;
	v2 =	vld [tilespmem:$0x7B40];
	[tilespmem:$0x7B30] =	vst v1  }
0x284: {  	s17 =	simm.s32 $0x2;
	v1 =	vld.idx.msk [tilespmem:v3+s4+$0x0], $0xffff;
	v3 =	vmov s8  }
0x285: {  	v4 =	vmov s17;
	v3 =	vand.u32 $0xFFFFFFFC, v3  }
0x286: {  	v4 =	vand.u32 $0xFFFFFFFE, v4;
	v3 =	vbroadcast v3, $0x0  }
0x287: {  	v4 =	vbroadcast v4, $0x0;
	_ =	sdelay $0x1  }
0x288: {  	v1 =	vmul.f32 v2, v1;
	_ =	sdelay $0x1  }
0x289: {  	[tilespmem:$0x7B40] =	vst v1  }
0x28a: {  	v1 =	vld.idx.msk [tilespmem:v3+s10+$0x0], $0xffff  }
0x28b: {  	s13 =	simm.s32 $0x100;
	v2 =	vld.idx.msk [tilespmem:v4+s10+$0x0], $0xffff  }
0x28c: {  	v4 =	vld [tilespmem:s13+$0x70]  }
0x28d: {  	v5 =	vld [tilespmem:s13+$0xFFFFFF00]  }
0x28e: {  	s21 =	simm.s32 $0x1;
	v6 =	vld [tilespmem:s13+$0xFFFFFF10]  }
0x28f: {  	v3 =	vmov s21;
	v7 =	vld [tilespmem:s13+$0xFFFFFF20]  }
0x290: {  	v8 =	vld [tilespmem:s13+$0xFFFFFF30];
	v3 =	vand.u32 $0xFFFFFFFD, v3  }
0x291: {  	v9 =	vld [tilespmem:s13+$0xFFFFFF40];
	v3 =	vbroadcast v3, $0x0  }
0x292: {  	v10 =	vld [tilespmem:s13+$0xFFFFFF50]  }
0x293: {  	v11 =	vld [tilespmem:s13+$0xFFFFFF60];
	v5 =	vmul.f32 v5, v1  }
0x294: {  	v13 =	vld [tilespmem:s13+$0x40];
	v4 =	vmul.f32 v4, v2  }
0x295: {  	[tilespmem:s13+$0xFFFFFF00] =	vst v5;
	v5 =	vmul.f32 v6, v1;
	v6 =	vld [tilespmem:s13+$0xFFFFFF70]  }
0x296: {  	[tilespmem:s13+$0x70] =	vst v4;
	v4 =	vmul.f32 v7, v1;
	v7 =	vld [tilespmem:s13+$0xFFFFFF80]  }
0x297: {  	v3 =	vld.idx.msk [tilespmem:v3+s10+$0x0], $0xffff;
	[tilespmem:s13+$0xFFFFFF10] =	vst v5;
	v5 =	vmul.f32 v8, v1  }
0x298: {  	v8 =	vld [tilespmem:s13+$0xFFFFFF90];
	[tilespmem:s13+$0xFFFFFF20] =	vst v4;
	v4 =	vmul.f32 v9, v1  }
0x299: {  	v9 =	vld [tilespmem:s13+$0xFFFFFFA0];
	[tilespmem:s13+$0xFFFFFF30] =	vst v5;
	v5 =	vmul.f32 v10, v1  }
0x29a: {  	v10 =	vld [tilespmem:s13+$0xFFFFFFB0];
	[tilespmem:s13+$0xFFFFFF40] =	vst v4;
	v4 =	vmul.f32 v11, v1  }
0x29b: {  	v11 =	vld [tilespmem:s13+$0xFFFFFFC0];
	v6 =	vmul.f32 v6, v1;
	[tilespmem:s13+$0xFFFFFF50] =	vst v5  }
0x29c: {  	v5 =	vmul.f32 v7, v3;
	v7 =	vld [tilespmem:s13+$0xFFFFFFD0];
	[tilespmem:s13+$0xFFFFFF60] =	vst v4  }
0x29d: {  	s22 =	simm.s32 $0x3;
	v4 =	vld [tilespmem:s13+$0xFFFFFFE0];
	v8 =	vmul.f32 v8, v3;
	[tilespmem:s13+$0xFFFFFF70] =	vst v6  }
0x29e: {  	v12 =	vmov s22;
	v6 =	vld [tilespmem:s13+$0xFFFFFFF0];
	[tilespmem:s13+$0xFFFFFF80] =	vst v5;
	v5 =	vmul.f32 v9, v3  }
0x29f: {  	v9 =	vld [tilespmem:s13+$0x0];
	[tilespmem:s13+$0xFFFFFF90] =	vst v8;
	v8 =	vmul.f32 v10, v3  }
0x2a0: {  	v10 =	vld [tilespmem:s13+$0x10];
	[tilespmem:s13+$0xFFFFFFA0] =	vst v5;
	v5 =	vmul.f32 v11, v3  }
0x2a1: {  	[tilespmem:s13+$0xFFFFFFB0] =	vst v8;
	v7 =	vmul.f32 v7, v3;
	v8 =	vld [tilespmem:s13+$0x20]  }
0x2a2: {  	v11 =	vld [tilespmem:s13+$0x30];
	v4 =	vmul.f32 v4, v3;
	[tilespmem:s13+$0xFFFFFFC0] =	vst v5  }
0x2a3: {  	v1 =	vld.idx.msk [tilespmem:v12+s10+$0x0], $0xffff;
	v3 =	vmul.f32 v6, v3;
	[tilespmem:s13+$0xFFFFFFD0] =	vst v7  }
0x2a4: {  	[tilespmem:s13+$0xFFFFFFE0] =	vst v4;
	v5 =	vmul.f32 v9, v2;
	v4 =	vld [tilespmem:s13+$0x50]  }
0x2a5: {  	s24 =	simm.s32 $0x4;
	[tilespmem:s13+$0xFFFFFFF0] =	vst v3;
	v6 =	vmul.f32 v10, v2;
	v3 =	vld [tilespmem:s13+$0x60]  }
0x2a6: {  	s25 =	simm.s32 $0x7;
	v7 =	vmov s24;
	[tilespmem:s13+$0x0] =	vst v5;
	v9 =	vmul.f32 v8, v2;
	v8 =	vld [tilespmem:s13+$0x80]  }
0x2a7: {  	s11 =	simm.s32 $0x5;
	s14 =	simm.s32 $0x100;
	v12 =	vand.u32 $0xFFFFFFFC, v7;
	v7 =	vld [tilespmem:s13+$0x90];
	v5 =	vmov s25;
	v10 =	vmul.f32 v11, v2;
	[tilespmem:s13+$0x10] =	vst v6  }
0x2a8: {  	s8 =	simm.s32 $0x8;
	v11 =	vmul.f32 v13, v2;
	s25 =	simm.s32 $0x7900;
	v6 =	vbroadcast v12, $0x0;
	v12 =	vmov s11;
	s11 =	simm.s32 $0x6;
	[tilespmem:s13+$0x20] =	vst v9;
	v9 =	vld [tilespmem:s13+$0xA0]  }
.LBB2_13:
0x2a9: {  	p0 =	slt.u32 s8, $0x4C;
	v12 =	vand.u32 $0xFFFFFFFD, v12;
	v13 =	vmov s11;
	[tilespmem:s13+$0x30] =	vst v10;
	v4 =	vmul.f32 v4, v2;
	v10 =	vld [tilespmem:s13+$0xB0]  }
0x2aa: {  	v12 =	vbroadcast v12, $0x0;
	v13 =	vand.u32 $0xFFFFFFFE, v13;
	[tilespmem:s13+$0x40] =	vst v11;
	v2 =	vmul.f32 v3, v2;
	v3 =	vld [tilespmem:s13+$0xC0]  }
0x2ab: {  	v11 =	vbroadcast v13, $0x0;
	[tilespmem:s13+$0x50] =	vst v4;
	v4 =	vmul.f32 v8, v1;
	v8 =	vld [tilespmem:s13+$0xD0]  }
0x2ac: {  	[tilespmem:s13+$0x60] =	vst v2;
	v2 =	vmul.f32 v7, v1;
	v7 =	vld [tilespmem:s13+$0xE0]  }
0x2ad: {  	[tilespmem:s13+$0x80] =	vst v4;
	v4 =	vmul.f32 v9, v1;
	v9 =	vld [tilespmem:s13+$0xF0]  }
0x2ae: {  	v5 =	vld.idx.msk [tilespmem:v5+s10+$0x0], $0xffff;
	[tilespmem:s13+$0x90] =	vst v2;
	v2 =	vmul.f32 v10, v1  }
0x2af: {  	v6 =	vld.idx.msk [tilespmem:v6+s10+$0x0], $0xffff;
	[tilespmem:s13+$0xA0] =	vst v4;
	v3 =	vmul.f32 v3, v1  }
0x2b0: {  	v4 =	vld.idx.msk [tilespmem:v12+s10+$0x0], $0xffff;
	[tilespmem:s13+$0xB0] =	vst v2;
	v8 =	vmul.f32 v8, v1  }
0x2b1: {  	s13 =	sadd.s32 $0x200, s13;
	v2 =	vld.idx.msk [tilespmem:v11+s10+$0x0], $0xffff;
	[tilespmem:s14+$0xC0] =	vst v3;
	v3 =	vmul.f32 v7, v1  }
0x2b2: {  	v7 =	vld [tilespmem:s13+$0x70];
	[tilespmem:s14+$0xD0] =	vst v8;
	v9 =	vmul.f32 v9, v1  }
0x2b3: {  	v8 =	vld [tilespmem:s13+$0xFFFFFF00];
	[tilespmem:s14+$0xE0] =	vst v3  }
0x2b4: {  	v1 =	vmov v5;
	v3 =	vld [tilespmem:s13+$0xFFFFFF10];
	[tilespmem:s14+$0xF0] =	vst v9;
	s14 =	smov.u32 s13  }
0x2b5: {  	v5 =	vld [tilespmem:s13+$0xFFFFFF20]  }
0x2b6: {  	v9 =	vld [tilespmem:s13+$0xFFFFFF30]  }
0x2b7: {  	v10 =	vld [tilespmem:s13+$0xFFFFFF40];
	v7 =	vmul.f32 v7, v2  }
0x2b8: {  	v8 =	vmul.f32 v8, v6;
	v11 =	vld [tilespmem:s13+$0xFFFFFF50]  }
0x2b9: {  	v3 =	vmul.f32 v3, v6;
	v12 =	vld [tilespmem:s13+$0xFFFFFF60];
	[tilespmem:s13+$0x70] =	vst v7  }
0x2ba: {  	[tilespmem:s13+$0xFFFFFF00] =	vst v8;
	v5 =	vmul.f32 v5, v6;
	v7 =	vld [tilespmem:s13+$0xFFFFFF70]  }
0x2bb: {  	[tilespmem:s13+$0xFFFFFF10] =	vst v3;
	v3 =	vmul.f32 v9, v6;
	v8 =	vld [tilespmem:s13+$0xFFFFFF80]  }
0x2bc: {  	[tilespmem:s13+$0xFFFFFF20] =	vst v5;
	v5 =	vmul.f32 v10, v6;
	v9 =	vld [tilespmem:s13+$0xFFFFFF90]  }
0x2bd: {  	[tilespmem:s13+$0xFFFFFF30] =	vst v3;
	v3 =	vmul.f32 v11, v6;
	v10 =	vld [tilespmem:s13+$0xFFFFFFA0]  }
0x2be: {  	[tilespmem:s13+$0xFFFFFF40] =	vst v5;
	v5 =	vmul.f32 v12, v6;
	v11 =	vld [tilespmem:s13+$0xFFFFFFB0]  }
0x2bf: {  	[tilespmem:s13+$0xFFFFFF50] =	vst v3;
	v3 =	vmul.f32 v7, v6;
	v6 =	vld [tilespmem:s13+$0xFFFFFFC0]  }
0x2c0: {  	[tilespmem:s13+$0xFFFFFF60] =	vst v5;
	v5 =	vmul.f32 v8, v4;
	v7 =	vld [tilespmem:s13+$0xFFFFFFD0]  }
0x2c1: {  	[tilespmem:s13+$0xFFFFFF70] =	vst v3;
	v3 =	vmul.f32 v9, v4;
	v8 =	vld [tilespmem:s13+$0xFFFFFFE0]  }
0x2c2: {  	[tilespmem:s13+$0xFFFFFF80] =	vst v5;
	v5 =	vmul.f32 v10, v4;
	v9 =	vld [tilespmem:s13+$0xFFFFFFF0]  }
0x2c3: {  	[tilespmem:s13+$0xFFFFFF90] =	vst v3;
	v3 =	vmul.f32 v11, v4;
	v10 =	vld [tilespmem:s13+$0x0]  }
0x2c4: {  	[tilespmem:s13+$0xFFFFFFA0] =	vst v5;
	v5 =	vmul.f32 v6, v4;
	v6 =	vld [tilespmem:s13+$0x10]  }
0x2c5: {  	[tilespmem:s13+$0xFFFFFFB0] =	vst v3;
	v3 =	vmul.f32 v7, v4;
	v7 =	vld [tilespmem:s13+$0x20]  }
0x2c6: {  	[tilespmem:s13+$0xFFFFFFC0] =	vst v5;
	v5 =	vmul.f32 v8, v4;
	v11 =	vld [tilespmem:s13+$0x30]  }
0x2c7: {  	[tilespmem:s13+$0xFFFFFFD0] =	vst v3;
	v3 =	vmul.f32 v9, v4;
	v9 =	vld [tilespmem:s13+$0x40]  }
.Ltmp6:
0x2c8: {  	[tilespmem:s13+$0xFFFFFFE0] =	vst v5;
	v5 =	vmul.f32 v10, v2;
	v4 =	vld [tilespmem:s13+$0x50];
	(pc) =	sbr.rel @p0 .LBB2_13-.Ltmp6, $4  }
0x2c9: {  	[tilespmem:s13+$0xFFFFFFF0] =	vst v3;
	v6 =	vmul.f32 v6, v2;
	v3 =	vld [tilespmem:s13+$0x60]  }
0x2ca: {  	s11 =	sadd.s32 $0x3, s8;
	v10 =	vmov s8;
	[tilespmem:s13+$0x0] =	vst v5;
	v13 =	vmul.f32 v7, v2;
	v8 =	vld [tilespmem:s13+$0x80]  }
0x2cb: {  	s17 =	sadd.s32 $0x1, s8;
	v12 =	vand.u32 $0xFFFFFFFC, v10;
	v5 =	vmov s11;
	[tilespmem:s13+$0x10] =	vst v6;
	v10 =	vmul.f32 v11, v2;
	v7 =	vld [tilespmem:s13+$0x90]  }
0x2cc: {  	s11 =	sadd.s32 $0x2, s8;
	s8 =	sadd.s32 $0x4, s8;
	v6 =	vbroadcast v12, $0x0;
	v12 =	vmov s17;
	[tilespmem:s13+$0x20] =	vst v13;
	v11 =	vmul.f32 v9, v2;
	v9 =	vld [tilespmem:s13+$0xA0]  }
0x2cd: {  	v13 =	vld [tilespmem:s13+$0xB0]  }
0x2ce: {  	v15 =	vld [tilespmem:s13+$0xC0]  }
0x2cf: {  	v14 =	vmov s11;
	v16 =	vld [tilespmem:s13+$0xD0]  }
0x2d0: {  	v17 =	vld [tilespmem:s13+$0xE0];
	[tilespmem:s13+$0x30] =	vst v10;
	v4 =	vmul.f32 v4, v2;
	v14 =	vand.u32 $0xFFFFFFFE, v14  }
0x2d1: {  	v12 =	vand.u32 $0xFFFFFFFD, v12;
	v5 =	vld.idx.msk [tilespmem:v5+s10+$0x0], $0xffff;
	[tilespmem:s13+$0x40] =	vst v11;
	v2 =	vmul.f32 v3, v2;
	v14 =	vbroadcast v14, $0x0  }
0x2d2: {  	s8 =	sadd.s32 $0x200, s13;
	v12 =	vbroadcast v12, $0x0;
	v3 =	vld.idx.msk [tilespmem:v6+s10+$0x0], $0xffff;
	v8 =	vmul.f32 v8, v1;
	[tilespmem:s13+$0x50] =	vst v4  }
0x2d3: {  	v10 =	vld [tilespmem:s8+$0xFFFFFF00];
	v4 =	vmul.f32 v7, v1;
	[tilespmem:s13+$0x60] =	vst v2  }
0x2d4: {  	[tilespmem:s13+$0x80] =	vst v8;
	v8 =	vld [tilespmem:s13+$0xF0];
	v2 =	vmul.f32 v9, v1  }
0x2d5: {  	v11 =	vld [tilespmem:s8+$0xFFFFFF10];
	[tilespmem:s13+$0x90] =	vst v4;
	v4 =	vmul.f32 v13, v1  }
0x2d6: {  	v9 =	vld [tilespmem:s8+$0x70];
	[tilespmem:s13+$0xA0] =	vst v2;
	v2 =	vmul.f32 v15, v1  }
0x2d7: {  	[tilespmem:s13+$0xB0] =	vst v4;
	v4 =	vmul.f32 v16, v1;
	v7 =	vld.idx.msk [tilespmem:v14+s10+$0x0], $0xffff  }
0x2d8: {  	v6 =	vld.idx.msk [tilespmem:v12+s10+$0x0], $0xffff;
	[tilespmem:s14+$0xC0] =	vst v2;
	v2 =	vmul.f32 v17, v1  }
0x2d9: {  	v12 =	vld [tilespmem:s8+$0xFFFFFF20];
	[tilespmem:s14+$0xD0] =	vst v4;
	v1 =	vmul.f32 v8, v1  }
0x2da: {  	v4 =	vld [tilespmem:s8+$0xFFFFFF30];
	[tilespmem:s14+$0xE0] =	vst v2  }
0x2db: {  	v2 =	vld [tilespmem:s8+$0xFFFFFF40];
	[tilespmem:s14+$0xF0] =	vst v1;
	v1 =	vmul.f32 v10, v3  }
0x2dc: {  	v8 =	vmul.f32 v9, v7;
	v9 =	vld [tilespmem:s8+$0xFFFFFF50]  }
0x2dd: {  	v10 =	vmul.f32 v11, v3;
	v11 =	vld [tilespmem:s8+$0xFFFFFF60];
	[tilespmem:s8+$0xFFFFFF00] =	vst v1  }
0x2de: {  	v1 =	vmul.f32 v12, v3;
	[tilespmem:s8+$0x70] =	vst v8;
	v8 =	vld [tilespmem:s8+$0xFFFFFF70]  }
0x2df: {  	[tilespmem:s8+$0xFFFFFF10] =	vst v10;
	v10 =	vld [tilespmem:s8+$0xFFFFFF80];
	v4 =	vmul.f32 v4, v3  }
0x2e0: {  	[tilespmem:s8+$0xFFFFFF20] =	vst v1;
	v1 =	vmul.f32 v2, v3;
	v2 =	vld [tilespmem:s8+$0xFFFFFF90]  }
0x2e1: {  	[tilespmem:s8+$0xFFFFFF30] =	vst v4;
	v4 =	vmul.f32 v9, v3;
	v9 =	vld [tilespmem:s8+$0xFFFFFFA0]  }
0x2e2: {  	[tilespmem:s8+$0xFFFFFF40] =	vst v1;
	v1 =	vmul.f32 v11, v3;
	v11 =	vld [tilespmem:s8+$0xFFFFFFB0]  }
0x2e3: {  	[tilespmem:s8+$0xFFFFFF50] =	vst v4;
	v3 =	vmul.f32 v8, v3;
	v4 =	vld [tilespmem:s8+$0xFFFFFFC0]  }
0x2e4: {  	[tilespmem:s8+$0xFFFFFF60] =	vst v1;
	v1 =	vmul.f32 v10, v6;
	v8 =	vld [tilespmem:s8+$0xFFFFFFD0]  }
0x2e5: {  	v2 =	vmul.f32 v2, v6;
	[tilespmem:s8+$0xFFFFFF70] =	vst v3;
	v3 =	vld [tilespmem:s8+$0xFFFFFFE0]  }
0x2e6: {  	[tilespmem:s8+$0xFFFFFF80] =	vst v1;
	v1 =	vmul.f32 v9, v6;
	v9 =	vld [tilespmem:s8+$0xFFFFFFF0]  }
0x2e7: {  	v10 =	vld [tilespmem:s8+$0x0];
	[tilespmem:s8+$0xFFFFFF90] =	vst v2;
	v2 =	vmul.f32 v11, v6  }
0x2e8: {  	[tilespmem:s8+$0xFFFFFFA0] =	vst v1;
	v1 =	vmul.f32 v4, v6;
	v4 =	vld [tilespmem:s8+$0x10]  }
0x2e9: {  	[tilespmem:s8+$0xFFFFFFB0] =	vst v2;
	v2 =	vmul.f32 v8, v6;
	v8 =	vld [tilespmem:s8+$0x20]  }
0x2ea: {  	[tilespmem:s8+$0xFFFFFFC0] =	vst v1;
	v1 =	vmul.f32 v3, v6;
	v3 =	vld [tilespmem:s8+$0x30]  }
0x2eb: {  	[tilespmem:s8+$0xFFFFFFD0] =	vst v2;
	v2 =	vmul.f32 v9, v6;
	v6 =	vld [tilespmem:s8+$0x40]  }
0x2ec: {  	v9 =	vld [tilespmem:s8+$0x50];
	[tilespmem:s8+$0xFFFFFFE0] =	vst v1;
	v1 =	vmul.f32 v10, v7  }
0x2ed: {  	[tilespmem:s8+$0xFFFFFFF0] =	vst v2;
	v2 =	vmul.f32 v4, v7;
	v4 =	vld [tilespmem:s8+$0x60]  }
0x2ee: {  	[tilespmem:s8+$0x0] =	vst v1;
	v1 =	vmul.f32 v8, v7;
	v8 =	vld [tilespmem:s8+$0x80]  }
0x2ef: {  	[tilespmem:s8+$0x10] =	vst v2;
	v2 =	vmul.f32 v3, v7;
	v3 =	vld [tilespmem:s8+$0x90]  }
0x2f0: {  	[tilespmem:s8+$0x20] =	vst v1;
	v1 =	vmul.f32 v6, v7;
	v6 =	vld [tilespmem:s8+$0xA0]  }
0x2f1: {  	[tilespmem:s8+$0x30] =	vst v2;
	v2 =	vmul.f32 v9, v7;
	v9 =	vld [tilespmem:s8+$0xB0]  }
0x2f2: {  	[tilespmem:s8+$0x40] =	vst v1;
	v1 =	vmul.f32 v4, v7;
	v4 =	vld [tilespmem:s8+$0xC0]  }
0x2f3: {  	v7 =	vld [tilespmem:s8+$0xD0];
	[tilespmem:s8+$0x50] =	vst v2;
	v2 =	vmul.f32 v8, v5  }
0x2f4: {  	[tilespmem:s8+$0x60] =	vst v1;
	v1 =	vmul.f32 v3, v5;
	v3 =	vld [tilespmem:s8+$0xE0]  }
0x2f5: {  	[tilespmem:s8+$0x80] =	vst v2;
	v2 =	vmul.f32 v6, v5;
	v6 =	vld [tilespmem:s8+$0xF0]  }
0x2f6: {  	[tilespmem:s8+$0x90] =	vst v1;
	v1 =	vmul.f32 v9, v5  }
0x2f7: {  	[tilespmem:s8+$0xA0] =	vst v2;
	v2 =	vmul.f32 v4, v5  }
0x2f8: {  	[tilespmem:s8+$0xB0] =	vst v1;
	v1 =	vmul.f32 v7, v5  }
0x2f9: {  	[tilespmem:s8+$0xC0] =	vst v2;
	v2 =	vmul.f32 v3, v5  }
0x2fa: {  	[tilespmem:s8+$0xD0] =	vst v1;
	v1 =	vmul.f32 v6, v5  }
0x2fb: {  	[tilespmem:s8+$0xE0] =	vst v2  }
0x2fc: {  	s17 =	simm.s32 $0xA;
	[tilespmem:s8+$0xF0] =	vst v1  }
0x2fd: {  	_ =	swait.ge [sflag:s17], $0x50  }
0x2fe: {  	s21 =	simm.s32 $0x0;
	[sflag:s17] =	ssyncset.done $0x0  }
0x2ff: {  	s22 =	simm.s32 $0x7980;
	s24 =	simm.s32 $0x6;
	[sflag:s17] =	ssyncadd.s32 $0xFFFFFFB0  }
0x300: {  	[spmem:s3] =	stream.indirect.scatter.add.f32 [tilespmem:s21], [sflag:$0x4], $0x80, s22, s18, $0xb8;
	[tilespmem:$0x1E480] =	vst v63  }
0x301: {  	_ =	swait.ge [sflag:s24], $0x2800  }
0x302: {  	[sflag:s24] =	ssyncset.done $0x0  }
0x303: {  	[sflag:s24] =	ssyncadd.s32 $0xFFFFD800  }
0x304: {  	_ =	swait.ge [sflag:s26], $0x2800  }
0x305: {  	[sflag:s26] =	ssyncset.done $0x0  }
0x306: {  	[sflag:s26] =	ssyncadd.s32 $0xFFFFD800  }
0x307: {  	v1 =	vld [tilespmem:$0x7880];
	_ =	sdelay $0x5  }
0x308: {  	v2 =	vld [tilespmem:$0x7B80]  }
0x309: {  	v3 =	vld [tilespmem:$0x7890]  }
0x30a: {  	v1 =	vld.idx.msk [tilespmem:v1+s4+$0x0], $0xffff;
	_ =	sdelay $0x4  }
0x30b: {  	v1 =	vmul.f32 v2, v1;
	_ =	sdelay $0x1  }
0x30c: {  	v2 =	vld [tilespmem:$0x7B90];
	[tilespmem:$0x7B80] =	vst v1  }
0x30d: {  	v1 =	vld.idx.msk [tilespmem:v3+s4+$0x0], $0xffff  }
0x30e: {  	v3 =	vld [tilespmem:$0x78A0];
	_ =	sdelay $0x4  }
0x30f: {  	v1 =	vmul.f32 v2, v1;
	_ =	sdelay $0x1  }
0x310: {  	v2 =	vld [tilespmem:$0x7BA0];
	[tilespmem:$0x7B90] =	vst v1  }
0x311: {  	v1 =	vld.idx.msk [tilespmem:v3+s4+$0x0], $0xffff  }
0x312: {  	v3 =	vld [tilespmem:$0x78B0];
	_ =	sdelay $0x4  }
0x313: {  	v1 =	vmul.f32 v2, v1;
	_ =	sdelay $0x1  }
0x314: {  	v2 =	vld [tilespmem:$0x7BB0];
	[tilespmem:$0x7BA0] =	vst v1  }
0x315: {  	v1 =	vld.idx.msk [tilespmem:v3+s4+$0x0], $0xffff  }
0x316: {  	v3 =	vld [tilespmem:$0x78C0];
	_ =	sdelay $0x4  }
0x317: {  	v1 =	vmul.f32 v2, v1;
	_ =	sdelay $0x1  }
0x318: {  	v2 =	vld [tilespmem:$0x7BC0];
	[tilespmem:$0x7BB0] =	vst v1  }
0x319: {  	s13 =	simm.s32 $0x2;
	v1 =	vld.idx.msk [tilespmem:v3+s4+$0x0], $0xffff;
	v3 =	vmov s21  }
0x31a: {  	v4 =	vmov s13;
	v3 =	vand.u32 $0xFFFFFFFC, v3  }
0x31b: {  	v4 =	vand.u32 $0xFFFFFFFE, v4;
	v3 =	vbroadcast v3, $0x0  }
0x31c: {  	v4 =	vbroadcast v4, $0x0;
	_ =	sdelay $0x1  }
0x31d: {  	v1 =	vmul.f32 v2, v1;
	_ =	sdelay $0x1  }
0x31e: {  	[tilespmem:$0x7BC0] =	vst v1  }
0x31f: {  	v1 =	vld.idx.msk [tilespmem:v3+s12+$0x0], $0xffff  }
0x320: {  	s13 =	simm.s32 $0x2900;
	v2 =	vld.idx.msk [tilespmem:v4+s12+$0x0], $0xffff  }
0x321: {  	v4 =	vld [tilespmem:s13+$0x70]  }
0x322: {  	v5 =	vld [tilespmem:s13+$0xFFFFFF00]  }
0x323: {  	s14 =	simm.s32 $0x1;
	v6 =	vld [tilespmem:s13+$0xFFFFFF10]  }
0x324: {  	v3 =	vmov s14;
	v7 =	vld [tilespmem:s13+$0xFFFFFF20]  }
0x325: {  	v8 =	vld [tilespmem:s13+$0xFFFFFF30];
	v3 =	vand.u32 $0xFFFFFFFD, v3  }
0x326: {  	v9 =	vld [tilespmem:s13+$0xFFFFFF40];
	v3 =	vbroadcast v3, $0x0  }
0x327: {  	v10 =	vld [tilespmem:s13+$0xFFFFFF50]  }
0x328: {  	v11 =	vld [tilespmem:s13+$0xFFFFFF60];
	v5 =	vmul.f32 v5, v1  }
0x329: {  	v13 =	vld [tilespmem:s13+$0x40];
	v4 =	vmul.f32 v4, v2  }
0x32a: {  	[tilespmem:s13+$0xFFFFFF00] =	vst v5;
	v5 =	vmul.f32 v6, v1;
	v6 =	vld [tilespmem:s13+$0xFFFFFF70]  }
0x32b: {  	[tilespmem:s13+$0x70] =	vst v4;
	v4 =	vmul.f32 v7, v1;
	v7 =	vld [tilespmem:s13+$0xFFFFFF80]  }
0x32c: {  	v3 =	vld.idx.msk [tilespmem:v3+s12+$0x0], $0xffff;
	[tilespmem:s13+$0xFFFFFF10] =	vst v5;
	v5 =	vmul.f32 v8, v1  }
0x32d: {  	v8 =	vld [tilespmem:s13+$0xFFFFFF90];
	[tilespmem:s13+$0xFFFFFF20] =	vst v4;
	v4 =	vmul.f32 v9, v1  }
0x32e: {  	v9 =	vld [tilespmem:s13+$0xFFFFFFA0];
	[tilespmem:s13+$0xFFFFFF30] =	vst v5;
	v5 =	vmul.f32 v10, v1  }
0x32f: {  	v10 =	vld [tilespmem:s13+$0xFFFFFFB0];
	[tilespmem:s13+$0xFFFFFF40] =	vst v4;
	v4 =	vmul.f32 v11, v1  }
0x330: {  	v11 =	vld [tilespmem:s13+$0xFFFFFFC0];
	v6 =	vmul.f32 v6, v1;
	[tilespmem:s13+$0xFFFFFF50] =	vst v5  }
0x331: {  	v5 =	vmul.f32 v7, v3;
	v7 =	vld [tilespmem:s13+$0xFFFFFFD0];
	[tilespmem:s13+$0xFFFFFF60] =	vst v4  }
0x332: {  	s17 =	simm.s32 $0x3;
	v4 =	vld [tilespmem:s13+$0xFFFFFFE0];
	v8 =	vmul.f32 v8, v3;
	[tilespmem:s13+$0xFFFFFF70] =	vst v6  }
0x333: {  	v12 =	vmov s17;
	v6 =	vld [tilespmem:s13+$0xFFFFFFF0];
	[tilespmem:s13+$0xFFFFFF80] =	vst v5;
	v5 =	vmul.f32 v9, v3  }
0x334: {  	v9 =	vld [tilespmem:s13+$0x0];
	[tilespmem:s13+$0xFFFFFF90] =	vst v8;
	v8 =	vmul.f32 v10, v3  }
0x335: {  	v10 =	vld [tilespmem:s13+$0x10];
	[tilespmem:s13+$0xFFFFFFA0] =	vst v5;
	v5 =	vmul.f32 v11, v3  }
0x336: {  	[tilespmem:s13+$0xFFFFFFB0] =	vst v8;
	v7 =	vmul.f32 v7, v3;
	v8 =	vld [tilespmem:s13+$0x20]  }
0x337: {  	v11 =	vld [tilespmem:s13+$0x30];
	v4 =	vmul.f32 v4, v3;
	[tilespmem:s13+$0xFFFFFFC0] =	vst v5  }
0x338: {  	v1 =	vld.idx.msk [tilespmem:v12+s12+$0x0], $0xffff;
	v3 =	vmul.f32 v6, v3;
	[tilespmem:s13+$0xFFFFFFD0] =	vst v7  }
0x339: {  	[tilespmem:s13+$0xFFFFFFE0] =	vst v4;
	v5 =	vmul.f32 v9, v2;
	v4 =	vld [tilespmem:s13+$0x50]  }
0x33a: {  	s21 =	simm.s32 $0x4;
	[tilespmem:s13+$0xFFFFFFF0] =	vst v3;
	v6 =	vmul.f32 v10, v2;
	v3 =	vld [tilespmem:s13+$0x60]  }
0x33b: {  	s22 =	simm.s32 $0x7;
	v7 =	vmov s21;
	[tilespmem:s13+$0x0] =	vst v5;
	v9 =	vmul.f32 v8, v2;
	v8 =	vld [tilespmem:s13+$0x80]  }
0x33c: {  	s24 =	simm.s32 $0x5;
	v12 =	vand.u32 $0xFFFFFFFC, v7;
	v7 =	vld [tilespmem:s13+$0x90];
	v5 =	vmov s22;
	v10 =	vmul.f32 v11, v2;
	[tilespmem:s13+$0x10] =	vst v6  }
0x33d: {  	s11 =	simm.s32 $0x6;
	s8 =	simm.s32 $0x8;
	s14 =	simm.s32 $0x2900;
	v11 =	vmul.f32 v13, v2;
	v6 =	vbroadcast v12, $0x0;
	v12 =	vmov s24;
	[tilespmem:s13+$0x20] =	vst v9;
	v9 =	vld [tilespmem:s13+$0xA0]  }
.LBB2_15:
0x33e: {  	p0 =	slt.u32 s8, $0x4C;
	v12 =	vand.u32 $0xFFFFFFFD, v12;
	v13 =	vmov s11;
	[tilespmem:s13+$0x30] =	vst v10;
	v4 =	vmul.f32 v4, v2;
	v10 =	vld [tilespmem:s13+$0xB0]  }
0x33f: {  	v12 =	vbroadcast v12, $0x0;
	v13 =	vand.u32 $0xFFFFFFFE, v13;
	[tilespmem:s13+$0x40] =	vst v11;
	v2 =	vmul.f32 v3, v2;
	v3 =	vld [tilespmem:s13+$0xC0]  }
0x340: {  	v11 =	vbroadcast v13, $0x0;
	[tilespmem:s13+$0x50] =	vst v4;
	v4 =	vmul.f32 v8, v1;
	v8 =	vld [tilespmem:s13+$0xD0]  }
0x341: {  	[tilespmem:s13+$0x60] =	vst v2;
	v2 =	vmul.f32 v7, v1;
	v7 =	vld [tilespmem:s13+$0xE0]  }
0x342: {  	[tilespmem:s13+$0x80] =	vst v4;
	v4 =	vmul.f32 v9, v1;
	v9 =	vld [tilespmem:s13+$0xF0]  }
0x343: {  	v5 =	vld.idx.msk [tilespmem:v5+s12+$0x0], $0xffff;
	[tilespmem:s13+$0x90] =	vst v2;
	v2 =	vmul.f32 v10, v1  }
0x344: {  	v6 =	vld.idx.msk [tilespmem:v6+s12+$0x0], $0xffff;
	[tilespmem:s13+$0xA0] =	vst v4;
	v3 =	vmul.f32 v3, v1  }
0x345: {  	v4 =	vld.idx.msk [tilespmem:v12+s12+$0x0], $0xffff;
	[tilespmem:s13+$0xB0] =	vst v2;
	v8 =	vmul.f32 v8, v1  }
0x346: {  	s13 =	sadd.s32 $0x200, s13;
	v2 =	vld.idx.msk [tilespmem:v11+s12+$0x0], $0xffff;
	[tilespmem:s14+$0xC0] =	vst v3;
	v3 =	vmul.f32 v7, v1  }
0x347: {  	v7 =	vld [tilespmem:s13+$0x70];
	[tilespmem:s14+$0xD0] =	vst v8;
	v9 =	vmul.f32 v9, v1  }
0x348: {  	v8 =	vld [tilespmem:s13+$0xFFFFFF00];
	[tilespmem:s14+$0xE0] =	vst v3  }
0x349: {  	v1 =	vmov v5;
	v3 =	vld [tilespmem:s13+$0xFFFFFF10];
	[tilespmem:s14+$0xF0] =	vst v9;
	s14 =	smov.u32 s13  }
0x34a: {  	v5 =	vld [tilespmem:s13+$0xFFFFFF20]  }
0x34b: {  	v9 =	vld [tilespmem:s13+$0xFFFFFF30]  }
0x34c: {  	v10 =	vld [tilespmem:s13+$0xFFFFFF40];
	v7 =	vmul.f32 v7, v2  }
0x34d: {  	v8 =	vmul.f32 v8, v6;
	v11 =	vld [tilespmem:s13+$0xFFFFFF50]  }
0x34e: {  	v3 =	vmul.f32 v3, v6;
	v12 =	vld [tilespmem:s13+$0xFFFFFF60];
	[tilespmem:s13+$0x70] =	vst v7  }
0x34f: {  	[tilespmem:s13+$0xFFFFFF00] =	vst v8;
	v5 =	vmul.f32 v5, v6;
	v7 =	vld [tilespmem:s13+$0xFFFFFF70]  }
0x350: {  	[tilespmem:s13+$0xFFFFFF10] =	vst v3;
	v3 =	vmul.f32 v9, v6;
	v8 =	vld [tilespmem:s13+$0xFFFFFF80]  }
0x351: {  	[tilespmem:s13+$0xFFFFFF20] =	vst v5;
	v5 =	vmul.f32 v10, v6;
	v9 =	vld [tilespmem:s13+$0xFFFFFF90]  }
0x352: {  	[tilespmem:s13+$0xFFFFFF30] =	vst v3;
	v3 =	vmul.f32 v11, v6;
	v10 =	vld [tilespmem:s13+$0xFFFFFFA0]  }
0x353: {  	[tilespmem:s13+$0xFFFFFF40] =	vst v5;
	v5 =	vmul.f32 v12, v6;
	v11 =	vld [tilespmem:s13+$0xFFFFFFB0]  }
0x354: {  	[tilespmem:s13+$0xFFFFFF50] =	vst v3;
	v3 =	vmul.f32 v7, v6;
	v6 =	vld [tilespmem:s13+$0xFFFFFFC0]  }
0x355: {  	[tilespmem:s13+$0xFFFFFF60] =	vst v5;
	v5 =	vmul.f32 v8, v4;
	v7 =	vld [tilespmem:s13+$0xFFFFFFD0]  }
0x356: {  	[tilespmem:s13+$0xFFFFFF70] =	vst v3;
	v3 =	vmul.f32 v9, v4;
	v8 =	vld [tilespmem:s13+$0xFFFFFFE0]  }
0x357: {  	[tilespmem:s13+$0xFFFFFF80] =	vst v5;
	v5 =	vmul.f32 v10, v4;
	v9 =	vld [tilespmem:s13+$0xFFFFFFF0]  }
0x358: {  	[tilespmem:s13+$0xFFFFFF90] =	vst v3;
	v3 =	vmul.f32 v11, v4;
	v10 =	vld [tilespmem:s13+$0x0]  }
0x359: {  	[tilespmem:s13+$0xFFFFFFA0] =	vst v5;
	v5 =	vmul.f32 v6, v4;
	v6 =	vld [tilespmem:s13+$0x10]  }
0x35a: {  	[tilespmem:s13+$0xFFFFFFB0] =	vst v3;
	v3 =	vmul.f32 v7, v4;
	v7 =	vld [tilespmem:s13+$0x20]  }
0x35b: {  	[tilespmem:s13+$0xFFFFFFC0] =	vst v5;
	v5 =	vmul.f32 v8, v4;
	v11 =	vld [tilespmem:s13+$0x30]  }
0x35c: {  	[tilespmem:s13+$0xFFFFFFD0] =	vst v3;
	v3 =	vmul.f32 v9, v4;
	v9 =	vld [tilespmem:s13+$0x40]  }
.Ltmp7:
0x35d: {  	[tilespmem:s13+$0xFFFFFFE0] =	vst v5;
	v5 =	vmul.f32 v10, v2;
	v4 =	vld [tilespmem:s13+$0x50];
	(pc) =	sbr.rel @p0 .LBB2_15-.Ltmp7, $4  }
0x35e: {  	[tilespmem:s13+$0xFFFFFFF0] =	vst v3;
	v6 =	vmul.f32 v6, v2;
	v3 =	vld [tilespmem:s13+$0x60]  }
0x35f: {  	s11 =	sadd.s32 $0x3, s8;
	v10 =	vmov s8;
	[tilespmem:s13+$0x0] =	vst v5;
	v13 =	vmul.f32 v7, v2;
	v8 =	vld [tilespmem:s13+$0x80]  }
0x360: {  	s17 =	sadd.s32 $0x1, s8;
	v12 =	vand.u32 $0xFFFFFFFC, v10;
	v5 =	vmov s11;
	[tilespmem:s13+$0x10] =	vst v6;
	v10 =	vmul.f32 v11, v2;
	v7 =	vld [tilespmem:s13+$0x90]  }
0x361: {  	s11 =	sadd.s32 $0x2, s8;
	s8 =	sadd.s32 $0x4, s8;
	v6 =	vbroadcast v12, $0x0;
	v12 =	vmov s17;
	[tilespmem:s13+$0x20] =	vst v13;
	v11 =	vmul.f32 v9, v2;
	v9 =	vld [tilespmem:s13+$0xA0]  }
0x362: {  	v13 =	vld [tilespmem:s13+$0xB0]  }
0x363: {  	v15 =	vld [tilespmem:s13+$0xC0]  }
0x364: {  	v16 =	vld [tilespmem:s13+$0xD0]  }
0x365: {  	v17 =	vld [tilespmem:s13+$0xE0]  }
0x366: {  	v29 =	vld [tilespmem:s13+$0xF0];
	[tilespmem:s13+$0x30] =	vst v10;
	v4 =	vmul.f32 v4, v2  }
0x367: {  	v5 =	vld.idx.msk [tilespmem:v5+s12+$0x0], $0xffff;
	[tilespmem:s13+$0x40] =	vst v11;
	v2 =	vmul.f32 v3, v2  }
0x368: {  	s8 =	sadd.s32 $0x200, s13;
	v3 =	vld.idx.msk [tilespmem:v6+s12+$0x0], $0xffff;
	v8 =	vmul.f32 v8, v1;
	[tilespmem:s13+$0x50] =	vst v4  }
0x369: {  	v14 =	vmov s11;
	v34 =	vld [tilespmem:s8+$0x70];
	v30 =	vmul.f32 v7, v1;
	[tilespmem:s13+$0x60] =	vst v2  }
0x36a: {  	v14 =	vand.u32 $0xFFFFFFFE, v14;
	v35 =	vld [tilespmem:s8+$0xFFFFFF00];
	[tilespmem:s13+$0x80] =	vst v8;
	v2 =	vmul.f32 v9, v1  }
0x36b: {  	v37 =	vld [tilespmem:s8+$0xFFFFFF10];
	v14 =	vbroadcast v14, $0x0;
	[tilespmem:s13+$0x90] =	vst v30;
	v33 =	vmul.f32 v13, v1  }
0x36c: {  	v38 =	vld [tilespmem:s8+$0xFFFFFF20];
	[tilespmem:s13+$0xA0] =	vst v2;
	v2 =	vmul.f32 v15, v1  }
0x36d: {  	v12 =	vand.u32 $0xFFFFFFFD, v12;
	v39 =	vld [tilespmem:s8+$0xFFFFFF30];
	v36 =	vmul.f32 v16, v1;
	[tilespmem:s13+$0xB0] =	vst v33  }
0x36e: {  	v12 =	vbroadcast v12, $0x0;
	v41 =	vld [tilespmem:s8+$0xFFFFFF50];
	[tilespmem:s14+$0xC0] =	vst v2;
	v2 =	vmul.f32 v17, v1  }
0x36f: {  	v43 =	vld [tilespmem:s8+$0xFFFFFF60];
	[tilespmem:s14+$0xD0] =	vst v36;
	v1 =	vmul.f32 v29, v1  }
0x370: {  	v42 =	vmul.f32 v37, v3;
	[tilespmem:s14+$0xE0] =	vst v2;
	v2 =	vld [tilespmem:s8+$0xFFFFFF40]  }
0x371: {  	v32 =	vld.idx.msk [tilespmem:v14+s12+$0x0], $0xffff;
	[tilespmem:s14+$0xF0] =	vst v1;
	v1 =	vmul.f32 v35, v3  }
0x372: {  	v44 =	vld [tilespmem:s8+$0xFFFFFF70];
	v4 =	vmul.f32 v39, v3;
	[tilespmem:s8+$0xFFFFFF10] =	vst v42  }
0x373: {  	v45 =	vld [tilespmem:s8+$0xFFFFFF80];
	[tilespmem:s8+$0xFFFFFF00] =	vst v1;
	v1 =	vmul.f32 v38, v3  }
0x374: {  	v46 =	vmul.f32 v41, v3;
	v31 =	vld.idx.msk [tilespmem:v12+s12+$0x0], $0xffff;
	[tilespmem:s8+$0xFFFFFF30] =	vst v4  }
0x375: {  	[tilespmem:s8+$0xFFFFFF20] =	vst v1;
	v1 =	vmul.f32 v2, v3;
	v2 =	vld [tilespmem:s8+$0xFFFFFF90]  }
0x376: {  	v47 =	vld [tilespmem:s8+$0xFFFFFFA0];
	[tilespmem:s8+$0xFFFFFF50] =	vst v46;
	v40 =	vmul.f32 v34, v32  }
0x377: {  	v48 =	vld [tilespmem:s8+$0xFFFFFFB0];
	[tilespmem:s8+$0xFFFFFF40] =	vst v1;
	v1 =	vmul.f32 v43, v3  }
0x378: {  	v49 =	vld [tilespmem:s8+$0xFFFFFFC0];
	[tilespmem:s8+$0x70] =	vst v40;
	v3 =	vmul.f32 v44, v3  }
0x379: {  	v50 =	vld [tilespmem:s8+$0xFFFFFFD0];
	[tilespmem:s8+$0xFFFFFF60] =	vst v1;
	v1 =	vmul.f32 v45, v31  }
0x37a: {  	[tilespmem:s8+$0xFFFFFF70] =	vst v3;
	v3 =	vld [tilespmem:s8+$0xFFFFFFE0];
	v2 =	vmul.f32 v2, v31  }
0x37b: {  	v51 =	vld [tilespmem:s8+$0xFFFFFFF0];
	[tilespmem:s8+$0xFFFFFF80] =	vst v1;
	v1 =	vmul.f32 v47, v31  }
0x37c: {  	v52 =	vld [tilespmem:s8+$0x0];
	[tilespmem:s8+$0xFFFFFF90] =	vst v2;
	v2 =	vmul.f32 v48, v31  }
0x37d: {  	v53 =	vld [tilespmem:s8+$0x10];
	[tilespmem:s8+$0xFFFFFFA0] =	vst v1;
	v1 =	vmul.f32 v49, v31  }
0x37e: {  	v54 =	vld [tilespmem:s8+$0x20];
	[tilespmem:s8+$0xFFFFFFB0] =	vst v2;
	v2 =	vmul.f32 v50, v31  }
0x37f: {  	[tilespmem:s8+$0xFFFFFFC0] =	vst v1;
	v1 =	vmul.f32 v3, v31;
	v3 =	vld [tilespmem:s8+$0x30]  }
0x380: {  	v55 =	vld [tilespmem:s8+$0x40];
	[tilespmem:s8+$0xFFFFFFD0] =	vst v2;
	v2 =	vmul.f32 v51, v31  }
0x381: {  	v56 =	vld [tilespmem:s8+$0x50];
	[tilespmem:s8+$0xFFFFFFE0] =	vst v1;
	v1 =	vmul.f32 v52, v32  }
0x382: {  	v57 =	vld [tilespmem:s8+$0x60];
	[tilespmem:s8+$0xFFFFFFF0] =	vst v2;
	v2 =	vmul.f32 v53, v32  }
0x383: {  	v58 =	vld [tilespmem:s8+$0x80];
	[tilespmem:s8+$0x0] =	vst v1;
	v1 =	vmul.f32 v54, v32  }
0x384: {  	[tilespmem:s8+$0x10] =	vst v2;
	v2 =	vmul.f32 v3, v32;
	v3 =	vld [tilespmem:s8+$0x90]  }
0x385: {  	v59 =	vld [tilespmem:s8+$0xA0];
	[tilespmem:s8+$0x20] =	vst v1;
	v1 =	vmul.f32 v55, v32  }
0x386: {  	v60 =	vld [tilespmem:s8+$0xB0];
	[tilespmem:s8+$0x30] =	vst v2;
	v2 =	vmul.f32 v56, v32  }
0x387: {  	v61 =	vld [tilespmem:s8+$0xC0];
	[tilespmem:s8+$0x40] =	vst v1;
	v1 =	vmul.f32 v57, v32  }
0x388: {  	v62 =	vld [tilespmem:s8+$0xD0];
	[tilespmem:s8+$0x50] =	vst v2;
	v2 =	vmul.f32 v58, v5  }
0x389: {  	[tilespmem:s8+$0x60] =	vst v1;
	v1 =	vmul.f32 v3, v5;
	v3 =	vld [tilespmem:s8+$0xE0]  }
0x38a: {  	v63 =	vld [tilespmem:s8+$0xF0];
	[tilespmem:s8+$0x80] =	vst v2;
	v2 =	vmul.f32 v59, v5  }
0x38b: {  	[tilespmem:s8+$0x90] =	vst v1;
	v1 =	vmul.f32 v60, v5  }
0x38c: {  	[tilespmem:s8+$0xA0] =	vst v2;
	v2 =	vmul.f32 v61, v5  }
0x38d: {  	[tilespmem:s8+$0xB0] =	vst v1;
	v1 =	vmul.f32 v62, v5  }
0x38e: {  	[tilespmem:s8+$0xC0] =	vst v2;
	v2 =	vmul.f32 v3, v5  }
0x38f: {  	[tilespmem:s8+$0xD0] =	vst v1;
	v1 =	vmul.f32 v63, v5  }
0x390: {  	[tilespmem:s8+$0xE0] =	vst v2  }
0x391: {  	s21 =	simm.s32 $0xB;
	[tilespmem:s8+$0xF0] =	vst v1  }
0x392: {  	_ =	swait.ge [sflag:s21], $0x50  }
0x393: {  	[sflag:s21] =	ssyncset.done $0x0  }
0x394: {  	s22 =	simm.s32 $0x7A00;
	s24 =	simm.s32 $0x2800;
	[sflag:s21] =	ssyncadd.s32 $0xFFFFFFB0  }
0x395: {  	[spmem:s3] =	stream.indirect.scatter.add.f32 [tilespmem:s24], [sflag:$0x5], $0x80, s22, s18, $0xb8;
	[tilespmem:$0x1E480] =	vst v63  }
0x396: {  	_ =	swait.ge [sflag:s28], $0x2800  }
0x397: {  	[sflag:s28] =	ssyncset.done $0x0  }
0x398: {  	[sflag:s28] =	ssyncadd.s32 $0xFFFFD800  }
0x399: {  	_ =	swait.ge [sflag:s16], $0x2800  }
0x39a: {  	[sflag:s16] =	ssyncset.done $0x0  }
0x39b: {  	[sflag:s16] =	ssyncadd.s32 $0xFFFFD800  }
0x39c: {  	s13 =	stileid.u32;
	[bflag:$0x0] =	sbarrier.arrive $0xFFFF  }
0x39d: {  	s11 =	simm.s32 $0x10;
	s8 =	sshll.u32 s13, $0x6;
	s17 =	rddreg [dreg:$0x6]  }
0x39e: {  	s8 =	sor.u32 $0x1C10, s8;
	s21 =	rddreg [dreg:$0x15];
	s14 =	sshrl.u32 s17, $0x3  }
0x39f: {  	[hbm:s21], [sflag:s8] =	dma.local [spmem:s14], $0x2800  }
0x3a0: {  	_ =	swait.ge [sflag:s11], $0x2800  }
0x3a1: {  	s22 =	rddreg [dreg:$0x1c]  }
0x3a2: {  	s24 =	rddreg [dreg:$0x16];
	s13 =	sadd.s32 $0x1, s22  }
0x3a3: {  	p0 =	sne.s32 s13, s24  }
.Ltmp8:
0x3a4: {  	_ = 	snop;
	(pc) =	sbr.rel @p0 .LBB2_1-.Ltmp8, $3  }
0x3a5: {  	_ =	sdelay $0x1  }
0x3a6: {  	[sflag:s11] =	ssyncset.done $0x0  }
0x3a7: {  	[sflag:s11] =	ssyncadd.s32 $0xFFFFD800  }
0x3a8: {  	_ =	sfence.sel $0x180000  }
0x3a9: {  	[bflag:$0x0] =	sbarrier.arrive $0xFFFF  }
0x3aa: {  	_ =	strace $0x9000004A  }
0x3ab: {  	s0 =	stileid.u32;
	[bflag:$0x2] =	sbarrier.arrive $0xFFFF  }
0x3ac: {  	p0 =	sne.s32 s0, $0x0;
	s0 =	rddreg [dreg:$0x4]  }
0x3ad: {  	s0 =	sadd.s32 @!p0 $0x100000, s0  }
0x3ae: {  	[sflag:s0] =	ssyncadd.tile.s32 @!p0 $0x1;
	_ =	shalt  }
.Lfunc_end2:
_tile_overlayer_lowered:
.L_overlay_start_2:
0x3af: {  	(tag) =	ssettag $0x2  }
0x3b0: {  	s0 =	rddreg [dreg:$0x0];
	s2 =	stileid.u32  }
0x3b1: {  	s1 =	rddreg [dreg:$0x1];
	p0 =	sne.s32 s2, $0x0  }
0x3b2: {  	s3 =	rddreg [dreg:$0x2];
	[bflag:$0x3] =	sbarrier.arrive $0xFFFF;
	s2 =	simm.s32 @!p0 $0x1C10  }
0x3b3: {  	[timem:s3], [sflag:s2] =	dma.local @!p0 [hbm:s0], s1  }
0x3b4: {  	s0 =	simm.s32 @!p0 $0x10  }
0x3b5: {  	_ =	swait.ge @!p0 [sflag:s0], s1  }
0x3b6: {  	s1 =	ssub.s32 @!p0 $0x0, s1;
	[sflag:s0] =	ssyncset.done @!p0 $0x0  }
0x3b7: {  	[sflag:s0] =	ssyncadd.s32 @!p0 s1  }
0x3b8: {  	[bflag:$0x3] =	sbarrier.arrive $0xFFFF  }
0x3b9: {  	_ =	shalt  }

// kernel: kernel.7.cloned.1.call-start
scs
__scs_entry_jumppad:
0x0: {  	(pc) =	sbr.rel $0x88, $3  }
0x1: {  	(tag) =	ssettag $0x0;
	lr =	simm.s32 $0x1  }
0x2: {  	[smem:$0x3F9B] =	sst lr;
	_ =	strace $0xD0000000  }
0x3: {  	_ = 	snop  }
0x4: {  	_ = 	snop  }
0x5: {  	_ = 	snop  }
0x6: {  	_ = 	snop  }
0x7: {  	_ = 	snop  }
__scs_overlays_trampoline_lowered:
0x8: {  	[smem:$0x3FAA] =	sst s0  }
0x9: {  	[smem:$0x3FAB] =	sst s1  }
0xa: {  	[smem:$0x3FAC] =	sst s2  }
0xb: {  	[smem:$0x3FAD] =	sst s3  }
0xc: {  	[smem:$0x3FAE] =	sst s4  }
0xd: {  	[smem:$0x3FAF] =	sst s5  }
0xe: {  	[smem:$0x3FB0] =	sst s6  }
0xf: {  	[smem:$0x3FB1] =	sst s7  }
0x10: {  	[smem:$0x3FB2] =	sst s8  }
0x11: {  	[smem:$0x3FB3] =	sst s9;
	s0 =	simm.s32 @!p0 $0x0  }
0x12: {  	s1 =	sld [smem:$0x3F99];
	s0 =	simm.s32 @p0 $0x1  }
0x13: {  	[smem:$0x3FB4] =	sst s0;
	s0 =	simm.s32 @!p1 $0x0  }
0x14: {  	s2 =	sld [smem:$0x3F98];
	s0 =	simm.s32 @p1 $0x1  }
0x15: {  	[smem:$0x3FB5] =	sst s0;
	s0 =	simm.s32 @!p2 $0x0  }
0x16: {  	s3 =	sld [smem:$0x3FDB];
	s0 =	simm.s32 @p2 $0x1  }
0x17: {  	s4 =	simm.s32 $0x1BF5;
	[smem:$0x3FB7] =	sst s0  }
0x18: {  	s0 =	sld [smem:$0x3F9A];
	_ =	swait.ge [sflag:s4], $0x0  }
0x19: {  	s7 =	sld [smem:$0x3F9B]  }
0x1a: {  	s8 =	sadd.s32 $0xFFFFE003, lr  }
0x1b: {  	s9 =	sadd.s32 $0xFFFFFEF7, lr;
	s5 =	simm.s32 $0xFFFFFFFF;
	p2 =	slt.u32 s8, $0xFFFFF086  }
0x1c: {  	p1 =	slt.u32 s9, $0xF7A;
	s5 =	simm.s32 @!p2 $0x0  }
0x1d: {  	s5 =	simm.s32 @p1 $0x1;
	p0 =	seq.s32 s7, s2  }
0x1e: {  	s7 =	smul.u32 @!p0 $0xF7A, s2;
	p2 =	seq.s32 @!p0 s5, $0x0  }
0x1f: {  	s9 =	smul.u32 $0xF7A, s1;
	s8 =	simm.s32 @!p0 $0x1BF5;
	p2 =	por !p2, p0  }
0x20: {  	[sflag:s8] =	ssyncset.s32 @!p0 $0xFFFFF086;
	s6 =	sadd.s32 @!p0 s3, s7;
	s7 =	simm.s32 @!p0 $0x108  }
0x21: {  	s3 =	sadd.s32 s3, s9;
	s6 =	sadd.s32 @!p0 $0x88, s6;
	s7 =	simm.s32 @p2 $0x1082  }
0x22: {  	[simem:s7], [sflag:s8] =	dma.local @!p0 [hbm:s6], $0xF7A  }
0x23: {  	s9 =	sor.u32 $0xD0000000, s2;
	s6 =	simm.s32 $0x108;
	_ =	swait.ge @!p0 [sflag:s8], $0x0  }
0x24: {  	s3 =	sadd.s32 $0x88, s3;
	s6 =	simm.s32 @!p1 $0x1082;
	[sflag:s4] =	ssyncset.s32 $0xFFFFF086  }
0x25: {  	[simem:s6], [sflag:s4] =	dma.local [hbm:s3], $0xF7A  }
0x26: {  	[smem:$0x3F9B] =	sst s1;
	(tag) =	ssettag s2;
	_ =	strace s9  }
0x27: {  	s1 =	sld [smem:$0x3FAB]  }
0x28: {  	s2 =	sld [smem:$0x3FAC]  }
0x29: {  	s4 =	sld [smem:$0x3FAE]  }
0x2a: {  	p0 =	seq.s32 s5, $0x0;
	s5 =	sld [smem:$0x3FAF]  }
0x2b: {  	s6 =	sld [smem:$0x3FB0]  }
0x2c: {  	s7 =	sld [smem:$0x3FB1]  }
0x2d: {  	s3 =	simm.s32 $0x108;
	s8 =	sld [smem:$0x3FB2]  }
0x2e: {  	s3 =	simm.s32 @!p0 $0x1082;
	s9 =	sld [smem:$0x3FB3]  }
0x2f: {  	lr =	sadd.s32 s0, s3;
	s0 =	sld [smem:$0x3FAA]  }
0x30: {  	s3 =	sld [smem:$0x3FAD]  }
0x31: {  	[smem:$0x3FB6] =	sst s10  }
0x32: {  	s10 =	sld [smem:$0x3FB4];
	_ =	sdelay $0x3  }
0x33: {  	p0 =	seq.s32 s10, $0x1;
	s10 =	sld [smem:$0x3FB6];
	_ =	sdelay $0x3  }
0x34: {  	[smem:$0x3FB6] =	sst s10  }
0x35: {  	s10 =	sld [smem:$0x3FB5];
	_ =	sdelay $0x3  }
0x36: {  	p1 =	seq.s32 s10, $0x1;
	s10 =	sld [smem:$0x3FB6];
	_ =	sdelay $0x3  }
0x37: {  	[smem:$0x3FB6] =	sst s10  }
0x38: {  	s10 =	sld [smem:$0x3FB7]  }
0x39: {  	_ = 	snop;
	(pc) =	sbr.ind lr, $3  }
0x3a: {  	_ = 	snop  }
0x3b: {  	_ = 	snop  }
0x3c: {  	p2 =	seq.s32 s10, $0x1;
	s10 =	sld [smem:$0x3FB6]  }
0x3d: {  	_ =	shalt  }
0x3e: {  	_ =	shalt  }
0x3f: {  	_ =	shalt  }
0x40: {  	_ =	shalt  }
0x41: {  	_ =	shalt  }
0x42: {  	_ =	shalt  }
0x43: {  	_ =	shalt  }
0x44: {  	_ =	shalt  }
0x45: {  	_ =	shalt  }
0x46: {  	_ =	shalt  }
0x47: {  	_ =	shalt  }
0x48: {  	_ =	shalt  }
0x49: {  	_ =	shalt  }
0x4a: {  	_ =	shalt  }
0x4b: {  	_ =	shalt  }
0x4c: {  	_ =	shalt  }
0x4d: {  	_ =	shalt  }
0x4e: {  	_ =	shalt  }
0x4f: {  	_ =	shalt  }
0x50: {  	_ =	shalt  }
0x51: {  	_ =	shalt  }
0x52: {  	_ =	shalt  }
0x53: {  	_ =	shalt  }
0x54: {  	_ =	shalt  }
0x55: {  	_ =	shalt  }
0x56: {  	_ =	shalt  }
0x57: {  	_ =	shalt  }
0x58: {  	_ =	shalt  }
0x59: {  	_ =	shalt  }
0x5a: {  	_ =	shalt  }
0x5b: {  	_ =	shalt  }
0x5c: {  	_ =	shalt  }
0x5d: {  	_ =	shalt  }
0x5e: {  	_ =	shalt  }
0x5f: {  	_ =	shalt  }
0x60: {  	_ =	shalt  }
0x61: {  	_ =	shalt  }
0x62: {  	_ =	shalt  }
0x63: {  	_ =	shalt  }
0x64: {  	_ =	shalt  }
0x65: {  	_ =	shalt  }
0x66: {  	_ =	shalt  }
0x67: {  	_ =	shalt  }
0x68: {  	_ =	shalt  }
0x69: {  	_ =	shalt  }
0x6a: {  	_ =	shalt  }
0x6b: {  	_ =	shalt  }
0x6c: {  	_ =	shalt  }
0x6d: {  	_ =	shalt  }
0x6e: {  	_ =	shalt  }
0x6f: {  	_ =	shalt  }
0x70: {  	_ =	shalt  }
0x71: {  	_ =	shalt  }
0x72: {  	_ =	shalt  }
0x73: {  	_ =	shalt  }
0x74: {  	_ =	shalt  }
0x75: {  	_ =	shalt  }
0x76: {  	_ =	shalt  }
0x77: {  	_ =	shalt  }
0x78: {  	_ =	shalt  }
0x79: {  	_ =	shalt  }
0x7a: {  	_ =	shalt  }
0x7b: {  	_ =	shalt  }
0x7c: {  	_ =	shalt  }
0x7d: {  	_ =	shalt  }
0x7e: {  	_ =	shalt  }
0x7f: {  	_ =	shalt  }
0x80: {  	_ =	shalt  }
0x81: {  	_ =	shalt  }
0x82: {  	_ =	shalt  }
0x83: {  	_ =	shalt  }
0x84: {  	_ =	shalt  }
0x85: {  	_ =	shalt  }
0x86: {  	_ =	shalt  }
0x87: {  	_ =	shalt  }
.Lfunc_end0:
.L_simem_size_0:
called_computation_lowered:
.L_overlay_start_0:
0x88: {  	s2 =	sld [smem:$0x3FD9]  }
0x89: {  	s3 =	sld [smem:$0x3FFE];
	_ =	sdelay $0x1  }
0x8a: {  	s1 =	srdreg.scid  }
0x8b: {  	s0 =	sand.u32 $0x1, s1  }
0x8c: {  	s17 =	sshll.u32 s0, $0xA;
	s2 =	sadd.s32 s3, s2  }
0x8d: {  	s2 =	sadd.s32 s2, s17  }
0x8e: {  	[smem:$0x3FC2] =	sst s2  }
0x8f: {  	_ = 	snop  }
0x90: {  	s2 =	sld [smem:$0x3FC7];
	(tm) =	ssettm $0x1  }
0x91: {  	s18 =	sld [smem:$0x3FFB];
	_ =	sdelay $0x3  }
0x92: {  	_ =	strace s18  }
0x93: {  	s3 =	sld [smem:$0x3FFC];
	_ =	sdelay $0x3  }
0x94: {  	_ =	strace s3  }
0x95: {  	s3 =	sld [smem:$0x3FFD];
	_ =	sdelay $0x3  }
0x96: {  	_ =	strace s3  }
0x97: {  	_ =	strace $0x8FFFFFFF  }
0x98: {  	s19 =	sld [smem:$0x3FDB];
	_ =	sdelay $0x1  }
0x99: {  	s4 =	simm.s32 $_scs_section_size  }
0x9a: {  	s5 =	simm.s32 $_size__tile_overlayer_lowered;
	s6 =	simm.s32 $_tile_overlayer_lowered  }
0x9b: {  	s22 =	simm.s32 $0x1BFF;
	s21 =	sshll.u32 s6, $0x1;
	s3 =	sadd.s32 s4, s19  }
0x9c: {  	s7 =	simm.s32 $0x0;
	s20 =	sshll.u32 s5, $0x1;
	s5 =	sadd.s32 s21, s3  }
0x9d: {  	[timem:s7], [sflag:s22] =	dma.local [hbm:s5], s20  }
0x9e: {  	_ =	swait.ge [sflag:s22], s20  }
0x9f: {  	s4 =	ssub.s32 $0x0, s20;
	[sflag:s22] =	ssyncset.done $0x0  }
0xa0: {  	[sflag:s22] =	ssyncadd.s32 s4;
	_ =	sdelay $0x1  }
0xa1: {  	s23 =	simm.s32 $0x1B8B  }
0xa2: {  	_ =	swait.ge [sflag:s23], $0x1  }
0xa3: {  	[sflag:s23] =	ssyncset.done $0x0  }
0xa4: {  	s25 =	simm.s32 $0x1B8E;
	s24 =	sld [smem:$0x3FFE];
	[sflag:s23] =	ssyncadd.s32 $0xFFFFFFFF  }
0xa5: {  	s26 =	simm.s32 $execute0_lowered;
	[smem:$0x3FD2] =	sst s25  }
0xa6: {  	s5 =	sshll.u32 s26, $0x1;
	_ =	strace $0x80000046;
	[dreg:$0x1] =	wrdreg $0xFFFFFFFF  }
0xa7: {  	s28 =	simm.s32 $_size_execute0_lowered;
	s3 =	sadd.s32 s3, s5;
	[dreg:$0x0] =	wrdreg $0x0  }
0xa8: {  	s5 =	sshll.u32 s28, $0x1;
	[dreg:$0x2] =	wrdreg s3  }
0xa9: {  	[dreg:$0x3] =	wrdreg s5  }
0xaa: {  	[dreg:$0x4] =	wrdreg $0xC0  }
0xab: {  	_ =	task [dreg:s7], $0x5FFFF  }
0xac: {  	[dreg:$0x1] =	wrdreg $0xFFFFFFFF  }
0xad: {  	[dreg:$0x0] =	wrdreg $0x60  }
0xae: {  	[dreg:$0x2] =	wrdreg s24  }
0xaf: {  	[dreg:$0x3] =	wrdreg s2  }
0xb0: {  	[dreg:$0x4] =	wrdreg $0x6800  }
0xb1: {  	[dreg:$0x5] =	wrdreg $0x9  }
0xb2: {  	_ =	task.clear_ibuf [dreg:s7], $0x6FFFF;
	_ =	strace $0x90000046  }
0xb3: {  	s29 =	simm.s32 $0x9;
	_ =	strace $0x80000048  }
0xb4: {  	_ =	swait.ge [sflag:s29], $0x1  }
0xb5: {  	[sflag:s29] =	ssyncadd.s32 $0xFFFFFFFF  }
0xb6: {  	_ =	strace $0x90000048  }
0xb7: {  	_ =	sfence  }
0xb8: {  	s30 =	sld [smem:$0x0];
	_ =	sdelay $0x2  }
0xb9: {  	s31 =	sshll.u32 s1, $0xD;
	s1 =	sshrl.u32 s1, $0x2  }
0xba: {  	s3 =	sand.u32 $0x4000, s31;
	s1 =	sadd.s32 s1, s30  }
0xbb: {  	s0 =	sor.u32 s3, s0;
	s1 =	sshll.u32 s1, $0x11  }
0xbc: {  	s0 =	sor.u32 s1, s0  }
0xbd: {  	s0 =	sadd.s32 $0x8F2B, s0  }
0xbe: {  	[sflag:s0] =	ssyncadd.remote.s32 $0x1  }
0xbf: {  	_ =	sfence.sel $0xFFFF  }
0xc0: {  	[dreg:$0x0] =	wrdreg $0xFFFFFFFF;
	(pc) =	sbr.abs _section_cstart, $3  }
0xc1: {  	[dreg:$0x1] =	wrdreg $0xFFFFFFFF  }
0xc2: {  	_ =	task.clear_ibuf [dreg:s7], $0x2FFFF;
	_ =	strace $0x9FFFFFFF  }
0xc3: {  	(tm) =	ssettm $0x7FFFFFFF  }
tec
execute0_lowered:
.L_overlay_start_1:
0x0: {  	(tag) =	ssettag $0x1  }
0x1: {  	s0 =	rddreg [dreg:$0x0]  }
0x2: {  	s1 =	rddreg [dreg:$0x1]  }
0x3: {  	s3 =	rddreg [dreg:$0x2];
	s4 =	simm.s32 $0x0  }
0x4: {  	s2 =	srdreg.scid;
	s8 =	stileid.u32;
	s17 =	simm.s32 $0xD  }
0x5: {  	s18 =	simm.s32 $0x200;
	s19 =	simm.s32 $0x80;
	s28 =	simm.s32 $0x50  }
0x6: {  	s29 =	simm.s32 $0x9;
	s30 =	simm.s32 $0x4;
	s31 =	simm.s32 $0x8  }
0x7: {  	s10 =	simm.s32 $0x0;
	s2 =	sand.u32 $0x1, s2;
	s5 =	smul.u32 $0x500, s8  }
0x8: {  	s6 =	sshll.u32 s8, $0x1;
	[smem:$0x7FF] =	sst s4;
	s8 =	smul.u32 $0xA00, s8  }
0x9: {  	s7 =	sshll.u32 s2, $0x7;
	s6 =	sor.u32 s2, s6;
	_ =	strace $0x80000047  }
0xa: {  	s2 =	ssub.s32 $0x2, s2;
	s7 =	sor.u32 s7, s5;
	s5 =	smul.u32 $0x2710, s6  }
0xb: {  	s6 =	sadd.s32 $0x2000, s0;
	s20 =	sshrl.u32 s2, $0x1;
	s21 =	sshrl.u32 s8, $0x2  }
0xc: {  	s7 =	sshrl.u32 s7, $0x3;
	s2 =	ssub.s32 s2, s20;
	s20 =	simm.s32 $0x280  }
0xd: {  	s0 =	sadd.s32 s7, s0;
	s22 =	sshrl.u32 s5, $0x3;
	s7 =	sadd.s32 s21, s3  }
0xe: {  	s12 =	sadd.s32 $0x140, s5;
	s13 =	sadd.s32 $0x190, s5;
	s26 =	smax.u32 s2, $0x1  }
0xf: {  	s21 =	simm.s32 $0x100;
	s2 =	simm.s32 $0x1;
	s9 =	sadd.s32 s6, s22  }
0x10: {  	s23 =	sadd.s32 $0xA, s22;
	s8 =	sadd.s32 s1, s22;
	[dreg:$0x9] =	wrdreg s26  }
.Ltmp0:
0x11: {  	s0 =	sadd.s32 $0x15C00, s0;
	[dreg:$0x4] =	wrdreg s9;
	(pc) =	sbr.rel .LBB2_1-.Ltmp0, $4  }
0x12: {  	s22 =	simm.s32 $0x300;
	s26 =	simm.s32 $0x7;
	[dreg:$0x5] =	wrdreg s8  }
0x13: {  	s24 =	sadd.s32 s6, s23;
	s25 =	sadd.s32 s1, s23;
	[dreg:$0x8] =	wrdreg s0  }
0x14: {  	s23 =	simm.s32 $0x180;
	s0 =	simm.s32 $0xA;
	[dreg:$0x6] =	wrdreg s24  }
0x15: {  	v0 =	vimm.f32 $0.0e+00;
	[dreg:$0x7] =	wrdreg s25;
	s24 =	simm.s32 $0x380;
	s25 =	simm.s32 $0x3  }
.LBB2_4:
0x16: {  	_ =	swait.ge [sflag:s2], $0x50  }
0x17: {  	[sflag:s2] =	ssyncset.done $0x0  }
0x18: {  	s8 =	simm.s32 $0x5;
	[sflag:s2] =	ssyncadd.s32 $0xFFFFFFB0  }
0x19: {  	_ =	swait.ge [sflag:s8], $0x50  }
0x1a: {  	[sflag:s8] =	ssyncset.done $0x0  }
0x1b: {  	s11 =	simm.s32 $0xB;
	[sflag:s8] =	ssyncadd.s32 $0xFFFFFFB0  }
0x1c: {  	[spmem:s3] =	stream.indirect.scatter.add.f32 [tilespmem:s18], [sflag:$0x9], $0x1, s4, s28, $0xb8;
	[tilespmem:$0x900] =	vst v63  }
0x1d: {  	_ =	swait.ge [sflag:s11], $0x50  }
0x1e: {  	[sflag:s11] =	ssyncset.done $0x0  }
0x1f: {  	s14 =	simm.s32 $0xC;
	[sflag:s11] =	ssyncadd.s32 $0xFFFFFFB0  }
0x20: {  	_ =	swait.ge [sflag:s14], $0x50  }
0x21: {  	[sflag:s14] =	ssyncset.done $0x0  }
0x22: {  	[sflag:s14] =	ssyncadd.s32 $0xFFFFFFB0  }
0x23: {  	_ =	swait.ge [sflag:s29], $0x50  }
0x24: {  	[sflag:s29] =	ssyncset.done $0x0  }
0x25: {  	s15 =	stileid.u32;
	s9 =	sshrl.u32 s7, $0x3;
	[sflag:s29] =	ssyncadd.s32 $0xFFFFFFB0  }
0x26: {  	s8 =	sshll.u32 s15, $0x6;
	s15 =	simm.s32 $0x10;
	[bflag:$0x0] =	sbarrier.arrive $0xFFFF  }
0x27: {  	s8 =	sor.u32 $0x1C0D, s8;
	s14 =	simm.s32 $0x20;
	s11 =	rddreg [dreg:$0x8]  }
0x28: {  	[hbm:s11@s14], [sflag:s8] =	dma.strided [spmem:s9@s15], $0x50, s2, $0x10   }
0x29: {  	_ =	swait.ge [sflag:s17], $0x50  }
0x2a: {  	s10 =	sadd.s32 $0x1, s10;
	s16 =	rddreg [dreg:$0x9]  }
0x2b: {  	p0 =	sne.s32 s10, s16  }
.Ltmp1:
0x2c: {  	_ = 	snop;
	(pc) =	sbr.rel @!p0 .LBB2_5-.Ltmp1, $3  }
0x2d: {  	_ =	sdelay $0x1  }
0x2e: {  	[sflag:s17] =	ssyncset.done $0x0  }
0x2f: {  	[sflag:s17] =	ssyncadd.s32 $0xFFFFFFB0  }
.LBB2_1:
0x30: {  	[tilespmem:$0x400] =	vst v0  }
0x31: {  	[tilespmem:$0x410] =	vst v0  }
0x32: {  	[tilespmem:$0x420] =	vst v0  }
0x33: {  	[tilespmem:$0x430] =	vst v0  }
0x34: {  	[tilespmem:$0x440] =	vst v0  }
0x35: {  	[tilespmem:$0x450] =	vst v0  }
0x36: {  	[tilespmem:$0x460] =	vst v0  }
0x37: {  	[tilespmem:$0x470] =	vst v0  }
0x38: {  	[tilespmem:$0x480] =	vst v0  }
0x39: {  	[tilespmem:$0x490] =	vst v0  }
0x3a: {  	[tilespmem:$0x4A0] =	vst v0  }
0x3b: {  	[tilespmem:$0x4B0] =	vst v0  }
0x3c: {  	[tilespmem:$0x4C0] =	vst v0  }
0x3d: {  	[tilespmem:$0x4D0] =	vst v0  }
0x3e: {  	[tilespmem:$0x4E0] =	vst v0  }
0x3f: {  	[tilespmem:$0x4F0] =	vst v0  }
0x40: {  	[tilespmem:$0x500] =	vst v0  }
0x41: {  	[tilespmem:$0x510] =	vst v0  }
0x42: {  	[tilespmem:$0x520] =	vst v0  }
0x43: {  	[tilespmem:$0x530] =	vst v0  }
0x44: {  	[tilespmem:$0x540] =	vst v0  }
0x45: {  	[tilespmem:$0x550] =	vst v0  }
0x46: {  	[tilespmem:$0x560] =	vst v0  }
0x47: {  	[tilespmem:$0x570] =	vst v0  }
0x48: {  	[tilespmem:$0x580] =	vst v0  }
0x49: {  	[tilespmem:$0x590] =	vst v0  }
0x4a: {  	[tilespmem:$0x5A0] =	vst v0  }
0x4b: {  	[tilespmem:$0x5B0] =	vst v0  }
0x4c: {  	[tilespmem:$0x5C0] =	vst v0  }
0x4d: {  	[tilespmem:$0x5D0] =	vst v0  }
0x4e: {  	[tilespmem:$0x5E0] =	vst v0  }
0x4f: {  	[tilespmem:$0x5F0] =	vst v0  }
0x50: {  	[tilespmem:$0x600] =	vst v0  }
0x51: {  	[tilespmem:$0x610] =	vst v0  }
0x52: {  	[tilespmem:$0x620] =	vst v0  }
0x53: {  	[tilespmem:$0x630] =	vst v0  }
0x54: {  	[tilespmem:$0x640] =	vst v0  }
0x55: {  	[tilespmem:$0x650] =	vst v0  }
0x56: {  	[tilespmem:$0x660] =	vst v0  }
0x57: {  	[tilespmem:$0x670] =	vst v0;
	s8 =	simm.s32 $0x400  }
0x58: {  	[spmem:s7] =	stream.linear.scatter [tilespmem:s8], [sflag:$0xD], $0x280, $0x38;
	[tilespmem:$0x900] =	vst v63  }
0x59: {  	_ =	swait.ge [sflag:s17], $0x280  }
0x5a: {  	[sflag:s17] =	ssyncset.done $0x0  }
0x5b: {  	s11 =	rddreg [dreg:$0x4];
	[sflag:s17] =	ssyncadd.s32 $0xFFFFFD80  }
0x5c: {  	[tilespmem:s4], [sflag:$0xD] =	stream.linear.gather [hbm4b:s11+s4], $0x50, $0x38;
	[tilespmem:$0x900] =	vst v63  }
0x5d: {  	_ =	swait.ge [sflag:s17], $0x50  }
0x5e: {  	[sflag:s17] =	ssyncset.done $0x0  }
0x5f: {  	s14 =	rddreg [dreg:$0x5];
	[sflag:s17] =	ssyncadd.s32 $0xFFFFFFB0  }
0x60: {  	[tilespmem:s18], [sflag:$0xD] =	stream.linear.gather [hbm4b:s14+s4], $0x50, $0x38;
	[tilespmem:$0x900] =	vst v63  }
0x61: {  	_ =	swait.ge [sflag:s17], $0x50  }
0x62: {  	[sflag:s17] =	ssyncset.done $0x0  }
0x63: {  	s15 =	rddreg [dreg:$0x6];
	[sflag:s17] =	ssyncadd.s32 $0xFFFFFFB0  }
0x64: {  	[tilespmem:s19], [sflag:$0xD] =	stream.linear.gather [hbm4b:s15+s4], $0x50, $0x38;
	[tilespmem:$0x900] =	vst v63  }
0x65: {  	_ =	swait.ge [sflag:s17], $0x50  }
0x66: {  	[sflag:s17] =	ssyncset.done $0x0  }
0x67: {  	s16 =	rddreg [dreg:$0x7];
	[sflag:s17] =	ssyncadd.s32 $0xFFFFFFB0  }
0x68: {  	[tilespmem:s20], [sflag:$0xD] =	stream.linear.gather [hbm4b:s16+s4], $0x50, $0x38;
	[tilespmem:$0x900] =	vst v63  }
0x69: {  	_ =	swait.ge [sflag:s17], $0x50  }
0x6a: {  	[sflag:s17] =	ssyncset.done $0x0  }
0x6b: {  	[sflag:s17] =	ssyncadd.s32 $0xFFFFFFB0  }
0x6c: {  	s14 =	simm.s32 $0x0;
	[bflag:$0x0] =	sbarrier.arrive $0xFFFF  }
.LBB2_2:
0x6d: {  	p0 =	sne.s32 s14, $0x0  }
0x6e: {  	s11 =	simm.s32 @p0 $0x1  }
0x6f: {  	_ =	swait.ge @p0 [sflag:s11], $0x50  }
0x70: {  	[sflag:s11] =	ssyncset.done @p0 $0x0  }
0x71: {  	[sflag:s11] =	ssyncadd.s32 @p0 $0xFFFFFFB0;
	s11 =	simm.s32 @p0 $0x5  }
0x72: {  	_ =	swait.ge @p0 [sflag:s11], $0x50  }
0x73: {  	s15 =	simm.s32 @p0 $0x0;
	[sflag:s11] =	ssyncset.done @p0 $0x0  }
0x74: {  	s16 =	simm.s32 @p0 $0x200;
	[sflag:s11] =	ssyncadd.s32 @p0 $0xFFFFFFB0;
	s11 =	simm.s32 @p0 $0x50  }
0x75: {  	[spmem:s3] =	stream.indirect.scatter.add.f32 @p0 [tilespmem:s16], [sflag:$0x9], $0x1, s15, s11, $0xb8;
	[tilespmem:$0x900] =	vst v63  }
0x76: {  	s15 =	simm.s32 @p0 $0xB  }
0x77: {  	_ =	swait.ge @p0 [sflag:s15], $0x50  }
0x78: {  	s8 =	simm.s32 @!p0 $0x0;
	s9 =	simm.s32 @!p0 $0x200;
	[sflag:s15] =	ssyncset.done @p0 $0x0  }
0x79: {  	s16 =	simm.s32 @!p0 $0x50;
	[sflag:s15] =	ssyncadd.s32 @p0 $0xFFFFFFB0;
	s15 =	sadd.s32 @p0 $0xA0, s14  }
0x7a: {  	[spmem:s3] =	stream.indirect.scatter.add.f32 @!p0 [tilespmem:s9], [sflag:$0x9], $0x1, s8, s16, $0xb8;
	[tilespmem:$0x900] =	vst v63  }
0x7b: {  	s15 =	simm.s32 @!p0 $0xA0  }
0x7c: {  	s9 =	sadd.s32 s5, s15  }
0x7d: {  	s8 =	sshrl.u32 s9, $0x3  }
0x7e: {  	s15 =	sadd.s32 s6, s8  }
0x7f: {  	[tilespmem:s21], [sflag:$0x3] =	stream.linear.gather [hbm4b:s15+s4], $0x50, $0x38;
	[tilespmem:$0x900] =	vst v63  }
0x80: {  	s8 =	sadd.s32 s1, s8  }
0x81: {  	[tilespmem:s22], [sflag:$0x7] =	stream.linear.gather [hbm4b:s8+s4], $0x50, $0x38;
	[tilespmem:$0x900] =	vst v63  }
0x82: {  	s8 =	simm.s32 @p0 $0x2  }
0x83: {  	_ =	swait.ge @p0 [sflag:s8], $0x50  }
0x84: {  	[sflag:s8] =	ssyncset.done @p0 $0x0  }
0x85: {  	[sflag:s8] =	ssyncadd.s32 @p0 $0xFFFFFFB0;
	s8 =	simm.s32 @p0 $0x6  }
0x86: {  	_ =	swait.ge @p0 [sflag:s8], $0x50  }
0x87: {  	[sflag:s8] =	ssyncset.done @p0 $0x0  }
0x88: {  	s9 =	simm.s32 @p0 $0x280;
	[sflag:s8] =	ssyncadd.s32 @p0 $0xFFFFFFB0;
	s8 =	simm.s32 @p0 $0x80  }
0x89: {  	[spmem:s3] =	stream.indirect.scatter.add.f32 @p0 [tilespmem:s9], [sflag:$0xA], $0x1, s8, s11, $0xb8;
	[tilespmem:$0x900] =	vst v63  }
0x8a: {  	s8 =	simm.s32 @p0 $0xC  }
0x8b: {  	_ =	swait.ge @p0 [sflag:s8], $0x50  }
0x8c: {  	s9 =	simm.s32 @!p0 $0x80;
	[sflag:s8] =	ssyncset.done @p0 $0x0  }
0x8d: {  	s11 =	simm.s32 @!p0 $0x280;
	[sflag:s8] =	ssyncadd.s32 @p0 $0xFFFFFFB0;
	s8 =	sadd.s32 @p0 $0xF0, s14  }
0x8e: {  	[spmem:s3] =	stream.indirect.scatter.add.f32 @!p0 [tilespmem:s11], [sflag:$0xA], $0x1, s9, s16, $0xb8;
	[tilespmem:$0x900] =	vst v63  }
0x8f: {  	s8 =	simm.s32 @!p0 $0xF0  }
0x90: {  	s8 =	sadd.s32 s5, s8  }
0x91: {  	s8 =	sshrl.u32 s8, $0x3  }
0x92: {  	s11 =	sadd.s32 s6, s8  }
0x93: {  	[tilespmem:s23], [sflag:$0x4] =	stream.linear.gather [hbm4b:s11+s4], $0x50, $0x38;
	[tilespmem:$0x900] =	vst v63  }
0x94: {  	s8 =	sadd.s32 s1, s8  }
0x95: {  	[tilespmem:s24], [sflag:$0x8] =	stream.linear.gather [hbm4b:s8+s4], $0x50, $0x38;
	[tilespmem:$0x900] =	vst v63  }
0x96: {  	_ =	swait.ge [sflag:s25], $0x50  }
0x97: {  	[sflag:s25] =	ssyncset.done $0x0  }
0x98: {  	[sflag:s25] =	ssyncadd.s32 $0xFFFFFFB0  }
0x99: {  	_ =	swait.ge [sflag:s26], $0x50  }
0x9a: {  	s11 =	smov.u32 s14;
	[sflag:s26] =	ssyncset.done $0x0  }
0x9b: {  	s11 =	simm.s32 @!p0 $0x0;
	[sflag:s26] =	ssyncadd.s32 $0xFFFFFFB0  }
0x9c: {  	[spmem:s3] =	stream.indirect.scatter.add.f32 [tilespmem:s22], [sflag:$0xB], $0x1, s21, s28, $0xb8;
	[tilespmem:$0x900] =	vst v63  }
0x9d: {  	s15 =	sadd.s32 s11, s12;
	_ =	swait.ge [sflag:s29], $0x50  }
0x9e: {  	s8 =	sshrl.u32 s15, $0x3;
	[sflag:s29] =	ssyncset.done $0x0  }
0x9f: {  	s16 =	sadd.s32 s6, s8;
	[sflag:s29] =	ssyncadd.s32 $0xFFFFFFB0  }
0xa0: {  	[tilespmem:s4], [sflag:$0x1] =	stream.linear.gather [hbm4b:s16+s4], $0x50, $0x38;
	[tilespmem:$0x900] =	vst v63  }
0xa1: {  	s8 =	sadd.s32 s1, s8  }
0xa2: {  	[tilespmem:s18], [sflag:$0x5] =	stream.linear.gather [hbm4b:s8+s4], $0x50, $0x38;
	[tilespmem:$0x900] =	vst v63  }
0xa3: {  	_ =	swait.ge [sflag:s30], $0x50  }
0xa4: {  	[sflag:s30] =	ssyncset.done $0x0  }
0xa5: {  	[sflag:s30] =	ssyncadd.s32 $0xFFFFFFB0  }
0xa6: {  	_ =	swait.ge [sflag:s31], $0x50  }
0xa7: {  	p0 =	seq.s32 s14, $0x2580;
	[sflag:s31] =	ssyncset.done $0x0  }
.Ltmp2:
0xa8: {  	[sflag:s31] =	ssyncadd.s32 $0xFFFFFFB0;
	(pc) =	sbr.rel @p0 .LBB2_4-.Ltmp2, $4  }
0xa9: {  	[spmem:s3] =	stream.indirect.scatter.add.f32 [tilespmem:s24], [sflag:$0xC], $0x1, s23, s28, $0xb8;
	[tilespmem:$0x900] =	vst v63  }
0xaa: {  	_ =	swait.ge [sflag:s0], $0x50  }
0xab: {  	[sflag:s0] =	ssyncset.done $0x0  }
0xac: {  	[sflag:s0] =	ssyncadd.s32 $0xFFFFFFB0  }
0xad: {  	s8 =	sadd.s32 s11, s13  }
.Ltmp3:
0xae: {  	s8 =	sshrl.u32 s8, $0x3;
	(pc) =	sbr.rel .LBB2_2-.Ltmp3, $4  }
0xaf: {  	s9 =	sadd.s32 s6, s8  }
0xb0: {  	[tilespmem:s19], [sflag:$0x2] =	stream.linear.gather [hbm4b:s9+s4], $0x50, $0x38;
	[tilespmem:$0x900] =	vst v63  }
0xb1: {  	s14 =	sadd.s32 $0x140, s14;
	s8 =	sadd.s32 s1, s8  }
0xb2: {  	[tilespmem:s20], [sflag:$0x6] =	stream.linear.gather [hbm4b:s8+s4], $0x50, $0x38;
	[tilespmem:$0x900] =	vst v63  }
.LBB2_5:
0xb3: {  	_ =	sfence.sel $0x180000  }
0xb4: {  	[bflag:$0x0] =	sbarrier.arrive $0xFFFF  }
0xb5: {  	_ =	strace $0x90000047  }
0xb6: {  	s0 =	stileid.u32;
	[bflag:$0x2] =	sbarrier.arrive $0xFFFF  }
0xb7: {  	p0 =	sne.s32 s0, $0x0;
	s0 =	rddreg [dreg:$0x3]  }
0xb8: {  	s0 =	sadd.s32 @!p0 $0x100000, s0  }
0xb9: {  	[sflag:s0] =	ssyncadd.tile.s32 @!p0 $0x1;
	_ =	shalt  }
.Lfunc_end2:
_tile_overlayer_lowered:
.L_overlay_start_2:
0xba: {  	(tag) =	ssettag $0x2  }
0xbb: {  	s0 =	rddreg [dreg:$0x0];
	s2 =	stileid.u32  }
0xbc: {  	s1 =	rddreg [dreg:$0x1];
	p0 =	sne.s32 s2, $0x0  }
0xbd: {  	s3 =	rddreg [dreg:$0x2];
	[bflag:$0x3] =	sbarrier.arrive $0xFFFF;
	s2 =	simm.s32 @!p0 $0x1C0D  }
0xbe: {  	[timem:s3], [sflag:s2] =	dma.local @!p0 [hbm:s0], s1  }
0xbf: {  	s0 =	simm.s32 @!p0 $0xD  }
0xc0: {  	_ =	swait.ge @!p0 [sflag:s0], s1  }
0xc1: {  	s1 =	ssub.s32 @!p0 $0x0, s1;
	[sflag:s0] =	ssyncset.done @!p0 $0x0  }
0xc2: {  	[sflag:s0] =	ssyncadd.s32 @!p0 s1  }
0xc3: {  	[bflag:$0x3] =	sbarrier.arrive $0xFFFF  }
0xc4: {  	_ =	shalt  }

</sc_bundles>
